<compile_context>
chip_gen: v7x
topology: tpu7x:2x2x1
jax: 0.10.2.dev20260603
libtpu: 0.0.44.dev20260713+nightly
codegen_flags: <defaults>
</compile_context>

<pallas_src>
import functools

import jax
import jax.numpy as jnp
from jax import lax
from jax.experimental import pallas as pl
from jax.experimental.pallas import tpu as pltpu
from jax.experimental.pallas import tpu_sc as plsc

_NUM_BINS = 2048
_L = 16
_NC = 2
_NS = 16
_NW = _NC * _NS

_COLS = 4096
_ROWS_PER_CHUNK = 8
_CHUNK = _ROWS_PER_CHUNK * _COLS
_CGROUPS = _COLS // _L

_PARAMS = pltpu.CompilerParams(
    needs_layout_passes=False, use_tc_tiling_on_sc=True)


def _absmax_sc(x2d):
    rows = x2d.shape[0]
    rows_pw = rows // _NW
    nchunks = rows_pw // _ROWS_PER_CHUNK

    mesh = plsc.VectorSubcoreMesh(core_axis_name="c", subcore_axis_name="s")

    @functools.partial(
        pl.kernel,
        out_type=jax.ShapeDtypeStruct((_NW, _L), jnp.float32),
        mesh=mesh,
        compiler_params=_PARAMS,
        scratch_types=[
            pltpu.VMEM((_ROWS_PER_CHUNK, _COLS), jnp.float32),
            pltpu.VMEM((_ROWS_PER_CHUNK, _COLS), jnp.float32),
            pltpu.VMEM((_L,), jnp.float32),
            pltpu.SemaphoreType.DMA,
            pltpu.SemaphoreType.DMA,
        ],
    )
    def body(x_hbm, out_hbm, buf0_v, buf1_v, acc_v, sem0, sem1):
        cid = lax.axis_index("c")
        sid = lax.axis_index("s")
        wid = cid * _NS + sid
        row_base = wid * rows_pw
        bufs = (buf0_v, buf1_v)
        sems = (sem0, sem1)

        def start(k, b):
            pltpu.async_copy(
                x_hbm.at[pl.ds(row_base + k * _ROWS_PER_CHUNK,
                               _ROWS_PER_CHUNK)],
                bufs[b], sems[b])

        def wait(k, b):
            pltpu.make_async_copy(
                x_hbm.at[pl.ds(row_base + k * _ROWS_PER_CHUNK,
                               _ROWS_PER_CHUNK)],
                bufs[b], sems[b]).wait()

        def compute(b, accs):
            buf = bufs[b]

            @plsc.parallel_loop(0, _CGROUPS, unroll=2, carry=accs)
            def accs_next(j, a):
                vs = [buf[r, pl.ds(j * _L, _L)]
                      for r in range(_ROWS_PER_CHUNK)]
                return tuple(
                    jnp.maximum(a[r], jnp.abs(vs[r]))
                    for r in range(_ROWS_PER_CHUNK))

            return accs_next

        z = jnp.zeros((_L,), jnp.float32)
        accs = (z,) * _ROWS_PER_CHUNK
        start(0, 0)
        start(1, 1)

        def chunk_pair(kk, a):
            for b in range(2):
                k = kk * 2 + b
                wait(k, b)
                a = compute(b, a)
                start(k + 2, b)
            return a

        accs = lax.fori_loop(0, nchunks // 2 - 1, chunk_pair, accs)
        for b in range(2):
            wait(nchunks - 2 + b, b)
            accs = compute(b, accs)

        m = accs[0]
        for r in range(1, _ROWS_PER_CHUNK):
            m = jnp.maximum(m, accs[r])
        acc_v[...] = m
        pltpu.sync_copy(acc_v, out_hbm.at[wid])

    return body(x2d)


def _hist_sc(x2d, maxes):
    rows = x2d.shape[0]
    rows_pw = rows // _NW
    nchunks = rows_pw // _ROWS_PER_CHUNK

    nslots = _NUM_BINS + 1

    mesh = plsc.VectorSubcoreMesh(core_axis_name="c", subcore_axis_name="s")

    @functools.partial(
        pl.kernel,
        out_type=jax.ShapeDtypeStruct((_NW, _NUM_BINS), jnp.float32),
        mesh=mesh,
        compiler_params=_PARAMS,
        scratch_types=[
            pltpu.VMEM((nslots * _L,), jnp.float32),
            pltpu.VMEM((_ROWS_PER_CHUNK, _COLS), jnp.float32),
            pltpu.VMEM((_ROWS_PER_CHUNK, _COLS), jnp.float32),
            pltpu.VMEM((_NW, _L), jnp.float32),
            pltpu.VMEM((_NUM_BINS,), jnp.float32),
            pltpu.SemaphoreType.DMA,
            pltpu.SemaphoreType.DMA,
        ],
    )
    def body(x_hbm, m_hbm, out_hbm, hist_v, buf0_v, buf1_v, m_v, red_v,
             sem0, sem1):
        cid = lax.axis_index("c")
        sid = lax.axis_index("s")
        wid = cid * _NS + sid
        row_base = wid * rows_pw
        bufs = (buf0_v, buf1_v)
        sems = (sem0, sem1)

        pltpu.sync_copy(m_hbm, m_v)
        m = m_v[0, :]
        for r in range(1, _NW):
            m = jnp.maximum(m, m_v[r, :])
        x_max = jnp.broadcast_to(jnp.max(m), (_L,))
        wv = x_max * jnp.float32(1.0 / _NUM_BINS)
        ones = jnp.ones((_L,), jnp.float32)
        lanes = lax.iota(jnp.int32, _L)
        zero = jnp.zeros((_L,), jnp.float32)

        @plsc.parallel_loop(0, nslots)
        def _(c):
            hist_v[pl.ds(c * _L, _L)] = zero

        def start(k, b):
            pltpu.async_copy(
                x_hbm.at[pl.ds(row_base + k * _ROWS_PER_CHUNK,
                               _ROWS_PER_CHUNK)],
                bufs[b], sems[b])

        def wait(k, b):
            pltpu.make_async_copy(
                x_hbm.at[pl.ds(row_base + k * _ROWS_PER_CHUNK,
                               _ROWS_PER_CHUNK)],
                bufs[b], sems[b]).wait()

        def compute(b):
            buf = bufs[b]

            @plsc.parallel_loop(0, _CGROUPS, unroll=2)
            def _(j):
                for r in range(_ROWS_PER_CHUNK):
                    v = buf[r, pl.ds(j * _L, _L)]
                    q = jnp.abs(v) / wv
                    flat = lax.shift_left(q.astype(jnp.int32), 4) + lanes
                    plsc.addupdate_scatter(hist_v, [flat], ones)

        start(0, 0)
        start(1, 1)

        def chunk_pair(kk, carry):
            for b in range(2):
                k = kk * 2 + b
                wait(k, b)
                compute(b)
                start(k + 2, b)
            return carry

        lax.fori_loop(0, nchunks // 2 - 1, chunk_pair, None)
        for b in range(2):
            wait(nchunks - 2 + b, b)
            compute(b)

        ngroups = _NUM_BINS // _L
        gvec = lax.iota(jnp.int32, _L) * _L

        @plsc.parallel_loop(0, ngroups)
        def _(g):
            acc = zero
            for l in range(_L):
                acc = acc + plsc.load_gather(
                    hist_v, [gvec + (g * (_L * _L) + l)])
            @pl.when(g == ngroups - 1)
            def _():
                ext = hist_v[pl.ds(_NUM_BINS * _L, _L)]
                extsum = jnp.broadcast_to(jnp.sum(ext), (_L,))
                red_v[pl.ds(g * _L, _L)] = acc + jnp.where(
                    lanes == _L - 1, extsum, zero)
            @pl.when(g != ngroups - 1)
            def _():
                red_v[pl.ds(g * _L, _L)] = acc

        pltpu.sync_copy(red_v, out_hbm.at[wid])

    return body(x2d, maxes)


def kernel(x):
    x2d = x.astype(jnp.float32).reshape(-1, _COLS)
    maxes = _absmax_sc(x2d)
    partials = _hist_sc(x2d, maxes)
    calib_hist = jnp.sum(partials, axis=0)
    x_max = jnp.max(maxes)
    width = x_max / jnp.float32(_NUM_BINS)
    calib_bin_edges = jnp.arange(_NUM_BINS + 1, dtype=jnp.float32) * width
    return calib_hist, calib_bin_edges

# --- scband reference (transcript-rebuilt; emitter-appended) ---
"""Pipeline reference for scband-per-tensor-mseobserver-46815143526618 (READ-ONLY COPY).

The authoritative reference and input builder live on the scoring server;
editing this copy changes nothing except your own understanding.
"""

import jax, jax.numpy as jnp
import numpy as np

NUM_BINS = 2048

def setup_inputs(seed: int = 0) -> dict:
    key = jax.random.key(seed)
    x = jax.random.normal(key, (4, 2048, 4096), dtype=jnp.float32)
    return {"x": x}

def reference(x):
    # PerTensorHistogramObserver.forward, first-call path, symmetric=True
    xf = x.astype(jnp.float32).reshape(-1)
    # if torch.min(x) < 0.0: x = x.abs()
    xf = jnp.where(jnp.min(xf) < 0.0, jnp.abs(xf), xf)
    x_min = jnp.float32(0.0)
    x_max = jnp.max(xf)
    # torch.histc(x, bins=2048, min=0, max=x_max)
    width = (x_max - x_min) / NUM_BINS
    idx = jnp.clip(jnp.floor((xf - x_min) / width).astype(jnp.int32), 0, NUM_BINS - 1)
    calib_hist = jnp.zeros((NUM_BINS,), dtype=jnp.float32).at[idx].add(1.0)
    # torch.linspace(x_min, x_max, num_bins + 1)
    calib_bin_edges = jnp.linspace(x_min, x_max, NUM_BINS + 1)
    return calib_hist, calib_bin_edges

if __name__ == "__main__":
    import jax
    _d = setup_inputs()
    print(jax.jit(kernel)(*tuple(_d.values())))

</pallas_src>

<mosaic_0001>
#map = affine_map<(d0, d1) -> (0, 0)>
module attributes {stable_mosaic.version = 14 : i64} {
  func.func @body(%arg0: i32, %arg1: i32, %arg2: memref<8192x4096xf32, #tpu.memory_space<hbm>>, %arg3: memref<32x16xf32, #tpu.memory_space<hbm>>, %arg4: memref<8x4096xf32, #tpu.memory_space<vmem>>, %arg5: memref<8x4096xf32, #tpu.memory_space<vmem>>, %arg6: memref<16xf32, #tpu.memory_space<vmem>>, %arg7: memref<!tpu.dma_semaphore, #tpu.memory_space<semaphore_mem>>, %arg8: memref<!tpu.dma_semaphore, #tpu.memory_space<semaphore_mem>>) attributes {dimension_semantics = [#tpu.dimension_semantics<core_parallel>, #tpu.dimension_semantics<subcore_parallel>], iteration_bounds = array<i64: 2, 16>, scalar_prefetch = 0 : i64, scratch_operands = 5 : i64, tpu.core_type = #tpu.core_type<sc_vector_subcore>, window_params = [{transform_indices = #map}, {transform_indices = #map}]} {
    %mul3A = arith.constant 16 : i32
    %mul3A_0 = arith.muli %arg0, %mul3A : i32
    %add3A = arith.addi %mul3A_0, %arg1 : i32
    %mul3A_1 = arith.constant 256 : i32
    %mul3A_2 = arith.muli %add3A, %mul3A_1 : i32
    %broadcast_in_dim3A = arith.constant 0.000000e+00 : f32
    %broadcast_in_dim3A_3 = vector.broadcast %broadcast_in_dim3A : f32 to vector<16xf32>
    %add3A_4 = arith.constant 0 : i32
    %add3A_5 = arith.addi %mul3A_2, %add3A_4 : i32
    %dma_start3A = arith.constant 0 : i32
    %dma_start3A_6 = tpu.memref_slice %arg2[%add3A_5, %dma_start3A] : memref<8192x4096xf32, #tpu.memory_space<hbm>> -> memref<8x4096xf32, #tpu.memory_space<hbm>>
    %dma_start3A_7 = arith.constant 0 : i32
    %dma_start3A_8 = tpu.memref_slice %arg2[%add3A_5, %dma_start3A_7] : memref<8192x4096xf32, #tpu.memory_space<hbm>> -> memref<8x4096xf32, #tpu.memory_space<hbm>>
    tpu.enqueue_dma source(%dma_start3A_8 : memref<8x4096xf32, #tpu.memory_space<hbm>>) target(%arg4 : memref<8x4096xf32, #tpu.memory_space<vmem>>) target_semaphore(%arg7 : memref<!tpu.dma_semaphore, #tpu.memory_space<semaphore_mem>>)
    %add3A_9 = arith.constant 8 : i32
    %add3A_10 = arith.addi %mul3A_2, %add3A_9 : i32
    %dma_start3A_11 = arith.constant 0 : i32
    %dma_start3A_12 = tpu.memref_slice %arg2[%add3A_10, %dma_start3A_11] : memref<8192x4096xf32, #tpu.memory_space<hbm>> -> memref<8x4096xf32, #tpu.memory_space<hbm>>
    %dma_start3A_13 = arith.constant 0 : i32
    %dma_start3A_14 = tpu.memref_slice %arg2[%add3A_10, %dma_start3A_13] : memref<8192x4096xf32, #tpu.memory_space<hbm>> -> memref<8x4096xf32, #tpu.memory_space<hbm>>
    tpu.enqueue_dma source(%dma_start3A_14 : memref<8x4096xf32, #tpu.memory_space<hbm>>) target(%arg5 : memref<8x4096xf32, #tpu.memory_space<vmem>>) target_semaphore(%arg8 : memref<!tpu.dma_semaphore, #tpu.memory_space<semaphore_mem>>)
    %scan3A = arith.constant 0 : i32
    %scan3A_15 = arith.constant 15 : i32
    %scan3A_16 = arith.addi %scan3A, %scan3A_15 : i32
    %scan3A_17 = arith.constant 1 : i32
    %scan3A_18:8 = scf.for %scan3A_45 = %scan3A to %scan3A_16 step %scan3A_17 iter_args(%scan3A_46 = %broadcast_in_dim3A_3, %scan3A_47 = %broadcast_in_dim3A_3, %scan3A_48 = %broadcast_in_dim3A_3, %scan3A_49 = %broadcast_in_dim3A_3, %scan3A_50 = %broadcast_in_dim3A_3, %scan3A_51 = %broadcast_in_dim3A_3, %scan3A_52 = %broadcast_in_dim3A_3, %scan3A_53 = %broadcast_in_dim3A_3) -> (vector<16xf32>, vector<16xf32>, vector<16xf32>, vector<16xf32>, vector<16xf32>, vector<16xf32>, vector<16xf32>, vector<16xf32>)  : i32 {
      %mul3A_54 = arith.constant 2 : i32
      %mul3A_55 = arith.muli %scan3A_45, %mul3A_54 : i32
      %add3A_56 = arith.constant 0 : i32
      %add3A_57 = arith.addi %mul3A_55, %add3A_56 : i32
      %mul3A_58 = arith.constant 8 : i32
      %mul3A_59 = arith.muli %add3A_57, %mul3A_58 : i32
      %add3A_60 = arith.addi %mul3A_2, %mul3A_59 : i32
      %dma_wait3A_61 = arith.constant 0 : i32
      %dma_wait3A_62 = tpu.memref_slice %arg2[%add3A_60, %dma_wait3A_61] : memref<8192x4096xf32, #tpu.memory_space<hbm>> -> memref<8x4096xf32, #tpu.memory_space<hbm>>
      %dma_wait3A_63 = arith.constant 0 : i32
      %dma_wait3A_64 = tpu.memref_slice %arg2[%add3A_60, %dma_wait3A_63] : memref<8192x4096xf32, #tpu.memory_space<hbm>> -> memref<8x4096xf32, #tpu.memory_space<hbm>>
      tpu.wait_dma2 semaphore(%arg7 : memref<!tpu.dma_semaphore, #tpu.memory_space<semaphore_mem>>) src(%dma_wait3A_64 : memref<8x4096xf32, #tpu.memory_space<hbm>>) dst(%arg4 : memref<8x4096xf32, #tpu.memory_space<vmem>>)
      %parallel_loop3A_65 = arith.constant 0 : i32
      %parallel_loop3A_66 = arith.constant 256 : i32
      %parallel_loop3A_67 = arith.constant 1 : i32
      %parallel_loop3A_68:8 = scf.for %parallel_loop3A_102 = %parallel_loop3A_65 to %parallel_loop3A_66 step %parallel_loop3A_67 iter_args(%parallel_loop3A_103 = %scan3A_46, %parallel_loop3A_104 = %scan3A_47, %parallel_loop3A_105 = %scan3A_48, %parallel_loop3A_106 = %scan3A_49, %parallel_loop3A_107 = %scan3A_50, %parallel_loop3A_108 = %scan3A_51, %parallel_loop3A_109 = %scan3A_52, %parallel_loop3A_110 = %scan3A_53) -> (vector<16xf32>, vector<16xf32>, vector<16xf32>, vector<16xf32>, vector<16xf32>, vector<16xf32>, vector<16xf32>, vector<16xf32>)  : i32 {
        %parallel_loop3A_111 = arith.constant 16 : i32
        %parallel_loop3A_112 = arith.muli %parallel_loop3A_102, %parallel_loop3A_111 : i32
        %parallel_loop3A_113 = arith.constant 0 : i32
        %parallel_loop3A_114 = arith.index_cast %parallel_loop3A_113 : i32 to index
        %parallel_loop3A_115 = arith.index_cast %parallel_loop3A_112 : i32 to index
        %parallel_loop3A_116 = tpu.vector_load %arg4[%parallel_loop3A_114, %parallel_loop3A_115] {strides = array<i32>} : memref<8x4096xf32, #tpu.memory_space<vmem>>, vector<16xf32>,
        %parallel_loop3A_117 = arith.constant 16 : i32
        %parallel_loop3A_118 = arith.muli %parallel_loop3A_102, %parallel_loop3A_117 : i32
        %parallel_loop3A_119 = arith.constant 1 : i32
        %parallel_loop3A_120 = arith.index_cast %parallel_loop3A_119 : i32 to index
        %parallel_loop3A_121 = arith.index_cast %parallel_loop3A_118 : i32 to index
        %parallel_loop3A_122 = tpu.vector_load %arg4[%parallel_loop3A_120, %parallel_loop3A_121] {strides = array<i32>} : memref<8x4096xf32, #tpu.memory_space<vmem>>, vector<16xf32>,
        %parallel_loop3A_123 = arith.constant 16 : i32
        %parallel_loop3A_124 = arith.muli %parallel_loop3A_102, %parallel_loop3A_123 : i32
        %parallel_loop3A_125 = arith.constant 2 : i32
        %parallel_loop3A_126 = arith.index_cast %parallel_loop3A_125 : i32 to index
        %parallel_loop3A_127 = arith.index_cast %parallel_loop3A_124 : i32 to index
        %parallel_loop3A_128 = tpu.vector_load %arg4[%parallel_loop3A_126, %parallel_loop3A_127] {strides = array<i32>} : memref<8x4096xf32, #tpu.memory_space<vmem>>, vector<16xf32>,
        %parallel_loop3A_129 = arith.constant 16 : i32
        %parallel_loop3A_130 = arith.muli %parallel_loop3A_102, %parallel_loop3A_129 : i32
        %parallel_loop3A_131 = arith.constant 3 : i32
        %parallel_loop3A_132 = arith.index_cast %parallel_loop3A_131 : i32 to index
        %parallel_loop3A_133 = arith.index_cast %parallel_loop3A_130 : i32 to index
        %parallel_loop3A_134 = tpu.vector_load %arg4[%parallel_loop3A_132, %parallel_loop3A_133] {strides = array<i32>} : memref<8x4096xf32, #tpu.memory_space<vmem>>, vector<16xf32>,
        %parallel_loop3A_135 = arith.constant 16 : i32
        %parallel_loop3A_136 = arith.muli %parallel_loop3A_102, %parallel_loop3A_135 : i32
        %parallel_loop3A_137 = arith.constant 4 : i32
        %parallel_loop3A_138 = arith.index_cast %parallel_loop3A_137 : i32 to index
        %parallel_loop3A_139 = arith.index_cast %parallel_loop3A_136 : i32 to index
        %parallel_loop3A_140 = tpu.vector_load %arg4[%parallel_loop3A_138, %parallel_loop3A_139] {strides = array<i32>} : memref<8x4096xf32, #tpu.memory_space<vmem>>, vector<16xf32>,
        %parallel_loop3A_141 = arith.constant 16 : i32
        %parallel_loop3A_142 = arith.muli %parallel_loop3A_102, %parallel_loop3A_141 : i32
        %parallel_loop3A_143 = arith.constant 5 : i32
        %parallel_loop3A_144 = arith.index_cast %parallel_loop3A_143 : i32 to index
        %parallel_loop3A_145 = arith.index_cast %parallel_loop3A_142 : i32 to index
        %parallel_loop3A_146 = tpu.vector_load %arg4[%parallel_loop3A_144, %parallel_loop3A_145] {strides = array<i32>} : memref<8x4096xf32, #tpu.memory_space<vmem>>, vector<16xf32>,
        %parallel_loop3A_147 = arith.constant 16 : i32
        %parallel_loop3A_148 = arith.muli %parallel_loop3A_102, %parallel_loop3A_147 : i32
        %parallel_loop3A_149 = arith.constant 6 : i32
        %parallel_loop3A_150 = arith.index_cast %parallel_loop3A_149 : i32 to index
        %parallel_loop3A_151 = arith.index_cast %parallel_loop3A_148 : i32 to index
        %parallel_loop3A_152 = tpu.vector_load %arg4[%parallel_loop3A_150, %parallel_loop3A_151] {strides = array<i32>} : memref<8x4096xf32, #tpu.memory_space<vmem>>, vector<16xf32>,
        %parallel_loop3A_153 = arith.constant 16 : i32
        %parallel_loop3A_154 = arith.muli %parallel_loop3A_102, %parallel_loop3A_153 : i32
        %parallel_loop3A_155 = arith.constant 7 : i32
        %parallel_loop3A_156 = arith.index_cast %parallel_loop3A_155 : i32 to index
        %parallel_loop3A_157 = arith.index_cast %parallel_loop3A_154 : i32 to index
        %parallel_loop3A_158 = tpu.vector_load %arg4[%parallel_loop3A_156, %parallel_loop3A_157] {strides = array<i32>} : memref<8x4096xf32, #tpu.memory_space<vmem>>, vector<16xf32>,
        %parallel_loop3A_159 = math.absf %parallel_loop3A_116 : vector<16xf32>
        %parallel_loop3A_160 = arith.maximumf %parallel_loop3A_103, %parallel_loop3A_159 : vector<16xf32>
        %parallel_loop3A_161 = math.absf %parallel_loop3A_122 : vector<16xf32>
        %parallel_loop3A_162 = arith.maximumf %parallel_loop3A_104, %parallel_loop3A_161 : vector<16xf32>
        %parallel_loop3A_163 = math.absf %parallel_loop3A_128 : vector<16xf32>
        %parallel_loop3A_164 = arith.maximumf %parallel_loop3A_105, %parallel_loop3A_163 : vector<16xf32>
        %parallel_loop3A_165 = math.absf %parallel_loop3A_134 : vector<16xf32>
        %parallel_loop3A_166 = arith.maximumf %parallel_loop3A_106, %parallel_loop3A_165 : vector<16xf32>
        %parallel_loop3A_167 = math.absf %parallel_loop3A_140 : vector<16xf32>
        %parallel_loop3A_168 = arith.maximumf %parallel_loop3A_107, %parallel_loop3A_167 : vector<16xf32>
        %parallel_loop3A_169 = math.absf %parallel_loop3A_146 : vector<16xf32>
        %parallel_loop3A_170 = arith.maximumf %parallel_loop3A_108, %parallel_loop3A_169 : vector<16xf32>
        %parallel_loop3A_171 = math.absf %parallel_loop3A_152 : vector<16xf32>
        %parallel_loop3A_172 = arith.maximumf %parallel_loop3A_109, %parallel_loop3A_171 : vector<16xf32>
        %parallel_loop3A_173 = math.absf %parallel_loop3A_158 : vector<16xf32>
        %parallel_loop3A_174 = arith.maximumf %parallel_loop3A_110, %parallel_loop3A_173 : vector<16xf32>
        scf.yield %parallel_loop3A_160, %parallel_loop3A_162, %parallel_loop3A_164, %parallel_loop3A_166, %parallel_loop3A_168, %parallel_loop3A_170, %parallel_loop3A_172, %parallel_loop3A_174 : vector<16xf32>, vector<16xf32>, vector<16xf32>, vector<16xf32>, vector<16xf32>, vector<16xf32>, vector<16xf32>, vector<16xf32>
      } {sc.loop_unroll_factor = 2 : i64, sc.parallel_access}
      %add3A_69 = arith.constant 2 : i32
      %add3A_70 = arith.addi %add3A_57, %add3A_69 : i32
      %mul3A_71 = arith.constant 8 : i32
      %mul3A_72 = arith.muli %add3A_70, %mul3A_71 : i32
      %add3A_73 = arith.addi %mul3A_2, %mul3A_72 : i32
      %dma_start3A_74 = arith.constant 0 : i32
      %dma_start3A_75 = tpu.memref_slice %arg2[%add3A_73, %dma_start3A_74] : memref<8192x4096xf32, #tpu.memory_space<hbm>> -> memref<8x4096xf32, #tpu.memory_space<hbm>>
      %dma_start3A_76 = arith.constant 0 : i32
      %dma_start3A_77 = tpu.memref_slice %arg2[%add3A_73, %dma_start3A_76] : memref<8192x4096xf32, #tpu.memory_space<hbm>> -> memref<8x4096xf32, #tpu.memory_space<hbm>>
      tpu.enqueue_dma source(%dma_start3A_77 : memref<8x4096xf32, #tpu.memory_space<hbm>>) target(%arg4 : memref<8x4096xf32, #tpu.memory_space<vmem>>) target_semaphore(%arg7 : memref<!tpu.dma_semaphore, #tpu.memory_space<semaphore_mem>>)
      %mul3A_78 = arith.constant 2 : i32
      %mul3A_79 = arith.muli %scan3A_45, %mul3A_78 : i32
      %add3A_80 = arith.constant 1 : i32
      %add3A_81 = arith.addi %mul3A_79, %add3A_80 : i32
      %mul3A_82 = arith.constant 8 : i32
      %mul3A_83 = arith.muli %add3A_81, %mul3A_82 : i32
      %add3A_84 = arith.addi %mul3A_2, %mul3A_83 : i32
      %dma_wait3A_85 = arith.constant 0 : i32
      %dma_wait3A_86 = tpu.memref_slice %arg2[%add3A_84, %dma_wait3A_85] : memref<8192x4096xf32, #tpu.memory_space<hbm>> -> memref<8x4096xf32, #tpu.memory_space<hbm>>
      %dma_wait3A_87 = arith.constant 0 : i32
      %dma_wait3A_88 = tpu.memref_slice %arg2[%add3A_84, %dma_wait3A_87] : memref<8192x4096xf32, #tpu.memory_space<hbm>> -> memref<8x4096xf32, #tpu.memory_space<hbm>>
      tpu.wait_dma2 semaphore(%arg8 : memref<!tpu.dma_semaphore, #tpu.memory_space<semaphore_mem>>) src(%dma_wait3A_88 : memref<8x4096xf32, #tpu.memory_space<hbm>>) dst(%arg5 : memref<8x4096xf32, #tpu.memory_space<vmem>>)
      %parallel_loop3A_89 = arith.constant 0 : i32
      %parallel_loop3A_90 = arith.constant 256 : i32
      %parallel_loop3A_91 = arith.constant 1 : i32
      %parallel_loop3A_92:8 = scf.for %parallel_loop3A_102 = %parallel_loop3A_89 to %parallel_loop3A_90 step %parallel_loop3A_91 iter_args(%parallel_loop3A_103 = %parallel_loop3A_68#0, %parallel_loop3A_104 = %parallel_loop3A_68#1, %parallel_loop3A_105 = %parallel_loop3A_68#2, %parallel_loop3A_106 = %parallel_loop3A_68#3, %parallel_loop3A_107 = %parallel_loop3A_68#4, %parallel_loop3A_108 = %parallel_loop3A_68#5, %parallel_loop3A_109 = %parallel_loop3A_68#6, %parallel_loop3A_110 = %parallel_loop3A_68#7) -> (vector<16xf32>, vector<16xf32>, vector<16xf32>, vector<16xf32>, vector<16xf32>, vector<16xf32>, vector<16xf32>, vector<16xf32>)  : i32 {
        %parallel_loop3A_111 = arith.constant 16 : i32
        %parallel_loop3A_112 = arith.muli %parallel_loop3A_102, %parallel_loop3A_111 : i32
        %parallel_loop3A_113 = arith.constant 0 : i32
        %parallel_loop3A_114 = arith.index_cast %parallel_loop3A_113 : i32 to index
        %parallel_loop3A_115 = arith.index_cast %parallel_loop3A_112 : i32 to index
        %parallel_loop3A_116 = tpu.vector_load %arg5[%parallel_loop3A_114, %parallel_loop3A_115] {strides = array<i32>} : memref<8x4096xf32, #tpu.memory_space<vmem>>, vector<16xf32>,
        %parallel_loop3A_117 = arith.constant 16 : i32
        %parallel_loop3A_118 = arith.muli %parallel_loop3A_102, %parallel_loop3A_117 : i32
        %parallel_loop3A_119 = arith.constant 1 : i32
        %parallel_loop3A_120 = arith.index_cast %parallel_loop3A_119 : i32 to index
        %parallel_loop3A_121 = arith.index_cast %parallel_loop3A_118 : i32 to index
        %parallel_loop3A_122 = tpu.vector_load %arg5[%parallel_loop3A_120, %parallel_loop3A_121] {strides = array<i32>} : memref<8x4096xf32, #tpu.memory_space<vmem>>, vector<16xf32>,
        %parallel_loop3A_123 = arith.constant 16 : i32
        %parallel_loop3A_124 = arith.muli %parallel_loop3A_102, %parallel_loop3A_123 : i32
        %parallel_loop3A_125 = arith.constant 2 : i32
        %parallel_loop3A_126 = arith.index_cast %parallel_loop3A_125 : i32 to index
        %parallel_loop3A_127 = arith.index_cast %parallel_loop3A_124 : i32 to index
        %parallel_loop3A_128 = tpu.vector_load %arg5[%parallel_loop3A_126, %parallel_loop3A_127] {strides = array<i32>} : memref<8x4096xf32, #tpu.memory_space<vmem>>, vector<16xf32>,
        %parallel_loop3A_129 = arith.constant 16 : i32
        %parallel_loop3A_130 = arith.muli %parallel_loop3A_102, %parallel_loop3A_129 : i32
        %parallel_loop3A_131 = arith.constant 3 : i32
        %parallel_loop3A_132 = arith.index_cast %parallel_loop3A_131 : i32 to index
        %parallel_loop3A_133 = arith.index_cast %parallel_loop3A_130 : i32 to index
        %parallel_loop3A_134 = tpu.vector_load %arg5[%parallel_loop3A_132, %parallel_loop3A_133] {strides = array<i32>} : memref<8x4096xf32, #tpu.memory_space<vmem>>, vector<16xf32>,
        %parallel_loop3A_135 = arith.constant 16 : i32
        %parallel_loop3A_136 = arith.muli %parallel_loop3A_102, %parallel_loop3A_135 : i32
        %parallel_loop3A_137 = arith.constant 4 : i32
        %parallel_loop3A_138 = arith.index_cast %parallel_loop3A_137 : i32 to index
        %parallel_loop3A_139 = arith.index_cast %parallel_loop3A_136 : i32 to index
        %parallel_loop3A_140 = tpu.vector_load %arg5[%parallel_loop3A_138, %parallel_loop3A_139] {strides = array<i32>} : memref<8x4096xf32, #tpu.memory_space<vmem>>, vector<16xf32>,
        %parallel_loop3A_141 = arith.constant 16 : i32
        %parallel_loop3A_142 = arith.muli %parallel_loop3A_102, %parallel_loop3A_141 : i32
        %parallel_loop3A_143 = arith.constant 5 : i32
        %parallel_loop3A_144 = arith.index_cast %parallel_loop3A_143 : i32 to index
        %parallel_loop3A_145 = arith.index_cast %parallel_loop3A_142 : i32 to index
        %parallel_loop3A_146 = tpu.vector_load %arg5[%parallel_loop3A_144, %parallel_loop3A_145] {strides = array<i32>} : memref<8x4096xf32, #tpu.memory_space<vmem>>, vector<16xf32>,
        %parallel_loop3A_147 = arith.constant 16 : i32
        %parallel_loop3A_148 = arith.muli %parallel_loop3A_102, %parallel_loop3A_147 : i32
        %parallel_loop3A_149 = arith.constant 6 : i32
        %parallel_loop3A_150 = arith.index_cast %parallel_loop3A_149 : i32 to index
        %parallel_loop3A_151 = arith.index_cast %parallel_loop3A_148 : i32 to index
        %parallel_loop3A_152 = tpu.vector_load %arg5[%parallel_loop3A_150, %parallel_loop3A_151] {strides = array<i32>} : memref<8x4096xf32, #tpu.memory_space<vmem>>, vector<16xf32>,
        %parallel_loop3A_153 = arith.constant 16 : i32
        %parallel_loop3A_154 = arith.muli %parallel_loop3A_102, %parallel_loop3A_153 : i32
        %parallel_loop3A_155 = arith.constant 7 : i32
        %parallel_loop3A_156 = arith.index_cast %parallel_loop3A_155 : i32 to index
        %parallel_loop3A_157 = arith.index_cast %parallel_loop3A_154 : i32 to index
        %parallel_loop3A_158 = tpu.vector_load %arg5[%parallel_loop3A_156, %parallel_loop3A_157] {strides = array<i32>} : memref<8x4096xf32, #tpu.memory_space<vmem>>, vector<16xf32>,
        %parallel_loop3A_159 = math.absf %parallel_loop3A_116 : vector<16xf32>
        %parallel_loop3A_160 = arith.maximumf %parallel_loop3A_103, %parallel_loop3A_159 : vector<16xf32>
        %parallel_loop3A_161 = math.absf %parallel_loop3A_122 : vector<16xf32>
        %parallel_loop3A_162 = arith.maximumf %parallel_loop3A_104, %parallel_loop3A_161 : vector<16xf32>
        %parallel_loop3A_163 = math.absf %parallel_loop3A_128 : vector<16xf32>
        %parallel_loop3A_164 = arith.maximumf %parallel_loop3A_105, %parallel_loop3A_163 : vector<16xf32>
        %parallel_loop3A_165 = math.absf %parallel_loop3A_134 : vector<16xf32>
        %parallel_loop3A_166 = arith.maximumf %parallel_loop3A_106, %parallel_loop3A_165 : vector<16xf32>
        %parallel_loop3A_167 = math.absf %parallel_loop3A_140 : vector<16xf32>
        %parallel_loop3A_168 = arith.maximumf %parallel_loop3A_107, %parallel_loop3A_167 : vector<16xf32>
        %parallel_loop3A_169 = math.absf %parallel_loop3A_146 : vector<16xf32>
        %parallel_loop3A_170 = arith.maximumf %parallel_loop3A_108, %parallel_loop3A_169 : vector<16xf32>
        %parallel_loop3A_171 = math.absf %parallel_loop3A_152 : vector<16xf32>
        %parallel_loop3A_172 = arith.maximumf %parallel_loop3A_109, %parallel_loop3A_171 : vector<16xf32>
        %parallel_loop3A_173 = math.absf %parallel_loop3A_158 : vector<16xf32>
        %parallel_loop3A_174 = arith.maximumf %parallel_loop3A_110, %parallel_loop3A_173 : vector<16xf32>
        scf.yield %parallel_loop3A_160, %parallel_loop3A_162, %parallel_loop3A_164, %parallel_loop3A_166, %parallel_loop3A_168, %parallel_loop3A_170, %parallel_loop3A_172, %parallel_loop3A_174 : vector<16xf32>, vector<16xf32>, vector<16xf32>, vector<16xf32>, vector<16xf32>, vector<16xf32>, vector<16xf32>, vector<16xf32>
      } {sc.loop_unroll_factor = 2 : i64, sc.parallel_access}
      %add3A_93 = arith.constant 2 : i32
      %add3A_94 = arith.addi %add3A_81, %add3A_93 : i32
      %mul3A_95 = arith.constant 8 : i32
      %mul3A_96 = arith.muli %add3A_94, %mul3A_95 : i32
      %add3A_97 = arith.addi %mul3A_2, %mul3A_96 : i32
      %dma_start3A_98 = arith.constant 0 : i32
      %dma_start3A_99 = tpu.memref_slice %arg2[%add3A_97, %dma_start3A_98] : memref<8192x4096xf32, #tpu.memory_space<hbm>> -> memref<8x4096xf32, #tpu.memory_space<hbm>>
      %dma_start3A_100 = arith.constant 0 : i32
      %dma_start3A_101 = tpu.memref_slice %arg2[%add3A_97, %dma_start3A_100] : memref<8192x4096xf32, #tpu.memory_space<hbm>> -> memref<8x4096xf32, #tpu.memory_space<hbm>>
      tpu.enqueue_dma source(%dma_start3A_101 : memref<8x4096xf32, #tpu.memory_space<hbm>>) target(%arg5 : memref<8x4096xf32, #tpu.memory_space<vmem>>) target_semaphore(%arg8 : memref<!tpu.dma_semaphore, #tpu.memory_space<semaphore_mem>>)
      scf.yield %parallel_loop3A_92#0, %parallel_loop3A_92#1, %parallel_loop3A_92#2, %parallel_loop3A_92#3, %parallel_loop3A_92#4, %parallel_loop3A_92#5, %parallel_loop3A_92#6, %parallel_loop3A_92#7 : vector<16xf32>, vector<16xf32>, vector<16xf32>, vector<16xf32>, vector<16xf32>, vector<16xf32>, vector<16xf32>, vector<16xf32>
    }
    %scan3A_19 = arith.constant 15 : i32
    %add3A_20 = arith.constant 240 : i32
    %add3A_21 = arith.addi %mul3A_2, %add3A_20 : i32
    %dma_wait3A = arith.constant 0 : i32
    %dma_wait3A_22 = tpu.memref_slice %arg2[%add3A_21, %dma_wait3A] : memref<8192x4096xf32, #tpu.memory_space<hbm>> -> memref<8x4096xf32, #tpu.memory_space<hbm>>
    %dma_wait3A_23 = arith.constant 0 : i32
    %dma_wait3A_24 = tpu.memref_slice %arg2[%add3A_21, %dma_wait3A_23] : memref<8192x4096xf32, #tpu.memory_space<hbm>> -> memref<8x4096xf32, #tpu.memory_space<hbm>>
    tpu.wait_dma2 semaphore(%arg7 : memref<!tpu.dma_semaphore, #tpu.memory_space<semaphore_mem>>) src(%dma_wait3A_24 : memref<8x4096xf32, #tpu.memory_space<hbm>>) dst(%arg4 : memref<8x4096xf32, #tpu.memory_space<vmem>>)
    %parallel_loop3A = arith.constant 0 : i32
    %parallel_loop3A_25 = arith.constant 256 : i32
    %parallel_loop3A_26 = arith.constant 1 : i32
    %parallel_loop3A_27:8 = scf.for %parallel_loop3A_45 = %parallel_loop3A to %parallel_loop3A_25 step %parallel_loop3A_26 iter_args(%parallel_loop3A_46 = %scan3A_18#0, %parallel_loop3A_47 = %scan3A_18#1, %parallel_loop3A_48 = %scan3A_18#2, %parallel_loop3A_49 = %scan3A_18#3, %parallel_loop3A_50 = %scan3A_18#4, %parallel_loop3A_51 = %scan3A_18#5, %parallel_loop3A_52 = %scan3A_18#6, %parallel_loop3A_53 = %scan3A_18#7) -> (vector<16xf32>, vector<16xf32>, vector<16xf32>, vector<16xf32>, vector<16xf32>, vector<16xf32>, vector<16xf32>, vector<16xf32>)  : i32 {
      %parallel_loop3A_54 = arith.constant 16 : i32
      %parallel_loop3A_55 = arith.muli %parallel_loop3A_45, %parallel_loop3A_54 : i32
      %parallel_loop3A_56 = arith.constant 0 : i32
      %parallel_loop3A_57 = arith.index_cast %parallel_loop3A_56 : i32 to index
      %parallel_loop3A_58 = arith.index_cast %parallel_loop3A_55 : i32 to index
      %parallel_loop3A_59 = tpu.vector_load %arg4[%parallel_loop3A_57, %parallel_loop3A_58] {strides = array<i32>} : memref<8x4096xf32, #tpu.memory_space<vmem>>, vector<16xf32>,
      %parallel_loop3A_60 = arith.constant 16 : i32
      %parallel_loop3A_61 = arith.muli %parallel_loop3A_45, %parallel_loop3A_60 : i32
      %parallel_loop3A_62 = arith.constant 1 : i32
      %parallel_loop3A_63 = arith.index_cast %parallel_loop3A_62 : i32 to index
      %parallel_loop3A_64 = arith.index_cast %parallel_loop3A_61 : i32 to index
      %parallel_loop3A_65 = tpu.vector_load %arg4[%parallel_loop3A_63, %parallel_loop3A_64] {strides = array<i32>} : memref<8x4096xf32, #tpu.memory_space<vmem>>, vector<16xf32>,
      %parallel_loop3A_66 = arith.constant 16 : i32
      %parallel_loop3A_67 = arith.muli %parallel_loop3A_45, %parallel_loop3A_66 : i32
      %parallel_loop3A_68 = arith.constant 2 : i32
      %parallel_loop3A_69 = arith.index_cast %parallel_loop3A_68 : i32 to index
      %parallel_loop3A_70 = arith.index_cast %parallel_loop3A_67 : i32 to index
      %parallel_loop3A_71 = tpu.vector_load %arg4[%parallel_loop3A_69, %parallel_loop3A_70] {strides = array<i32>} : memref<8x4096xf32, #tpu.memory_space<vmem>>, vector<16xf32>,
      %parallel_loop3A_72 = arith.constant 16 : i32
      %parallel_loop3A_73 = arith.muli %parallel_loop3A_45, %parallel_loop3A_72 : i32
      %parallel_loop3A_74 = arith.constant 3 : i32
      %parallel_loop3A_75 = arith.index_cast %parallel_loop3A_74 : i32 to index
      %parallel_loop3A_76 = arith.index_cast %parallel_loop3A_73 : i32 to index
      %parallel_loop3A_77 = tpu.vector_load %arg4[%parallel_loop3A_75, %parallel_loop3A_76] {strides = array<i32>} : memref<8x4096xf32, #tpu.memory_space<vmem>>, vector<16xf32>,
      %parallel_loop3A_78 = arith.constant 16 : i32
      %parallel_loop3A_79 = arith.muli %parallel_loop3A_45, %parallel_loop3A_78 : i32
      %parallel_loop3A_80 = arith.constant 4 : i32
      %parallel_loop3A_81 = arith.index_cast %parallel_loop3A_80 : i32 to index
      %parallel_loop3A_82 = arith.index_cast %parallel_loop3A_79 : i32 to index
      %parallel_loop3A_83 = tpu.vector_load %arg4[%parallel_loop3A_81, %parallel_loop3A_82] {strides = array<i32>} : memref<8x4096xf32, #tpu.memory_space<vmem>>, vector<16xf32>,
      %parallel_loop3A_84 = arith.constant 16 : i32
      %parallel_loop3A_85 = arith.muli %parallel_loop3A_45, %parallel_loop3A_84 : i32
      %parallel_loop3A_86 = arith.constant 5 : i32
      %parallel_loop3A_87 = arith.index_cast %parallel_loop3A_86 : i32 to index
      %parallel_loop3A_88 = arith.index_cast %parallel_loop3A_85 : i32 to index
      %parallel_loop3A_89 = tpu.vector_load %arg4[%parallel_loop3A_87, %parallel_loop3A_88] {strides = array<i32>} : memref<8x4096xf32, #tpu.memory_space<vmem>>, vector<16xf32>,
      %parallel_loop3A_90 = arith.constant 16 : i32
      %parallel_loop3A_91 = arith.muli %parallel_loop3A_45, %parallel_loop3A_90 : i32
      %parallel_loop3A_92 = arith.constant 6 : i32
      %parallel_loop3A_93 = arith.index_cast %parallel_loop3A_92 : i32 to index
      %parallel_loop3A_94 = arith.index_cast %parallel_loop3A_91 : i32 to index
      %parallel_loop3A_95 = tpu.vector_load %arg4[%parallel_loop3A_93, %parallel_loop3A_94] {strides = array<i32>} : memref<8x4096xf32, #tpu.memory_space<vmem>>, vector<16xf32>,
      %parallel_loop3A_96 = arith.constant 16 : i32
      %parallel_loop3A_97 = arith.muli %parallel_loop3A_45, %parallel_loop3A_96 : i32
      %parallel_loop3A_98 = arith.constant 7 : i32
      %parallel_loop3A_99 = arith.index_cast %parallel_loop3A_98 : i32 to index
      %parallel_loop3A_100 = arith.index_cast %parallel_loop3A_97 : i32 to index
      %parallel_loop3A_101 = tpu.vector_load %arg4[%parallel_loop3A_99, %parallel_loop3A_100] {strides = array<i32>} : memref<8x4096xf32, #tpu.memory_space<vmem>>, vector<16xf32>,
      %parallel_loop3A_102 = math.absf %parallel_loop3A_59 : vector<16xf32>
      %parallel_loop3A_103 = arith.maximumf %parallel_loop3A_46, %parallel_loop3A_102 : vector<16xf32>
      %parallel_loop3A_104 = math.absf %parallel_loop3A_65 : vector<16xf32>
      %parallel_loop3A_105 = arith.maximumf %parallel_loop3A_47, %parallel_loop3A_104 : vector<16xf32>
      %parallel_loop3A_106 = math.absf %parallel_loop3A_71 : vector<16xf32>
      %parallel_loop3A_107 = arith.maximumf %parallel_loop3A_48, %parallel_loop3A_106 : vector<16xf32>
      %parallel_loop3A_108 = math.absf %parallel_loop3A_77 : vector<16xf32>
      %parallel_loop3A_109 = arith.maximumf %parallel_loop3A_49, %parallel_loop3A_108 : vector<16xf32>
      %parallel_loop3A_110 = math.absf %parallel_loop3A_83 : vector<16xf32>
      %parallel_loop3A_111 = arith.maximumf %parallel_loop3A_50, %parallel_loop3A_110 : vector<16xf32>
      %parallel_loop3A_112 = math.absf %parallel_loop3A_89 : vector<16xf32>
      %parallel_loop3A_113 = arith.maximumf %parallel_loop3A_51, %parallel_loop3A_112 : vector<16xf32>
      %parallel_loop3A_114 = math.absf %parallel_loop3A_95 : vector<16xf32>
      %parallel_loop3A_115 = arith.maximumf %parallel_loop3A_52, %parallel_loop3A_114 : vector<16xf32>
      %parallel_loop3A_116 = math.absf %parallel_loop3A_101 : vector<16xf32>
      %parallel_loop3A_117 = arith.maximumf %parallel_loop3A_53, %parallel_loop3A_116 : vector<16xf32>
      scf.yield %parallel_loop3A_103, %parallel_loop3A_105, %parallel_loop3A_107, %parallel_loop3A_109, %parallel_loop3A_111, %parallel_loop3A_113, %parallel_loop3A_115, %parallel_loop3A_117 : vector<16xf32>, vector<16xf32>, vector<16xf32>, vector<16xf32>, vector<16xf32>, vector<16xf32>, vector<16xf32>, vector<16xf32>
    } {sc.loop_unroll_factor = 2 : i64, sc.parallel_access}
    %add3A_28 = arith.constant 248 : i32
    %add3A_29 = arith.addi %mul3A_2, %add3A_28 : i32
    %dma_wait3A_30 = arith.constant 0 : i32
    %dma_wait3A_31 = tpu.memref_slice %arg2[%add3A_29, %dma_wait3A_30] : memref<8192x4096xf32, #tpu.memory_space<hbm>> -> memref<8x4096xf32, #tpu.memory_space<hbm>>
    %dma_wait3A_32 = arith.constant 0 : i32
    %dma_wait3A_33 = tpu.memref_slice %arg2[%add3A_29, %dma_wait3A_32] : memref<8192x4096xf32, #tpu.memory_space<hbm>> -> memref<8x4096xf32, #tpu.memory_space<hbm>>
    tpu.wait_dma2 semaphore(%arg8 : memref<!tpu.dma_semaphore, #tpu.memory_space<semaphore_mem>>) src(%dma_wait3A_33 : memref<8x4096xf32, #tpu.memory_space<hbm>>) dst(%arg5 : memref<8x4096xf32, #tpu.memory_space<vmem>>)
    %parallel_loop3A_34 = arith.constant 0 : i32
    %parallel_loop3A_35 = arith.constant 256 : i32
    %parallel_loop3A_36 = arith.constant 1 : i32
    %parallel_loop3A_37:8 = scf.for %parallel_loop3A_45 = %parallel_loop3A_34 to %parallel_loop3A_35 step %parallel_loop3A_36 iter_args(%parallel_loop3A_46 = %parallel_loop3A_27#0, %parallel_loop3A_47 = %parallel_loop3A_27#1, %parallel_loop3A_48 = %parallel_loop3A_27#2, %parallel_loop3A_49 = %parallel_loop3A_27#3, %parallel_loop3A_50 = %parallel_loop3A_27#4, %parallel_loop3A_51 = %parallel_loop3A_27#5, %parallel_loop3A_52 = %parallel_loop3A_27#6, %parallel_loop3A_53 = %parallel_loop3A_27#7) -> (vector<16xf32>, vector<16xf32>, vector<16xf32>, vector<16xf32>, vector<16xf32>, vector<16xf32>, vector<16xf32>, vector<16xf32>)  : i32 {
      %parallel_loop3A_54 = arith.constant 16 : i32
      %parallel_loop3A_55 = arith.muli %parallel_loop3A_45, %parallel_loop3A_54 : i32
      %parallel_loop3A_56 = arith.constant 0 : i32
      %parallel_loop3A_57 = arith.index_cast %parallel_loop3A_56 : i32 to index
      %parallel_loop3A_58 = arith.index_cast %parallel_loop3A_55 : i32 to index
      %parallel_loop3A_59 = tpu.vector_load %arg5[%parallel_loop3A_57, %parallel_loop3A_58] {strides = array<i32>} : memref<8x4096xf32, #tpu.memory_space<vmem>>, vector<16xf32>,
      %parallel_loop3A_60 = arith.constant 16 : i32
      %parallel_loop3A_61 = arith.muli %parallel_loop3A_45, %parallel_loop3A_60 : i32
      %parallel_loop3A_62 = arith.constant 1 : i32
      %parallel_loop3A_63 = arith.index_cast %parallel_loop3A_62 : i32 to index
      %parallel_loop3A_64 = arith.index_cast %parallel_loop3A_61 : i32 to index
      %parallel_loop3A_65 = tpu.vector_load %arg5[%parallel_loop3A_63, %parallel_loop3A_64] {strides = array<i32>} : memref<8x4096xf32, #tpu.memory_space<vmem>>, vector<16xf32>,
      %parallel_loop3A_66 = arith.constant 16 : i32
      %parallel_loop3A_67 = arith.muli %parallel_loop3A_45, %parallel_loop3A_66 : i32
      %parallel_loop3A_68 = arith.constant 2 : i32
      %parallel_loop3A_69 = arith.index_cast %parallel_loop3A_68 : i32 to index
      %parallel_loop3A_70 = arith.index_cast %parallel_loop3A_67 : i32 to index
      %parallel_loop3A_71 = tpu.vector_load %arg5[%parallel_loop3A_69, %parallel_loop3A_70] {strides = array<i32>} : memref<8x4096xf32, #tpu.memory_space<vmem>>, vector<16xf32>,
      %parallel_loop3A_72 = arith.constant 16 : i32
      %parallel_loop3A_73 = arith.muli %parallel_loop3A_45, %parallel_loop3A_72 : i32
      %parallel_loop3A_74 = arith.constant 3 : i32
      %parallel_loop3A_75 = arith.index_cast %parallel_loop3A_74 : i32 to index
      %parallel_loop3A_76 = arith.index_cast %parallel_loop3A_73 : i32 to index
      %parallel_loop3A_77 = tpu.vector_load %arg5[%parallel_loop3A_75, %parallel_loop3A_76] {strides = array<i32>} : memref<8x4096xf32, #tpu.memory_space<vmem>>, vector<16xf32>,
      %parallel_loop3A_78 = arith.constant 16 : i32
      %parallel_loop3A_79 = arith.muli %parallel_loop3A_45, %parallel_loop3A_78 : i32
      %parallel_loop3A_80 = arith.constant 4 : i32
      %parallel_loop3A_81 = arith.index_cast %parallel_loop3A_80 : i32 to index
      %parallel_loop3A_82 = arith.index_cast %parallel_loop3A_79 : i32 to index
      %parallel_loop3A_83 = tpu.vector_load %arg5[%parallel_loop3A_81, %parallel_loop3A_82] {strides = array<i32>} : memref<8x4096xf32, #tpu.memory_space<vmem>>, vector<16xf32>,
      %parallel_loop3A_84 = arith.constant 16 : i32
      %parallel_loop3A_85 = arith.muli %parallel_loop3A_45, %parallel_loop3A_84 : i32
      %parallel_loop3A_86 = arith.constant 5 : i32
      %parallel_loop3A_87 = arith.index_cast %parallel_loop3A_86 : i32 to index
      %parallel_loop3A_88 = arith.index_cast %parallel_loop3A_85 : i32 to index
      %parallel_loop3A_89 = tpu.vector_load %arg5[%parallel_loop3A_87, %parallel_loop3A_88] {strides = array<i32>} : memref<8x4096xf32, #tpu.memory_space<vmem>>, vector<16xf32>,
      %parallel_loop3A_90 = arith.constant 16 : i32
      %parallel_loop3A_91 = arith.muli %parallel_loop3A_45, %parallel_loop3A_90 : i32
      %parallel_loop3A_92 = arith.constant 6 : i32
      %parallel_loop3A_93 = arith.index_cast %parallel_loop3A_92 : i32 to index
      %parallel_loop3A_94 = arith.index_cast %parallel_loop3A_91 : i32 to index
      %parallel_loop3A_95 = tpu.vector_load %arg5[%parallel_loop3A_93, %parallel_loop3A_94] {strides = array<i32>} : memref<8x4096xf32, #tpu.memory_space<vmem>>, vector<16xf32>,
      %parallel_loop3A_96 = arith.constant 16 : i32
      %parallel_loop3A_97 = arith.muli %parallel_loop3A_45, %parallel_loop3A_96 : i32
      %parallel_loop3A_98 = arith.constant 7 : i32
      %parallel_loop3A_99 = arith.index_cast %parallel_loop3A_98 : i32 to index
      %parallel_loop3A_100 = arith.index_cast %parallel_loop3A_97 : i32 to index
      %parallel_loop3A_101 = tpu.vector_load %arg5[%parallel_loop3A_99, %parallel_loop3A_100] {strides = array<i32>} : memref<8x4096xf32, #tpu.memory_space<vmem>>, vector<16xf32>,
      %parallel_loop3A_102 = math.absf %parallel_loop3A_59 : vector<16xf32>
      %parallel_loop3A_103 = arith.maximumf %parallel_loop3A_46, %parallel_loop3A_102 : vector<16xf32>
      %parallel_loop3A_104 = math.absf %parallel_loop3A_65 : vector<16xf32>
      %parallel_loop3A_105 = arith.maximumf %parallel_loop3A_47, %parallel_loop3A_104 : vector<16xf32>
      %parallel_loop3A_106 = math.absf %parallel_loop3A_71 : vector<16xf32>
      %parallel_loop3A_107 = arith.maximumf %parallel_loop3A_48, %parallel_loop3A_106 : vector<16xf32>
      %parallel_loop3A_108 = math.absf %parallel_loop3A_77 : vector<16xf32>
      %parallel_loop3A_109 = arith.maximumf %parallel_loop3A_49, %parallel_loop3A_108 : vector<16xf32>
      %parallel_loop3A_110 = math.absf %parallel_loop3A_83 : vector<16xf32>
      %parallel_loop3A_111 = arith.maximumf %parallel_loop3A_50, %parallel_loop3A_110 : vector<16xf32>
      %parallel_loop3A_112 = math.absf %parallel_loop3A_89 : vector<16xf32>
      %parallel_loop3A_113 = arith.maximumf %parallel_loop3A_51, %parallel_loop3A_112 : vector<16xf32>
      %parallel_loop3A_114 = math.absf %parallel_loop3A_95 : vector<16xf32>
      %parallel_loop3A_115 = arith.maximumf %parallel_loop3A_52, %parallel_loop3A_114 : vector<16xf32>
      %parallel_loop3A_116 = math.absf %parallel_loop3A_101 : vector<16xf32>
      %parallel_loop3A_117 = arith.maximumf %parallel_loop3A_53, %parallel_loop3A_116 : vector<16xf32>
      scf.yield %parallel_loop3A_103, %parallel_loop3A_105, %parallel_loop3A_107, %parallel_loop3A_109, %parallel_loop3A_111, %parallel_loop3A_113, %parallel_loop3A_115, %parallel_loop3A_117 : vector<16xf32>, vector<16xf32>, vector<16xf32>, vector<16xf32>, vector<16xf32>, vector<16xf32>, vector<16xf32>, vector<16xf32>
    } {sc.loop_unroll_factor = 2 : i64, sc.parallel_access}
    %max3A = arith.maximumf %parallel_loop3A_37#0, %parallel_loop3A_37#1 : vector<16xf32>
    %max3A_38 = arith.maximumf %max3A, %parallel_loop3A_37#2 : vector<16xf32>
    %max3A_39 = arith.maximumf %max3A_38, %parallel_loop3A_37#3 : vector<16xf32>
    %max3A_40 = arith.maximumf %max3A_39, %parallel_loop3A_37#4 : vector<16xf32>
    %max3A_41 = arith.maximumf %max3A_40, %parallel_loop3A_37#5 : vector<16xf32>
    %max3A_42 = arith.maximumf %max3A_41, %parallel_loop3A_37#6 : vector<16xf32>
    %max3A_43 = arith.maximumf %max3A_42, %parallel_loop3A_37#7 : vector<16xf32>
    %swap3A = arith.constant 0 : index
    %swap3A_44 = tpu.vector_load %arg6[%swap3A] {strides = array<i32>} : memref<16xf32, #tpu.memory_space<vmem>>, vector<16xf32>,
    tpu.vector_store %arg6[%swap3A], %max3A_43 {strides = array<i32>} : memref<16xf32, #tpu.memory_space<vmem>>, vector<16xf32>,
    "tpu.region"() ({
      %run_scoped3A = tpu.sem_alloc : memref<!tpu.dma_semaphore, #tpu.memory_space<semaphore_mem>>
      %dma_start3A_45 = arith.constant 0 : i32
      %dma_start3A_46 = tpu.memref_slice %arg3[%add3A, %dma_start3A_45] : memref<32x16xf32, #tpu.memory_space<hbm>> -> memref<1x16xf32, #tpu.memory_space<hbm>>
      %dma_start3A_47 = tpu.memref_squeeze %dma_start3A_46 : memref<1x16xf32, #tpu.memory_space<hbm>> -> memref<16xf32, #tpu.memory_space<hbm>>
      %dma_start3A_48 = arith.constant 0 : i32
      %dma_start3A_49 = tpu.memref_slice %arg3[%add3A, %dma_start3A_48] : memref<32x16xf32, #tpu.memory_space<hbm>> -> memref<1x16xf32, #tpu.memory_space<hbm>>
      %dma_start3A_50 = tpu.memref_squeeze %dma_start3A_49 : memref<1x16xf32, #tpu.memory_space<hbm>> -> memref<16xf32, #tpu.memory_space<hbm>>
      tpu.enqueue_dma source(%arg6 : memref<16xf32, #tpu.memory_space<vmem>>) target(%dma_start3A_50 : memref<16xf32, #tpu.memory_space<hbm>>) target_semaphore(%run_scoped3A : memref<!tpu.dma_semaphore, #tpu.memory_space<semaphore_mem>>)
      %dma_wait3A_51 = arith.constant 0 : i32
      %dma_wait3A_52 = tpu.memref_slice %arg3[%add3A, %dma_wait3A_51] : memref<32x16xf32, #tpu.memory_space<hbm>> -> memref<1x16xf32, #tpu.memory_space<hbm>>
      %dma_wait3A_53 = tpu.memref_squeeze %dma_wait3A_52 : memref<1x16xf32, #tpu.memory_space<hbm>> -> memref<16xf32, #tpu.memory_space<hbm>>
      %dma_wait3A_54 = arith.constant 0 : i32
      %dma_wait3A_55 = tpu.memref_slice %arg3[%add3A, %dma_wait3A_54] : memref<32x16xf32, #tpu.memory_space<hbm>> -> memref<1x16xf32, #tpu.memory_space<hbm>>
      %dma_wait3A_56 = tpu.memref_squeeze %dma_wait3A_55 : memref<1x16xf32, #tpu.memory_space<hbm>> -> memref<16xf32, #tpu.memory_space<hbm>>
      tpu.wait_dma2 semaphore(%run_scoped3A : memref<!tpu.dma_semaphore, #tpu.memory_space<semaphore_mem>>) src(%arg6 : memref<16xf32, #tpu.memory_space<vmem>>) dst(%dma_wait3A_56 : memref<16xf32, #tpu.memory_space<hbm>>)
      tpu.yield
    }) : () -> ()
    return
  }
}

#map = affine_map<(d0, d1) -> (0, 0)>
module attributes {stable_mosaic.version = 14 : i64} {
  func.func @body(%arg0: i32, %arg1: i32, %arg2: memref<8192x4096xf32, #tpu.memory_space<hbm>>, %arg3: memref<32x16xf32, #tpu.memory_space<hbm>>, %arg4: memref<32x2048xf32, #tpu.memory_space<hbm>>, %arg5: memref<32784xf32, #tpu.memory_space<vmem>>, %arg6: memref<8x4096xf32, #tpu.memory_space<vmem>>, %arg7: memref<8x4096xf32, #tpu.memory_space<vmem>>, %arg8: memref<32x16xf32, #tpu.memory_space<vmem>>, %arg9: memref<2048xf32, #tpu.memory_space<vmem>>, %arg10: memref<!tpu.dma_semaphore, #tpu.memory_space<semaphore_mem>>, %arg11: memref<!tpu.dma_semaphore, #tpu.memory_space<semaphore_mem>>) attributes {dimension_semantics = [#tpu.dimension_semantics<core_parallel>, #tpu.dimension_semantics<subcore_parallel>], iteration_bounds = array<i64: 2, 16>, scalar_prefetch = 0 : i64, scratch_operands = 7 : i64, tpu.core_type = #tpu.core_type<sc_vector_subcore>, window_params = [{transform_indices = #map}, {transform_indices = #map}, {transform_indices = #map}]} {
    %mul3A = arith.constant 16 : i32
    %mul3A_0 = arith.muli %arg0, %mul3A : i32
    %add3A = arith.addi %mul3A_0, %arg1 : i32
    %mul3A_1 = arith.constant 256 : i32
    %mul3A_2 = arith.muli %add3A, %mul3A_1 : i32
    "tpu.region"() ({
      %run_scoped3A = tpu.sem_alloc : memref<!tpu.dma_semaphore, #tpu.memory_space<semaphore_mem>>
      tpu.enqueue_dma source(%arg3 : memref<32x16xf32, #tpu.memory_space<hbm>>) target(%arg8 : memref<32x16xf32, #tpu.memory_space<vmem>>) target_semaphore(%run_scoped3A : memref<!tpu.dma_semaphore, #tpu.memory_space<semaphore_mem>>)
      tpu.wait_dma2 semaphore(%run_scoped3A : memref<!tpu.dma_semaphore, #tpu.memory_space<semaphore_mem>>) src(%arg3 : memref<32x16xf32, #tpu.memory_space<hbm>>) dst(%arg8 : memref<32x16xf32, #tpu.memory_space<vmem>>)
      tpu.yield
    }) : () -> ()
    %get3A = arith.constant 0 : i32
    %get3A_3 = arith.index_cast %get3A : i32 to index
    %get3A_4 = arith.constant 0 : index
    %get3A_5 = tpu.vector_load %arg8[%get3A_3, %get3A_4] {strides = array<i32>} : memref<32x16xf32, #tpu.memory_space<vmem>>, vector<16xf32>,
    %get3A_6 = arith.constant 1 : i32
    %get3A_7 = arith.index_cast %get3A_6 : i32 to index
    %get3A_8 = arith.constant 0 : index
    %get3A_9 = tpu.vector_load %arg8[%get3A_7, %get3A_8] {strides = array<i32>} : memref<32x16xf32, #tpu.memory_space<vmem>>, vector<16xf32>,
    %max3A = arith.maximumf %get3A_5, %get3A_9 : vector<16xf32>
    %get3A_10 = arith.constant 2 : i32
    %get3A_11 = arith.index_cast %get3A_10 : i32 to index
    %get3A_12 = arith.constant 0 : index
    %get3A_13 = tpu.vector_load %arg8[%get3A_11, %get3A_12] {strides = array<i32>} : memref<32x16xf32, #tpu.memory_space<vmem>>, vector<16xf32>,
    %max3A_14 = arith.maximumf %max3A, %get3A_13 : vector<16xf32>
    %get3A_15 = arith.constant 3 : i32
    %get3A_16 = arith.index_cast %get3A_15 : i32 to index
    %get3A_17 = arith.constant 0 : index
    %get3A_18 = tpu.vector_load %arg8[%get3A_16, %get3A_17] {strides = array<i32>} : memref<32x16xf32, #tpu.memory_space<vmem>>, vector<16xf32>,
    %max3A_19 = arith.maximumf %max3A_14, %get3A_18 : vector<16xf32>
    %get3A_20 = arith.constant 4 : i32
    %get3A_21 = arith.index_cast %get3A_20 : i32 to index
    %get3A_22 = arith.constant 0 : index
    %get3A_23 = tpu.vector_load %arg8[%get3A_21, %get3A_22] {strides = array<i32>} : memref<32x16xf32, #tpu.memory_space<vmem>>, vector<16xf32>,
    %max3A_24 = arith.maximumf %max3A_19, %get3A_23 : vector<16xf32>
    %get3A_25 = arith.constant 5 : i32
    %get3A_26 = arith.index_cast %get3A_25 : i32 to index
    %get3A_27 = arith.constant 0 : index
    %get3A_28 = tpu.vector_load %arg8[%get3A_26, %get3A_27] {strides = array<i32>} : memref<32x16xf32, #tpu.memory_space<vmem>>, vector<16xf32>,
    %max3A_29 = arith.maximumf %max3A_24, %get3A_28 : vector<16xf32>
    %get3A_30 = arith.constant 6 : i32
    %get3A_31 = arith.index_cast %get3A_30 : i32 to index
    %get3A_32 = arith.constant 0 : index
    %get3A_33 = tpu.vector_load %arg8[%get3A_31, %get3A_32] {strides = array<i32>} : memref<32x16xf32, #tpu.memory_space<vmem>>, vector<16xf32>,
    %max3A_34 = arith.maximumf %max3A_29, %get3A_33 : vector<16xf32>
    %get3A_35 = arith.constant 7 : i32
    %get3A_36 = arith.index_cast %get3A_35 : i32 to index
    %get3A_37 = arith.constant 0 : index
    %get3A_38 = tpu.vector_load %arg8[%get3A_36, %get3A_37] {strides = array<i32>} : memref<32x16xf32, #tpu.memory_space<vmem>>, vector<16xf32>,
    %max3A_39 = arith.maximumf %max3A_34, %get3A_38 : vector<16xf32>
    %get3A_40 = arith.constant 8 : i32
    %get3A_41 = arith.index_cast %get3A_40 : i32 to index
    %get3A_42 = arith.constant 0 : index
    %get3A_43 = tpu.vector_load %arg8[%get3A_41, %get3A_42] {strides = array<i32>} : memref<32x16xf32, #tpu.memory_space<vmem>>, vector<16xf32>,
    %max3A_44 = arith.maximumf %max3A_39, %get3A_43 : vector<16xf32>
    %get3A_45 = arith.constant 9 : i32
    %get3A_46 = arith.index_cast %get3A_45 : i32 to index
    %get3A_47 = arith.constant 0 : index
    %get3A_48 = tpu.vector_load %arg8[%get3A_46, %get3A_47] {strides = array<i32>} : memref<32x16xf32, #tpu.memory_space<vmem>>, vector<16xf32>,
    %max3A_49 = arith.maximumf %max3A_44, %get3A_48 : vector<16xf32>
    %get3A_50 = arith.constant 10 : i32
    %get3A_51 = arith.index_cast %get3A_50 : i32 to index
    %get3A_52 = arith.constant 0 : index
    %get3A_53 = tpu.vector_load %arg8[%get3A_51, %get3A_52] {strides = array<i32>} : memref<32x16xf32, #tpu.memory_space<vmem>>, vector<16xf32>,
    %max3A_54 = arith.maximumf %max3A_49, %get3A_53 : vector<16xf32>
    %get3A_55 = arith.constant 11 : i32
    %get3A_56 = arith.index_cast %get3A_55 : i32 to index
    %get3A_57 = arith.constant 0 : index
    %get3A_58 = tpu.vector_load %arg8[%get3A_56, %get3A_57] {strides = array<i32>} : memref<32x16xf32, #tpu.memory_space<vmem>>, vector<16xf32>,
    %max3A_59 = arith.maximumf %max3A_54, %get3A_58 : vector<16xf32>
    %get3A_60 = arith.constant 12 : i32
    %get3A_61 = arith.index_cast %get3A_60 : i32 to index
    %get3A_62 = arith.constant 0 : index
    %get3A_63 = tpu.vector_load %arg8[%get3A_61, %get3A_62] {strides = array<i32>} : memref<32x16xf32, #tpu.memory_space<vmem>>, vector<16xf32>,
    %max3A_64 = arith.maximumf %max3A_59, %get3A_63 : vector<16xf32>
    %get3A_65 = arith.constant 13 : i32
    %get3A_66 = arith.index_cast %get3A_65 : i32 to index
    %get3A_67 = arith.constant 0 : index
    %get3A_68 = tpu.vector_load %arg8[%get3A_66, %get3A_67] {strides = array<i32>} : memref<32x16xf32, #tpu.memory_space<vmem>>, vector<16xf32>,
    %max3A_69 = arith.maximumf %max3A_64, %get3A_68 : vector<16xf32>
    %get3A_70 = arith.constant 14 : i32
    %get3A_71 = arith.index_cast %get3A_70 : i32 to index
    %get3A_72 = arith.constant 0 : index
    %get3A_73 = tpu.vector_load %arg8[%get3A_71, %get3A_72] {strides = array<i32>} : memref<32x16xf32, #tpu.memory_space<vmem>>, vector<16xf32>,
    %max3A_74 = arith.maximumf %max3A_69, %get3A_73 : vector<16xf32>
    %get3A_75 = arith.constant 15 : i32
    %get3A_76 = arith.index_cast %get3A_75 : i32 to index
    %get3A_77 = arith.constant 0 : index
    %get3A_78 = tpu.vector_load %arg8[%get3A_76, %get3A_77] {strides = array<i32>} : memref<32x16xf32, #tpu.memory_space<vmem>>, vector<16xf32>,
    %max3A_79 = arith.maximumf %max3A_74, %get3A_78 : vector<16xf32>
    %get3A_80 = arith.constant 16 : i32
    %get3A_81 = arith.index_cast %get3A_80 : i32 to index
    %get3A_82 = arith.constant 0 : index
    %get3A_83 = tpu.vector_load %arg8[%get3A_81, %get3A_82] {strides = array<i32>} : memref<32x16xf32, #tpu.memory_space<vmem>>, vector<16xf32>,
    %max3A_84 = arith.maximumf %max3A_79, %get3A_83 : vector<16xf32>
    %get3A_85 = arith.constant 17 : i32
    %get3A_86 = arith.index_cast %get3A_85 : i32 to index
    %get3A_87 = arith.constant 0 : index
    %get3A_88 = tpu.vector_load %arg8[%get3A_86, %get3A_87] {strides = array<i32>} : memref<32x16xf32, #tpu.memory_space<vmem>>, vector<16xf32>,
    %max3A_89 = arith.maximumf %max3A_84, %get3A_88 : vector<16xf32>
    %get3A_90 = arith.constant 18 : i32
    %get3A_91 = arith.index_cast %get3A_90 : i32 to index
    %get3A_92 = arith.constant 0 : index
    %get3A_93 = tpu.vector_load %arg8[%get3A_91, %get3A_92] {strides = array<i32>} : memref<32x16xf32, #tpu.memory_space<vmem>>, vector<16xf32>,
    %max3A_94 = arith.maximumf %max3A_89, %get3A_93 : vector<16xf32>
    %get3A_95 = arith.constant 19 : i32
    %get3A_96 = arith.index_cast %get3A_95 : i32 to index
    %get3A_97 = arith.constant 0 : index
    %get3A_98 = tpu.vector_load %arg8[%get3A_96, %get3A_97] {strides = array<i32>} : memref<32x16xf32, #tpu.memory_space<vmem>>, vector<16xf32>,
    %max3A_99 = arith.maximumf %max3A_94, %get3A_98 : vector<16xf32>
    %get3A_100 = arith.constant 20 : i32
    %get3A_101 = arith.index_cast %get3A_100 : i32 to index
    %get3A_102 = arith.constant 0 : index
    %get3A_103 = tpu.vector_load %arg8[%get3A_101, %get3A_102] {strides = array<i32>} : memref<32x16xf32, #tpu.memory_space<vmem>>, vector<16xf32>,
    %max3A_104 = arith.maximumf %max3A_99, %get3A_103 : vector<16xf32>
    %get3A_105 = arith.constant 21 : i32
    %get3A_106 = arith.index_cast %get3A_105 : i32 to index
    %get3A_107 = arith.constant 0 : index
    %get3A_108 = tpu.vector_load %arg8[%get3A_106, %get3A_107] {strides = array<i32>} : memref<32x16xf32, #tpu.memory_space<vmem>>, vector<16xf32>,
    %max3A_109 = arith.maximumf %max3A_104, %get3A_108 : vector<16xf32>
    %get3A_110 = arith.constant 22 : i32
    %get3A_111 = arith.index_cast %get3A_110 : i32 to index
    %get3A_112 = arith.constant 0 : index
    %get3A_113 = tpu.vector_load %arg8[%get3A_111, %get3A_112] {strides = array<i32>} : memref<32x16xf32, #tpu.memory_space<vmem>>, vector<16xf32>,
    %max3A_114 = arith.maximumf %max3A_109, %get3A_113 : vector<16xf32>
    %get3A_115 = arith.constant 23 : i32
    %get3A_116 = arith.index_cast %get3A_115 : i32 to index
    %get3A_117 = arith.constant 0 : index
    %get3A_118 = tpu.vector_load %arg8[%get3A_116, %get3A_117] {strides = array<i32>} : memref<32x16xf32, #tpu.memory_space<vmem>>, vector<16xf32>,
    %max3A_119 = arith.maximumf %max3A_114, %get3A_118 : vector<16xf32>
    %get3A_120 = arith.constant 24 : i32
    %get3A_121 = arith.index_cast %get3A_120 : i32 to index
    %get3A_122 = arith.constant 0 : index
    %get3A_123 = tpu.vector_load %arg8[%get3A_121, %get3A_122] {strides = array<i32>} : memref<32x16xf32, #tpu.memory_space<vmem>>, vector<16xf32>,
    %max3A_124 = arith.maximumf %max3A_119, %get3A_123 : vector<16xf32>
    %get3A_125 = arith.constant 25 : i32
    %get3A_126 = arith.index_cast %get3A_125 : i32 to index
    %get3A_127 = arith.constant 0 : index
    %get3A_128 = tpu.vector_load %arg8[%get3A_126, %get3A_127] {strides = array<i32>} : memref<32x16xf32, #tpu.memory_space<vmem>>, vector<16xf32>,
    %max3A_129 = arith.maximumf %max3A_124, %get3A_128 : vector<16xf32>
    %get3A_130 = arith.constant 26 : i32
    %get3A_131 = arith.index_cast %get3A_130 : i32 to index
    %get3A_132 = arith.constant 0 : index
    %get3A_133 = tpu.vector_load %arg8[%get3A_131, %get3A_132] {strides = array<i32>} : memref<32x16xf32, #tpu.memory_space<vmem>>, vector<16xf32>,
    %max3A_134 = arith.maximumf %max3A_129, %get3A_133 : vector<16xf32>
    %get3A_135 = arith.constant 27 : i32
    %get3A_136 = arith.index_cast %get3A_135 : i32 to index
    %get3A_137 = arith.constant 0 : index
    %get3A_138 = tpu.vector_load %arg8[%get3A_136, %get3A_137] {strides = array<i32>} : memref<32x16xf32, #tpu.memory_space<vmem>>, vector<16xf32>,
    %max3A_139 = arith.maximumf %max3A_134, %get3A_138 : vector<16xf32>
    %get3A_140 = arith.constant 28 : i32
    %get3A_141 = arith.index_cast %get3A_140 : i32 to index
    %get3A_142 = arith.constant 0 : index
    %get3A_143 = tpu.vector_load %arg8[%get3A_141, %get3A_142] {strides = array<i32>} : memref<32x16xf32, #tpu.memory_space<vmem>>, vector<16xf32>,
    %max3A_144 = arith.maximumf %max3A_139, %get3A_143 : vector<16xf32>
    %get3A_145 = arith.constant 29 : i32
    %get3A_146 = arith.index_cast %get3A_145 : i32 to index
    %get3A_147 = arith.constant 0 : index
    %get3A_148 = tpu.vector_load %arg8[%get3A_146, %get3A_147] {strides = array<i32>} : memref<32x16xf32, #tpu.memory_space<vmem>>, vector<16xf32>,
    %max3A_149 = arith.maximumf %max3A_144, %get3A_148 : vector<16xf32>
    %get3A_150 = arith.constant 30 : i32
    %get3A_151 = arith.index_cast %get3A_150 : i32 to index
    %get3A_152 = arith.constant 0 : index
    %get3A_153 = tpu.vector_load %arg8[%get3A_151, %get3A_152] {strides = array<i32>} : memref<32x16xf32, #tpu.memory_space<vmem>>, vector<16xf32>,
    %max3A_154 = arith.maximumf %max3A_149, %get3A_153 : vector<16xf32>
    %get3A_155 = arith.constant 31 : i32
    %get3A_156 = arith.index_cast %get3A_155 : i32 to index
    %get3A_157 = arith.constant 0 : index
    %get3A_158 = tpu.vector_load %arg8[%get3A_156, %get3A_157] {strides = array<i32>} : memref<32x16xf32, #tpu.memory_space<vmem>>, vector<16xf32>,
    %max3A_159 = arith.maximumf %max3A_154, %get3A_158 : vector<16xf32>
    %reduce_max3A = arith.constant true
    %reduce_max3A_160 = vector.broadcast %reduce_max3A : i1 to vector<16xi1>
    %reduce_max3A_161 = tpu.scan <max>, %max3A_159 masked %reduce_max3A_160 : vector<16xf32>, vector<16xi1> -> vector<16xf32>
    %reduce_max3A_162 = vector.extract %reduce_max3A_161[15] : f32 from vector<16xf32>
    %broadcast_in_dim3A = vector.broadcast %reduce_max3A_162 : f32 to vector<16xf32>
    %mul3A_163 = arith.constant 4.8828125E-4 : f32
    %mul3A_164 = vector.broadcast %mul3A_163 : f32 to vector<16xf32>
    %mul3A_165 = arith.mulf %broadcast_in_dim3A, %mul3A_164 : vector<16xf32>
    %broadcast_in_dim3A_166 = arith.constant 1.000000e+00 : f32
    %broadcast_in_dim3A_167 = vector.broadcast %broadcast_in_dim3A_166 : f32 to vector<16xf32>
    %iota3A = tpu.iota {dimensions = array<i32: 0>} : vector<16xi32>
    %broadcast_in_dim3A_168 = arith.constant 0.000000e+00 : f32
    %broadcast_in_dim3A_169 = vector.broadcast %broadcast_in_dim3A_168 : f32 to vector<16xf32>
    %parallel_loop3A = arith.constant 0 : i32
    %parallel_loop3A_170 = arith.constant 2049 : i32
    %parallel_loop3A_171 = arith.constant 1 : i32
    scf.for %parallel_loop3A_211 = %parallel_loop3A to %parallel_loop3A_170 step %parallel_loop3A_171  : i32 {
      %parallel_loop3A_212 = arith.constant 16 : i32
      %parallel_loop3A_213 = arith.muli %parallel_loop3A_211, %parallel_loop3A_212 : i32
      %parallel_loop3A_214 = arith.index_cast %parallel_loop3A_213 : i32 to index
      %parallel_loop3A_215 = tpu.vector_load %arg5[%parallel_loop3A_214] {strides = array<i32>} : memref<32784xf32, #tpu.memory_space<vmem>>, vector<16xf32>,
      tpu.vector_store %arg5[%parallel_loop3A_214], %broadcast_in_dim3A_169 {strides = array<i32>} : memref<32784xf32, #tpu.memory_space<vmem>>, vector<16xf32>,
    } {sc.loop_unroll_factor = 1 : i64, sc.parallel_access}
    %add3A_172 = arith.constant 0 : i32
    %add3A_173 = arith.addi %mul3A_2, %add3A_172 : i32
    %dma_start3A = arith.constant 0 : i32
    %dma_start3A_174 = tpu.memref_slice %arg2[%add3A_173, %dma_start3A] : memref<8192x4096xf32, #tpu.memory_space<hbm>> -> memref<8x4096xf32, #tpu.memory_space<hbm>>
    %dma_start3A_175 = arith.constant 0 : i32
    %dma_start3A_176 = tpu.memref_slice %arg2[%add3A_173, %dma_start3A_175] : memref<8192x4096xf32, #tpu.memory_space<hbm>> -> memref<8x4096xf32, #tpu.memory_space<hbm>>
    tpu.enqueue_dma source(%dma_start3A_176 : memref<8x4096xf32, #tpu.memory_space<hbm>>) target(%arg6 : memref<8x4096xf32, #tpu.memory_space<vmem>>) target_semaphore(%arg10 : memref<!tpu.dma_semaphore, #tpu.memory_space<semaphore_mem>>)
    %add3A_177 = arith.constant 8 : i32
    %add3A_178 = arith.addi %mul3A_2, %add3A_177 : i32
    %dma_start3A_179 = arith.constant 0 : i32
    %dma_start3A_180 = tpu.memref_slice %arg2[%add3A_178, %dma_start3A_179] : memref<8192x4096xf32, #tpu.memory_space<hbm>> -> memref<8x4096xf32, #tpu.memory_space<hbm>>
    %dma_start3A_181 = arith.constant 0 : i32
    %dma_start3A_182 = tpu.memref_slice %arg2[%add3A_178, %dma_start3A_181] : memref<8192x4096xf32, #tpu.memory_space<hbm>> -> memref<8x4096xf32, #tpu.memory_space<hbm>>
    tpu.enqueue_dma source(%dma_start3A_182 : memref<8x4096xf32, #tpu.memory_space<hbm>>) target(%arg7 : memref<8x4096xf32, #tpu.memory_space<vmem>>) target_semaphore(%arg11 : memref<!tpu.dma_semaphore, #tpu.memory_space<semaphore_mem>>)
    %scan3A = arith.constant 0 : i32
    %scan3A_183 = arith.constant 15 : i32
    %scan3A_184 = arith.addi %scan3A, %scan3A_183 : i32
    %scan3A_185 = arith.constant 1 : i32
    scf.for %scan3A_211 = %scan3A to %scan3A_184 step %scan3A_185  : i32 {
      %mul3A_212 = arith.constant 2 : i32
      %mul3A_213 = arith.muli %scan3A_211, %mul3A_212 : i32
      %add3A_214 = arith.constant 0 : i32
      %add3A_215 = arith.addi %mul3A_213, %add3A_214 : i32
      %mul3A_216 = arith.constant 8 : i32
      %mul3A_217 = arith.muli %add3A_215, %mul3A_216 : i32
      %add3A_218 = arith.addi %mul3A_2, %mul3A_217 : i32
      %dma_wait3A_219 = arith.constant 0 : i32
      %dma_wait3A_220 = tpu.memref_slice %arg2[%add3A_218, %dma_wait3A_219] : memref<8192x4096xf32, #tpu.memory_space<hbm>> -> memref<8x4096xf32, #tpu.memory_space<hbm>>
      %dma_wait3A_221 = arith.constant 0 : i32
      %dma_wait3A_222 = tpu.memref_slice %arg2[%add3A_218, %dma_wait3A_221] : memref<8192x4096xf32, #tpu.memory_space<hbm>> -> memref<8x4096xf32, #tpu.memory_space<hbm>>
      tpu.wait_dma2 semaphore(%arg10 : memref<!tpu.dma_semaphore, #tpu.memory_space<semaphore_mem>>) src(%dma_wait3A_222 : memref<8x4096xf32, #tpu.memory_space<hbm>>) dst(%arg6 : memref<8x4096xf32, #tpu.memory_space<vmem>>)
      %parallel_loop3A_223 = arith.constant 0 : i32
      %parallel_loop3A_224 = arith.constant 256 : i32
      %parallel_loop3A_225 = arith.constant 1 : i32
      scf.for %parallel_loop3A_258 = %parallel_loop3A_223 to %parallel_loop3A_224 step %parallel_loop3A_225  : i32 {
        %parallel_loop3A_259 = arith.constant 16 : i32
        %parallel_loop3A_260 = arith.muli %parallel_loop3A_258, %parallel_loop3A_259 : i32
        %parallel_loop3A_261 = arith.constant 0 : i32
        %parallel_loop3A_262 = arith.index_cast %parallel_loop3A_261 : i32 to index
        %parallel_loop3A_263 = arith.index_cast %parallel_loop3A_260 : i32 to index
        %parallel_loop3A_264 = tpu.vector_load %arg6[%parallel_loop3A_262, %parallel_loop3A_263] {strides = array<i32>} : memref<8x4096xf32, #tpu.memory_space<vmem>>, vector<16xf32>,
        %parallel_loop3A_265 = math.absf %parallel_loop3A_264 : vector<16xf32>
        %parallel_loop3A_266 = arith.divf %parallel_loop3A_265, %mul3A_165 : vector<16xf32>
        %parallel_loop3A_267 = arith.fptosi %parallel_loop3A_266 : vector<16xf32> to vector<16xi32>
        %parallel_loop3A_268 = arith.constant 4 : i32
        %parallel_loop3A_269 = vector.broadcast %parallel_loop3A_268 : i32 to vector<16xi32>
        %parallel_loop3A_270 = arith.shli %parallel_loop3A_267, %parallel_loop3A_269 : vector<16xi32>
        %parallel_loop3A_271 = arith.addi %parallel_loop3A_270, %iota3A : vector<16xi32>
        tpu.vector_store_idx %arg5[%parallel_loop3A_271], %broadcast_in_dim3A_167 {add = true} : memref<32784xf32, #tpu.memory_space<vmem>>[vector<16xi32>], vector<16xf32>,
        %parallel_loop3A_272 = arith.constant 16 : i32
        %parallel_loop3A_273 = arith.muli %parallel_loop3A_258, %parallel_loop3A_272 : i32
        %parallel_loop3A_274 = arith.constant 1 : i32
        %parallel_loop3A_275 = arith.index_cast %parallel_loop3A_274 : i32 to index
        %parallel_loop3A_276 = arith.index_cast %parallel_loop3A_273 : i32 to index
        %parallel_loop3A_277 = tpu.vector_load %arg6[%parallel_loop3A_275, %parallel_loop3A_276] {strides = array<i32>} : memref<8x4096xf32, #tpu.memory_space<vmem>>, vector<16xf32>,
        %parallel_loop3A_278 = math.absf %parallel_loop3A_277 : vector<16xf32>
        %parallel_loop3A_279 = arith.divf %parallel_loop3A_278, %mul3A_165 : vector<16xf32>
        %parallel_loop3A_280 = arith.fptosi %parallel_loop3A_279 : vector<16xf32> to vector<16xi32>
        %parallel_loop3A_281 = arith.constant 4 : i32
        %parallel_loop3A_282 = vector.broadcast %parallel_loop3A_281 : i32 to vector<16xi32>
        %parallel_loop3A_283 = arith.shli %parallel_loop3A_280, %parallel_loop3A_282 : vector<16xi32>
        %parallel_loop3A_284 = arith.addi %parallel_loop3A_283, %iota3A : vector<16xi32>
        tpu.vector_store_idx %arg5[%parallel_loop3A_284], %broadcast_in_dim3A_167 {add = true} : memref<32784xf32, #tpu.memory_space<vmem>>[vector<16xi32>], vector<16xf32>,
        %parallel_loop3A_285 = arith.constant 16 : i32
        %parallel_loop3A_286 = arith.muli %parallel_loop3A_258, %parallel_loop3A_285 : i32
        %parallel_loop3A_287 = arith.constant 2 : i32
        %parallel_loop3A_288 = arith.index_cast %parallel_loop3A_287 : i32 to index
        %parallel_loop3A_289 = arith.index_cast %parallel_loop3A_286 : i32 to index
        %parallel_loop3A_290 = tpu.vector_load %arg6[%parallel_loop3A_288, %parallel_loop3A_289] {strides = array<i32>} : memref<8x4096xf32, #tpu.memory_space<vmem>>, vector<16xf32>,
        %parallel_loop3A_291 = math.absf %parallel_loop3A_290 : vector<16xf32>
        %parallel_loop3A_292 = arith.divf %parallel_loop3A_291, %mul3A_165 : vector<16xf32>
        %parallel_loop3A_293 = arith.fptosi %parallel_loop3A_292 : vector<16xf32> to vector<16xi32>
        %parallel_loop3A_294 = arith.constant 4 : i32
        %parallel_loop3A_295 = vector.broadcast %parallel_loop3A_294 : i32 to vector<16xi32>
        %parallel_loop3A_296 = arith.shli %parallel_loop3A_293, %parallel_loop3A_295 : vector<16xi32>
        %parallel_loop3A_297 = arith.addi %parallel_loop3A_296, %iota3A : vector<16xi32>
        tpu.vector_store_idx %arg5[%parallel_loop3A_297], %broadcast_in_dim3A_167 {add = true} : memref<32784xf32, #tpu.memory_space<vmem>>[vector<16xi32>], vector<16xf32>,
        %parallel_loop3A_298 = arith.constant 16 : i32
        %parallel_loop3A_299 = arith.muli %parallel_loop3A_258, %parallel_loop3A_298 : i32
        %parallel_loop3A_300 = arith.constant 3 : i32
        %parallel_loop3A_301 = arith.index_cast %parallel_loop3A_300 : i32 to index
        %parallel_loop3A_302 = arith.index_cast %parallel_loop3A_299 : i32 to index
        %parallel_loop3A_303 = tpu.vector_load %arg6[%parallel_loop3A_301, %parallel_loop3A_302] {strides = array<i32>} : memref<8x4096xf32, #tpu.memory_space<vmem>>, vector<16xf32>,
        %parallel_loop3A_304 = math.absf %parallel_loop3A_303 : vector<16xf32>
        %parallel_loop3A_305 = arith.divf %parallel_loop3A_304, %mul3A_165 : vector<16xf32>
        %parallel_loop3A_306 = arith.fptosi %parallel_loop3A_305 : vector<16xf32> to vector<16xi32>
        %parallel_loop3A_307 = arith.constant 4 : i32
        %parallel_loop3A_308 = vector.broadcast %parallel_loop3A_307 : i32 to vector<16xi32>
        %parallel_loop3A_309 = arith.shli %parallel_loop3A_306, %parallel_loop3A_308 : vector<16xi32>
        %parallel_loop3A_310 = arith.addi %parallel_loop3A_309, %iota3A : vector<16xi32>
        tpu.vector_store_idx %arg5[%parallel_loop3A_310], %broadcast_in_dim3A_167 {add = true} : memref<32784xf32, #tpu.memory_space<vmem>>[vector<16xi32>], vector<16xf32>,
        %parallel_loop3A_311 = arith.constant 16 : i32
        %parallel_loop3A_312 = arith.muli %parallel_loop3A_258, %parallel_loop3A_311 : i32
        %parallel_loop3A_313 = arith.constant 4 : i32
        %parallel_loop3A_314 = arith.index_cast %parallel_loop3A_313 : i32 to index
        %parallel_loop3A_315 = arith.index_cast %parallel_loop3A_312 : i32 to index
        %parallel_loop3A_316 = tpu.vector_load %arg6[%parallel_loop3A_314, %parallel_loop3A_315] {strides = array<i32>} : memref<8x4096xf32, #tpu.memory_space<vmem>>, vector<16xf32>,
        %parallel_loop3A_317 = math.absf %parallel_loop3A_316 : vector<16xf32>
        %parallel_loop3A_318 = arith.divf %parallel_loop3A_317, %mul3A_165 : vector<16xf32>
        %parallel_loop3A_319 = arith.fptosi %parallel_loop3A_318 : vector<16xf32> to vector<16xi32>
        %parallel_loop3A_320 = arith.constant 4 : i32
        %parallel_loop3A_321 = vector.broadcast %parallel_loop3A_320 : i32 to vector<16xi32>
        %parallel_loop3A_322 = arith.shli %parallel_loop3A_319, %parallel_loop3A_321 : vector<16xi32>
        %parallel_loop3A_323 = arith.addi %parallel_loop3A_322, %iota3A : vector<16xi32>
        tpu.vector_store_idx %arg5[%parallel_loop3A_323], %broadcast_in_dim3A_167 {add = true} : memref<32784xf32, #tpu.memory_space<vmem>>[vector<16xi32>], vector<16xf32>,
        %parallel_loop3A_324 = arith.constant 16 : i32
        %parallel_loop3A_325 = arith.muli %parallel_loop3A_258, %parallel_loop3A_324 : i32
        %parallel_loop3A_326 = arith.constant 5 : i32
        %parallel_loop3A_327 = arith.index_cast %parallel_loop3A_326 : i32 to index
        %parallel_loop3A_328 = arith.index_cast %parallel_loop3A_325 : i32 to index
        %parallel_loop3A_329 = tpu.vector_load %arg6[%parallel_loop3A_327, %parallel_loop3A_328] {strides = array<i32>} : memref<8x4096xf32, #tpu.memory_space<vmem>>, vector<16xf32>,
        %parallel_loop3A_330 = math.absf %parallel_loop3A_329 : vector<16xf32>
        %parallel_loop3A_331 = arith.divf %parallel_loop3A_330, %mul3A_165 : vector<16xf32>
        %parallel_loop3A_332 = arith.fptosi %parallel_loop3A_331 : vector<16xf32> to vector<16xi32>
        %parallel_loop3A_333 = arith.constant 4 : i32
        %parallel_loop3A_334 = vector.broadcast %parallel_loop3A_333 : i32 to vector<16xi32>
        %parallel_loop3A_335 = arith.shli %parallel_loop3A_332, %parallel_loop3A_334 : vector<16xi32>
        %parallel_loop3A_336 = arith.addi %parallel_loop3A_335, %iota3A : vector<16xi32>
        tpu.vector_store_idx %arg5[%parallel_loop3A_336], %broadcast_in_dim3A_167 {add = true} : memref<32784xf32, #tpu.memory_space<vmem>>[vector<16xi32>], vector<16xf32>,
        %parallel_loop3A_337 = arith.constant 16 : i32
        %parallel_loop3A_338 = arith.muli %parallel_loop3A_258, %parallel_loop3A_337 : i32
        %parallel_loop3A_339 = arith.constant 6 : i32
        %parallel_loop3A_340 = arith.index_cast %parallel_loop3A_339 : i32 to index
        %parallel_loop3A_341 = arith.index_cast %parallel_loop3A_338 : i32 to index
        %parallel_loop3A_342 = tpu.vector_load %arg6[%parallel_loop3A_340, %parallel_loop3A_341] {strides = array<i32>} : memref<8x4096xf32, #tpu.memory_space<vmem>>, vector<16xf32>,
        %parallel_loop3A_343 = math.absf %parallel_loop3A_342 : vector<16xf32>
        %parallel_loop3A_344 = arith.divf %parallel_loop3A_343, %mul3A_165 : vector<16xf32>
        %parallel_loop3A_345 = arith.fptosi %parallel_loop3A_344 : vector<16xf32> to vector<16xi32>
        %parallel_loop3A_346 = arith.constant 4 : i32
        %parallel_loop3A_347 = vector.broadcast %parallel_loop3A_346 : i32 to vector<16xi32>
        %parallel_loop3A_348 = arith.shli %parallel_loop3A_345, %parallel_loop3A_347 : vector<16xi32>
        %parallel_loop3A_349 = arith.addi %parallel_loop3A_348, %iota3A : vector<16xi32>
        tpu.vector_store_idx %arg5[%parallel_loop3A_349], %broadcast_in_dim3A_167 {add = true} : memref<32784xf32, #tpu.memory_space<vmem>>[vector<16xi32>], vector<16xf32>,
        %parallel_loop3A_350 = arith.constant 16 : i32
        %parallel_loop3A_351 = arith.muli %parallel_loop3A_258, %parallel_loop3A_350 : i32
        %parallel_loop3A_352 = arith.constant 7 : i32
        %parallel_loop3A_353 = arith.index_cast %parallel_loop3A_352 : i32 to index
        %parallel_loop3A_354 = arith.index_cast %parallel_loop3A_351 : i32 to index
        %parallel_loop3A_355 = tpu.vector_load %arg6[%parallel_loop3A_353, %parallel_loop3A_354] {strides = array<i32>} : memref<8x4096xf32, #tpu.memory_space<vmem>>, vector<16xf32>,
        %parallel_loop3A_356 = math.absf %parallel_loop3A_355 : vector<16xf32>
        %parallel_loop3A_357 = arith.divf %parallel_loop3A_356, %mul3A_165 : vector<16xf32>
        %parallel_loop3A_358 = arith.fptosi %parallel_loop3A_357 : vector<16xf32> to vector<16xi32>
        %parallel_loop3A_359 = arith.constant 4 : i32
        %parallel_loop3A_360 = vector.broadcast %parallel_loop3A_359 : i32 to vector<16xi32>
        %parallel_loop3A_361 = arith.shli %parallel_loop3A_358, %parallel_loop3A_360 : vector<16xi32>
        %parallel_loop3A_362 = arith.addi %parallel_loop3A_361, %iota3A : vector<16xi32>
        tpu.vector_store_idx %arg5[%parallel_loop3A_362], %broadcast_in_dim3A_167 {add = true} : memref<32784xf32, #tpu.memory_space<vmem>>[vector<16xi32>], vector<16xf32>,
      } {sc.loop_unroll_factor = 2 : i64, sc.parallel_access}
      %add3A_226 = arith.constant 2 : i32
      %add3A_227 = arith.addi %add3A_215, %add3A_226 : i32
      %mul3A_228 = arith.constant 8 : i32
      %mul3A_229 = arith.muli %add3A_227, %mul3A_228 : i32
      %add3A_230 = arith.addi %mul3A_2, %mul3A_229 : i32
      %dma_start3A_231 = arith.constant 0 : i32
      %dma_start3A_232 = tpu.memref_slice %arg2[%add3A_230, %dma_start3A_231] : memref<8192x4096xf32, #tpu.memory_space<hbm>> -> memref<8x4096xf32, #tpu.memory_space<hbm>>
      %dma_start3A_233 = arith.constant 0 : i32
      %dma_start3A_234 = tpu.memref_slice %arg2[%add3A_230, %dma_start3A_233] : memref<8192x4096xf32, #tpu.memory_space<hbm>> -> memref<8x4096xf32, #tpu.memory_space<hbm>>
      tpu.enqueue_dma source(%dma_start3A_234 : memref<8x4096xf32, #tpu.memory_space<hbm>>) target(%arg6 : memref<8x4096xf32, #tpu.memory_space<vmem>>) target_semaphore(%arg10 : memref<!tpu.dma_semaphore, #tpu.memory_space<semaphore_mem>>)
      %mul3A_235 = arith.constant 2 : i32
      %mul3A_236 = arith.muli %scan3A_211, %mul3A_235 : i32
      %add3A_237 = arith.constant 1 : i32
      %add3A_238 = arith.addi %mul3A_236, %add3A_237 : i32
      %mul3A_239 = arith.constant 8 : i32
      %mul3A_240 = arith.muli %add3A_238, %mul3A_239 : i32
      %add3A_241 = arith.addi %mul3A_2, %mul3A_240 : i32
      %dma_wait3A_242 = arith.constant 0 : i32
      %dma_wait3A_243 = tpu.memref_slice %arg2[%add3A_241, %dma_wait3A_242] : memref<8192x4096xf32, #tpu.memory_space<hbm>> -> memref<8x4096xf32, #tpu.memory_space<hbm>>
      %dma_wait3A_244 = arith.constant 0 : i32
      %dma_wait3A_245 = tpu.memref_slice %arg2[%add3A_241, %dma_wait3A_244] : memref<8192x4096xf32, #tpu.memory_space<hbm>> -> memref<8x4096xf32, #tpu.memory_space<hbm>>
      tpu.wait_dma2 semaphore(%arg11 : memref<!tpu.dma_semaphore, #tpu.memory_space<semaphore_mem>>) src(%dma_wait3A_245 : memref<8x4096xf32, #tpu.memory_space<hbm>>) dst(%arg7 : memref<8x4096xf32, #tpu.memory_space<vmem>>)
      %parallel_loop3A_246 = arith.constant 0 : i32
      %parallel_loop3A_247 = arith.constant 256 : i32
      %parallel_loop3A_248 = arith.constant 1 : i32
      scf.for %parallel_loop3A_258 = %parallel_loop3A_246 to %parallel_loop3A_247 step %parallel_loop3A_248  : i32 {
        %parallel_loop3A_259 = arith.constant 16 : i32
        %parallel_loop3A_260 = arith.muli %parallel_loop3A_258, %parallel_loop3A_259 : i32
        %parallel_loop3A_261 = arith.constant 0 : i32
        %parallel_loop3A_262 = arith.index_cast %parallel_loop3A_261 : i32 to index
        %parallel_loop3A_263 = arith.index_cast %parallel_loop3A_260 : i32 to index
        %parallel_loop3A_264 = tpu.vector_load %arg7[%parallel_loop3A_262, %parallel_loop3A_263] {strides = array<i32>} : memref<8x4096xf32, #tpu.memory_space<vmem>>, vector<16xf32>,
        %parallel_loop3A_265 = math.absf %parallel_loop3A_264 : vector<16xf32>
        %parallel_loop3A_266 = arith.divf %parallel_loop3A_265, %mul3A_165 : vector<16xf32>
        %parallel_loop3A_267 = arith.fptosi %parallel_loop3A_266 : vector<16xf32> to vector<16xi32>
        %parallel_loop3A_268 = arith.constant 4 : i32
        %parallel_loop3A_269 = vector.broadcast %parallel_loop3A_268 : i32 to vector<16xi32>
        %parallel_loop3A_270 = arith.shli %parallel_loop3A_267, %parallel_loop3A_269 : vector<16xi32>
        %parallel_loop3A_271 = arith.addi %parallel_loop3A_270, %iota3A : vector<16xi32>
        tpu.vector_store_idx %arg5[%parallel_loop3A_271], %broadcast_in_dim3A_167 {add = true} : memref<32784xf32, #tpu.memory_space<vmem>>[vector<16xi32>], vector<16xf32>,
        %parallel_loop3A_272 = arith.constant 16 : i32
        %parallel_loop3A_273 = arith.muli %parallel_loop3A_258, %parallel_loop3A_272 : i32
        %parallel_loop3A_274 = arith.constant 1 : i32
        %parallel_loop3A_275 = arith.index_cast %parallel_loop3A_274 : i32 to index
        %parallel_loop3A_276 = arith.index_cast %parallel_loop3A_273 : i32 to index
        %parallel_loop3A_277 = tpu.vector_load %arg7[%parallel_loop3A_275, %parallel_loop3A_276] {strides = array<i32>} : memref<8x4096xf32, #tpu.memory_space<vmem>>, vector<16xf32>,
        %parallel_loop3A_278 = math.absf %parallel_loop3A_277 : vector<16xf32>
        %parallel_loop3A_279 = arith.divf %parallel_loop3A_278, %mul3A_165 : vector<16xf32>
        %parallel_loop3A_280 = arith.fptosi %parallel_loop3A_279 : vector<16xf32> to vector<16xi32>
        %parallel_loop3A_281 = arith.constant 4 : i32
        %parallel_loop3A_282 = vector.broadcast %parallel_loop3A_281 : i32 to vector<16xi32>
        %parallel_loop3A_283 = arith.shli %parallel_loop3A_280, %parallel_loop3A_282 : vector<16xi32>
        %parallel_loop3A_284 = arith.addi %parallel_loop3A_283, %iota3A : vector<16xi32>
        tpu.vector_store_idx %arg5[%parallel_loop3A_284], %broadcast_in_dim3A_167 {add = true} : memref<32784xf32, #tpu.memory_space<vmem>>[vector<16xi32>], vector<16xf32>,
        %parallel_loop3A_285 = arith.constant 16 : i32
        %parallel_loop3A_286 = arith.muli %parallel_loop3A_258, %parallel_loop3A_285 : i32
        %parallel_loop3A_287 = arith.constant 2 : i32
        %parallel_loop3A_288 = arith.index_cast %parallel_loop3A_287 : i32 to index
        %parallel_loop3A_289 = arith.index_cast %parallel_loop3A_286 : i32 to index
        %parallel_loop3A_290 = tpu.vector_load %arg7[%parallel_loop3A_288, %parallel_loop3A_289] {strides = array<i32>} : memref<8x4096xf32, #tpu.memory_space<vmem>>, vector<16xf32>,
        %parallel_loop3A_291 = math.absf %parallel_loop3A_290 : vector<16xf32>
        %parallel_loop3A_292 = arith.divf %parallel_loop3A_291, %mul3A_165 : vector<16xf32>
        %parallel_loop3A_293 = arith.fptosi %parallel_loop3A_292 : vector<16xf32> to vector<16xi32>
        %parallel_loop3A_294 = arith.constant 4 : i32
        %parallel_loop3A_295 = vector.broadcast %parallel_loop3A_294 : i32 to vector<16xi32>
        %parallel_loop3A_296 = arith.shli %parallel_loop3A_293, %parallel_loop3A_295 : vector<16xi32>
        %parallel_loop3A_297 = arith.addi %parallel_loop3A_296, %iota3A : vector<16xi32>
        tpu.vector_store_idx %arg5[%parallel_loop3A_297], %broadcast_in_dim3A_167 {add = true} : memref<32784xf32, #tpu.memory_space<vmem>>[vector<16xi32>], vector<16xf32>,
        %parallel_loop3A_298 = arith.constant 16 : i32
        %parallel_loop3A_299 = arith.muli %parallel_loop3A_258, %parallel_loop3A_298 : i32
        %parallel_loop3A_300 = arith.constant 3 : i32
        %parallel_loop3A_301 = arith.index_cast %parallel_loop3A_300 : i32 to index
        %parallel_loop3A_302 = arith.index_cast %parallel_loop3A_299 : i32 to index
        %parallel_loop3A_303 = tpu.vector_load %arg7[%parallel_loop3A_301, %parallel_loop3A_302] {strides = array<i32>} : memref<8x4096xf32, #tpu.memory_space<vmem>>, vector<16xf32>,
        %parallel_loop3A_304 = math.absf %parallel_loop3A_303 : vector<16xf32>
        %parallel_loop3A_305 = arith.divf %parallel_loop3A_304, %mul3A_165 : vector<16xf32>
        %parallel_loop3A_306 = arith.fptosi %parallel_loop3A_305 : vector<16xf32> to vector<16xi32>
        %parallel_loop3A_307 = arith.constant 4 : i32
        %parallel_loop3A_308 = vector.broadcast %parallel_loop3A_307 : i32 to vector<16xi32>
        %parallel_loop3A_309 = arith.shli %parallel_loop3A_306, %parallel_loop3A_308 : vector<16xi32>
        %parallel_loop3A_310 = arith.addi %parallel_loop3A_309, %iota3A : vector<16xi32>
        tpu.vector_store_idx %arg5[%parallel_loop3A_310], %broadcast_in_dim3A_167 {add = true} : memref<32784xf32, #tpu.memory_space<vmem>>[vector<16xi32>], vector<16xf32>,
        %parallel_loop3A_311 = arith.constant 16 : i32
        %parallel_loop3A_312 = arith.muli %parallel_loop3A_258, %parallel_loop3A_311 : i32
        %parallel_loop3A_313 = arith.constant 4 : i32
        %parallel_loop3A_314 = arith.index_cast %parallel_loop3A_313 : i32 to index
        %parallel_loop3A_315 = arith.index_cast %parallel_loop3A_312 : i32 to index
        %parallel_loop3A_316 = tpu.vector_load %arg7[%parallel_loop3A_314, %parallel_loop3A_315] {strides = array<i32>} : memref<8x4096xf32, #tpu.memory_space<vmem>>, vector<16xf32>,
        %parallel_loop3A_317 = math.absf %parallel_loop3A_316 : vector<16xf32>
        %parallel_loop3A_318 = arith.divf %parallel_loop3A_317, %mul3A_165 : vector<16xf32>
        %parallel_loop3A_319 = arith.fptosi %parallel_loop3A_318 : vector<16xf32> to vector<16xi32>
        %parallel_loop3A_320 = arith.constant 4 : i32
        %parallel_loop3A_321 = vector.broadcast %parallel_loop3A_320 : i32 to vector<16xi32>
        %parallel_loop3A_322 = arith.shli %parallel_loop3A_319, %parallel_loop3A_321 : vector<16xi32>
        %parallel_loop3A_323 = arith.addi %parallel_loop3A_322, %iota3A : vector<16xi32>
        tpu.vector_store_idx %arg5[%parallel_loop3A_323], %broadcast_in_dim3A_167 {add = true} : memref<32784xf32, #tpu.memory_space<vmem>>[vector<16xi32>], vector<16xf32>,
        %parallel_loop3A_324 = arith.constant 16 : i32
        %parallel_loop3A_325 = arith.muli %parallel_loop3A_258, %parallel_loop3A_324 : i32
        %parallel_loop3A_326 = arith.constant 5 : i32
        %parallel_loop3A_327 = arith.index_cast %parallel_loop3A_326 : i32 to index
        %parallel_loop3A_328 = arith.index_cast %parallel_loop3A_325 : i32 to index
        %parallel_loop3A_329 = tpu.vector_load %arg7[%parallel_loop3A_327, %parallel_loop3A_328] {strides = array<i32>} : memref<8x4096xf32, #tpu.memory_space<vmem>>, vector<16xf32>,
        %parallel_loop3A_330 = math.absf %parallel_loop3A_329 : vector<16xf32>
        %parallel_loop3A_331 = arith.divf %parallel_loop3A_330, %mul3A_165 : vector<16xf32>
        %parallel_loop3A_332 = arith.fptosi %parallel_loop3A_331 : vector<16xf32> to vector<16xi32>
        %parallel_loop3A_333 = arith.constant 4 : i32
        %parallel_loop3A_334 = vector.broadcast %parallel_loop3A_333 : i32 to vector<16xi32>
        %parallel_loop3A_335 = arith.shli %parallel_loop3A_332, %parallel_loop3A_334 : vector<16xi32>
        %parallel_loop3A_336 = arith.addi %parallel_loop3A_335, %iota3A : vector<16xi32>
        tpu.vector_store_idx %arg5[%parallel_loop3A_336], %broadcast_in_dim3A_167 {add = true} : memref<32784xf32, #tpu.memory_space<vmem>>[vector<16xi32>], vector<16xf32>,
        %parallel_loop3A_337 = arith.constant 16 : i32
        %parallel_loop3A_338 = arith.muli %parallel_loop3A_258, %parallel_loop3A_337 : i32
        %parallel_loop3A_339 = arith.constant 6 : i32
        %parallel_loop3A_340 = arith.index_cast %parallel_loop3A_339 : i32 to index
        %parallel_loop3A_341 = arith.index_cast %parallel_loop3A_338 : i32 to index
        %parallel_loop3A_342 = tpu.vector_load %arg7[%parallel_loop3A_340, %parallel_loop3A_341] {strides = array<i32>} : memref<8x4096xf32, #tpu.memory_space<vmem>>, vector<16xf32>,
        %parallel_loop3A_343 = math.absf %parallel_loop3A_342 : vector<16xf32>
        %parallel_loop3A_344 = arith.divf %parallel_loop3A_343, %mul3A_165 : vector<16xf32>
        %parallel_loop3A_345 = arith.fptosi %parallel_loop3A_344 : vector<16xf32> to vector<16xi32>
        %parallel_loop3A_346 = arith.constant 4 : i32
        %parallel_loop3A_347 = vector.broadcast %parallel_loop3A_346 : i32 to vector<16xi32>
        %parallel_loop3A_348 = arith.shli %parallel_loop3A_345, %parallel_loop3A_347 : vector<16xi32>
        %parallel_loop3A_349 = arith.addi %parallel_loop3A_348, %iota3A : vector<16xi32>
        tpu.vector_store_idx %arg5[%parallel_loop3A_349], %broadcast_in_dim3A_167 {add = true} : memref<32784xf32, #tpu.memory_space<vmem>>[vector<16xi32>], vector<16xf32>,
        %parallel_loop3A_350 = arith.constant 16 : i32
        %parallel_loop3A_351 = arith.muli %parallel_loop3A_258, %parallel_loop3A_350 : i32
        %parallel_loop3A_352 = arith.constant 7 : i32
        %parallel_loop3A_353 = arith.index_cast %parallel_loop3A_352 : i32 to index
        %parallel_loop3A_354 = arith.index_cast %parallel_loop3A_351 : i32 to index
        %parallel_loop3A_355 = tpu.vector_load %arg7[%parallel_loop3A_353, %parallel_loop3A_354] {strides = array<i32>} : memref<8x4096xf32, #tpu.memory_space<vmem>>, vector<16xf32>,
        %parallel_loop3A_356 = math.absf %parallel_loop3A_355 : vector<16xf32>
        %parallel_loop3A_357 = arith.divf %parallel_loop3A_356, %mul3A_165 : vector<16xf32>
        %parallel_loop3A_358 = arith.fptosi %parallel_loop3A_357 : vector<16xf32> to vector<16xi32>
        %parallel_loop3A_359 = arith.constant 4 : i32
        %parallel_loop3A_360 = vector.broadcast %parallel_loop3A_359 : i32 to vector<16xi32>
        %parallel_loop3A_361 = arith.shli %parallel_loop3A_358, %parallel_loop3A_360 : vector<16xi32>
        %parallel_loop3A_362 = arith.addi %parallel_loop3A_361, %iota3A : vector<16xi32>
        tpu.vector_store_idx %arg5[%parallel_loop3A_362], %broadcast_in_dim3A_167 {add = true} : memref<32784xf32, #tpu.memory_space<vmem>>[vector<16xi32>], vector<16xf32>,
      } {sc.loop_unroll_factor = 2 : i64, sc.parallel_access}
      %add3A_249 = arith.constant 2 : i32
      %add3A_250 = arith.addi %add3A_238, %add3A_249 : i32
      %mul3A_251 = arith.constant 8 : i32
      %mul3A_252 = arith.muli %add3A_250, %mul3A_251 : i32
      %add3A_253 = arith.addi %mul3A_2, %mul3A_252 : i32
      %dma_start3A_254 = arith.constant 0 : i32
      %dma_start3A_255 = tpu.memref_slice %arg2[%add3A_253, %dma_start3A_254] : memref<8192x4096xf32, #tpu.memory_space<hbm>> -> memref<8x4096xf32, #tpu.memory_space<hbm>>
      %dma_start3A_256 = arith.constant 0 : i32
      %dma_start3A_257 = tpu.memref_slice %arg2[%add3A_253, %dma_start3A_256] : memref<8192x4096xf32, #tpu.memory_space<hbm>> -> memref<8x4096xf32, #tpu.memory_space<hbm>>
      tpu.enqueue_dma source(%dma_start3A_257 : memref<8x4096xf32, #tpu.memory_space<hbm>>) target(%arg7 : memref<8x4096xf32, #tpu.memory_space<vmem>>) target_semaphore(%arg11 : memref<!tpu.dma_semaphore, #tpu.memory_space<semaphore_mem>>)
    }
    %scan3A_186 = arith.constant 15 : i32
    %add3A_187 = arith.constant 240 : i32
    %add3A_188 = arith.addi %mul3A_2, %add3A_187 : i32
    %dma_wait3A = arith.constant 0 : i32
    %dma_wait3A_189 = tpu.memref_slice %arg2[%add3A_188, %dma_wait3A] : memref<8192x4096xf32, #tpu.memory_space<hbm>> -> memref<8x4096xf32, #tpu.memory_space<hbm>>
    %dma_wait3A_190 = arith.constant 0 : i32
    %dma_wait3A_191 = tpu.memref_slice %arg2[%add3A_188, %dma_wait3A_190] : memref<8192x4096xf32, #tpu.memory_space<hbm>> -> memref<8x4096xf32, #tpu.memory_space<hbm>>
    tpu.wait_dma2 semaphore(%arg10 : memref<!tpu.dma_semaphore, #tpu.memory_space<semaphore_mem>>) src(%dma_wait3A_191 : memref<8x4096xf32, #tpu.memory_space<hbm>>) dst(%arg6 : memref<8x4096xf32, #tpu.memory_space<vmem>>)
    %parallel_loop3A_192 = arith.constant 0 : i32
    %parallel_loop3A_193 = arith.constant 256 : i32
    %parallel_loop3A_194 = arith.constant 1 : i32
    scf.for %parallel_loop3A_211 = %parallel_loop3A_192 to %parallel_loop3A_193 step %parallel_loop3A_194  : i32 {
      %parallel_loop3A_212 = arith.constant 16 : i32
      %parallel_loop3A_213 = arith.muli %parallel_loop3A_211, %parallel_loop3A_212 : i32
      %parallel_loop3A_214 = arith.constant 0 : i32
      %parallel_loop3A_215 = arith.index_cast %parallel_loop3A_214 : i32 to index
      %parallel_loop3A_216 = arith.index_cast %parallel_loop3A_213 : i32 to index
      %parallel_loop3A_217 = tpu.vector_load %arg6[%parallel_loop3A_215, %parallel_loop3A_216] {strides = array<i32>} : memref<8x4096xf32, #tpu.memory_space<vmem>>, vector<16xf32>,
      %parallel_loop3A_218 = math.absf %parallel_loop3A_217 : vector<16xf32>
      %parallel_loop3A_219 = arith.divf %parallel_loop3A_218, %mul3A_165 : vector<16xf32>
      %parallel_loop3A_220 = arith.fptosi %parallel_loop3A_219 : vector<16xf32> to vector<16xi32>
      %parallel_loop3A_221 = arith.constant 4 : i32
      %parallel_loop3A_222 = vector.broadcast %parallel_loop3A_221 : i32 to vector<16xi32>
      %parallel_loop3A_223 = arith.shli %parallel_loop3A_220, %parallel_loop3A_222 : vector<16xi32>
      %parallel_loop3A_224 = arith.addi %parallel_loop3A_223, %iota3A : vector<16xi32>
      tpu.vector_store_idx %arg5[%parallel_loop3A_224], %broadcast_in_dim3A_167 {add = true} : memref<32784xf32, #tpu.memory_space<vmem>>[vector<16xi32>], vector<16xf32>,
      %parallel_loop3A_225 = arith.constant 16 : i32
      %parallel_loop3A_226 = arith.muli %parallel_loop3A_211, %parallel_loop3A_225 : i32
      %parallel_loop3A_227 = arith.constant 1 : i32
      %parallel_loop3A_228 = arith.index_cast %parallel_loop3A_227 : i32 to index
      %parallel_loop3A_229 = arith.index_cast %parallel_loop3A_226 : i32 to index
      %parallel_loop3A_230 = tpu.vector_load %arg6[%parallel_loop3A_228, %parallel_loop3A_229] {strides = array<i32>} : memref<8x4096xf32, #tpu.memory_space<vmem>>, vector<16xf32>,
      %parallel_loop3A_231 = math.absf %parallel_loop3A_230 : vector<16xf32>
      %parallel_loop3A_232 = arith.divf %parallel_loop3A_231, %mul3A_165 : vector<16xf32>
      %parallel_loop3A_233 = arith.fptosi %parallel_loop3A_232 : vector<16xf32> to vector<16xi32>
      %parallel_loop3A_234 = arith.constant 4 : i32
      %parallel_loop3A_235 = vector.broadcast %parallel_loop3A_234 : i32 to vector<16xi32>
      %parallel_loop3A_236 = arith.shli %parallel_loop3A_233, %parallel_loop3A_235 : vector<16xi32>
      %parallel_loop3A_237 = arith.addi %parallel_loop3A_236, %iota3A : vector<16xi32>
      tpu.vector_store_idx %arg5[%parallel_loop3A_237], %broadcast_in_dim3A_167 {add = true} : memref<32784xf32, #tpu.memory_space<vmem>>[vector<16xi32>], vector<16xf32>,
      %parallel_loop3A_238 = arith.constant 16 : i32
      %parallel_loop3A_239 = arith.muli %parallel_loop3A_211, %parallel_loop3A_238 : i32
      %parallel_loop3A_240 = arith.constant 2 : i32
      %parallel_loop3A_241 = arith.index_cast %parallel_loop3A_240 : i32 to index
      %parallel_loop3A_242 = arith.index_cast %parallel_loop3A_239 : i32 to index
      %parallel_loop3A_243 = tpu.vector_load %arg6[%parallel_loop3A_241, %parallel_loop3A_242] {strides = array<i32>} : memref<8x4096xf32, #tpu.memory_space<vmem>>, vector<16xf32>,
      %parallel_loop3A_244 = math.absf %parallel_loop3A_243 : vector<16xf32>
      %parallel_loop3A_245 = arith.divf %parallel_loop3A_244, %mul3A_165 : vector<16xf32>
      %parallel_loop3A_246 = arith.fptosi %parallel_loop3A_245 : vector<16xf32> to vector<16xi32>
      %parallel_loop3A_247 = arith.constant 4 : i32
      %parallel_loop3A_248 = vector.broadcast %parallel_loop3A_247 : i32 to vector<16xi32>
      %parallel_loop3A_249 = arith.shli %parallel_loop3A_246, %parallel_loop3A_248 : vector<16xi32>
      %parallel_loop3A_250 = arith.addi %parallel_loop3A_249, %iota3A : vector<16xi32>
      tpu.vector_store_idx %arg5[%parallel_loop3A_250], %broadcast_in_dim3A_167 {add = true} : memref<32784xf32, #tpu.memory_space<vmem>>[vector<16xi32>], vector<16xf32>,
      %parallel_loop3A_251 = arith.constant 16 : i32
      %parallel_loop3A_252 = arith.muli %parallel_loop3A_211, %parallel_loop3A_251 : i32
      %parallel_loop3A_253 = arith.constant 3 : i32
      %parallel_loop3A_254 = arith.index_cast %parallel_loop3A_253 : i32 to index
      %parallel_loop3A_255 = arith.index_cast %parallel_loop3A_252 : i32 to index
      %parallel_loop3A_256 = tpu.vector_load %arg6[%parallel_loop3A_254, %parallel_loop3A_255] {strides = array<i32>} : memref<8x4096xf32, #tpu.memory_space<vmem>>, vector<16xf32>,
      %parallel_loop3A_257 = math.absf %parallel_loop3A_256 : vector<16xf32>
      %parallel_loop3A_258 = arith.divf %parallel_loop3A_257, %mul3A_165 : vector<16xf32>
      %parallel_loop3A_259 = arith.fptosi %parallel_loop3A_258 : vector<16xf32> to vector<16xi32>
      %parallel_loop3A_260 = arith.constant 4 : i32
      %parallel_loop3A_261 = vector.broadcast %parallel_loop3A_260 : i32 to vector<16xi32>
      %parallel_loop3A_262 = arith.shli %parallel_loop3A_259, %parallel_loop3A_261 : vector<16xi32>
      %parallel_loop3A_263 = arith.addi %parallel_loop3A_262, %iota3A : vector<16xi32>
      tpu.vector_store_idx %arg5[%parallel_loop3A_263], %broadcast_in_dim3A_167 {add = true} : memref<32784xf32, #tpu.memory_space<vmem>>[vector<16xi32>], vector<16xf32>,
      %parallel_loop3A_264 = arith.constant 16 : i32
      %parallel_loop3A_265 = arith.muli %parallel_loop3A_211, %parallel_loop3A_264 : i32
      %parallel_loop3A_266 = arith.constant 4 : i32
      %parallel_loop3A_267 = arith.index_cast %parallel_loop3A_266 : i32 to index
      %parallel_loop3A_268 = arith.index_cast %parallel_loop3A_265 : i32 to index
      %parallel_loop3A_269 = tpu.vector_load %arg6[%parallel_loop3A_267, %parallel_loop3A_268] {strides = array<i32>} : memref<8x4096xf32, #tpu.memory_space<vmem>>, vector<16xf32>,
      %parallel_loop3A_270 = math.absf %parallel_loop3A_269 : vector<16xf32>
      %parallel_loop3A_271 = arith.divf %parallel_loop3A_270, %mul3A_165 : vector<16xf32>
      %parallel_loop3A_272 = arith.fptosi %parallel_loop3A_271 : vector<16xf32> to vector<16xi32>
      %parallel_loop3A_273 = arith.constant 4 : i32
      %parallel_loop3A_274 = vector.broadcast %parallel_loop3A_273 : i32 to vector<16xi32>
      %parallel_loop3A_275 = arith.shli %parallel_loop3A_272, %parallel_loop3A_274 : vector<16xi32>
      %parallel_loop3A_276 = arith.addi %parallel_loop3A_275, %iota3A : vector<16xi32>
      tpu.vector_store_idx %arg5[%parallel_loop3A_276], %broadcast_in_dim3A_167 {add = true} : memref<32784xf32, #tpu.memory_space<vmem>>[vector<16xi32>], vector<16xf32>,
      %parallel_loop3A_277 = arith.constant 16 : i32
      %parallel_loop3A_278 = arith.muli %parallel_loop3A_211, %parallel_loop3A_277 : i32
      %parallel_loop3A_279 = arith.constant 5 : i32
      %parallel_loop3A_280 = arith.index_cast %parallel_loop3A_279 : i32 to index
      %parallel_loop3A_281 = arith.index_cast %parallel_loop3A_278 : i32 to index
      %parallel_loop3A_282 = tpu.vector_load %arg6[%parallel_loop3A_280, %parallel_loop3A_281] {strides = array<i32>} : memref<8x4096xf32, #tpu.memory_space<vmem>>, vector<16xf32>,
      %parallel_loop3A_283 = math.absf %parallel_loop3A_282 : vector<16xf32>
      %parallel_loop3A_284 = arith.divf %parallel_loop3A_283, %mul3A_165 : vector<16xf32>
      %parallel_loop3A_285 = arith.fptosi %parallel_loop3A_284 : vector<16xf32> to vector<16xi32>
      %parallel_loop3A_286 = arith.constant 4 : i32
      %parallel_loop3A_287 = vector.broadcast %parallel_loop3A_286 : i32 to vector<16xi32>
      %parallel_loop3A_288 = arith.shli %parallel_loop3A_285, %parallel_loop3A_287 : vector<16xi32>
      %parallel_loop3A_289 = arith.addi %parallel_loop3A_288, %iota3A : vector<16xi32>
      tpu.vector_store_idx %arg5[%parallel_loop3A_289], %broadcast_in_dim3A_167 {add = true} : memref<32784xf32, #tpu.memory_space<vmem>>[vector<16xi32>], vector<16xf32>,
      %parallel_loop3A_290 = arith.constant 16 : i32
      %parallel_loop3A_291 = arith.muli %parallel_loop3A_211, %parallel_loop3A_290 : i32
      %parallel_loop3A_292 = arith.constant 6 : i32
      %parallel_loop3A_293 = arith.index_cast %parallel_loop3A_292 : i32 to index
      %parallel_loop3A_294 = arith.index_cast %parallel_loop3A_291 : i32 to index
      %parallel_loop3A_295 = tpu.vector_load %arg6[%parallel_loop3A_293, %parallel_loop3A_294] {strides = array<i32>} : memref<8x4096xf32, #tpu.memory_space<vmem>>, vector<16xf32>,
      %parallel_loop3A_296 = math.absf %parallel_loop3A_295 : vector<16xf32>
      %parallel_loop3A_297 = arith.divf %parallel_loop3A_296, %mul3A_165 : vector<16xf32>
      %parallel_loop3A_298 = arith.fptosi %parallel_loop3A_297 : vector<16xf32> to vector<16xi32>
      %parallel_loop3A_299 = arith.constant 4 : i32
      %parallel_loop3A_300 = vector.broadcast %parallel_loop3A_299 : i32 to vector<16xi32>
      %parallel_loop3A_301 = arith.shli %parallel_loop3A_298, %parallel_loop3A_300 : vector<16xi32>
      %parallel_loop3A_302 = arith.addi %parallel_loop3A_301, %iota3A : vector<16xi32>
      tpu.vector_store_idx %arg5[%parallel_loop3A_302], %broadcast_in_dim3A_167 {add = true} : memref<32784xf32, #tpu.memory_space<vmem>>[vector<16xi32>], vector<16xf32>,
      %parallel_loop3A_303 = arith.constant 16 : i32
      %parallel_loop3A_304 = arith.muli %parallel_loop3A_211, %parallel_loop3A_303 : i32
      %parallel_loop3A_305 = arith.constant 7 : i32
      %parallel_loop3A_306 = arith.index_cast %parallel_loop3A_305 : i32 to index
      %parallel_loop3A_307 = arith.index_cast %parallel_loop3A_304 : i32 to index
      %parallel_loop3A_308 = tpu.vector_load %arg6[%parallel_loop3A_306, %parallel_loop3A_307] {strides = array<i32>} : memref<8x4096xf32, #tpu.memory_space<vmem>>, vector<16xf32>,
      %parallel_loop3A_309 = math.absf %parallel_loop3A_308 : vector<16xf32>
      %parallel_loop3A_310 = arith.divf %parallel_loop3A_309, %mul3A_165 : vector<16xf32>
      %parallel_loop3A_311 = arith.fptosi %parallel_loop3A_310 : vector<16xf32> to vector<16xi32>
      %parallel_loop3A_312 = arith.constant 4 : i32
      %parallel_loop3A_313 = vector.broadcast %parallel_loop3A_312 : i32 to vector<16xi32>
      %parallel_loop3A_314 = arith.shli %parallel_loop3A_311, %parallel_loop3A_313 : vector<16xi32>
      %parallel_loop3A_315 = arith.addi %parallel_loop3A_314, %iota3A : vector<16xi32>
      tpu.vector_store_idx %arg5[%parallel_loop3A_315], %broadcast_in_dim3A_167 {add = true} : memref<32784xf32, #tpu.memory_space<vmem>>[vector<16xi32>], vector<16xf32>,
    } {sc.loop_unroll_factor = 2 : i64, sc.parallel_access}
    %add3A_195 = arith.constant 248 : i32
    %add3A_196 = arith.addi %mul3A_2, %add3A_195 : i32
    %dma_wait3A_197 = arith.constant 0 : i32
    %dma_wait3A_198 = tpu.memref_slice %arg2[%add3A_196, %dma_wait3A_197] : memref<8192x4096xf32, #tpu.memory_space<hbm>> -> memref<8x4096xf32, #tpu.memory_space<hbm>>
    %dma_wait3A_199 = arith.constant 0 : i32
    %dma_wait3A_200 = tpu.memref_slice %arg2[%add3A_196, %dma_wait3A_199] : memref<8192x4096xf32, #tpu.memory_space<hbm>> -> memref<8x4096xf32, #tpu.memory_space<hbm>>
    tpu.wait_dma2 semaphore(%arg11 : memref<!tpu.dma_semaphore, #tpu.memory_space<semaphore_mem>>) src(%dma_wait3A_200 : memref<8x4096xf32, #tpu.memory_space<hbm>>) dst(%arg7 : memref<8x4096xf32, #tpu.memory_space<vmem>>)
    %parallel_loop3A_201 = arith.constant 0 : i32
    %parallel_loop3A_202 = arith.constant 256 : i32
    %parallel_loop3A_203 = arith.constant 1 : i32
    scf.for %parallel_loop3A_211 = %parallel_loop3A_201 to %parallel_loop3A_202 step %parallel_loop3A_203  : i32 {
      %parallel_loop3A_212 = arith.constant 16 : i32
      %parallel_loop3A_213 = arith.muli %parallel_loop3A_211, %parallel_loop3A_212 : i32
      %parallel_loop3A_214 = arith.constant 0 : i32
      %parallel_loop3A_215 = arith.index_cast %parallel_loop3A_214 : i32 to index
      %parallel_loop3A_216 = arith.index_cast %parallel_loop3A_213 : i32 to index
      %parallel_loop3A_217 = tpu.vector_load %arg7[%parallel_loop3A_215, %parallel_loop3A_216] {strides = array<i32>} : memref<8x4096xf32, #tpu.memory_space<vmem>>, vector<16xf32>,
      %parallel_loop3A_218 = math.absf %parallel_loop3A_217 : vector<16xf32>
      %parallel_loop3A_219 = arith.divf %parallel_loop3A_218, %mul3A_165 : vector<16xf32>
      %parallel_loop3A_220 = arith.fptosi %parallel_loop3A_219 : vector<16xf32> to vector<16xi32>
      %parallel_loop3A_221 = arith.constant 4 : i32
      %parallel_loop3A_222 = vector.broadcast %parallel_loop3A_221 : i32 to vector<16xi32>
      %parallel_loop3A_223 = arith.shli %parallel_loop3A_220, %parallel_loop3A_222 : vector<16xi32>
      %parallel_loop3A_224 = arith.addi %parallel_loop3A_223, %iota3A : vector<16xi32>
      tpu.vector_store_idx %arg5[%parallel_loop3A_224], %broadcast_in_dim3A_167 {add = true} : memref<32784xf32, #tpu.memory_space<vmem>>[vector<16xi32>], vector<16xf32>,
      %parallel_loop3A_225 = arith.constant 16 : i32
      %parallel_loop3A_226 = arith.muli %parallel_loop3A_211, %parallel_loop3A_225 : i32
      %parallel_loop3A_227 = arith.constant 1 : i32
      %parallel_loop3A_228 = arith.index_cast %parallel_loop3A_227 : i32 to index
      %parallel_loop3A_229 = arith.index_cast %parallel_loop3A_226 : i32 to index
      %parallel_loop3A_230 = tpu.vector_load %arg7[%parallel_loop3A_228, %parallel_loop3A_229] {strides = array<i32>} : memref<8x4096xf32, #tpu.memory_space<vmem>>, vector<16xf32>,
      %parallel_loop3A_231 = math.absf %parallel_loop3A_230 : vector<16xf32>
      %parallel_loop3A_232 = arith.divf %parallel_loop3A_231, %mul3A_165 : vector<16xf32>
      %parallel_loop3A_233 = arith.fptosi %parallel_loop3A_232 : vector<16xf32> to vector<16xi32>
      %parallel_loop3A_234 = arith.constant 4 : i32
      %parallel_loop3A_235 = vector.broadcast %parallel_loop3A_234 : i32 to vector<16xi32>
      %parallel_loop3A_236 = arith.shli %parallel_loop3A_233, %parallel_loop3A_235 : vector<16xi32>
      %parallel_loop3A_237 = arith.addi %parallel_loop3A_236, %iota3A : vector<16xi32>
      tpu.vector_store_idx %arg5[%parallel_loop3A_237], %broadcast_in_dim3A_167 {add = true} : memref<32784xf32, #tpu.memory_space<vmem>>[vector<16xi32>], vector<16xf32>,
      %parallel_loop3A_238 = arith.constant 16 : i32
      %parallel_loop3A_239 = arith.muli %parallel_loop3A_211, %parallel_loop3A_238 : i32
      %parallel_loop3A_240 = arith.constant 2 : i32
      %parallel_loop3A_241 = arith.index_cast %parallel_loop3A_240 : i32 to index
      %parallel_loop3A_242 = arith.index_cast %parallel_loop3A_239 : i32 to index
      %parallel_loop3A_243 = tpu.vector_load %arg7[%parallel_loop3A_241, %parallel_loop3A_242] {strides = array<i32>} : memref<8x4096xf32, #tpu.memory_space<vmem>>, vector<16xf32>,
      %parallel_loop3A_244 = math.absf %parallel_loop3A_243 : vector<16xf32>
      %parallel_loop3A_245 = arith.divf %parallel_loop3A_244, %mul3A_165 : vector<16xf32>
      %parallel_loop3A_246 = arith.fptosi %parallel_loop3A_245 : vector<16xf32> to vector<16xi32>
      %parallel_loop3A_247 = arith.constant 4 : i32
      %parallel_loop3A_248 = vector.broadcast %parallel_loop3A_247 : i32 to vector<16xi32>
      %parallel_loop3A_249 = arith.shli %parallel_loop3A_246, %parallel_loop3A_248 : vector<16xi32>
      %parallel_loop3A_250 = arith.addi %parallel_loop3A_249, %iota3A : vector<16xi32>
      tpu.vector_store_idx %arg5[%parallel_loop3A_250], %broadcast_in_dim3A_167 {add = true} : memref<32784xf32, #tpu.memory_space<vmem>>[vector<16xi32>], vector<16xf32>,
      %parallel_loop3A_251 = arith.constant 16 : i32
      %parallel_loop3A_252 = arith.muli %parallel_loop3A_211, %parallel_loop3A_251 : i32
      %parallel_loop3A_253 = arith.constant 3 : i32
      %parallel_loop3A_254 = arith.index_cast %parallel_loop3A_253 : i32 to index
      %parallel_loop3A_255 = arith.index_cast %parallel_loop3A_252 : i32 to index
      %parallel_loop3A_256 = tpu.vector_load %arg7[%parallel_loop3A_254, %parallel_loop3A_255] {strides = array<i32>} : memref<8x4096xf32, #tpu.memory_space<vmem>>, vector<16xf32>,
      %parallel_loop3A_257 = math.absf %parallel_loop3A_256 : vector<16xf32>
      %parallel_loop3A_258 = arith.divf %parallel_loop3A_257, %mul3A_165 : vector<16xf32>
      %parallel_loop3A_259 = arith.fptosi %parallel_loop3A_258 : vector<16xf32> to vector<16xi32>
      %parallel_loop3A_260 = arith.constant 4 : i32
      %parallel_loop3A_261 = vector.broadcast %parallel_loop3A_260 : i32 to vector<16xi32>
      %parallel_loop3A_262 = arith.shli %parallel_loop3A_259, %parallel_loop3A_261 : vector<16xi32>
      %parallel_loop3A_263 = arith.addi %parallel_loop3A_262, %iota3A : vector<16xi32>
      tpu.vector_store_idx %arg5[%parallel_loop3A_263], %broadcast_in_dim3A_167 {add = true} : memref<32784xf32, #tpu.memory_space<vmem>>[vector<16xi32>], vector<16xf32>,
      %parallel_loop3A_264 = arith.constant 16 : i32
      %parallel_loop3A_265 = arith.muli %parallel_loop3A_211, %parallel_loop3A_264 : i32
      %parallel_loop3A_266 = arith.constant 4 : i32
      %parallel_loop3A_267 = arith.index_cast %parallel_loop3A_266 : i32 to index
      %parallel_loop3A_268 = arith.index_cast %parallel_loop3A_265 : i32 to index
      %parallel_loop3A_269 = tpu.vector_load %arg7[%parallel_loop3A_267, %parallel_loop3A_268] {strides = array<i32>} : memref<8x4096xf32, #tpu.memory_space<vmem>>, vector<16xf32>,
      %parallel_loop3A_270 = math.absf %parallel_loop3A_269 : vector<16xf32>
      %parallel_loop3A_271 = arith.divf %parallel_loop3A_270, %mul3A_165 : vector<16xf32>
      %parallel_loop3A_272 = arith.fptosi %parallel_loop3A_271 : vector<16xf32> to vector<16xi32>
      %parallel_loop3A_273 = arith.constant 4 : i32
      %parallel_loop3A_274 = vector.broadcast %parallel_loop3A_273 : i32 to vector<16xi32>
      %parallel_loop3A_275 = arith.shli %parallel_loop3A_272, %parallel_loop3A_274 : vector<16xi32>
      %parallel_loop3A_276 = arith.addi %parallel_loop3A_275, %iota3A : vector<16xi32>
      tpu.vector_store_idx %arg5[%parallel_loop3A_276], %broadcast_in_dim3A_167 {add = true} : memref<32784xf32, #tpu.memory_space<vmem>>[vector<16xi32>], vector<16xf32>,
      %parallel_loop3A_277 = arith.constant 16 : i32
      %parallel_loop3A_278 = arith.muli %parallel_loop3A_211, %parallel_loop3A_277 : i32
      %parallel_loop3A_279 = arith.constant 5 : i32
      %parallel_loop3A_280 = arith.index_cast %parallel_loop3A_279 : i32 to index
      %parallel_loop3A_281 = arith.index_cast %parallel_loop3A_278 : i32 to index
      %parallel_loop3A_282 = tpu.vector_load %arg7[%parallel_loop3A_280, %parallel_loop3A_281] {strides = array<i32>} : memref<8x4096xf32, #tpu.memory_space<vmem>>, vector<16xf32>,
      %parallel_loop3A_283 = math.absf %parallel_loop3A_282 : vector<16xf32>
      %parallel_loop3A_284 = arith.divf %parallel_loop3A_283, %mul3A_165 : vector<16xf32>
      %parallel_loop3A_285 = arith.fptosi %parallel_loop3A_284 : vector<16xf32> to vector<16xi32>
      %parallel_loop3A_286 = arith.constant 4 : i32
      %parallel_loop3A_287 = vector.broadcast %parallel_loop3A_286 : i32 to vector<16xi32>
      %parallel_loop3A_288 = arith.shli %parallel_loop3A_285, %parallel_loop3A_287 : vector<16xi32>
      %parallel_loop3A_289 = arith.addi %parallel_loop3A_288, %iota3A : vector<16xi32>
      tpu.vector_store_idx %arg5[%parallel_loop3A_289], %broadcast_in_dim3A_167 {add = true} : memref<32784xf32, #tpu.memory_space<vmem>>[vector<16xi32>], vector<16xf32>,
      %parallel_loop3A_290 = arith.constant 16 : i32
      %parallel_loop3A_291 = arith.muli %parallel_loop3A_211, %parallel_loop3A_290 : i32
      %parallel_loop3A_292 = arith.constant 6 : i32
      %parallel_loop3A_293 = arith.index_cast %parallel_loop3A_292 : i32 to index
      %parallel_loop3A_294 = arith.index_cast %parallel_loop3A_291 : i32 to index
      %parallel_loop3A_295 = tpu.vector_load %arg7[%parallel_loop3A_293, %parallel_loop3A_294] {strides = array<i32>} : memref<8x4096xf32, #tpu.memory_space<vmem>>, vector<16xf32>,
      %parallel_loop3A_296 = math.absf %parallel_loop3A_295 : vector<16xf32>
      %parallel_loop3A_297 = arith.divf %parallel_loop3A_296, %mul3A_165 : vector<16xf32>
      %parallel_loop3A_298 = arith.fptosi %parallel_loop3A_297 : vector<16xf32> to vector<16xi32>
      %parallel_loop3A_299 = arith.constant 4 : i32
      %parallel_loop3A_300 = vector.broadcast %parallel_loop3A_299 : i32 to vector<16xi32>
      %parallel_loop3A_301 = arith.shli %parallel_loop3A_298, %parallel_loop3A_300 : vector<16xi32>
      %parallel_loop3A_302 = arith.addi %parallel_loop3A_301, %iota3A : vector<16xi32>
      tpu.vector_store_idx %arg5[%parallel_loop3A_302], %broadcast_in_dim3A_167 {add = true} : memref<32784xf32, #tpu.memory_space<vmem>>[vector<16xi32>], vector<16xf32>,
      %parallel_loop3A_303 = arith.constant 16 : i32
      %parallel_loop3A_304 = arith.muli %parallel_loop3A_211, %parallel_loop3A_303 : i32
      %parallel_loop3A_305 = arith.constant 7 : i32
      %parallel_loop3A_306 = arith.index_cast %parallel_loop3A_305 : i32 to index
      %parallel_loop3A_307 = arith.index_cast %parallel_loop3A_304 : i32 to index
      %parallel_loop3A_308 = tpu.vector_load %arg7[%parallel_loop3A_306, %parallel_loop3A_307] {strides = array<i32>} : memref<8x4096xf32, #tpu.memory_space<vmem>>, vector<16xf32>,
      %parallel_loop3A_309 = math.absf %parallel_loop3A_308 : vector<16xf32>
      %parallel_loop3A_310 = arith.divf %parallel_loop3A_309, %mul3A_165 : vector<16xf32>
      %parallel_loop3A_311 = arith.fptosi %parallel_loop3A_310 : vector<16xf32> to vector<16xi32>
      %parallel_loop3A_312 = arith.constant 4 : i32
      %parallel_loop3A_313 = vector.broadcast %parallel_loop3A_312 : i32 to vector<16xi32>
      %parallel_loop3A_314 = arith.shli %parallel_loop3A_311, %parallel_loop3A_313 : vector<16xi32>
      %parallel_loop3A_315 = arith.addi %parallel_loop3A_314, %iota3A : vector<16xi32>
      tpu.vector_store_idx %arg5[%parallel_loop3A_315], %broadcast_in_dim3A_167 {add = true} : memref<32784xf32, #tpu.memory_space<vmem>>[vector<16xi32>], vector<16xf32>,
    } {sc.loop_unroll_factor = 2 : i64, sc.parallel_access}
    %iota3A_204 = tpu.iota {dimensions = array<i32: 0>} : vector<16xi32>
    %mul3A_205 = arith.constant 16 : i32
    %mul3A_206 = vector.broadcast %mul3A_205 : i32 to vector<16xi32>
    %mul3A_207 = arith.muli %iota3A_204, %mul3A_206 : vector<16xi32>
    %parallel_loop3A_208 = arith.constant 0 : i32
    %parallel_loop3A_209 = arith.constant 128 : i32
    %parallel_loop3A_210 = arith.constant 1 : i32
    scf.for %parallel_loop3A_211 = %parallel_loop3A_208 to %parallel_loop3A_209 step %parallel_loop3A_210  : i32 {
      %parallel_loop3A_212 = arith.constant 256 : i32
      %parallel_loop3A_213 = arith.muli %parallel_loop3A_211, %parallel_loop3A_212 : i32
      %parallel_loop3A_214 = arith.constant 0 : i32
      %parallel_loop3A_215 = arith.addi %parallel_loop3A_213, %parallel_loop3A_214 : i32
      %parallel_loop3A_216 = vector.broadcast %parallel_loop3A_215 : i32 to vector<16xi32>
      %parallel_loop3A_217 = arith.addi %mul3A_207, %parallel_loop3A_216 : vector<16xi32>
      %parallel_loop3A_218 = tpu.vector_load_idx %arg5[%parallel_loop3A_217] : memref<32784xf32, #tpu.memory_space<vmem>>[vector<16xi32>], vector<16xf32>,
      %parallel_loop3A_219 = arith.addf %broadcast_in_dim3A_169, %parallel_loop3A_218 : vector<16xf32>
      %parallel_loop3A_220 = arith.constant 256 : i32
      %parallel_loop3A_221 = arith.muli %parallel_loop3A_211, %parallel_loop3A_220 : i32
      %parallel_loop3A_222 = arith.constant 1 : i32
      %parallel_loop3A_223 = arith.addi %parallel_loop3A_221, %parallel_loop3A_222 : i32
      %parallel_loop3A_224 = vector.broadcast %parallel_loop3A_223 : i32 to vector<16xi32>
      %parallel_loop3A_225 = arith.addi %mul3A_207, %parallel_loop3A_224 : vector<16xi32>
      %parallel_loop3A_226 = tpu.vector_load_idx %arg5[%parallel_loop3A_225] : memref<32784xf32, #tpu.memory_space<vmem>>[vector<16xi32>], vector<16xf32>,
      %parallel_loop3A_227 = arith.addf %parallel_loop3A_219, %parallel_loop3A_226 : vector<16xf32>
      %parallel_loop3A_228 = arith.constant 256 : i32
      %parallel_loop3A_229 = arith.muli %parallel_loop3A_211, %parallel_loop3A_228 : i32
      %parallel_loop3A_230 = arith.constant 2 : i32
      %parallel_loop3A_231 = arith.addi %parallel_loop3A_229, %parallel_loop3A_230 : i32
      %parallel_loop3A_232 = vector.broadcast %parallel_loop3A_231 : i32 to vector<16xi32>
      %parallel_loop3A_233 = arith.addi %mul3A_207, %parallel_loop3A_232 : vector<16xi32>
      %parallel_loop3A_234 = tpu.vector_load_idx %arg5[%parallel_loop3A_233] : memref<32784xf32, #tpu.memory_space<vmem>>[vector<16xi32>], vector<16xf32>,
      %parallel_loop3A_235 = arith.addf %parallel_loop3A_227, %parallel_loop3A_234 : vector<16xf32>
      %parallel_loop3A_236 = arith.constant 256 : i32
      %parallel_loop3A_237 = arith.muli %parallel_loop3A_211, %parallel_loop3A_236 : i32
      %parallel_loop3A_238 = arith.constant 3 : i32
      %parallel_loop3A_239 = arith.addi %parallel_loop3A_237, %parallel_loop3A_238 : i32
      %parallel_loop3A_240 = vector.broadcast %parallel_loop3A_239 : i32 to vector<16xi32>
      %parallel_loop3A_241 = arith.addi %mul3A_207, %parallel_loop3A_240 : vector<16xi32>
      %parallel_loop3A_242 = tpu.vector_load_idx %arg5[%parallel_loop3A_241] : memref<32784xf32, #tpu.memory_space<vmem>>[vector<16xi32>], vector<16xf32>,
      %parallel_loop3A_243 = arith.addf %parallel_loop3A_235, %parallel_loop3A_242 : vector<16xf32>
      %parallel_loop3A_244 = arith.constant 256 : i32
      %parallel_loop3A_245 = arith.muli %parallel_loop3A_211, %parallel_loop3A_244 : i32
      %parallel_loop3A_246 = arith.constant 4 : i32
      %parallel_loop3A_247 = arith.addi %parallel_loop3A_245, %parallel_loop3A_246 : i32
      %parallel_loop3A_248 = vector.broadcast %parallel_loop3A_247 : i32 to vector<16xi32>
      %parallel_loop3A_249 = arith.addi %mul3A_207, %parallel_loop3A_248 : vector<16xi32>
      %parallel_loop3A_250 = tpu.vector_load_idx %arg5[%parallel_loop3A_249] : memref<32784xf32, #tpu.memory_space<vmem>>[vector<16xi32>], vector<16xf32>,
      %parallel_loop3A_251 = arith.addf %parallel_loop3A_243, %parallel_loop3A_250 : vector<16xf32>
      %parallel_loop3A_252 = arith.constant 256 : i32
      %parallel_loop3A_253 = arith.muli %parallel_loop3A_211, %parallel_loop3A_252 : i32
      %parallel_loop3A_254 = arith.constant 5 : i32
      %parallel_loop3A_255 = arith.addi %parallel_loop3A_253, %parallel_loop3A_254 : i32
      %parallel_loop3A_256 = vector.broadcast %parallel_loop3A_255 : i32 to vector<16xi32>
      %parallel_loop3A_257 = arith.addi %mul3A_207, %parallel_loop3A_256 : vector<16xi32>
      %parallel_loop3A_258 = tpu.vector_load_idx %arg5[%parallel_loop3A_257] : memref<32784xf32, #tpu.memory_space<vmem>>[vector<16xi32>], vector<16xf32>,
      %parallel_loop3A_259 = arith.addf %parallel_loop3A_251, %parallel_loop3A_258 : vector<16xf32>
      %parallel_loop3A_260 = arith.constant 256 : i32
      %parallel_loop3A_261 = arith.muli %parallel_loop3A_211, %parallel_loop3A_260 : i32
      %parallel_loop3A_262 = arith.constant 6 : i32
      %parallel_loop3A_263 = arith.addi %parallel_loop3A_261, %parallel_loop3A_262 : i32
      %parallel_loop3A_264 = vector.broadcast %parallel_loop3A_263 : i32 to vector<16xi32>
      %parallel_loop3A_265 = arith.addi %mul3A_207, %parallel_loop3A_264 : vector<16xi32>
      %parallel_loop3A_266 = tpu.vector_load_idx %arg5[%parallel_loop3A_265] : memref<32784xf32, #tpu.memory_space<vmem>>[vector<16xi32>], vector<16xf32>,
      %parallel_loop3A_267 = arith.addf %parallel_loop3A_259, %parallel_loop3A_266 : vector<16xf32>
      %parallel_loop3A_268 = arith.constant 256 : i32
      %parallel_loop3A_269 = arith.muli %parallel_loop3A_211, %parallel_loop3A_268 : i32
      %parallel_loop3A_270 = arith.constant 7 : i32
      %parallel_loop3A_271 = arith.addi %parallel_loop3A_269, %parallel_loop3A_270 : i32
      %parallel_loop3A_272 = vector.broadcast %parallel_loop3A_271 : i32 to vector<16xi32>
      %parallel_loop3A_273 = arith.addi %mul3A_207, %parallel_loop3A_272 : vector<16xi32>
      %parallel_loop3A_274 = tpu.vector_load_idx %arg5[%parallel_loop3A_273] : memref<32784xf32, #tpu.memory_space<vmem>>[vector<16xi32>], vector<16xf32>,
      %parallel_loop3A_275 = arith.addf %parallel_loop3A_267, %parallel_loop3A_274 : vector<16xf32>
      %parallel_loop3A_276 = arith.constant 256 : i32
      %parallel_loop3A_277 = arith.muli %parallel_loop3A_211, %parallel_loop3A_276 : i32
      %parallel_loop3A_278 = arith.constant 8 : i32
      %parallel_loop3A_279 = arith.addi %parallel_loop3A_277, %parallel_loop3A_278 : i32
      %parallel_loop3A_280 = vector.broadcast %parallel_loop3A_279 : i32 to vector<16xi32>
      %parallel_loop3A_281 = arith.addi %mul3A_207, %parallel_loop3A_280 : vector<16xi32>
      %parallel_loop3A_282 = tpu.vector_load_idx %arg5[%parallel_loop3A_281] : memref<32784xf32, #tpu.memory_space<vmem>>[vector<16xi32>], vector<16xf32>,
      %parallel_loop3A_283 = arith.addf %parallel_loop3A_275, %parallel_loop3A_282 : vector<16xf32>
      %parallel_loop3A_284 = arith.constant 256 : i32
      %parallel_loop3A_285 = arith.muli %parallel_loop3A_211, %parallel_loop3A_284 : i32
      %parallel_loop3A_286 = arith.constant 9 : i32
      %parallel_loop3A_287 = arith.addi %parallel_loop3A_285, %parallel_loop3A_286 : i32
      %parallel_loop3A_288 = vector.broadcast %parallel_loop3A_287 : i32 to vector<16xi32>
      %parallel_loop3A_289 = arith.addi %mul3A_207, %parallel_loop3A_288 : vector<16xi32>
      %parallel_loop3A_290 = tpu.vector_load_idx %arg5[%parallel_loop3A_289] : memref<32784xf32, #tpu.memory_space<vmem>>[vector<16xi32>], vector<16xf32>,
      %parallel_loop3A_291 = arith.addf %parallel_loop3A_283, %parallel_loop3A_290 : vector<16xf32>
      %parallel_loop3A_292 = arith.constant 256 : i32
      %parallel_loop3A_293 = arith.muli %parallel_loop3A_211, %parallel_loop3A_292 : i32
      %parallel_loop3A_294 = arith.constant 10 : i32
      %parallel_loop3A_295 = arith.addi %parallel_loop3A_293, %parallel_loop3A_294 : i32
      %parallel_loop3A_296 = vector.broadcast %parallel_loop3A_295 : i32 to vector<16xi32>
      %parallel_loop3A_297 = arith.addi %mul3A_207, %parallel_loop3A_296 : vector<16xi32>
      %parallel_loop3A_298 = tpu.vector_load_idx %arg5[%parallel_loop3A_297] : memref<32784xf32, #tpu.memory_space<vmem>>[vector<16xi32>], vector<16xf32>,
      %parallel_loop3A_299 = arith.addf %parallel_loop3A_291, %parallel_loop3A_298 : vector<16xf32>
      %parallel_loop3A_300 = arith.constant 256 : i32
      %parallel_loop3A_301 = arith.muli %parallel_loop3A_211, %parallel_loop3A_300 : i32
      %parallel_loop3A_302 = arith.constant 11 : i32
      %parallel_loop3A_303 = arith.addi %parallel_loop3A_301, %parallel_loop3A_302 : i32
      %parallel_loop3A_304 = vector.broadcast %parallel_loop3A_303 : i32 to vector<16xi32>
      %parallel_loop3A_305 = arith.addi %mul3A_207, %parallel_loop3A_304 : vector<16xi32>
      %parallel_loop3A_306 = tpu.vector_load_idx %arg5[%parallel_loop3A_305] : memref<32784xf32, #tpu.memory_space<vmem>>[vector<16xi32>], vector<16xf32>,
      %parallel_loop3A_307 = arith.addf %parallel_loop3A_299, %parallel_loop3A_306 : vector<16xf32>
      %parallel_loop3A_308 = arith.constant 256 : i32
      %parallel_loop3A_309 = arith.muli %parallel_loop3A_211, %parallel_loop3A_308 : i32
      %parallel_loop3A_310 = arith.constant 12 : i32
      %parallel_loop3A_311 = arith.addi %parallel_loop3A_309, %parallel_loop3A_310 : i32
      %parallel_loop3A_312 = vector.broadcast %parallel_loop3A_311 : i32 to vector<16xi32>
      %parallel_loop3A_313 = arith.addi %mul3A_207, %parallel_loop3A_312 : vector<16xi32>
      %parallel_loop3A_314 = tpu.vector_load_idx %arg5[%parallel_loop3A_313] : memref<32784xf32, #tpu.memory_space<vmem>>[vector<16xi32>], vector<16xf32>,
      %parallel_loop3A_315 = arith.addf %parallel_loop3A_307, %parallel_loop3A_314 : vector<16xf32>
      %parallel_loop3A_316 = arith.constant 256 : i32
      %parallel_loop3A_317 = arith.muli %parallel_loop3A_211, %parallel_loop3A_316 : i32
      %parallel_loop3A_318 = arith.constant 13 : i32
      %parallel_loop3A_319 = arith.addi %parallel_loop3A_317, %parallel_loop3A_318 : i32
      %parallel_loop3A_320 = vector.broadcast %parallel_loop3A_319 : i32 to vector<16xi32>
      %parallel_loop3A_321 = arith.addi %mul3A_207, %parallel_loop3A_320 : vector<16xi32>
      %parallel_loop3A_322 = tpu.vector_load_idx %arg5[%parallel_loop3A_321] : memref<32784xf32, #tpu.memory_space<vmem>>[vector<16xi32>], vector<16xf32>,
      %parallel_loop3A_323 = arith.addf %parallel_loop3A_315, %parallel_loop3A_322 : vector<16xf32>
      %parallel_loop3A_324 = arith.constant 256 : i32
      %parallel_loop3A_325 = arith.muli %parallel_loop3A_211, %parallel_loop3A_324 : i32
      %parallel_loop3A_326 = arith.constant 14 : i32
      %parallel_loop3A_327 = arith.addi %parallel_loop3A_325, %parallel_loop3A_326 : i32
      %parallel_loop3A_328 = vector.broadcast %parallel_loop3A_327 : i32 to vector<16xi32>
      %parallel_loop3A_329 = arith.addi %mul3A_207, %parallel_loop3A_328 : vector<16xi32>
      %parallel_loop3A_330 = tpu.vector_load_idx %arg5[%parallel_loop3A_329] : memref<32784xf32, #tpu.memory_space<vmem>>[vector<16xi32>], vector<16xf32>,
      %parallel_loop3A_331 = arith.addf %parallel_loop3A_323, %parallel_loop3A_330 : vector<16xf32>
      %parallel_loop3A_332 = arith.constant 256 : i32
      %parallel_loop3A_333 = arith.muli %parallel_loop3A_211, %parallel_loop3A_332 : i32
      %parallel_loop3A_334 = arith.constant 15 : i32
      %parallel_loop3A_335 = arith.addi %parallel_loop3A_333, %parallel_loop3A_334 : i32
      %parallel_loop3A_336 = vector.broadcast %parallel_loop3A_335 : i32 to vector<16xi32>
      %parallel_loop3A_337 = arith.addi %mul3A_207, %parallel_loop3A_336 : vector<16xi32>
      %parallel_loop3A_338 = tpu.vector_load_idx %arg5[%parallel_loop3A_337] : memref<32784xf32, #tpu.memory_space<vmem>>[vector<16xi32>], vector<16xf32>,
      %parallel_loop3A_339 = arith.addf %parallel_loop3A_331, %parallel_loop3A_338 : vector<16xf32>
      %parallel_loop3A_340 = arith.constant 127 : i32
      %parallel_loop3A_341 = arith.cmpi eq, %parallel_loop3A_211, %parallel_loop3A_340 : i32
      %parallel_loop3A_342 = arith.extui %parallel_loop3A_341 : i1 to i32
      %parallel_loop3A_343 = arith.constant 0 : i32
      %parallel_loop3A_344 = arith.cmpi ne, %parallel_loop3A_342, %parallel_loop3A_343 : i32
      scf.if %parallel_loop3A_344 {
        %parallel_loop3A_350 = arith.constant 32768 : index
        %parallel_loop3A_351 = tpu.vector_load %arg5[%parallel_loop3A_350] {strides = array<i32>} : memref<32784xf32, #tpu.memory_space<vmem>>, vector<16xf32>,
        %parallel_loop3A_352 = arith.constant true
        %parallel_loop3A_353 = vector.broadcast %parallel_loop3A_352 : i1 to vector<16xi1>
        %parallel_loop3A_354 = tpu.scan <sum>, %parallel_loop3A_351 masked %parallel_loop3A_353 : vector<16xf32>, vector<16xi1> -> vector<16xf32>
        %parallel_loop3A_355 = vector.extract %parallel_loop3A_354[15] : f32 from vector<16xf32>
        %parallel_loop3A_356 = vector.broadcast %parallel_loop3A_355 : f32 to vector<16xf32>
        %parallel_loop3A_357 = arith.constant 15 : i32
        %parallel_loop3A_358 = vector.broadcast %parallel_loop3A_357 : i32 to vector<16xi32>
        %parallel_loop3A_359 = arith.cmpi eq, %iota3A, %parallel_loop3A_358 : vector<16xi32>
        %parallel_loop3A_360 = arith.select %parallel_loop3A_359, %parallel_loop3A_356, %broadcast_in_dim3A_169 : vector<16xi1>, vector<16xf32>
        %parallel_loop3A_361 = arith.addf %parallel_loop3A_339, %parallel_loop3A_360 : vector<16xf32>
        %parallel_loop3A_362 = arith.constant 16 : i32
        %parallel_loop3A_363 = arith.muli %parallel_loop3A_211, %parallel_loop3A_362 : i32
        %parallel_loop3A_364 = arith.index_cast %parallel_loop3A_363 : i32 to index
        %parallel_loop3A_365 = tpu.vector_load %arg9[%parallel_loop3A_364] {strides = array<i32>} : memref<2048xf32, #tpu.memory_space<vmem>>, vector<16xf32>,
        tpu.vector_store %arg9[%parallel_loop3A_364], %parallel_loop3A_361 {strides = array<i32>} : memref<2048xf32, #tpu.memory_space<vmem>>, vector<16xf32>,
      } else {
      }
      %parallel_loop3A_345 = arith.constant 127 : i32
      %parallel_loop3A_346 = arith.cmpi ne, %parallel_loop3A_211, %parallel_loop3A_345 : i32
      %parallel_loop3A_347 = arith.extui %parallel_loop3A_346 : i1 to i32
      %parallel_loop3A_348 = arith.constant 0 : i32
      %parallel_loop3A_349 = arith.cmpi ne, %parallel_loop3A_347, %parallel_loop3A_348 : i32
      scf.if %parallel_loop3A_349 {
        %parallel_loop3A_350 = arith.constant 16 : i32
        %parallel_loop3A_351 = arith.muli %parallel_loop3A_211, %parallel_loop3A_350 : i32
        %parallel_loop3A_352 = arith.index_cast %parallel_loop3A_351 : i32 to index
        %parallel_loop3A_353 = tpu.vector_load %arg9[%parallel_loop3A_352] {strides = array<i32>} : memref<2048xf32, #tpu.memory_space<vmem>>, vector<16xf32>,
        tpu.vector_store %arg9[%parallel_loop3A_352], %parallel_loop3A_339 {strides = array<i32>} : memref<2048xf32, #tpu.memory_space<vmem>>, vector<16xf32>,
      } else {
      }
    } {sc.loop_unroll_factor = 1 : i64, sc.parallel_access}
    "tpu.region"() ({
      %run_scoped3A = tpu.sem_alloc : memref<!tpu.dma_semaphore, #tpu.memory_space<semaphore_mem>>
      %dma_start3A_211 = arith.constant 0 : i32
      %dma_start3A_212 = tpu.memref_slice %arg4[%add3A, %dma_start3A_211] : memref<32x2048xf32, #tpu.memory_space<hbm>> -> memref<1x2048xf32, #tpu.memory_space<hbm>>
      %dma_start3A_213 = tpu.memref_squeeze %dma_start3A_212 : memref<1x2048xf32, #tpu.memory_space<hbm>> -> memref<2048xf32, #tpu.memory_space<hbm>>
      %dma_start3A_214 = arith.constant 0 : i32
      %dma_start3A_215 = tpu.memref_slice %arg4[%add3A, %dma_start3A_214] : memref<32x2048xf32, #tpu.memory_space<hbm>> -> memref<1x2048xf32, #tpu.memory_space<hbm>>
      %dma_start3A_216 = tpu.memref_squeeze %dma_start3A_215 : memref<1x2048xf32, #tpu.memory_space<hbm>> -> memref<2048xf32, #tpu.memory_space<hbm>>
      tpu.enqueue_dma source(%arg9 : memref<2048xf32, #tpu.memory_space<vmem>>) target(%dma_start3A_216 : memref<2048xf32, #tpu.memory_space<hbm>>) target_semaphore(%run_scoped3A : memref<!tpu.dma_semaphore, #tpu.memory_space<semaphore_mem>>)
      %dma_wait3A_217 = arith.constant 0 : i32
      %dma_wait3A_218 = tpu.memref_slice %arg4[%add3A, %dma_wait3A_217] : memref<32x2048xf32, #tpu.memory_space<hbm>> -> memref<1x2048xf32, #tpu.memory_space<hbm>>
      %dma_wait3A_219 = tpu.memref_squeeze %dma_wait3A_218 : memref<1x2048xf32, #tpu.memory_space<hbm>> -> memref<2048xf32, #tpu.memory_space<hbm>>
      %dma_wait3A_220 = arith.constant 0 : i32
      %dma_wait3A_221 = tpu.memref_slice %arg4[%add3A, %dma_wait3A_220] : memref<32x2048xf32, #tpu.memory_space<hbm>> -> memref<1x2048xf32, #tpu.memory_space<hbm>>
      %dma_wait3A_222 = tpu.memref_squeeze %dma_wait3A_221 : memref<1x2048xf32, #tpu.memory_space<hbm>> -> memref<2048xf32, #tpu.memory_space<hbm>>
      tpu.wait_dma2 semaphore(%run_scoped3A : memref<!tpu.dma_semaphore, #tpu.memory_space<semaphore_mem>>) src(%arg9 : memref<2048xf32, #tpu.memory_space<vmem>>) dst(%dma_wait3A_222 : memref<2048xf32, #tpu.memory_space<hbm>>)
      tpu.yield
    }) : () -> ()
    return
  }
}

</mosaic_0001>

<sc_bundles>
// kernel: kernel.4.cloned.1.call-start
scs
__scs_entry_jumppad:
0x0: {  	(pc) =	sbr.rel $0x88, $3  }
0x1: {  	(tag) =	ssettag $0x0;
	lr =	simm.s32 $0x1  }
0x2: {  	[smem:$0x3FA0] =	sst lr;
	_ =	strace $0xD0000000  }
0x3: {  	_ = 	snop  }
0x4: {  	_ = 	snop  }
0x5: {  	_ = 	snop  }
0x6: {  	_ = 	snop  }
0x7: {  	_ = 	snop  }
__scs_overlays_trampoline_lowered:
0x8: {  	[smem:$0x3FAF] =	sst s0  }
0x9: {  	[smem:$0x3FB0] =	sst s1  }
0xa: {  	[smem:$0x3FB1] =	sst s2  }
0xb: {  	[smem:$0x3FB2] =	sst s3  }
0xc: {  	[smem:$0x3FB3] =	sst s4  }
0xd: {  	[smem:$0x3FB4] =	sst s5  }
0xe: {  	[smem:$0x3FB5] =	sst s6  }
0xf: {  	[smem:$0x3FB6] =	sst s7  }
0x10: {  	[smem:$0x3FB7] =	sst s8  }
0x11: {  	[smem:$0x3FB8] =	sst s9;
	s0 =	simm.s32 @!p0 $0x0  }
0x12: {  	s1 =	sld [smem:$0x3F9E];
	s0 =	simm.s32 @p0 $0x1  }
0x13: {  	[smem:$0x3FB9] =	sst s0;
	s0 =	simm.s32 @!p1 $0x0  }
0x14: {  	s2 =	sld [smem:$0x3F9D];
	s0 =	simm.s32 @p1 $0x1  }
0x15: {  	[smem:$0x3FBA] =	sst s0;
	s0 =	simm.s32 @!p2 $0x0  }
0x16: {  	s3 =	sld [smem:$0x3FDB];
	s0 =	simm.s32 @p2 $0x1  }
0x17: {  	s4 =	simm.s32 $0x1BF5;
	[smem:$0x3FBC] =	sst s0  }
0x18: {  	s0 =	sld [smem:$0x3F9F];
	_ =	swait.ge [sflag:s4], $0x0  }
0x19: {  	s7 =	sld [smem:$0x3FA0]  }
0x1a: {  	s8 =	sadd.s32 $0xFFFFE003, lr  }
0x1b: {  	s9 =	sadd.s32 $0xFFFFFEF7, lr;
	s5 =	simm.s32 $0xFFFFFFFF;
	p2 =	slt.u32 s8, $0xFFFFF086  }
0x1c: {  	p1 =	slt.u32 s9, $0xF7A;
	s5 =	simm.s32 @!p2 $0x0  }
0x1d: {  	s5 =	simm.s32 @p1 $0x1;
	p0 =	seq.s32 s7, s2  }
0x1e: {  	s7 =	smul.u32 @!p0 $0xF7A, s2;
	p2 =	seq.s32 @!p0 s5, $0x0  }
0x1f: {  	s9 =	smul.u32 $0xF7A, s1;
	s8 =	simm.s32 @!p0 $0x1BF5;
	p2 =	por !p2, p0  }
0x20: {  	[sflag:s8] =	ssyncset.s32 @!p0 $0xFFFFF086;
	s6 =	sadd.s32 @!p0 s3, s7;
	s7 =	simm.s32 @!p0 $0x108  }
0x21: {  	s3 =	sadd.s32 s3, s9;
	s6 =	sadd.s32 @!p0 $0x88, s6;
	s7 =	simm.s32 @p2 $0x1082  }
0x22: {  	[simem:s7], [sflag:s8] =	dma.local @!p0 [hbm:s6], $0xF7A  }
0x23: {  	s9 =	sor.u32 $0xD0000000, s2;
	s6 =	simm.s32 $0x108;
	_ =	swait.ge @!p0 [sflag:s8], $0x0  }
0x24: {  	s3 =	sadd.s32 $0x88, s3;
	s6 =	simm.s32 @!p1 $0x1082;
	[sflag:s4] =	ssyncset.s32 $0xFFFFF086  }
0x25: {  	[simem:s6], [sflag:s4] =	dma.local [hbm:s3], $0xF7A  }
0x26: {  	[smem:$0x3FA0] =	sst s1;
	(tag) =	ssettag s2;
	_ =	strace s9  }
0x27: {  	s1 =	sld [smem:$0x3FB0]  }
0x28: {  	s2 =	sld [smem:$0x3FB1]  }
0x29: {  	s4 =	sld [smem:$0x3FB3]  }
0x2a: {  	p0 =	seq.s32 s5, $0x0;
	s5 =	sld [smem:$0x3FB4]  }
0x2b: {  	s6 =	sld [smem:$0x3FB5]  }
0x2c: {  	s7 =	sld [smem:$0x3FB6]  }
0x2d: {  	s3 =	simm.s32 $0x108;
	s8 =	sld [smem:$0x3FB7]  }
0x2e: {  	s3 =	simm.s32 @!p0 $0x1082;
	s9 =	sld [smem:$0x3FB8]  }
0x2f: {  	lr =	sadd.s32 s0, s3;
	s0 =	sld [smem:$0x3FAF]  }
0x30: {  	s3 =	sld [smem:$0x3FB2]  }
0x31: {  	[smem:$0x3FBB] =	sst s10  }
0x32: {  	s10 =	sld [smem:$0x3FB9];
	_ =	sdelay $0x3  }
0x33: {  	p0 =	seq.s32 s10, $0x1;
	s10 =	sld [smem:$0x3FBB];
	_ =	sdelay $0x3  }
0x34: {  	[smem:$0x3FBB] =	sst s10  }
0x35: {  	s10 =	sld [smem:$0x3FBA];
	_ =	sdelay $0x3  }
0x36: {  	p1 =	seq.s32 s10, $0x1;
	s10 =	sld [smem:$0x3FBB];
	_ =	sdelay $0x3  }
0x37: {  	[smem:$0x3FBB] =	sst s10  }
0x38: {  	s10 =	sld [smem:$0x3FBC]  }
0x39: {  	_ = 	snop;
	(pc) =	sbr.ind lr, $3  }
0x3a: {  	_ = 	snop  }
0x3b: {  	_ = 	snop  }
0x3c: {  	p2 =	seq.s32 s10, $0x1;
	s10 =	sld [smem:$0x3FBB]  }
0x3d: {  	_ =	shalt  }
0x3e: {  	_ =	shalt  }
0x3f: {  	_ =	shalt  }
0x40: {  	_ =	shalt  }
0x41: {  	_ =	shalt  }
0x42: {  	_ =	shalt  }
0x43: {  	_ =	shalt  }
0x44: {  	_ =	shalt  }
0x45: {  	_ =	shalt  }
0x46: {  	_ =	shalt  }
0x47: {  	_ =	shalt  }
0x48: {  	_ =	shalt  }
0x49: {  	_ =	shalt  }
0x4a: {  	_ =	shalt  }
0x4b: {  	_ =	shalt  }
0x4c: {  	_ =	shalt  }
0x4d: {  	_ =	shalt  }
0x4e: {  	_ =	shalt  }
0x4f: {  	_ =	shalt  }
0x50: {  	_ =	shalt  }
0x51: {  	_ =	shalt  }
0x52: {  	_ =	shalt  }
0x53: {  	_ =	shalt  }
0x54: {  	_ =	shalt  }
0x55: {  	_ =	shalt  }
0x56: {  	_ =	shalt  }
0x57: {  	_ =	shalt  }
0x58: {  	_ =	shalt  }
0x59: {  	_ =	shalt  }
0x5a: {  	_ =	shalt  }
0x5b: {  	_ =	shalt  }
0x5c: {  	_ =	shalt  }
0x5d: {  	_ =	shalt  }
0x5e: {  	_ =	shalt  }
0x5f: {  	_ =	shalt  }
0x60: {  	_ =	shalt  }
0x61: {  	_ =	shalt  }
0x62: {  	_ =	shalt  }
0x63: {  	_ =	shalt  }
0x64: {  	_ =	shalt  }
0x65: {  	_ =	shalt  }
0x66: {  	_ =	shalt  }
0x67: {  	_ =	shalt  }
0x68: {  	_ =	shalt  }
0x69: {  	_ =	shalt  }
0x6a: {  	_ =	shalt  }
0x6b: {  	_ =	shalt  }
0x6c: {  	_ =	shalt  }
0x6d: {  	_ =	shalt  }
0x6e: {  	_ =	shalt  }
0x6f: {  	_ =	shalt  }
0x70: {  	_ =	shalt  }
0x71: {  	_ =	shalt  }
0x72: {  	_ =	shalt  }
0x73: {  	_ =	shalt  }
0x74: {  	_ =	shalt  }
0x75: {  	_ =	shalt  }
0x76: {  	_ =	shalt  }
0x77: {  	_ =	shalt  }
0x78: {  	_ =	shalt  }
0x79: {  	_ =	shalt  }
0x7a: {  	_ =	shalt  }
0x7b: {  	_ =	shalt  }
0x7c: {  	_ =	shalt  }
0x7d: {  	_ =	shalt  }
0x7e: {  	_ =	shalt  }
0x7f: {  	_ =	shalt  }
0x80: {  	_ =	shalt  }
0x81: {  	_ =	shalt  }
0x82: {  	_ =	shalt  }
0x83: {  	_ =	shalt  }
0x84: {  	_ =	shalt  }
0x85: {  	_ =	shalt  }
0x86: {  	_ =	shalt  }
0x87: {  	_ =	shalt  }
.Lfunc_end0:
.L_simem_size_0:
called_computation_lowered:
.L_overlay_start_0:
0x88: {  	s2 =	sld [smem:$0x3FD9]  }
0x89: {  	s3 =	sld [smem:$0x3FFE];
	_ =	sdelay $0x1  }
0x8a: {  	s1 =	srdreg.scid  }
0x8b: {  	s0 =	sand.u32 $0x1, s1  }
0x8c: {  	s17 =	sshll.u32 s0, $0xA;
	s2 =	sadd.s32 s3, s2  }
0x8d: {  	s2 =	sadd.s32 s2, s17  }
0x8e: {  	[smem:$0x3FC7] =	sst s2  }
0x8f: {  	_ = 	snop  }
0x90: {  	s2 =	sld [smem:$0x3FC9];
	(tm) =	ssettm $0x1  }
0x91: {  	s18 =	sld [smem:$0x3FFB];
	_ =	sdelay $0x3  }
0x92: {  	_ =	strace s18  }
0x93: {  	s3 =	sld [smem:$0x3FFC];
	_ =	sdelay $0x3  }
0x94: {  	_ =	strace s3  }
0x95: {  	s3 =	sld [smem:$0x3FFD];
	_ =	sdelay $0x3  }
0x96: {  	_ =	strace s3  }
0x97: {  	_ =	strace $0x8FFFFFFF  }
0x98: {  	s19 =	sld [smem:$0x3FDB];
	_ =	sdelay $0x1  }
0x99: {  	s4 =	simm.s32 $_scs_section_size  }
0x9a: {  	s5 =	simm.s32 $_size__tile_overlayer_lowered;
	s6 =	simm.s32 $_tile_overlayer_lowered  }
0x9b: {  	s22 =	simm.s32 $0x1BFF;
	s21 =	sshll.u32 s6, $0x1;
	s3 =	sadd.s32 s4, s19  }
0x9c: {  	s7 =	simm.s32 $0x0;
	s20 =	sshll.u32 s5, $0x1;
	s5 =	sadd.s32 s21, s3  }
0x9d: {  	[timem:s7], [sflag:s22] =	dma.local [hbm:s5], s20  }
0x9e: {  	_ =	swait.ge [sflag:s22], s20  }
0x9f: {  	s4 =	ssub.s32 $0x0, s20;
	[sflag:s22] =	ssyncset.done $0x0  }
0xa0: {  	[sflag:s22] =	ssyncadd.s32 s4;
	_ =	sdelay $0x1  }
0xa1: {  	s23 =	simm.s32 $0x1B8B  }
0xa2: {  	_ =	swait.ge [sflag:s23], $0x1  }
0xa3: {  	[sflag:s23] =	ssyncset.done $0x0  }
0xa4: {  	s25 =	simm.s32 $0x1B8E;
	s24 =	sld [smem:$0x3FFE];
	[sflag:s23] =	ssyncadd.s32 $0xFFFFFFFF  }
0xa5: {  	s26 =	simm.s32 $execute0_lowered;
	[smem:$0x3FD2] =	sst s25  }
0xa6: {  	s5 =	sshll.u32 s26, $0x1;
	_ =	strace $0x80000046;
	[dreg:$0x1] =	wrdreg $0xFFFFFFFF  }
0xa7: {  	s28 =	simm.s32 $_size_execute0_lowered;
	s3 =	sadd.s32 s3, s5;
	[dreg:$0x0] =	wrdreg $0x0  }
0xa8: {  	s5 =	sshll.u32 s28, $0x1;
	[dreg:$0x2] =	wrdreg s3  }
0xa9: {  	[dreg:$0x3] =	wrdreg s5  }
0xaa: {  	[dreg:$0x4] =	wrdreg $0xC0  }
0xab: {  	_ =	task [dreg:s7], $0x5FFFF  }
0xac: {  	[dreg:$0x1] =	wrdreg $0xFFFFFFFF  }
0xad: {  	[dreg:$0x0] =	wrdreg $0x60  }
0xae: {  	[dreg:$0x2] =	wrdreg s2  }
0xaf: {  	[dreg:$0x3] =	wrdreg s24  }
0xb0: {  	[dreg:$0x4] =	wrdreg $0x9  }
0xb1: {  	_ =	task.clear_ibuf [dreg:s7], $0x5FFFF;
	_ =	strace $0x90000046  }
0xb2: {  	s29 =	simm.s32 $0x9;
	_ =	strace $0x80000048  }
0xb3: {  	_ =	swait.ge [sflag:s29], $0x1  }
0xb4: {  	[sflag:s29] =	ssyncadd.s32 $0xFFFFFFFF  }
0xb5: {  	_ =	strace $0x90000048  }
0xb6: {  	_ =	sfence  }
0xb7: {  	s30 =	sld [smem:$0x0];
	_ =	sdelay $0x2  }
0xb8: {  	s31 =	sshll.u32 s1, $0xD;
	s1 =	sshrl.u32 s1, $0x2  }
0xb9: {  	s3 =	sand.u32 $0x4000, s31;
	s1 =	sadd.s32 s1, s30  }
0xba: {  	s0 =	sor.u32 s3, s0;
	s1 =	sshll.u32 s1, $0x11  }
0xbb: {  	s0 =	sor.u32 s1, s0  }
0xbc: {  	s0 =	sadd.s32 $0x8F2B, s0  }
0xbd: {  	[sflag:s0] =	ssyncadd.remote.s32 $0x1  }
0xbe: {  	_ =	sfence.sel $0xFFFF  }
0xbf: {  	[dreg:$0x0] =	wrdreg $0xFFFFFFFF;
	(pc) =	sbr.abs _section_cstart, $3  }
0xc0: {  	[dreg:$0x1] =	wrdreg $0xFFFFFFFF  }
0xc1: {  	_ =	task.clear_ibuf [dreg:s7], $0x2FFFF;
	_ =	strace $0x9FFFFFFF  }
0xc2: {  	(tm) =	ssettm $0x7FFFFFFF  }
0xc3: {  	_ =	shalt  }
tec
execute0_lowered:
.L_overlay_start_1:
0x0: {  	(tag) =	ssettag $0x1  }
0x1: {  	s1 =	rddreg [dreg:$0x0]  }
0x2: {  	s7 =	rddreg [dreg:$0x1];
	s2 =	srdreg.scid  }
0x3: {  	s0 =	rddreg [dreg:$0x2];
	s3 =	simm.s32 $0x0;
	s12 =	simm.s32 $0x2  }
0x4: {  	s13 =	simm.s32 $0x10000;
	s14 =	simm.s32 $0x3;
	s15 =	simm.s32 $0x0  }
0x5: {  	s4 =	sand.u32 $0x1, s2;
	s2 =	stileid.u32;
	[smem:$0x7FF] =	sst s3  }
0x6: {  	s5 =	ssub.s32 $0x2, s4;
	s4 =	sshll.u32 s4, $0x4;
	_ =	strace $0x80000047  }
0x7: {  	s31 =	sshll.u32 s2, $0x4;
	s6 =	sshrl.u32 s5, $0x1;
	s8 =	sor.u32 s2, s4  }
0x8: {  	s11 =	sand.u32 $0x70, s31;
	s9 =	ssub.s32 s5, s6;
	s4 =	sshll.u32 s8, $0x11  }
0x9: {  	s10 =	sshll.u32 s8, $0x8;
	s8 =	sshll.u32 s8, $0x4;
	s11 =	sadd.s32 s7, s11  }
0xa: {  	s4 =	sadd.s32 s1, s4;
	s6 =	sor.u32 $0x10, s10;
	s8 =	sand.u32 $0x180, s8  }
0xb: {  	s7 =	sor.u32 $0x18, s10;
	s9 =	smax.u32 s9, $0x1;
	s10 =	simm.s32 $0x8000  }
0xc: {  	s5 =	sadd.s32 $0x1000, s4;
	s8 =	sadd.s32 s8, s11;
	s11 =	simm.s32 $0x1  }
.LBB2_1:
0xd: {  	[tilespmem:s3], [sflag:$0x1] =	stream.linear.gather [hbm4b:s4+s3], $0x8000, $0x38;
	v1 =	vimm.f32 $0.0e+00;
	v3 =	vimm.f32 $0.0e+00;
	[tilespmem:$0x10080] =	vst v63  }
0xe: {  	v7 =	vimm.f32 $0.0e+00;
	v2 =	vimm.f32 $0.0e+00;
	v0 =	vimm.f32 $0.0e+00;
	s16 =	simm.s32 $0x0  }
0xf: {  	v5 =	vimm.f32 $0.0e+00;
	v6 =	vimm.f32 $0.0e+00;
	v4 =	vimm.f32 $0.0e+00;
	[tilespmem:s10], [sflag:$0x2] =	stream.linear.gather [hbm4b:s5+s3], $0x8000, $0x38;
	[tilespmem:$0x10080] =	vst v63  }
.LBB2_2:
0x10: {  	_ =	swait.ge [sflag:s11], $0x8000;
	s17 =	simm.s32 $0x0  }
0x11: {  	[sflag:s11] =	ssyncset.done $0x0;
	s18 =	sand.u32 $0x60, s17;
	s19 =	sand.u32 $0x7C00, s17  }
0x12: {  	[sflag:s11] =	ssyncadd.s32 $0xFFFF8000;
	s18 =	sor.u32 s18, s19  }
0x13: {  	v8 =	vld [tilespmem:s18+$0x210]  }
0x14: {  	v10 =	vld [tilespmem:s18+$0x10]  }
0x15: {  	v9 =	vld [tilespmem:s18+$0x290]  }
0x16: {  	v13 =	vld [tilespmem:s18+$0x90]  }
0x17: {  	s17 =	sand.u32 $0x3, s17;
	v12 =	vld [tilespmem:s18+$0x190]  }
0x18: {  	s17 =	sshll.u32 s17, $0x5;
	v11 =	vld [tilespmem:s18+$0x280]  }
0x19: {  	s30 =	sadd.s32 $0x0, s17;
	v15 =	vld [tilespmem:s18+$0x110]  }
0x1a: {  	v21 =	vld [tilespmem:s18+$0x80];
	s20 =	sadd.s32 $0x10, s30  }
0x1b: {  	v16 =	vld [tilespmem:s18+$0x180];
	s31 =	sor.u32 $0x300, s20  }
0x1c: {  	v18 =	vld [tilespmem:s31+$0x0]  }
0x1d: {  	v20 =	vld [tilespmem:s18+$0x100]  }
0x1e: {  	s19 =	simm.s32 $0x1;
	v19 =	vld [tilespmem:s18+$0x0];
	v11 =	vand.u32 $0x7FFFFFFF, v11  }
0x1f: {  	s17 =	simm.s32 $0x0;
	v17 =	vld [tilespmem:s18+$0x200];
	s18 =	simm.s32 $0x100;
	s22 =	sor.u32 $0x300, s30;
	v9 =	vand.u32 $0x7FFFFFFF, v9;
	v7 =	vmax.f32 v7, v11  }
0x20: {  	s21 =	sor.u32 $0x380, s30;
	s23 =	sor.u32 $0x380, s20;
	v14 =	vld [tilespmem:s22+$0x0];
	s20 =	simm.s32 $0x20;
	v21 =	vand.u32 $0x7FFFFFFF, v21;
	v7 =	vmax.f32 v7, v9  }
.LBB2_3:
0x21: {  	s22 =	sand.u32 $0x3, s19;
	s24 =	sand.u32 $0x60, s20;
	s25 =	sand.u32 $0x7C00, s18;
	v9 =	vld [tilespmem:s23+$0x0];
	v11 =	vand.u32 $0x7FFFFFFF, v8;
	v18 =	vand.u32 $0x7FFFFFFF, v18  }
0x22: {  	s17 =	sadd.s32 $0x2, s17;
	v23 =	vand.u32 $0x7FFFFFFF, v13;
	v24 =	vand.u32 $0x7FFFFFFF, v12;
	s23 =	sshll.u32 s22, $0x5;
	s22 =	sor.u32 s24, s25;
	v22 =	vld [tilespmem:s21+$0x0];
	v20 =	vand.u32 $0x7FFFFFFF, v20  }
0x23: {  	v16 =	vand.u32 $0x7FFFFFFF, v16;
	v12 =	vand.u32 $0x7FFFFFFF, v10;
	v15 =	vand.u32 $0x7FFFFFFF, v15;
	p0 =	slt.u32 s17, $0xFE;
	s23 =	sadd.s32 s23, s18;
	v8 =	vld [tilespmem:s22+$0x210]  }
0x24: {  	v6 =	vmax.f32 v6, v21;
	v13 =	vand.u32 $0x7FFFFFFF, v19;
	s24 =	sor.u32 $0x300, s23;
	v10 =	vld [tilespmem:s22+$0x10];
	v17 =	vand.u32 $0x7FFFFFFF, v17  }
0x25: {  	v5 =	vmax.f32 v5, v20;
	s21 =	sor.u32 $0x380, s23;
	s23 =	sadd.s32 $0x10, s23;
	v4 =	vmax.f32 v4, v13;
	v19 =	vld [tilespmem:s22+$0x290];
	v14 =	vand.u32 $0x7FFFFFFF, v14  }
0x26: {  	s25 =	sor.u32 $0x300, s23;
	v4 =	vmax.f32 v4, v12;
	v13 =	vld [tilespmem:s22+$0x90];
	v3 =	vmax.f32 v3, v14;
	v9 =	vand.u32 $0x7FFFFFFF, v9  }
0x27: {  	v5 =	vmax.f32 v5, v15;
	s23 =	sor.u32 $0x380, s23;
	v12 =	vld [tilespmem:s22+$0x190];
	v14 =	vand.u32 $0x7FFFFFFF, v22;
	v3 =	vmax.f32 v3, v18  }
0x28: {  	v6 =	vmax.f32 v6, v23;
	v2 =	vmax.f32 v2, v17;
	v21 =	vld [tilespmem:s22+$0x280];
	v1 =	vmax.f32 v1, v14  }
0x29: {  	v0 =	vmax.f32 v0, v16;
	v2 =	vmax.f32 v2, v11;
	v15 =	vld [tilespmem:s22+$0x110];
	v1 =	vmax.f32 v1, v9  }
0x2a: {  	v0 =	vmax.f32 v0, v24;
	v18 =	vld [tilespmem:s25+$0x0]  }
0x2b: {  	v9 =	vld [tilespmem:s22+$0x80]  }
.Ltmp0:
0x2c: {  	v11 =	vand.u32 $0x7FFFFFFF, v19;
	v16 =	vld [tilespmem:s22+$0x180];
	(pc) =	sbr.rel @p0 .LBB2_3-.Ltmp0, $4  }
0x2d: {  	v20 =	vld [tilespmem:s22+$0x100];
	v14 =	vand.u32 $0x7FFFFFFF, v21  }
0x2e: {  	v19 =	vld [tilespmem:s22+$0x0];
	v7 =	vmax.f32 v7, v14  }
0x2f: {  	v17 =	vld [tilespmem:s22+$0x200];
	v7 =	vmax.f32 v7, v11  }
0x30: {  	s19 =	sadd.s32 $0x1, s19;
	s20 =	sadd.s32 $0x20, s20;
	s18 =	sadd.s32 $0x100, s18;
	v14 =	vld [tilespmem:s24+$0x0];
	v21 =	vand.u32 $0x7FFFFFFF, v9  }
0x31: {  	s17 =	sshll.u32 s16, $0x4  }
0x32: {  	s18 =	sadd.s32 s17, s6  }
0x33: {  	s18 =	sshll.u32 s18, $0x9  }
0x34: {  	v22 =	vld [tilespmem:s23+$0x0];
	s19 =	simm.s32 $0x0;
	s18 =	sadd.s32 s1, s18  }
0x35: {  	v23 =	vld [tilespmem:s21+$0x0];
	[tilespmem:s19], [sflag:$0x1] =	stream.linear.gather [hbm4b:s18+s19], $0x8000, $0x38  }
0x36: {  	_ =	swait.ge [sflag:s12], $0x8000  }
0x37: {  	s25 =	sand.u32 $0x60, s19;
	s20 =	sand.u32 $0x7C00, s19;
	[sflag:s12] =	ssyncset.done $0x0  }
0x38: {  	s20 =	sor.u32 s25, s20;
	[sflag:s12] =	ssyncadd.s32 $0xFFFF8000  }
0x39: {  	v11 =	vld [tilespmem:s20+$0x8210]  }
0x3a: {  	v9 =	vld [tilespmem:s20+$0x8010]  }
0x3b: {  	s26 =	sand.u32 $0x3, s19;
	v24 =	vld [tilespmem:s20+$0x8290]  }
0x3c: {  	v21 =	vmax.f32 v6, v21;
	v19 =	vand.u32 $0x7FFFFFFF, v19;
	s18 =	sshll.u32 s26, $0x5;
	v6 =	vld [tilespmem:s20+$0x8090]  }
0x3d: {  	v20 =	vand.u32 $0x7FFFFFFF, v20;
	v4 =	vmax.f32 v4, v19;
	v19 =	vand.u32 $0x7FFFFFFF, v14;
	s28 =	sadd.s32 $0x0, s18;
	v14 =	vld [tilespmem:s20+$0x8190]  }
0x3e: {  	v10 =	vand.u32 $0x7FFFFFFF, v10;
	v18 =	vand.u32 $0x7FFFFFFF, v18;
	v5 =	vmax.f32 v5, v20;
	s29 =	sadd.s32 $0x10, s28;
	v20 =	vld [tilespmem:s20+$0x8280]  }
0x3f: {  	v15 =	vand.u32 $0x7FFFFFFF, v15;
	v19 =	vmax.f32 v3, v19;
	v3 =	vmax.f32 v4, v10;
	s30 =	sor.u32 $0x300, s29;
	v10 =	vld [tilespmem:s20+$0x8110]  }
0x40: {  	v13 =	vand.u32 $0x7FFFFFFF, v13;
	v5 =	vmax.f32 v5, v15;
	v15 =	vand.u32 $0x7FFFFFFF, v17;
	v17 =	vld [tilespmem:s30+$0x8000]  }
0x41: {  	v16 =	vand.u32 $0x7FFFFFFF, v16;
	v8 =	vand.u32 $0x7FFFFFFF, v8;
	v4 =	vmax.f32 v19, v18;
	v19 =	vld [tilespmem:s20+$0x8080]  }
0x42: {  	v12 =	vand.u32 $0x7FFFFFFF, v12;
	v2 =	vmax.f32 v2, v15;
	v18 =	vand.u32 $0x7FFFFFFF, v23;
	v15 =	vld [tilespmem:s20+$0x8180]  }
0x43: {  	v13 =	vmax.f32 v21, v13;
	v63 =	vmax.f32 v0, v16;
	v1 =	vmax.f32 v1, v18;
	v18 =	vld [tilespmem:s20+$0x8100]  }
0x44: {  	s21 =	simm.s32 $0x20;
	v16 =	vand.u32 $0x7FFFFFFF, v22;
	v0 =	vmax.f32 v2, v8;
	v8 =	vld [tilespmem:s20+$0x8000];
	v2 =	vand.u32 $0x7FFFFFFF, v20  }
0x45: {  	s19 =	simm.s32 $0x100;
	s18 =	simm.s32 $0x0;
	s31 =	sor.u32 $0x300, s28;
	v1 =	vmax.f32 v1, v16;
	v16 =	vld [tilespmem:s20+$0x8200];
	v20 =	vand.u32 $0x7FFFFFFF, v24;
	v7 =	vmax.f32 v7, v2  }
0x46: {  	s22 =	sor.u32 $0x380, s28;
	s24 =	sor.u32 $0x380, s29;
	s20 =	simm.s32 $0x1;
	v19 =	vand.u32 $0x7FFFFFFF, v19;
	v2 =	vmax.f32 v63, v12;
	v12 =	vld [tilespmem:s31+$0x8000];
	v7 =	vmax.f32 v7, v20  }
.LBB2_5:
0x47: {  	s23 =	sand.u32 $0x3, s20;
	s25 =	sand.u32 $0x60, s21;
	s26 =	sand.u32 $0x7C00, s19;
	v20 =	vld [tilespmem:s24+$0x8000];
	v21 =	vand.u32 $0x7FFFFFFF, v11;
	v17 =	vand.u32 $0x7FFFFFFF, v17  }
0x48: {  	s18 =	sadd.s32 $0x2, s18;
	v23 =	vand.u32 $0x7FFFFFFF, v6;
	v24 =	vand.u32 $0x7FFFFFFF, v14;
	s24 =	sshll.u32 s23, $0x5;
	s23 =	sor.u32 s25, s26;
	v22 =	vld [tilespmem:s22+$0x8000];
	v18 =	vand.u32 $0x7FFFFFFF, v18  }
0x49: {  	v15 =	vand.u32 $0x7FFFFFFF, v15;
	v14 =	vand.u32 $0x7FFFFFFF, v9;
	v10 =	vand.u32 $0x7FFFFFFF, v10;
	p0 =	slt.u32 s18, $0xFE;
	s24 =	sadd.s32 s24, s19;
	v11 =	vld [tilespmem:s23+$0x8210]  }
0x4a: {  	v6 =	vand.u32 $0x7FFFFFFF, v8;
	v8 =	vmax.f32 v13, v19;
	s25 =	sor.u32 $0x300, s24;
	v9 =	vld [tilespmem:s23+$0x8010];
	v13 =	vand.u32 $0x7FFFFFFF, v16  }
0x4b: {  	v5 =	vmax.f32 v5, v18;
	s22 =	sor.u32 $0x380, s24;
	s24 =	sadd.s32 $0x10, s24;
	v3 =	vmax.f32 v3, v6;
	v16 =	vld [tilespmem:s23+$0x8290];
	v12 =	vand.u32 $0x7FFFFFFF, v12  }
0x4c: {  	s26 =	sor.u32 $0x300, s24;
	v3 =	vmax.f32 v3, v14;
	v6 =	vld [tilespmem:s23+$0x8090];
	v4 =	vmax.f32 v4, v12;
	v12 =	vand.u32 $0x7FFFFFFF, v20  }
0x4d: {  	v5 =	vmax.f32 v5, v10;
	s24 =	sor.u32 $0x380, s24;
	v14 =	vld [tilespmem:s23+$0x8190];
	v18 =	vand.u32 $0x7FFFFFFF, v22;
	v4 =	vmax.f32 v4, v17  }
0x4e: {  	v0 =	vmax.f32 v0, v13;
	v13 =	vmax.f32 v8, v23;
	v19 =	vld [tilespmem:s23+$0x8280];
	v1 =	vmax.f32 v1, v18  }
0x4f: {  	v2 =	vmax.f32 v2, v15;
	v0 =	vmax.f32 v0, v21;
	v10 =	vld [tilespmem:s23+$0x8110];
	v1 =	vmax.f32 v1, v12  }
0x50: {  	v2 =	vmax.f32 v2, v24;
	v17 =	vld [tilespmem:s26+$0x8000]  }
0x51: {  	v20 =	vld [tilespmem:s23+$0x8080]  }
.Ltmp1:
0x52: {  	v12 =	vand.u32 $0x7FFFFFFF, v16;
	v15 =	vld [tilespmem:s23+$0x8180];
	(pc) =	sbr.rel @p0 .LBB2_5-.Ltmp1, $4  }
0x53: {  	v18 =	vld [tilespmem:s23+$0x8100];
	v16 =	vand.u32 $0x7FFFFFFF, v19  }
0x54: {  	v8 =	vld [tilespmem:s23+$0x8000];
	v7 =	vmax.f32 v7, v16  }
0x55: {  	v16 =	vld [tilespmem:s23+$0x8200];
	v7 =	vmax.f32 v7, v12  }
0x56: {  	s20 =	sadd.s32 $0x1, s20;
	s21 =	sadd.s32 $0x20, s21;
	s19 =	sadd.s32 $0x100, s19;
	v12 =	vld [tilespmem:s25+$0x8000];
	v19 =	vand.u32 $0x7FFFFFFF, v20  }
0x57: {  	v20 =	vld [tilespmem:s24+$0x8000];
	v11 =	vand.u32 $0x7FFFFFFF, v11;
	v17 =	vand.u32 $0x7FFFFFFF, v17;
	v6 =	vand.u32 $0x7FFFFFFF, v6  }
0x58: {  	v21 =	vld [tilespmem:s22+$0x8000];
	v14 =	vand.u32 $0x7FFFFFFF, v14;
	v15 =	vand.u32 $0x7FFFFFFF, v15;
	v9 =	vand.u32 $0x7FFFFFFF, v9  }
0x59: {  	v10 =	vand.u32 $0x7FFFFFFF, v10;
	v13 =	vmax.f32 v13, v19;
	s16 =	sadd.s32 $0x1, s16;
	v18 =	vand.u32 $0x7FFFFFFF, v18  }
0x5a: {  	v6 =	vmax.f32 v13, v6;
	p0 =	sne.s32 s16, $0xF;
	v8 =	vand.u32 $0x7FFFFFFF, v8;
	v5 =	vmax.f32 v5, v18  }
.Ltmp2:
0x5b: {  	v16 =	vand.u32 $0x7FFFFFFF, v16;
	v3 =	vmax.f32 v3, v8;
	v12 =	vand.u32 $0x7FFFFFFF, v12;
	(pc) =	sbr.rel @p0 .LBB2_2-.Ltmp2, $4  }
0x5c: {  	s17 =	sadd.s32 s17, s7;
	v5 =	vmax.f32 v5, v10;
	v0 =	vmax.f32 v0, v16;
	v8 =	vmax.f32 v4, v12  }
0x5d: {  	s17 =	sshll.u32 s17, $0x9;
	v4 =	vmax.f32 v3, v9;
	v62 =	vand.u32 $0x7FFFFFFF, v20;
	v63 =	vand.u32 $0x7FFFFFFF, v21  }
0x5e: {  	s17 =	sadd.s32 s1, s17;
	v3 =	vmax.f32 v8, v17;
	v1 =	vmax.f32 v1, v63;
	v8 =	vmax.f32 v2, v15  }
0x5f: {  	[tilespmem:s10], [sflag:$0x2] =	stream.linear.gather [hbm4b:s17+s3], $0x8000, $0x38;
	v2 =	vmax.f32 v0, v11;
	v1 =	vmax.f32 v1, v62;
	v0 =	vmax.f32 v8, v14;
	[tilespmem:$0x10080] =	vst v63  }
0x60: {  	_ =	swait.ge [sflag:s11], $0x8000;
	s16 =	simm.s32 $0x0  }
0x61: {  	[sflag:s11] =	ssyncset.done $0x0;
	s17 =	sand.u32 $0x60, s16;
	s18 =	sand.u32 $0x7C00, s16  }
0x62: {  	[sflag:s11] =	ssyncadd.s32 $0xFFFF8000;
	s17 =	sor.u32 s17, s18  }
0x63: {  	v8 =	vld [tilespmem:s17+$0x210]  }
0x64: {  	v10 =	vld [tilespmem:s17+$0x10]  }
0x65: {  	v9 =	vld [tilespmem:s17+$0x290]  }
0x66: {  	v13 =	vld [tilespmem:s17+$0x90]  }
0x67: {  	s16 =	sand.u32 $0x3, s16;
	v12 =	vld [tilespmem:s17+$0x190]  }
0x68: {  	s16 =	sshll.u32 s16, $0x5;
	v11 =	vld [tilespmem:s17+$0x280]  }
0x69: {  	s30 =	sadd.s32 $0x0, s16;
	v15 =	vld [tilespmem:s17+$0x110]  }
0x6a: {  	v21 =	vld [tilespmem:s17+$0x80];
	s19 =	sadd.s32 $0x10, s30  }
0x6b: {  	v16 =	vld [tilespmem:s17+$0x180];
	s31 =	sor.u32 $0x300, s19  }
0x6c: {  	v18 =	vld [tilespmem:s31+$0x0]  }
0x6d: {  	v20 =	vld [tilespmem:s17+$0x100]  }
0x6e: {  	s18 =	simm.s32 $0x1;
	v19 =	vld [tilespmem:s17+$0x0];
	v11 =	vand.u32 $0x7FFFFFFF, v11  }
0x6f: {  	s16 =	simm.s32 $0x0;
	v17 =	vld [tilespmem:s17+$0x200];
	s17 =	simm.s32 $0x100;
	s21 =	sor.u32 $0x300, s30;
	v9 =	vand.u32 $0x7FFFFFFF, v9;
	v7 =	vmax.f32 v7, v11  }
0x70: {  	s20 =	sor.u32 $0x380, s30;
	s22 =	sor.u32 $0x380, s19;
	v14 =	vld [tilespmem:s21+$0x0];
	s19 =	simm.s32 $0x20;
	v21 =	vand.u32 $0x7FFFFFFF, v21;
	v7 =	vmax.f32 v7, v9  }
.LBB2_8:
0x71: {  	s21 =	sand.u32 $0x3, s18;
	s23 =	sand.u32 $0x60, s19;
	s24 =	sand.u32 $0x7C00, s17;
	v9 =	vld [tilespmem:s22+$0x0];
	v11 =	vand.u32 $0x7FFFFFFF, v8;
	v18 =	vand.u32 $0x7FFFFFFF, v18  }
0x72: {  	s16 =	sadd.s32 $0x2, s16;
	v23 =	vand.u32 $0x7FFFFFFF, v13;
	v24 =	vand.u32 $0x7FFFFFFF, v12;
	s22 =	sshll.u32 s21, $0x5;
	s21 =	sor.u32 s23, s24;
	v22 =	vld [tilespmem:s20+$0x0];
	v20 =	vand.u32 $0x7FFFFFFF, v20  }
0x73: {  	v16 =	vand.u32 $0x7FFFFFFF, v16;
	v12 =	vand.u32 $0x7FFFFFFF, v10;
	v15 =	vand.u32 $0x7FFFFFFF, v15;
	p0 =	slt.u32 s16, $0xFE;
	s22 =	sadd.s32 s22, s17;
	v8 =	vld [tilespmem:s21+$0x210]  }
0x74: {  	v6 =	vmax.f32 v6, v21;
	v13 =	vand.u32 $0x7FFFFFFF, v19;
	s23 =	sor.u32 $0x300, s22;
	v10 =	vld [tilespmem:s21+$0x10];
	v17 =	vand.u32 $0x7FFFFFFF, v17  }
0x75: {  	v5 =	vmax.f32 v5, v20;
	s20 =	sor.u32 $0x380, s22;
	s22 =	sadd.s32 $0x10, s22;
	v4 =	vmax.f32 v4, v13;
	v19 =	vld [tilespmem:s21+$0x290];
	v14 =	vand.u32 $0x7FFFFFFF, v14  }
0x76: {  	s24 =	sor.u32 $0x300, s22;
	v4 =	vmax.f32 v4, v12;
	v13 =	vld [tilespmem:s21+$0x90];
	v3 =	vmax.f32 v3, v14;
	v9 =	vand.u32 $0x7FFFFFFF, v9  }
0x77: {  	v5 =	vmax.f32 v5, v15;
	s22 =	sor.u32 $0x380, s22;
	v12 =	vld [tilespmem:s21+$0x190];
	v14 =	vand.u32 $0x7FFFFFFF, v22;
	v3 =	vmax.f32 v3, v18  }
0x78: {  	v6 =	vmax.f32 v6, v23;
	v2 =	vmax.f32 v2, v17;
	v21 =	vld [tilespmem:s21+$0x280];
	v1 =	vmax.f32 v1, v14  }
0x79: {  	v0 =	vmax.f32 v0, v16;
	v2 =	vmax.f32 v2, v11;
	v15 =	vld [tilespmem:s21+$0x110];
	v1 =	vmax.f32 v1, v9  }
0x7a: {  	v0 =	vmax.f32 v0, v24;
	v18 =	vld [tilespmem:s24+$0x0]  }
0x7b: {  	v9 =	vld [tilespmem:s21+$0x80]  }
.Ltmp3:
0x7c: {  	v11 =	vand.u32 $0x7FFFFFFF, v19;
	v16 =	vld [tilespmem:s21+$0x180];
	(pc) =	sbr.rel @p0 .LBB2_8-.Ltmp3, $4  }
0x7d: {  	v20 =	vld [tilespmem:s21+$0x100];
	v14 =	vand.u32 $0x7FFFFFFF, v21  }
0x7e: {  	v19 =	vld [tilespmem:s21+$0x0];
	v7 =	vmax.f32 v7, v14  }
0x7f: {  	v17 =	vld [tilespmem:s21+$0x200];
	v7 =	vmax.f32 v7, v11  }
0x80: {  	s18 =	sadd.s32 $0x1, s18;
	s19 =	sadd.s32 $0x20, s19;
	s17 =	sadd.s32 $0x100, s17;
	v14 =	vld [tilespmem:s23+$0x0];
	v21 =	vand.u32 $0x7FFFFFFF, v9  }
0x81: {  	v22 =	vld [tilespmem:s22+$0x0]  }
0x82: {  	v23 =	vld [tilespmem:s20+$0x0];
	_ =	swait.ge [sflag:s12], $0x8000;
	s16 =	simm.s32 $0x0  }
0x83: {  	[sflag:s12] =	ssyncset.done $0x0;
	s17 =	sand.u32 $0x60, s16;
	s18 =	sand.u32 $0x7C00, s16  }
0x84: {  	[sflag:s12] =	ssyncadd.s32 $0xFFFF8000;
	s18 =	sor.u32 s17, s18  }
0x85: {  	v11 =	vld [tilespmem:s18+$0x8210]  }
0x86: {  	v9 =	vld [tilespmem:s18+$0x8010]  }
0x87: {  	v24 =	vld [tilespmem:s18+$0x8290]  }
0x88: {  	v21 =	vmax.f32 v6, v21;
	v20 =	vand.u32 $0x7FFFFFFF, v20;
	v6 =	vld [tilespmem:s18+$0x8090]  }
0x89: {  	v10 =	vand.u32 $0x7FFFFFFF, v10;
	s16 =	sand.u32 $0x3, s16;
	v19 =	vand.u32 $0x7FFFFFFF, v19;
	v5 =	vmax.f32 v5, v20;
	v20 =	vld [tilespmem:s18+$0x8080]  }
0x8a: {  	v18 =	vand.u32 $0x7FFFFFFF, v18;
	s16 =	sshll.u32 s16, $0x5;
	v4 =	vmax.f32 v4, v19;
	v19 =	vand.u32 $0x7FFFFFFF, v14;
	v14 =	vld [tilespmem:s18+$0x8190]  }
0x8b: {  	v15 =	vand.u32 $0x7FFFFFFF, v15;
	v13 =	vand.u32 $0x7FFFFFFF, v13;
	s29 =	sadd.s32 $0x0, s16;
	v3 =	vmax.f32 v3, v19;
	v19 =	vld [tilespmem:s18+$0x8280]  }
0x8c: {  	v5 =	vmax.f32 v5, v15;
	v15 =	vand.u32 $0x7FFFFFFF, v17;
	s19 =	sadd.s32 $0x10, s29;
	v4 =	vmax.f32 v4, v10;
	v10 =	vld [tilespmem:s18+$0x8110]  }
0x8d: {  	v16 =	vand.u32 $0x7FFFFFFF, v16;
	v8 =	vand.u32 $0x7FFFFFFF, v8;
	v2 =	vmax.f32 v2, v15;
	v15 =	vld [tilespmem:s18+$0x8180];
	s30 =	sor.u32 $0x300, s19  }
0x8e: {  	v12 =	vand.u32 $0x7FFFFFFF, v12;
	v3 =	vmax.f32 v3, v18;
	v17 =	vld [tilespmem:s30+$0x8000];
	v18 =	vand.u32 $0x7FFFFFFF, v23  }
0x8f: {  	v13 =	vmax.f32 v21, v13;
	v63 =	vmax.f32 v0, v16;
	v1 =	vmax.f32 v1, v18;
	v18 =	vld [tilespmem:s18+$0x8100]  }
0x90: {  	s20 =	simm.s32 $0x20;
	v0 =	vand.u32 $0x7FFFFFFF, v22;
	v2 =	vmax.f32 v2, v8;
	v8 =	vld [tilespmem:s18+$0x8000];
	v16 =	vand.u32 $0x7FFFFFFF, v19  }
0x91: {  	s16 =	simm.s32 $0x0;
	s31 =	sor.u32 $0x300, s29;
	s17 =	sor.u32 $0x380, s29;
	v0 =	vmax.f32 v1, v0;
	v1 =	vand.u32 $0x7FFFFFFF, v24;
	v19 =	vmax.f32 v7, v16;
	v16 =	vld [tilespmem:s18+$0x8200]  }
0x92: {  	s22 =	sor.u32 $0x380, s19;
	s19 =	simm.s32 $0x1;
	v7 =	vmax.f32 v63, v12;
	v12 =	vld [tilespmem:s31+$0x8000];
	s18 =	simm.s32 $0x100;
	v1 =	vmax.f32 v19, v1;
	v19 =	vand.u32 $0x7FFFFFFF, v20  }
.LBB2_10:
0x93: {  	s21 =	sand.u32 $0x3, s19;
	s23 =	sand.u32 $0x60, s20;
	s24 =	sand.u32 $0x7C00, s18;
	v20 =	vld [tilespmem:s22+$0x8000];
	v21 =	vand.u32 $0x7FFFFFFF, v11;
	v17 =	vand.u32 $0x7FFFFFFF, v17  }
0x94: {  	s16 =	sadd.s32 $0x2, s16;
	v23 =	vand.u32 $0x7FFFFFFF, v6;
	v24 =	vand.u32 $0x7FFFFFFF, v14;
	s22 =	sshll.u32 s21, $0x5;
	s21 =	sor.u32 s23, s24;
	v22 =	vld [tilespmem:s17+$0x8000];
	v18 =	vand.u32 $0x7FFFFFFF, v18  }
0x95: {  	v15 =	vand.u32 $0x7FFFFFFF, v15;
	v14 =	vand.u32 $0x7FFFFFFF, v9;
	v10 =	vand.u32 $0x7FFFFFFF, v10;
	p0 =	slt.u32 s16, $0xFE;
	s22 =	sadd.s32 s22, s18;
	v11 =	vld [tilespmem:s21+$0x8210]  }
0x96: {  	v6 =	vand.u32 $0x7FFFFFFF, v8;
	v8 =	vmax.f32 v13, v19;
	s23 =	sor.u32 $0x300, s22;
	v9 =	vld [tilespmem:s21+$0x8010];
	v13 =	vand.u32 $0x7FFFFFFF, v16  }
0x97: {  	v5 =	vmax.f32 v5, v18;
	s17 =	sor.u32 $0x380, s22;
	s22 =	sadd.s32 $0x10, s22;
	v4 =	vmax.f32 v4, v6;
	v16 =	vld [tilespmem:s21+$0x8290];
	v12 =	vand.u32 $0x7FFFFFFF, v12  }
0x98: {  	s24 =	sor.u32 $0x300, s22;
	v4 =	vmax.f32 v4, v14;
	v6 =	vld [tilespmem:s21+$0x8090];
	v3 =	vmax.f32 v3, v12;
	v12 =	vand.u32 $0x7FFFFFFF, v20  }
0x99: {  	v5 =	vmax.f32 v5, v10;
	s22 =	sor.u32 $0x380, s22;
	v14 =	vld [tilespmem:s21+$0x8190];
	v18 =	vand.u32 $0x7FFFFFFF, v22;
	v3 =	vmax.f32 v3, v17  }
0x9a: {  	v2 =	vmax.f32 v2, v13;
	v13 =	vmax.f32 v8, v23;
	v19 =	vld [tilespmem:s21+$0x8280];
	v0 =	vmax.f32 v0, v18  }
0x9b: {  	v7 =	vmax.f32 v7, v15;
	v2 =	vmax.f32 v2, v21;
	v10 =	vld [tilespmem:s21+$0x8110];
	v0 =	vmax.f32 v0, v12  }
0x9c: {  	v7 =	vmax.f32 v7, v24;
	v17 =	vld [tilespmem:s24+$0x8000]  }
0x9d: {  	v20 =	vld [tilespmem:s21+$0x8080]  }
.Ltmp4:
0x9e: {  	v12 =	vand.u32 $0x7FFFFFFF, v16;
	v15 =	vld [tilespmem:s21+$0x8180];
	(pc) =	sbr.rel @p0 .LBB2_10-.Ltmp4, $4  }
0x9f: {  	v18 =	vld [tilespmem:s21+$0x8100];
	v16 =	vand.u32 $0x7FFFFFFF, v19  }
0xa0: {  	v8 =	vld [tilespmem:s21+$0x8000];
	v1 =	vmax.f32 v1, v16  }
0xa1: {  	v16 =	vld [tilespmem:s21+$0x8200];
	v1 =	vmax.f32 v1, v12  }
0xa2: {  	s19 =	sadd.s32 $0x1, s19;
	s20 =	sadd.s32 $0x20, s20;
	s18 =	sadd.s32 $0x100, s18;
	v12 =	vld [tilespmem:s23+$0x8000];
	v19 =	vand.u32 $0x7FFFFFFF, v20  }
0xa3: {  	v11 =	vand.u32 $0x7FFFFFFF, v11  }
0xa4: {  	v17 =	vand.u32 $0x7FFFFFFF, v17;
	v6 =	vand.u32 $0x7FFFFFFF, v6;
	v14 =	vand.u32 $0x7FFFFFFF, v14  }
0xa5: {  	v15 =	vand.u32 $0x7FFFFFFF, v15;
	v9 =	vand.u32 $0x7FFFFFFF, v9;
	v10 =	vand.u32 $0x7FFFFFFF, v10  }
0xa6: {  	v20 =	vld [tilespmem:s22+$0x8000];
	v13 =	vmax.f32 v13, v19;
	v18 =	vand.u32 $0x7FFFFFFF, v18;
	v8 =	vand.u32 $0x7FFFFFFF, v8  }
0xa7: {  	v59 =	vld [tilespmem:s17+$0x8000];
	v6 =	vmax.f32 v13, v6;
	v7 =	vmax.f32 v7, v15;
	v4 =	vmax.f32 v4, v8  }
0xa8: {  	v5 =	vmax.f32 v5, v18;
	v61 =	vmax.f32 v7, v14;
	v4 =	vmax.f32 v4, v9  }
0xa9: {  	v16 =	vand.u32 $0x7FFFFFFF, v16;
	v5 =	vmax.f32 v5, v10;
	v4 =	vmax.f32 v4, v6  }
0xaa: {  	v60 =	vand.u32 $0x7FFFFFFF, v12;
	v2 =	vmax.f32 v2, v16;
	v4 =	vmax.f32 v4, v5  }
0xab: {  	v3 =	vmax.f32 v3, v60;
	v2 =	vmax.f32 v2, v11;
	v4 =	vmax.f32 v4, v61  }
0xac: {  	v62 =	vand.u32 $0x7FFFFFFF, v20;
	v63 =	vand.u32 $0x7FFFFFFF, v59;
	v2 =	vmax.f32 v4, v2  }
0xad: {  	v3 =	vmax.f32 v3, v17;
	v0 =	vmax.f32 v0, v63;
	v1 =	vmax.f32 v2, v1  }
0xae: {  	s15 =	sadd.s32 $0x1, s15;
	v0 =	vmax.f32 v0, v62;
	v1 =	vmax.f32 v1, v3  }
0xaf: {  	p0 =	sne.s32 s15, s9;
	v0 =	vmax.f32 v1, v0  }
.Ltmp5:
0xb0: {  	[tilespmem:$0x10000] =	vst v0;
	(pc) =	sbr.rel @p0 .LBB2_1-.Ltmp5, $4  }
0xb1: {  	[hbm4b:s8+s3] =	stream.linear.scatter [tilespmem:s13], [sflag:$0x3], $0x80, $0x38;
	[tilespmem:$0x10080] =	vst v63  }
0xb2: {  	_ =	swait.ge [sflag:s14], $0x80  }
0xb3: {  	[sflag:s14] =	ssyncset.done $0x0  }
0xb4: {  	[sflag:s14] =	ssyncadd.s32 $0xFFFFFF80  }
0xb5: {  	_ =	sfence.sel $0x180000  }
0xb6: {  	[bflag:$0x0] =	sbarrier.arrive $0xFFFF  }
0xb7: {  	p0 =	sne.s32 s2, $0x0;
	_ =	strace $0x90000047  }
0xb8: {  	s0 =	sadd.s32 @!p0 $0x100000, s0;
	[bflag:$0x2] =	sbarrier.arrive $0xFFFF  }
0xb9: {  	[sflag:s0] =	ssyncadd.tile.s32 @!p0 $0x1;
	_ =	shalt  }
.Lfunc_end2:
_tile_overlayer_lowered:
.L_overlay_start_2:
0xba: {  	(tag) =	ssettag $0x2  }
0xbb: {  	s0 =	rddreg [dreg:$0x0];
	s2 =	stileid.u32  }
0xbc: {  	s1 =	rddreg [dreg:$0x1];
	p0 =	sne.s32 s2, $0x0  }
0xbd: {  	s3 =	rddreg [dreg:$0x2];
	[bflag:$0x3] =	sbarrier.arrive $0xFFFF;
	s2 =	simm.s32 @!p0 $0x1C03  }
0xbe: {  	[timem:s3], [sflag:s2] =	dma.local @!p0 [hbm:s0], s1  }
0xbf: {  	s0 =	simm.s32 @!p0 $0x3  }
0xc0: {  	_ =	swait.ge @!p0 [sflag:s0], s1  }
0xc1: {  	s1 =	ssub.s32 @!p0 $0x0, s1;
	[sflag:s0] =	ssyncset.done @!p0 $0x0  }
0xc2: {  	[sflag:s0] =	ssyncadd.s32 @!p0 s1  }
0xc3: {  	[bflag:$0x3] =	sbarrier.arrive $0xFFFF  }
0xc4: {  	_ =	shalt  }

// kernel: kernel.7.cloned.1.call-start
scs
__scs_entry_jumppad:
0x0: {  	(pc) =	sbr.rel $0x88, $3  }
0x1: {  	(tag) =	ssettag $0x0;
	lr =	simm.s32 $0x1  }
0x2: {  	[smem:$0x3FA0] =	sst lr;
	_ =	strace $0xD0000000  }
0x3: {  	_ = 	snop  }
0x4: {  	_ = 	snop  }
0x5: {  	_ = 	snop  }
0x6: {  	_ = 	snop  }
0x7: {  	_ = 	snop  }
__scs_overlays_trampoline_lowered:
0x8: {  	[smem:$0x3FAF] =	sst s0  }
0x9: {  	[smem:$0x3FB0] =	sst s1  }
0xa: {  	[smem:$0x3FB1] =	sst s2  }
0xb: {  	[smem:$0x3FB2] =	sst s3  }
0xc: {  	[smem:$0x3FB3] =	sst s4  }
0xd: {  	[smem:$0x3FB4] =	sst s5  }
0xe: {  	[smem:$0x3FB5] =	sst s6  }
0xf: {  	[smem:$0x3FB6] =	sst s7  }
0x10: {  	[smem:$0x3FB7] =	sst s8  }
0x11: {  	[smem:$0x3FB8] =	sst s9;
	s0 =	simm.s32 @!p0 $0x0  }
0x12: {  	s1 =	sld [smem:$0x3F9E];
	s0 =	simm.s32 @p0 $0x1  }
0x13: {  	[smem:$0x3FB9] =	sst s0;
	s0 =	simm.s32 @!p1 $0x0  }
0x14: {  	s2 =	sld [smem:$0x3F9D];
	s0 =	simm.s32 @p1 $0x1  }
0x15: {  	[smem:$0x3FBA] =	sst s0;
	s0 =	simm.s32 @!p2 $0x0  }
0x16: {  	s3 =	sld [smem:$0x3FDB];
	s0 =	simm.s32 @p2 $0x1  }
0x17: {  	s4 =	simm.s32 $0x1BF5;
	[smem:$0x3FBC] =	sst s0  }
0x18: {  	s0 =	sld [smem:$0x3F9F];
	_ =	swait.ge [sflag:s4], $0x0  }
0x19: {  	s7 =	sld [smem:$0x3FA0]  }
0x1a: {  	s8 =	sadd.s32 $0xFFFFE003, lr  }
0x1b: {  	s9 =	sadd.s32 $0xFFFFFEF7, lr;
	s5 =	simm.s32 $0xFFFFFFFF;
	p2 =	slt.u32 s8, $0xFFFFF086  }
0x1c: {  	p1 =	slt.u32 s9, $0xF7A;
	s5 =	simm.s32 @!p2 $0x0  }
0x1d: {  	s5 =	simm.s32 @p1 $0x1;
	p0 =	seq.s32 s7, s2  }
0x1e: {  	s7 =	smul.u32 @!p0 $0xF7A, s2;
	p2 =	seq.s32 @!p0 s5, $0x0  }
0x1f: {  	s9 =	smul.u32 $0xF7A, s1;
	s8 =	simm.s32 @!p0 $0x1BF5;
	p2 =	por !p2, p0  }
0x20: {  	[sflag:s8] =	ssyncset.s32 @!p0 $0xFFFFF086;
	s6 =	sadd.s32 @!p0 s3, s7;
	s7 =	simm.s32 @!p0 $0x108  }
0x21: {  	s3 =	sadd.s32 s3, s9;
	s6 =	sadd.s32 @!p0 $0x88, s6;
	s7 =	simm.s32 @p2 $0x1082  }
0x22: {  	[simem:s7], [sflag:s8] =	dma.local @!p0 [hbm:s6], $0xF7A  }
0x23: {  	s9 =	sor.u32 $0xD0000000, s2;
	s6 =	simm.s32 $0x108;
	_ =	swait.ge @!p0 [sflag:s8], $0x0  }
0x24: {  	s3 =	sadd.s32 $0x88, s3;
	s6 =	simm.s32 @!p1 $0x1082;
	[sflag:s4] =	ssyncset.s32 $0xFFFFF086  }
0x25: {  	[simem:s6], [sflag:s4] =	dma.local [hbm:s3], $0xF7A  }
0x26: {  	[smem:$0x3FA0] =	sst s1;
	(tag) =	ssettag s2;
	_ =	strace s9  }
0x27: {  	s1 =	sld [smem:$0x3FB0]  }
0x28: {  	s2 =	sld [smem:$0x3FB1]  }
0x29: {  	s4 =	sld [smem:$0x3FB3]  }
0x2a: {  	p0 =	seq.s32 s5, $0x0;
	s5 =	sld [smem:$0x3FB4]  }
0x2b: {  	s6 =	sld [smem:$0x3FB5]  }
0x2c: {  	s7 =	sld [smem:$0x3FB6]  }
0x2d: {  	s3 =	simm.s32 $0x108;
	s8 =	sld [smem:$0x3FB7]  }
0x2e: {  	s3 =	simm.s32 @!p0 $0x1082;
	s9 =	sld [smem:$0x3FB8]  }
0x2f: {  	lr =	sadd.s32 s0, s3;
	s0 =	sld [smem:$0x3FAF]  }
0x30: {  	s3 =	sld [smem:$0x3FB2]  }
0x31: {  	[smem:$0x3FBB] =	sst s10  }
0x32: {  	s10 =	sld [smem:$0x3FB9];
	_ =	sdelay $0x3  }
0x33: {  	p0 =	seq.s32 s10, $0x1;
	s10 =	sld [smem:$0x3FBB];
	_ =	sdelay $0x3  }
0x34: {  	[smem:$0x3FBB] =	sst s10  }
0x35: {  	s10 =	sld [smem:$0x3FBA];
	_ =	sdelay $0x3  }
0x36: {  	p1 =	seq.s32 s10, $0x1;
	s10 =	sld [smem:$0x3FBB];
	_ =	sdelay $0x3  }
0x37: {  	[smem:$0x3FBB] =	sst s10  }
0x38: {  	s10 =	sld [smem:$0x3FBC]  }
0x39: {  	_ = 	snop;
	(pc) =	sbr.ind lr, $3  }
0x3a: {  	_ = 	snop  }
0x3b: {  	_ = 	snop  }
0x3c: {  	p2 =	seq.s32 s10, $0x1;
	s10 =	sld [smem:$0x3FBB]  }
0x3d: {  	_ =	shalt  }
0x3e: {  	_ =	shalt  }
0x3f: {  	_ =	shalt  }
0x40: {  	_ =	shalt  }
0x41: {  	_ =	shalt  }
0x42: {  	_ =	shalt  }
0x43: {  	_ =	shalt  }
0x44: {  	_ =	shalt  }
0x45: {  	_ =	shalt  }
0x46: {  	_ =	shalt  }
0x47: {  	_ =	shalt  }
0x48: {  	_ =	shalt  }
0x49: {  	_ =	shalt  }
0x4a: {  	_ =	shalt  }
0x4b: {  	_ =	shalt  }
0x4c: {  	_ =	shalt  }
0x4d: {  	_ =	shalt  }
0x4e: {  	_ =	shalt  }
0x4f: {  	_ =	shalt  }
0x50: {  	_ =	shalt  }
0x51: {  	_ =	shalt  }
0x52: {  	_ =	shalt  }
0x53: {  	_ =	shalt  }
0x54: {  	_ =	shalt  }
0x55: {  	_ =	shalt  }
0x56: {  	_ =	shalt  }
0x57: {  	_ =	shalt  }
0x58: {  	_ =	shalt  }
0x59: {  	_ =	shalt  }
0x5a: {  	_ =	shalt  }
0x5b: {  	_ =	shalt  }
0x5c: {  	_ =	shalt  }
0x5d: {  	_ =	shalt  }
0x5e: {  	_ =	shalt  }
0x5f: {  	_ =	shalt  }
0x60: {  	_ =	shalt  }
0x61: {  	_ =	shalt  }
0x62: {  	_ =	shalt  }
0x63: {  	_ =	shalt  }
0x64: {  	_ =	shalt  }
0x65: {  	_ =	shalt  }
0x66: {  	_ =	shalt  }
0x67: {  	_ =	shalt  }
0x68: {  	_ =	shalt  }
0x69: {  	_ =	shalt  }
0x6a: {  	_ =	shalt  }
0x6b: {  	_ =	shalt  }
0x6c: {  	_ =	shalt  }
0x6d: {  	_ =	shalt  }
0x6e: {  	_ =	shalt  }
0x6f: {  	_ =	shalt  }
0x70: {  	_ =	shalt  }
0x71: {  	_ =	shalt  }
0x72: {  	_ =	shalt  }
0x73: {  	_ =	shalt  }
0x74: {  	_ =	shalt  }
0x75: {  	_ =	shalt  }
0x76: {  	_ =	shalt  }
0x77: {  	_ =	shalt  }
0x78: {  	_ =	shalt  }
0x79: {  	_ =	shalt  }
0x7a: {  	_ =	shalt  }
0x7b: {  	_ =	shalt  }
0x7c: {  	_ =	shalt  }
0x7d: {  	_ =	shalt  }
0x7e: {  	_ =	shalt  }
0x7f: {  	_ =	shalt  }
0x80: {  	_ =	shalt  }
0x81: {  	_ =	shalt  }
0x82: {  	_ =	shalt  }
0x83: {  	_ =	shalt  }
0x84: {  	_ =	shalt  }
0x85: {  	_ =	shalt  }
0x86: {  	_ =	shalt  }
0x87: {  	_ =	shalt  }
.Lfunc_end0:
.L_simem_size_0:
called_computation.1_lowered:
.L_overlay_start_0:
0x88: {  	s2 =	sld [smem:$0x3FD9]  }
0x89: {  	s3 =	sld [smem:$0x3FFE];
	_ =	sdelay $0x1  }
0x8a: {  	s1 =	srdreg.scid  }
0x8b: {  	s0 =	sand.u32 $0x1, s1  }
0x8c: {  	s17 =	sshll.u32 s0, $0xA;
	s2 =	sadd.s32 s3, s2  }
0x8d: {  	s2 =	sadd.s32 s2, s17  }
0x8e: {  	[smem:$0x3FC7] =	sst s2  }
0x8f: {  	_ = 	snop  }
0x90: {  	s2 =	sld [smem:$0x3FC9];
	(tm) =	ssettm $0x1  }
0x91: {  	s18 =	sld [smem:$0x3FFB];
	_ =	sdelay $0x3  }
0x92: {  	_ =	strace s18  }
0x93: {  	s3 =	sld [smem:$0x3FFC];
	_ =	sdelay $0x3  }
0x94: {  	_ =	strace s3  }
0x95: {  	s3 =	sld [smem:$0x3FFD];
	_ =	sdelay $0x3  }
0x96: {  	_ =	strace s3  }
0x97: {  	_ =	strace $0x8FFFFFFF  }
0x98: {  	s19 =	sld [smem:$0x3FDB];
	_ =	sdelay $0x1  }
0x99: {  	s4 =	simm.s32 $_scs_section_size  }
0x9a: {  	s5 =	simm.s32 $_size__tile_overlayer_lowered;
	s6 =	simm.s32 $_tile_overlayer_lowered  }
0x9b: {  	s22 =	simm.s32 $0x1BFF;
	s21 =	sshll.u32 s6, $0x1;
	s3 =	sadd.s32 s4, s19  }
0x9c: {  	s7 =	simm.s32 $0x0;
	s20 =	sshll.u32 s5, $0x1;
	s5 =	sadd.s32 s21, s3  }
0x9d: {  	[timem:s7], [sflag:s22] =	dma.local [hbm:s5], s20  }
0x9e: {  	_ =	swait.ge [sflag:s22], s20  }
0x9f: {  	s4 =	ssub.s32 $0x0, s20;
	[sflag:s22] =	ssyncset.done $0x0  }
0xa0: {  	[sflag:s22] =	ssyncadd.s32 s4;
	_ =	sdelay $0x1  }
0xa1: {  	s23 =	simm.s32 $0x1B8B  }
0xa2: {  	_ =	swait.ge [sflag:s23], $0x1  }
0xa3: {  	[sflag:s23] =	ssyncset.done $0x0  }
0xa4: {  	s25 =	simm.s32 $0x1B8E;
	s24 =	sld [smem:$0x3FFE];
	[sflag:s23] =	ssyncadd.s32 $0xFFFFFFFF  }
0xa5: {  	s26 =	simm.s32 $execute0_lowered;
	[smem:$0x3FD2] =	sst s25  }
0xa6: {  	s5 =	sshll.u32 s26, $0x1;
	_ =	strace $0x80000049;
	[dreg:$0x1] =	wrdreg $0xFFFFFFFF  }
0xa7: {  	s28 =	simm.s32 $_size_execute0_lowered;
	s3 =	sadd.s32 s3, s5;
	[dreg:$0x0] =	wrdreg $0x0  }
0xa8: {  	s5 =	sshll.u32 s28, $0x1;
	[dreg:$0x2] =	wrdreg s3  }
0xa9: {  	[dreg:$0x3] =	wrdreg s5  }
0xaa: {  	[dreg:$0x4] =	wrdreg $0xC0  }
0xab: {  	_ =	task [dreg:s7], $0x5FFFF  }
0xac: {  	[dreg:$0x1] =	wrdreg $0xFFFFFFFF  }
0xad: {  	[dreg:$0x0] =	wrdreg $0x60  }
0xae: {  	[dreg:$0x2] =	wrdreg s2  }
0xaf: {  	[dreg:$0x3] =	wrdreg s24  }
0xb0: {  	[dreg:$0x4] =	wrdreg $0x9  }
0xb1: {  	_ =	task.clear_ibuf [dreg:s7], $0x5FFFF;
	_ =	strace $0x90000049  }
0xb2: {  	s29 =	simm.s32 $0x9;
	_ =	strace $0x8000004B  }
0xb3: {  	_ =	swait.ge [sflag:s29], $0x1  }
0xb4: {  	[sflag:s29] =	ssyncadd.s32 $0xFFFFFFFF  }
0xb5: {  	_ =	strace $0x9000004B  }
0xb6: {  	_ =	sfence  }
0xb7: {  	s30 =	sld [smem:$0x0];
	_ =	sdelay $0x2  }
0xb8: {  	s31 =	sshll.u32 s1, $0xD;
	s1 =	sshrl.u32 s1, $0x2  }
0xb9: {  	s3 =	sand.u32 $0x4000, s31;
	s1 =	sadd.s32 s1, s30  }
0xba: {  	s0 =	sor.u32 s3, s0;
	s1 =	sshll.u32 s1, $0x11  }
0xbb: {  	s0 =	sor.u32 s1, s0  }
0xbc: {  	s0 =	sadd.s32 $0x8F2B, s0  }
0xbd: {  	[sflag:s0] =	ssyncadd.remote.s32 $0x1  }
0xbe: {  	_ =	sfence.sel $0xFFFF  }
0xbf: {  	[dreg:$0x0] =	wrdreg $0xFFFFFFFF;
	(pc) =	sbr.abs _section_cstart, $3  }
0xc0: {  	[dreg:$0x1] =	wrdreg $0xFFFFFFFF  }
0xc1: {  	_ =	task.clear_ibuf [dreg:s7], $0x2FFFF;
	_ =	strace $0x9FFFFFFF  }
0xc2: {  	(tm) =	ssettm $0x7FFFFFFF  }
0xc3: {  	_ =	shalt  }
tec
execute0_lowered:
.L_overlay_start_1:
0x0: {  	(tag) =	ssettag $0x1  }
0x1: {  	s1 =	rddreg [dreg:$0x0]  }
0x2: {  	s6 =	rddreg [dreg:$0x1];
	s0 =	srdreg.scid  }
0x3: {  	s4 =	simm.s32 $0x0;
	s3 =	stileid.u32;
	s12 =	simm.s32 $0x3  }
0x4: {  	s13 =	simm.s32 $0x8080;
	s14 =	simm.s32 $0x10080;
	s15 =	simm.s32 $0x1  }
0x5: {  	s16 =	simm.s32 $0x2;
	s20 =	simm.s32 $0x0;
	s0 =	sand.u32 $0x1, s0  }
0x6: {  	[smem:$0x7FF] =	sst s4;
	s2 =	sshll.u32 s3, $0x4;
	s5 =	sshll.u32 s0, $0x4  }
0x7: {  	_ =	strace $0x8000004A;
	s2 =	sand.u32 $0x70, s2;
	s0 =	ssub.s32 $0x2, s0  }
.Ltmp0:
0x8: {  	s5 =	sor.u32 s3, s5;
	s2 =	sadd.s32 s2, s6;
	(pc) =	sbr.rel .LBB2_1-.Ltmp0, $4  }
0x9: {  	s7 =	sshrl.u32 s0, $0x1;
	s31 =	sshll.u32 s5, $0x11;
	s8 =	sshll.u32 s5, $0x8  }
0xa: {  	s0 =	ssub.s32 s0, s7;
	s5 =	sadd.s32 s1, s31;
	s9 =	sand.u32 $0x1800, s8  }
0xb: {  	v0 =	vimm.f32 $0.0e+00;
	v1 =	vlaneseq.u32;
	s7 =	sor.u32 $0x10, s8;
	s8 =	sor.u32 $0x18, s8;
	s2 =	sadd.s32 s9, s2  }
0xc: {  	v2 =	vimm.f32 $1.000000000e+00;
	vm0 =	vmmov $0x7fff;
	v3 =	vmul.u32 $0x10, v1;
	s10 =	smax.u32 s0, $0x1;
	s6 =	sadd.s32 $0x1000, s5;
	s9 =	sadd.s32 $0x200, s2  }
.LBB2_16:
0xd: {  	v5 =	vld [tilespmem:$0x8000];
	_ =	sdelay $0x4  }
0xe: {  	(xrf2) =	vadd.scan.msk.f32 $0xffff, v5;
	_ =	sdelay $0x9  }
0xf: {  	v5, _, _ =	vpop (xrf2)  }
0x10: {  	v5 =	vsel vm0, $0x0, v5  }
0x11: {  	s20 =	sadd.s32 $0x1, s20;
	v4 =	vadd.f32 v5, v4  }
0x12: {  	s0 =	simm.s32 $0x80;
	p0 =	sne.s32 s20, s10  }
.Ltmp1:
0x13: {  	s2 =	simm.s32 $0x400;
	s3 =	simm.s32 $0x19080;
	[tilespmem:$0x19870] =	vst v4;
	(pc) =	sbr.rel @!p0 .LBB2_17-.Ltmp1, $4  }
0x14: {  	[hbm4b:s9+s0] =	stream.strided.scatter [tilespmem:s3], [sflag:$0x3], $0x800, s2, s0, $0x38;
	[tilespmem:$0x19880] =	vst v63  }
0x15: {  	_ =	swait.ge [sflag:s12], $0x800  }
0x16: {  	[sflag:s12] =	ssyncset.done $0x0  }
0x17: {  	[sflag:s12] =	ssyncadd.s32 $0xFFFFF800  }
.LBB2_1:
0x18: {  	s0 =	rddreg [dreg:$0x1];
	s2 =	simm.s32 $0x18080  }
0x19: {  	[tilespmem:s2], [sflag:$0x3] =	stream.linear.gather [hbm4b:s0+s4], $0x1000, $0x38;
	[tilespmem:$0x19880] =	vst v63  }
0x1a: {  	_ =	swait.ge [sflag:s12], $0x1000  }
0x1b: {  	[sflag:s12] =	ssyncset.done $0x0  }
0x1c: {  	[sflag:s12] =	ssyncadd.s32 $0xFFFFF000  }
0x1d: {  	v4 =	vld [tilespmem:$0x18080]  }
0x1e: {  	v5 =	vld [tilespmem:$0x18100]  }
0x1f: {  	v6 =	vld [tilespmem:$0x18180]  }
0x20: {  	v7 =	vld [tilespmem:$0x18200]  }
0x21: {  	v8 =	vld [tilespmem:$0x18280]  }
0x22: {  	v9 =	vld [tilespmem:$0x18300]  }
0x23: {  	v10 =	vld [tilespmem:$0x18380]  }
0x24: {  	v11 =	vld [tilespmem:$0x18400]  }
0x25: {  	v12 =	vld [tilespmem:$0x18480]  }
0x26: {  	v13 =	vld [tilespmem:$0x18500]  }
0x27: {  	v14 =	vld [tilespmem:$0x18580]  }
0x28: {  	v15 =	vld [tilespmem:$0x18600]  }
0x29: {  	v16 =	vld [tilespmem:$0x18680]  }
0x2a: {  	v17 =	vld [tilespmem:$0x18700]  }
0x2b: {  	v18 =	vld [tilespmem:$0x18780]  }
0x2c: {  	v19 =	vld [tilespmem:$0x18800]  }
0x2d: {  	v20 =	vld [tilespmem:$0x18880]  }
0x2e: {  	v21 =	vld [tilespmem:$0x18900]  }
0x2f: {  	v22 =	vld [tilespmem:$0x18980]  }
0x30: {  	v23 =	vld [tilespmem:$0x18A00]  }
0x31: {  	v24 =	vld [tilespmem:$0x18A80]  }
0x32: {  	v25 =	vld [tilespmem:$0x18B00]  }
0x33: {  	v26 =	vld [tilespmem:$0x18B80]  }
0x34: {  	v27 =	vld [tilespmem:$0x18C00]  }
0x35: {  	v28 =	vld [tilespmem:$0x18C80]  }
0x36: {  	v29 =	vld [tilespmem:$0x18D00]  }
0x37: {  	v30 =	vld [tilespmem:$0x18D80]  }
0x38: {  	v31 =	vld [tilespmem:$0x18E00]  }
0x39: {  	v32 =	vld [tilespmem:$0x18E80]  }
0x3a: {  	v33 =	vld [tilespmem:$0x18F00]  }
0x3b: {  	v34 =	vld [tilespmem:$0x18F80]  }
0x3c: {  	s2 =	simm.s32 $0x40;
	s0 =	simm.s32 $0x0;
	v35 =	vld [tilespmem:$0x19000]  }
.LBB2_2:
0x3d: {  	p0 =	sne.s32 s2, $0x20000;
	[tilespmem:s0+$0x0] =	vst v0;
	s0 =	smov.u32 s2;
	s2 =	sadd.s32 $0x40, s2  }
.Ltmp2:
0x3e: {  	(pc) =	sbr.rel @p0 .LBB2_2-.Ltmp2, $2  }
0x3f: {  	_ =	sdelay $0x2  }
0x40: {  	s0 =	sshra.s32 s0, $0x2  }
0x41: {  	v4 =	vmax.f32 v4, v5  }
0x42: {  	v4 =	vmax.f32 v4, v6  }
0x43: {  	v4 =	vmax.f32 v4, v7  }
0x44: {  	v4 =	vmax.f32 v4, v8  }
0x45: {  	v4 =	vmax.f32 v4, v9  }
0x46: {  	v4 =	vmax.f32 v4, v10  }
0x47: {  	v4 =	vmax.f32 v4, v11  }
0x48: {  	v4 =	vmax.f32 v4, v12  }
0x49: {  	v4 =	vmax.f32 v4, v13  }
0x4a: {  	v4 =	vmax.f32 v4, v14  }
0x4b: {  	v4 =	vmax.f32 v4, v15  }
0x4c: {  	v4 =	vmax.f32 v4, v16  }
0x4d: {  	v4 =	vmax.f32 v4, v17  }
0x4e: {  	v4 =	vmax.f32 v4, v18  }
0x4f: {  	v4 =	vmax.f32 v4, v19  }
0x50: {  	v4 =	vmax.f32 v4, v20  }
0x51: {  	v4 =	vmax.f32 v4, v21  }
0x52: {  	v4 =	vmax.f32 v4, v22  }
0x53: {  	v4 =	vmax.f32 v4, v23  }
0x54: {  	v4 =	vmax.f32 v4, v24  }
0x55: {  	v4 =	vmax.f32 v4, v25  }
0x56: {  	v4 =	vmax.f32 v4, v26  }
0x57: {  	v4 =	vmax.f32 v4, v27  }
0x58: {  	v4 =	vmax.f32 v4, v28  }
0x59: {  	v4 =	vmax.f32 v4, v29  }
0x5a: {  	v4 =	vmax.f32 v4, v30  }
0x5b: {  	v4 =	vmax.f32 v4, v31  }
0x5c: {  	v4 =	vmax.f32 v4, v32  }
0x5d: {  	v4 =	vmax.f32 v4, v33  }
0x5e: {  	v4 =	vmax.f32 v4, v34  }
0x5f: {  	v4 =	vmax.f32 v4, v35  }
0x60: {  	(xrf0) =	vmax.scan.msk.f32 $0xffff, v4;
	_ =	sdelay $0x5  }
0x61: {  	v4, _, _ =	vpop (xrf0)  }
0x62: {  	v4 =	vmul.f32 $4.882812500e-04, v4;
	_ =	sdelay $0x1  }
0x63: {  	v4 =	vbroadcast v4, $0xF;
	_ =	sdelay $0x1  }
0x64: {  	(erf) = vrcp.f32 v4;
	_ =	sdelay $0x5  }
0x65: {  	[tilespmem:s0+$0x0] =	vst v0;
	s21 =	simm.s32 $0x0  }
0x66: {  	[tilespmem:s13], [sflag:$0x1] =	stream.linear.gather [hbm4b:s5+s21], $0x8000, $0x38;
	[tilespmem:$0x19880] =	vst v63  }
0x67: {  	s22 =	simm.s32 $0x0  }
0x68: {  	[tilespmem:s14], [sflag:$0x2] =	stream.linear.gather [hbm4b:s6+s21], $0x8000, $0x38;
	v4 =	vpop (erf);
	[tilespmem:$0x19880] =	vst v63  }
.LBB2_4:
0x69: {  	_ =	swait.ge [sflag:s15], $0x8000  }
0x6a: {  	s0 =	sand.u32 $0x60, s21;
	s2 =	sand.u32 $0x7C00, s21;
	[sflag:s15] =	ssyncset.done $0x0  }
0x6b: {  	s2 =	sor.u32 s0, s2;
	[sflag:s15] =	ssyncadd.s32 $0xFFFF8000  }
0x6c: {  	v5 =	vld [tilespmem:s2+$0x8090];
	_ =	sdelay $0x3  }
0x6d: {  	v6 =	vld [tilespmem:s2+$0x8080]  }
0x6e: {  	v5 =	vand.u32 $0x7FFFFFFF, v5  }
0x6f: {  	v5 =	vmul.f32 v5, v4;
	_ =	sdelay $0x1  }
0x70: {  	v5 =	vtrunc.f32 v5  }
0x71: {  	v6 =	vand.u32 $0x7FFFFFFF, v6;
	v5 =	vcvt.f32.s32 v5  }
0x72: {  	v6 =	vmul.f32 v6, v4  }
0x73: {  	v5 =	vshll.u32 v5, $0x4  }
0x74: {  	v6 =	vtrunc.f32 v6;
	v5 =	vor.u32 v1, v5  }
0x75: {  	v6 =	vcvt.f32.s32 v6;
	_ =	sdelay $0x1  }
0x76: {  	v6 =	vshll.u32 v6, $0x4  }
0x77: {  	v6 =	vor.u32 v1, v6  }
0x78: {  	[tilespmem:v5+s4+$0x0] =	vst.idx.add.f32.msk $0xffff, v2  }
0x79: {  	v5 =	vld [tilespmem:s2+$0x8110];
	_ =	sdelay $0x2  }
0x7a: {  	[tilespmem:v6+s4+$0x0] =	vst.idx.add.f32.msk $0xffff, v2  }
0x7b: {  	v6 =	vld [tilespmem:s2+$0x8100]  }
0x7c: {  	v5 =	vand.u32 $0x7FFFFFFF, v5  }
0x7d: {  	v5 =	vmul.f32 v5, v4;
	_ =	sdelay $0x1  }
0x7e: {  	v5 =	vtrunc.f32 v5  }
0x7f: {  	v6 =	vand.u32 $0x7FFFFFFF, v6;
	v5 =	vcvt.f32.s32 v5  }
0x80: {  	v6 =	vmul.f32 v6, v4  }
0x81: {  	s25 =	simm.s32 $0x100;
	s11 =	simm.s32 $0x20;
	v5 =	vshll.u32 v5, $0x4  }
0x82: {  	s11 =	sand.u32 $0x60, s11;
	s0 =	sand.u32 $0x7C00, s25;
	v6 =	vtrunc.f32 v6;
	v5 =	vor.u32 v1, v5  }
0x83: {  	s0 =	sor.u32 s11, s0;
	v6 =	vcvt.f32.s32 v6  }
0x84: {  	v7 =	vld [tilespmem:s0+$0x8090]  }
0x85: {  	v6 =	vshll.u32 v6, $0x4  }
0x86: {  	v8 =	vld [tilespmem:s0+$0x8080];
	v6 =	vor.u32 v1, v6  }
0x87: {  	[tilespmem:v5+s4+$0x0] =	vst.idx.add.f32.msk $0xffff, v2  }
0x88: {  	v5 =	vld [tilespmem:s2+$0x8190]  }
0x89: {  	v7 =	vand.u32 $0x7FFFFFFF, v7  }
0x8a: {  	v7 =	vmul.f32 v7, v4  }
0x8b: {  	[tilespmem:v6+s4+$0x0] =	vst.idx.add.f32.msk $0xffff, v2;
	v6 =	vand.u32 $0x7FFFFFFF, v8  }
0x8c: {  	v7 =	vtrunc.f32 v7;
	v8 =	vld [tilespmem:s2+$0x8180];
	v6 =	vmul.f32 v6, v4  }
0x8d: {  	v7 =	vcvt.f32.s32 v7;
	v5 =	vand.u32 $0x7FFFFFFF, v5  }
0x8e: {  	v6 =	vtrunc.f32 v6;
	v5 =	vmul.f32 v5, v4  }
0x8f: {  	v7 =	vshll.u32 v7, $0x4;
	v6 =	vcvt.f32.s32 v6  }
0x90: {  	v7 =	vor.u32 v1, v7;
	v5 =	vtrunc.f32 v5  }
0x91: {  	v8 =	vand.u32 $0x7FFFFFFF, v8;
	v6 =	vshll.u32 v6, $0x4;
	v5 =	vcvt.f32.s32 v5  }
0x92: {  	v8 =	vmul.f32 v8, v4;
	v6 =	vor.u32 v1, v6  }
0x93: {  	v5 =	vshll.u32 v5, $0x4  }
0x94: {  	v8 =	vtrunc.f32 v8;
	v5 =	vor.u32 v1, v5  }
0x95: {  	[tilespmem:v7+s4+$0x0] =	vst.idx.add.f32.msk $0xffff, v2;
	v8 =	vcvt.f32.s32 v8  }
0x96: {  	v7 =	vld [tilespmem:s0+$0x8110]  }
0x97: {  	v8 =	vshll.u32 v8, $0x4;
	[tilespmem:v6+s4+$0x0] =	vst.idx.add.f32.msk $0xffff, v2  }
0x98: {  	v6 =	vor.u32 v1, v8;
	v8 =	vld [tilespmem:s0+$0x8100]  }
0x99: {  	[tilespmem:v5+s4+$0x0] =	vst.idx.add.f32.msk $0xffff, v2  }
0x9a: {  	v5 =	vld [tilespmem:s2+$0x8210]  }
0x9b: {  	v7 =	vand.u32 $0x7FFFFFFF, v7  }
0x9c: {  	v7 =	vmul.f32 v7, v4  }
0x9d: {  	[tilespmem:v6+s4+$0x0] =	vst.idx.add.f32.msk $0xffff, v2;
	v6 =	vand.u32 $0x7FFFFFFF, v8  }
0x9e: {  	v7 =	vtrunc.f32 v7;
	v8 =	vld [tilespmem:s2+$0x8200];
	v6 =	vmul.f32 v6, v4  }
0x9f: {  	v7 =	vcvt.f32.s32 v7;
	v5 =	vand.u32 $0x7FFFFFFF, v5  }
0xa0: {  	v6 =	vtrunc.f32 v6;
	v5 =	vmul.f32 v5, v4  }
0xa1: {  	s23 =	simm.s32 $0x200;
	s26 =	simm.s32 $0x40;
	v7 =	vshll.u32 v7, $0x4;
	v6 =	vcvt.f32.s32 v6  }
0xa2: {  	s17 =	sand.u32 $0x7C00, s23;
	s11 =	sand.u32 $0x60, s26;
	v7 =	vor.u32 v1, v7;
	v5 =	vtrunc.f32 v5  }
0xa3: {  	s30 =	sor.u32 s11, s17;
	v8 =	vand.u32 $0x7FFFFFFF, v8;
	v6 =	vshll.u32 v6, $0x4;
	v5 =	vcvt.f32.s32 v5  }
0xa4: {  	v9 =	vld [tilespmem:s30+$0x8090];
	v8 =	vmul.f32 v8, v4;
	v6 =	vor.u32 v1, v6  }
0xa5: {  	v5 =	vshll.u32 v5, $0x4  }
0xa6: {  	v10 =	vld [tilespmem:s30+$0x8080];
	v8 =	vtrunc.f32 v8;
	v5 =	vor.u32 v1, v5  }
0xa7: {  	[tilespmem:v7+s4+$0x0] =	vst.idx.add.f32.msk $0xffff, v2;
	v8 =	vcvt.f32.s32 v8  }
0xa8: {  	v7 =	vld [tilespmem:s0+$0x8190]  }
0xa9: {  	v9 =	vand.u32 $0x7FFFFFFF, v9;
	v8 =	vshll.u32 v8, $0x4;
	[tilespmem:v6+s4+$0x0] =	vst.idx.add.f32.msk $0xffff, v2  }
0xaa: {  	v6 =	vor.u32 v1, v8;
	v8 =	vmul.f32 v9, v4;
	v9 =	vld [tilespmem:s0+$0x8180]  }
0xab: {  	v10 =	vand.u32 $0x7FFFFFFF, v10;
	[tilespmem:v5+s4+$0x0] =	vst.idx.add.f32.msk $0xffff, v2  }
0xac: {  	v8 =	vtrunc.f32 v8;
	v5 =	vmul.f32 v10, v4;
	v10 =	vld [tilespmem:s2+$0x8290]  }
0xad: {  	v7 =	vand.u32 $0x7FFFFFFF, v7;
	v8 =	vcvt.f32.s32 v8  }
0xae: {  	v7 =	vmul.f32 v7, v4;
	v5 =	vtrunc.f32 v5  }
0xaf: {  	[tilespmem:v6+s4+$0x0] =	vst.idx.add.f32.msk $0xffff, v2;
	v6 =	vshll.u32 v8, $0x4;
	v8 =	vand.u32 $0x7FFFFFFF, v9;
	v5 =	vcvt.f32.s32 v5  }
0xb0: {  	v7 =	vtrunc.f32 v7;
	v9 =	vld [tilespmem:s2+$0x8280];
	v6 =	vor.u32 v1, v6;
	v8 =	vmul.f32 v8, v4  }
0xb1: {  	v7 =	vcvt.f32.s32 v7;
	v5 =	vshll.u32 v5, $0x4;
	v10 =	vand.u32 $0x7FFFFFFF, v10  }
0xb2: {  	v8 =	vtrunc.f32 v8;
	v5 =	vor.u32 v1, v5;
	v10 =	vmul.f32 v10, v4  }
0xb3: {  	v7 =	vshll.u32 v7, $0x4;
	v8 =	vcvt.f32.s32 v8  }
0xb4: {  	v7 =	vor.u32 v1, v7;
	v10 =	vtrunc.f32 v10  }
0xb5: {  	v9 =	vand.u32 $0x7FFFFFFF, v9;
	[tilespmem:v6+s4+$0x0] =	vst.idx.add.f32.msk $0xffff, v2;
	v6 =	vshll.u32 v8, $0x4;
	v8 =	vcvt.f32.s32 v10  }
0xb6: {  	v9 =	vmul.f32 v9, v4;
	v6 =	vor.u32 v1, v6;
	v10 =	vld [tilespmem:s30+$0x8110]  }
0xb7: {  	[tilespmem:v5+s4+$0x0] =	vst.idx.add.f32.msk $0xffff, v2;
	v5 =	vshll.u32 v8, $0x4  }
0xb8: {  	v8 =	vtrunc.f32 v9;
	v9 =	vld [tilespmem:s30+$0x8100];
	v5 =	vor.u32 v1, v5  }
0xb9: {  	[tilespmem:v7+s4+$0x0] =	vst.idx.add.f32.msk $0xffff, v2;
	v8 =	vcvt.f32.s32 v8  }
0xba: {  	v7 =	vld [tilespmem:s0+$0x8210]  }
0xbb: {  	[tilespmem:v6+s4+$0x0] =	vst.idx.add.f32.msk $0xffff, v2;
	v8 =	vshll.u32 v8, $0x4;
	v10 =	vand.u32 $0x7FFFFFFF, v10  }
0xbc: {  	v6 =	vor.u32 v1, v8;
	v8 =	vmul.f32 v10, v4;
	v10 =	vld [tilespmem:s0+$0x8200]  }
0xbd: {  	v9 =	vand.u32 $0x7FFFFFFF, v9;
	[tilespmem:v5+s4+$0x0] =	vst.idx.add.f32.msk $0xffff, v2  }
0xbe: {  	v5 =	vmul.f32 v9, v4;
	v8 =	vtrunc.f32 v8;
	v9 =	vld [tilespmem:s2+$0x8310]  }
0xbf: {  	v7 =	vand.u32 $0x7FFFFFFF, v7;
	v8 =	vcvt.f32.s32 v8  }
0xc0: {  	v7 =	vmul.f32 v7, v4;
	v5 =	vtrunc.f32 v5  }
0xc1: {  	s24 =	simm.s32 $0x300;
	s3 =	simm.s32 $0x60;
	[tilespmem:v6+s4+$0x0] =	vst.idx.add.f32.msk $0xffff, v2;
	v5 =	vcvt.f32.s32 v5;
	v6 =	vshll.u32 v8, $0x4;
	v8 =	vand.u32 $0x7FFFFFFF, v10  }
0xc2: {  	s11 =	sand.u32 $0x60, s3;
	s17 =	sand.u32 $0x7C00, s24;
	v7 =	vtrunc.f32 v7;
	v10 =	vld [tilespmem:s2+$0x8300];
	v6 =	vor.u32 v1, v6;
	v8 =	vmul.f32 v8, v4  }
0xc3: {  	s25 =	sor.u32 s11, s17;
	v7 =	vcvt.f32.s32 v7;
	v5 =	vshll.u32 v5, $0x4;
	v9 =	vand.u32 $0x7FFFFFFF, v9  }
0xc4: {  	v11 =	vld [tilespmem:s25+$0x8090];
	v5 =	vor.u32 v1, v5;
	v8 =	vtrunc.f32 v8;
	v9 =	vmul.f32 v9, v4  }
0xc5: {  	v7 =	vshll.u32 v7, $0x4;
	v8 =	vcvt.f32.s32 v8  }
0xc6: {  	v12 =	vld [tilespmem:s25+$0x8080];
	v7 =	vor.u32 v1, v7;
	v9 =	vtrunc.f32 v9  }
0xc7: {  	v10 =	vand.u32 $0x7FFFFFFF, v10;
	[tilespmem:v6+s4+$0x0] =	vst.idx.add.f32.msk $0xffff, v2;
	v6 =	vshll.u32 v8, $0x4;
	v8 =	vcvt.f32.s32 v9  }
0xc8: {  	v9 =	vmul.f32 v10, v4;
	v10 =	vld [tilespmem:s30+$0x8190];
	v6 =	vor.u32 v1, v6  }
0xc9: {  	v11 =	vand.u32 $0x7FFFFFFF, v11;
	[tilespmem:v5+s4+$0x0] =	vst.idx.add.f32.msk $0xffff, v2;
	v5 =	vshll.u32 v8, $0x4  }
0xca: {  	v8 =	vtrunc.f32 v9;
	v9 =	vmul.f32 v11, v4;
	v11 =	vld [tilespmem:s30+$0x8180];
	v5 =	vor.u32 v1, v5  }
0xcb: {  	s18 =	sand.u32 $0x3, s21;
	v12 =	vand.u32 $0x7FFFFFFF, v12;
	[tilespmem:v7+s4+$0x0] =	vst.idx.add.f32.msk $0xffff, v2;
	v8 =	vcvt.f32.s32 v8  }
0xcc: {  	v7 =	vmul.f32 v12, v4;
	v12 =	vld [tilespmem:s0+$0x8290];
	s2 =	sshll.u32 s18, $0x5;
	v9 =	vtrunc.f32 v9  }
0xcd: {  	s2 =	sadd.s32 $0x0, s2;
	v8 =	vshll.u32 v8, $0x4;
	v9 =	vcvt.f32.s32 v9;
	v10 =	vand.u32 $0x7FFFFFFF, v10;
	[tilespmem:v6+s4+$0x0] =	vst.idx.add.f32.msk $0xffff, v2  }
0xce: {  	v7 =	vtrunc.f32 v7;
	s19 =	sadd.s32 $0x10, s2;
	v6 =	vor.u32 v1, v8;
	v8 =	vmul.f32 v10, v4;
	v10 =	vld [tilespmem:s0+$0x8280]  }
0xcf: {  	v7 =	vcvt.f32.s32 v7;
	s26 =	sor.u32 $0x300, s19;
	v9 =	vshll.u32 v9, $0x4;
	v11 =	vand.u32 $0x7FFFFFFF, v11;
	[tilespmem:v5+s4+$0x0] =	vst.idx.add.f32.msk $0xffff, v2  }
0xd0: {  	v5 =	vor.u32 v1, v9;
	v9 =	vmul.f32 v11, v4;
	v8 =	vtrunc.f32 v8;
	v11 =	vld [tilespmem:s26+$0x8080]  }
0xd1: {  	v7 =	vshll.u32 v7, $0x4;
	v12 =	vand.u32 $0x7FFFFFFF, v12;
	v8 =	vcvt.f32.s32 v8  }
0xd2: {  	v7 =	vor.u32 v1, v7;
	v12 =	vmul.f32 v12, v4;
	v9 =	vtrunc.f32 v9  }
0xd3: {  	s3 =	sor.u32 $0x300, s2;
	[tilespmem:v6+s4+$0x0] =	vst.idx.add.f32.msk $0xffff, v2;
	v6 =	vcvt.f32.s32 v9;
	v8 =	vshll.u32 v8, $0x4;
	v9 =	vand.u32 $0x7FFFFFFF, v10  }
0xd4: {  	v12 =	vtrunc.f32 v12;
	v10 =	vld [tilespmem:s3+$0x8080];
	v8 =	vor.u32 v1, v8;
	v9 =	vmul.f32 v9, v4  }
0xd5: {  	[tilespmem:v5+s4+$0x0] =	vst.idx.add.f32.msk $0xffff, v2;
	v5 =	vshll.u32 v6, $0x4;
	v6 =	vcvt.f32.s32 v12;
	v11 =	vand.u32 $0x7FFFFFFF, v11  }
0xd6: {  	v12 =	vld [tilespmem:s25+$0x8110];
	v5 =	vor.u32 v1, v5;
	v9 =	vtrunc.f32 v9;
	v11 =	vmul.f32 v11, v4  }
0xd7: {  	[tilespmem:v7+s4+$0x0] =	vst.idx.add.f32.msk $0xffff, v2;
	v7 =	vcvt.f32.s32 v9;
	v6 =	vshll.u32 v6, $0x4  }
0xd8: {  	v9 =	vld [tilespmem:s25+$0x8100];
	v6 =	vor.u32 v1, v6;
	v11 =	vtrunc.f32 v11  }
0xd9: {  	v10 =	vand.u32 $0x7FFFFFFF, v10;
	[tilespmem:v8+s4+$0x0] =	vst.idx.add.f32.msk $0xffff, v2;
	v7 =	vshll.u32 v7, $0x4;
	v8 =	vcvt.f32.s32 v11  }
0xda: {  	v10 =	vmul.f32 v10, v4;
	v11 =	vld [tilespmem:s30+$0x8210];
	v7 =	vor.u32 v1, v7  }
0xdb: {  	v12 =	vand.u32 $0x7FFFFFFF, v12;
	[tilespmem:v5+s4+$0x0] =	vst.idx.add.f32.msk $0xffff, v2;
	v5 =	vshll.u32 v8, $0x4  }
0xdc: {  	v8 =	vtrunc.f32 v10;
	v10 =	vmul.f32 v12, v4;
	v12 =	vld [tilespmem:s30+$0x8200];
	v5 =	vor.u32 v1, v5  }
0xdd: {  	v9 =	vand.u32 $0x7FFFFFFF, v9;
	v8 =	vcvt.f32.s32 v8;
	[tilespmem:v6+s4+$0x0] =	vst.idx.add.f32.msk $0xffff, v2  }
0xde: {  	v6 =	vmul.f32 v9, v4;
	v9 =	vtrunc.f32 v10;
	v10 =	vld [tilespmem:s0+$0x8310]  }
0xdf: {  	s18 =	simm.s32 $0x80;
	s26 =	simm.s32 $0x400;
	v8 =	vshll.u32 v8, $0x4;
	v9 =	vcvt.f32.s32 v9;
	v11 =	vand.u32 $0x7FFFFFFF, v11;
	[tilespmem:v7+s4+$0x0] =	vst.idx.add.f32.msk $0xffff, v2  }
0xe0: {  	s11 =	sor.u32 $0x380, s19;
	s19 =	sand.u32 $0x7C00, s26;
	v6 =	vtrunc.f32 v6;
	v7 =	vor.u32 v1, v8;
	v8 =	vmul.f32 v11, v4;
	v11 =	vld [tilespmem:s0+$0x8300];
	s0 =	sand.u32 $0x60, s18  }
0xe1: {  	v6 =	vcvt.f32.s32 v6;
	v9 =	vshll.u32 v9, $0x4;
	v12 =	vand.u32 $0x7FFFFFFF, v12;
	s28 =	sor.u32 s0, s19;
	[tilespmem:v5+s4+$0x0] =	vst.idx.add.f32.msk $0xffff, v2  }
0xe2: {  	v5 =	vor.u32 v1, v9;
	v9 =	vmul.f32 v12, v4;
	v8 =	vtrunc.f32 v8;
	v13 =	vld [tilespmem:s28+$0x8090]  }
0xe3: {  	v6 =	vshll.u32 v6, $0x4;
	v12 =	vld [tilespmem:s11+$0x8080];
	v8 =	vcvt.f32.s32 v8  }
0xe4: {  	v10 =	vand.u32 $0x7FFFFFFF, v10;
	v6 =	vor.u32 v1, v6;
	v9 =	vtrunc.f32 v9  }
0xe5: {  	v10 =	vmul.f32 v10, v4;
	[tilespmem:v7+s4+$0x0] =	vst.idx.add.f32.msk $0xffff, v2;
	v7 =	vcvt.f32.s32 v9;
	v8 =	vshll.u32 v8, $0x4  }
0xe6: {  	v9 =	vand.u32 $0x7FFFFFFF, v11;
	v11 =	vld [tilespmem:s28+$0x8080];
	v8 =	vor.u32 v1, v8  }
0xe7: {  	v9 =	vmul.f32 v9, v4;
	v10 =	vtrunc.f32 v10;
	[tilespmem:v5+s4+$0x0] =	vst.idx.add.f32.msk $0xffff, v2;
	v5 =	vshll.u32 v7, $0x4  }
0xe8: {  	v7 =	vcvt.f32.s32 v10;
	v13 =	vand.u32 $0x7FFFFFFF, v13;
	v10 =	vand.u32 $0x7FFFFFFF, v12  }
0xe9: {  	v12 =	vld [tilespmem:s25+$0x8190];
	v5 =	vor.u32 v1, v5;
	v9 =	vtrunc.f32 v9;
	v10 =	vmul.f32 v10, v4  }
0xea: {  	[tilespmem:v6+s4+$0x0] =	vst.idx.add.f32.msk $0xffff, v2;
	v6 =	vcvt.f32.s32 v9;
	v7 =	vshll.u32 v7, $0x4;
	v9 =	vmul.f32 v13, v4  }
0xeb: {  	s29 =	simm.s32 $0x1;
	v13 =	vld [tilespmem:s25+$0x8180];
	v7 =	vor.u32 v1, v7;
	v11 =	vand.u32 $0x7FFFFFFF, v11;
	v10 =	vtrunc.f32 v10  }
0xec: {  	s3 =	sand.u32 $0x3, s29;
	[tilespmem:v8+s4+$0x0] =	vst.idx.add.f32.msk $0xffff, v2;
	v6 =	vshll.u32 v6, $0x4;
	v9 =	vtrunc.f32 v9;
	v8 =	vcvt.f32.s32 v10  }
0xed: {  	s0 =	sshll.u32 s3, $0x5;
	v10 =	vmul.f32 v11, v4;
	v11 =	vld [tilespmem:s30+$0x8290];
	v6 =	vor.u32 v1, v6;
	v9 =	vcvt.f32.s32 v9  }
0xee: {  	s11 =	sadd.s32 $0x100, s0;
	v12 =	vand.u32 $0x7FFFFFFF, v12;
	[tilespmem:v5+s4+$0x0] =	vst.idx.add.f32.msk $0xffff, v2;
	v5 =	vshll.u32 v8, $0x4  }
0xef: {  	s3 =	sadd.s32 $0x10, s11;
	v8 =	vtrunc.f32 v10;
	v10 =	vmul.f32 v12, v4;
	v12 =	vld [tilespmem:s30+$0x8280];
	v9 =	vshll.u32 v9, $0x4  }
0xf0: {  	s18 =	sor.u32 $0x300, s3;
	v13 =	vand.u32 $0x7FFFFFFF, v13;
	v5 =	vor.u32 v1, v5;
	v8 =	vcvt.f32.s32 v8;
	[tilespmem:v7+s4+$0x0] =	vst.idx.add.f32.msk $0xffff, v2  }
0xf1: {  	v7 =	vor.u32 v1, v9;
	v9 =	vmul.f32 v13, v4;
	v10 =	vtrunc.f32 v10;
	v13 =	vld [tilespmem:s18+$0x8080]  }
0xf2: {  	s19 =	sor.u32 $0x300, s11;
	v8 =	vshll.u32 v8, $0x4;
	v10 =	vcvt.f32.s32 v10;
	v11 =	vand.u32 $0x7FFFFFFF, v11;
	[tilespmem:v6+s4+$0x0] =	vst.idx.add.f32.msk $0xffff, v2  }
0xf3: {  	s2 =	sor.u32 $0x380, s2;
	v6 =	vor.u32 v1, v8;
	v8 =	vtrunc.f32 v9;
	v9 =	vmul.f32 v11, v4;
	v11 =	vld [tilespmem:s19+$0x8080]  }
0xf4: {  	v14 =	vld [tilespmem:s2+$0x8080];
	v8 =	vcvt.f32.s32 v8;
	v10 =	vshll.u32 v10, $0x4;
	v12 =	vand.u32 $0x7FFFFFFF, v12  }
0xf5: {  	[tilespmem:v5+s4+$0x0] =	vst.idx.add.f32.msk $0xffff, v2;
	v5 =	vor.u32 v1, v10;
	v10 =	vmul.f32 v12, v4;
	v9 =	vtrunc.f32 v9  }
0xf6: {  	[tilespmem:v7+s4+$0x0] =	vst.idx.add.f32.msk $0xffff, v2;
	v7 =	vshll.u32 v8, $0x4;
	v8 =	vcvt.f32.s32 v9;
	v9 =	vand.u32 $0x7FFFFFFF, v13  }
0xf7: {  	v12 =	vld [tilespmem:s28+$0x8110];
	v7 =	vor.u32 v1, v7;
	v10 =	vtrunc.f32 v10;
	v9 =	vmul.f32 v9, v4  }
0xf8: {  	[tilespmem:v6+s4+$0x0] =	vst.idx.add.f32.msk $0xffff, v2;
	v6 =	vcvt.f32.s32 v10;
	v8 =	vshll.u32 v8, $0x4;
	v10 =	vand.u32 $0x7FFFFFFF, v11  }
0xf9: {  	v11 =	vld [tilespmem:s28+$0x8100];
	v8 =	vor.u32 v1, v8;
	v10 =	vmul.f32 v10, v4;
	v9 =	vtrunc.f32 v9  }
0xfa: {  	[tilespmem:v5+s4+$0x0] =	vst.idx.add.f32.msk $0xffff, v2;
	v5 =	vshll.u32 v6, $0x4;
	v6 =	vcvt.f32.s32 v9;
	v9 =	vand.u32 $0x7FFFFFFF, v14  }
0xfb: {  	v13 =	vld [tilespmem:s25+$0x8210];
	v5 =	vor.u32 v1, v5;
	v10 =	vtrunc.f32 v10;
	v9 =	vmul.f32 v9, v4  }
0xfc: {  	v12 =	vand.u32 $0x7FFFFFFF, v12;
	[tilespmem:v7+s4+$0x0] =	vst.idx.add.f32.msk $0xffff, v2;
	v7 =	vcvt.f32.s32 v10;
	v6 =	vshll.u32 v6, $0x4  }
0xfd: {  	v10 =	vmul.f32 v12, v4;
	v14 =	vld [tilespmem:s25+$0x8200];
	v15 =	vor.u32 v1, v6;
	v6 =	vtrunc.f32 v9  }
0xfe: {  	v9 =	vand.u32 $0x7FFFFFFF, v11;
	[tilespmem:v8+s4+$0x0] =	vst.idx.add.f32.msk $0xffff, v2;
	v8 =	vshll.u32 v7, $0x4;
	v11 =	vcvt.f32.s32 v6  }
0xff: {  	v10 =	vtrunc.f32 v10;
	v9 =	vmul.f32 v9, v4;
	v7 =	vld [tilespmem:s30+$0x8310];
	v6 =	vor.u32 v1, v8  }
0x100: {  	v10 =	vcvt.f32.s32 v10;
	v8 =	vand.u32 $0x7FFFFFFF, v13;
	[tilespmem:v5+s4+$0x0] =	vst.idx.add.f32.msk $0xffff, v2;
	v5 =	vshll.u32 v11, $0x4  }
0x101: {  	s0 =	simm.s32 $0x8;
	s31 =	sor.u32 $0x380, s11;
	v11 =	vtrunc.f32 v9;
	v9 =	vmul.f32 v8, v4;
	v8 =	vld [tilespmem:s30+$0x8300];
	v5 =	vor.u32 v1, v5  }
0x102: {  	s11 =	sor.u32 $0x380, s3;
	s2 =	simm.s32 $0x500;
	v12 =	vshll.u32 v10, $0x4;
	s30 =	simm.s32 $0xA0;
	v11 =	vcvt.f32.s32 v11;
	v10 =	vand.u32 $0x7FFFFFFF, v14;
	[tilespmem:v15+s4+$0x0] =	vst.idx.add.f32.msk $0xffff, v2  }
.LBB2_5:
0x103: {  	s17 =	sand.u32 $0x60, s30;
	s18 =	sand.u32 $0x7C00, s2;
	s0 =	sadd.s32 $0x2, s0;
	v12 =	vor.u32 v1, v12;
	v10 =	vmul.f32 v10, v4;
	v9 =	vtrunc.f32 v9;
	v13 =	vld [tilespmem:s11+$0x8080]  }
0x104: {  	s11 =	sor.u32 s17, s18;
	p0 =	slt.u32 s0, $0xFE;
	v11 =	vshll.u32 v11, $0x4;
	v9 =	vcvt.f32.s32 v9;
	v7 =	vand.u32 $0x7FFFFFFF, v7;
	[tilespmem:v6+s4+$0x0] =	vst.idx.add.f32.msk $0xffff, v2  }
0x105: {  	v6 =	vld [tilespmem:s11+$0x8090];
	v11 =	vor.u32 v1, v11;
	v10 =	vtrunc.f32 v10;
	v7 =	vmul.f32 v7, v4  }
0x106: {  	v14 =	vld [tilespmem:s11+$0x8080];
	v10 =	vcvt.f32.s32 v10;
	v9 =	vshll.u32 v9, $0x4;
	v8 =	vand.u32 $0x7FFFFFFF, v8  }
0x107: {  	v9 =	vor.u32 v1, v9;
	v8 =	vmul.f32 v8, v4;
	v7 =	vtrunc.f32 v7;
	v15 =	vld [tilespmem:s31+$0x8080]  }
0x108: {  	[tilespmem:v12+s4+$0x0] =	vst.idx.add.f32.msk $0xffff, v2;
	v10 =	vshll.u32 v10, $0x4;
	v7 =	vcvt.f32.s32 v7;
	v12 =	vand.u32 $0x7FFFFFFF, v13  }
0x109: {  	v13 =	vld [tilespmem:s28+$0x8190];
	v10 =	vor.u32 v1, v10;
	v8 =	vtrunc.f32 v8;
	v12 =	vmul.f32 v12, v4  }
0x10a: {  	v6 =	vand.u32 $0x7FFFFFFF, v6;
	[tilespmem:v11+s4+$0x0] =	vst.idx.add.f32.msk $0xffff, v2;
	v8 =	vcvt.f32.s32 v8;
	v7 =	vshll.u32 v7, $0x4  }
0x10b: {  	s29 =	sadd.s32 $0x1, s29;
	v6 =	vmul.f32 v6, v4;
	v11 =	vld [tilespmem:s28+$0x8180];
	v7 =	vor.u32 v1, v7;
	v12 =	vtrunc.f32 v12  }
0x10c: {  	s17 =	sand.u32 $0x3, s29;
	v14 =	vand.u32 $0x7FFFFFFF, v14;
	[tilespmem:v9+s4+$0x0] =	vst.idx.add.f32.msk $0xffff, v2;
	v8 =	vshll.u32 v8, $0x4;
	v9 =	vcvt.f32.s32 v12  }
0x10d: {  	s17 =	sshll.u32 s17, $0x5;
	v12 =	vmul.f32 v14, v4;
	v6 =	vtrunc.f32 v6;
	v14 =	vld [tilespmem:s25+$0x8290];
	v8 =	vor.u32 v1, v8  }
0x10e: {  	s17 =	sadd.s32 s17, s23;
	s23 =	smov.u32 s24;
	s24 =	smov.u32 s26;
	v6 =	vcvt.f32.s32 v6;
	v13 =	vand.u32 $0x7FFFFFFF, v13;
	[tilespmem:v10+s4+$0x0] =	vst.idx.add.f32.msk $0xffff, v2;
	v9 =	vshll.u32 v9, $0x4  }
0x10f: {  	s18 =	sor.u32 $0x300, s17;
	s31 =	sor.u32 $0x380, s17;
	s17 =	sadd.s32 $0x10, s17;
	v10 =	vtrunc.f32 v12;
	v12 =	vmul.f32 v13, v4;
	v13 =	vld [tilespmem:s25+$0x8280];
	v9 =	vor.u32 v1, v9  }
0x110: {  	s26 =	smov.u32 s2;
	s19 =	sor.u32 $0x300, s17;
	v10 =	vcvt.f32.s32 v10;
	v6 =	vshll.u32 v6, $0x4;
	v11 =	vand.u32 $0x7FFFFFFF, v11;
	[tilespmem:v7+s4+$0x0] =	vst.idx.add.f32.msk $0xffff, v2  }
0x111: {  	v6 =	vor.u32 v1, v6;
	v7 =	vmul.f32 v11, v4;
	v11 =	vtrunc.f32 v12;
	v12 =	vld [tilespmem:s19+$0x8080]  }
0x112: {  	v10 =	vshll.u32 v10, $0x4;
	v11 =	vcvt.f32.s32 v11;
	v14 =	vand.u32 $0x7FFFFFFF, v14;
	[tilespmem:v8+s4+$0x0] =	vst.idx.add.f32.msk $0xffff, v2  }
0x113: {  	v8 =	vor.u32 v1, v10;
	v7 =	vtrunc.f32 v7;
	v10 =	vmul.f32 v14, v4;
	v14 =	vld [tilespmem:s18+$0x8080]  }
0x114: {  	v7 =	vcvt.f32.s32 v7;
	v11 =	vshll.u32 v11, $0x4;
	v13 =	vand.u32 $0x7FFFFFFF, v13;
	[tilespmem:v9+s4+$0x0] =	vst.idx.add.f32.msk $0xffff, v2  }
0x115: {  	v9 =	vor.u32 v1, v11;
	v11 =	vmul.f32 v13, v4;
	v10 =	vtrunc.f32 v10;
	[tilespmem:v5+s4+$0x0] =	vst.idx.add.f32.msk $0xffff, v2  }
0x116: {  	[tilespmem:v6+s4+$0x0] =	vst.idx.add.f32.msk $0xffff, v2;
	v5 =	vshll.u32 v7, $0x4;
	v6 =	vcvt.f32.s32 v10;
	v7 =	vand.u32 $0x7FFFFFFF, v12  }
0x117: {  	v10 =	vld [tilespmem:s11+$0x8110];
	v5 =	vor.u32 v1, v5;
	v11 =	vtrunc.f32 v11;
	v7 =	vmul.f32 v7, v4  }
0x118: {  	[tilespmem:v8+s4+$0x0] =	vst.idx.add.f32.msk $0xffff, v2;
	v8 =	vcvt.f32.s32 v11;
	v6 =	vshll.u32 v6, $0x4;
	v11 =	vand.u32 $0x7FFFFFFF, v14  }
0x119: {  	v12 =	vld [tilespmem:s11+$0x8100];
	v6 =	vor.u32 v1, v6;
	v11 =	vmul.f32 v11, v4;
	v7 =	vtrunc.f32 v7  }
0x11a: {  	[tilespmem:v9+s4+$0x0] =	vst.idx.add.f32.msk $0xffff, v2;
	v8 =	vshll.u32 v8, $0x4;
	v7 =	vcvt.f32.s32 v7;
	v9 =	vand.u32 $0x7FFFFFFF, v15  }
0x11b: {  	v13 =	vld [tilespmem:s28+$0x8210];
	v8 =	vor.u32 v1, v8;
	v11 =	vtrunc.f32 v11;
	v9 =	vmul.f32 v9, v4  }
0x11c: {  	v10 =	vand.u32 $0x7FFFFFFF, v10;
	[tilespmem:v5+s4+$0x0] =	vst.idx.add.f32.msk $0xffff, v2;
	v5 =	vcvt.f32.s32 v11;
	v7 =	vshll.u32 v7, $0x4  }
0x11d: {  	v10 =	vmul.f32 v10, v4;
	v14 =	vld [tilespmem:s28+$0x8200];
	v15 =	vor.u32 v1, v7;
	v7 =	vtrunc.f32 v9  }
.Ltmp3:
0x11e: {  	v9 =	vand.u32 $0x7FFFFFFF, v12;
	[tilespmem:v6+s4+$0x0] =	vst.idx.add.f32.msk $0xffff, v2;
	v5 =	vshll.u32 v5, $0x4;
	v11 =	vcvt.f32.s32 v7;
	(pc) =	sbr.rel @p0 .LBB2_5-.Ltmp3, $4  }
0x11f: {  	v9 =	vmul.f32 v9, v4;
	v10 =	vtrunc.f32 v10;
	v7 =	vld [tilespmem:s25+$0x8310];
	v6 =	vor.u32 v1, v5  }
0x120: {  	v10 =	vcvt.f32.s32 v10;
	v5 =	vand.u32 $0x7FFFFFFF, v13;
	[tilespmem:v8+s4+$0x0] =	vst.idx.add.f32.msk $0xffff, v2;
	v11 =	vshll.u32 v11, $0x4  }
0x121: {  	v12 =	vtrunc.f32 v9;
	v9 =	vmul.f32 v5, v4;
	v8 =	vld [tilespmem:s25+$0x8300];
	v5 =	vor.u32 v1, v11;
	s25 =	smov.u32 s28;
	s28 =	smov.u32 s11  }
0x122: {  	s30 =	sadd.s32 $0x20, s30;
	s2 =	sadd.s32 $0x100, s2;
	s11 =	sor.u32 $0x380, s17;
	v11 =	vcvt.f32.s32 v12;
	v12 =	vshll.u32 v10, $0x4;
	v10 =	vand.u32 $0x7FFFFFFF, v14;
	[tilespmem:v15+s4+$0x0] =	vst.idx.add.f32.msk $0xffff, v2  }
0x123: {  	v12 =	vor.u32 v1, v12  }
0x124: {  	v11 =	vshll.u32 v11, $0x4  }
0x125: {  	v11 =	vor.u32 v1, v11;
	_ =	sdelay $0x2  }
0x126: {  	[tilespmem:v12+s4+$0x0] =	vst.idx.add.f32.msk $0xffff, v2  }
0x127: {  	v12 =	vld [tilespmem:s28+$0x8190]  }
0x128: {  	[tilespmem:v11+s4+$0x0] =	vst.idx.add.f32.msk $0xffff, v2  }
0x129: {  	v11 =	vld [tilespmem:s28+$0x8180];
	_ =	sdelay $0x2  }
0x12a: {  	v12 =	vand.u32 $0x7FFFFFFF, v12  }
0x12b: {  	v12 =	vmul.f32 v12, v4  }
0x12c: {  	v11 =	vand.u32 $0x7FFFFFFF, v11  }
0x12d: {  	v11 =	vmul.f32 v11, v4;
	v12 =	vtrunc.f32 v12  }
0x12e: {  	v12 =	vcvt.f32.s32 v12  }
0x12f: {  	v11 =	vtrunc.f32 v11  }
0x130: {  	v11 =	vcvt.f32.s32 v11;
	v12 =	vshll.u32 v12, $0x4  }
0x131: {  	v12 =	vor.u32 v1, v12  }
0x132: {  	v11 =	vshll.u32 v11, $0x4  }
0x133: {  	v11 =	vor.u32 v1, v11;
	_ =	sdelay $0x2  }
0x134: {  	[tilespmem:v12+s4+$0x0] =	vst.idx.add.f32.msk $0xffff, v2  }
0x135: {  	v12 =	vld [tilespmem:s28+$0x8210]  }
0x136: {  	[tilespmem:v11+s4+$0x0] =	vst.idx.add.f32.msk $0xffff, v2  }
0x137: {  	v11 =	vld [tilespmem:s28+$0x8200];
	_ =	sdelay $0x1  }
0x138: {  	v10 =	vmul.f32 v10, v4;
	v9 =	vtrunc.f32 v9  }
0x139: {  	v9 =	vcvt.f32.s32 v9;
	v12 =	vand.u32 $0x7FFFFFFF, v12  }
0x13a: {  	v10 =	vtrunc.f32 v10;
	v12 =	vmul.f32 v12, v4  }
0x13b: {  	v10 =	vcvt.f32.s32 v10;
	v9 =	vshll.u32 v9, $0x4;
	v11 =	vand.u32 $0x7FFFFFFF, v11  }
0x13c: {  	v9 =	vor.u32 v1, v9;
	v11 =	vmul.f32 v11, v4;
	v12 =	vtrunc.f32 v12  }
0x13d: {  	v10 =	vshll.u32 v10, $0x4;
	v12 =	vcvt.f32.s32 v12  }
0x13e: {  	v10 =	vor.u32 v1, v10;
	v11 =	vtrunc.f32 v11  }
0x13f: {  	v11 =	vcvt.f32.s32 v11;
	v12 =	vshll.u32 v12, $0x4  }
0x140: {  	v12 =	vor.u32 v1, v12  }
0x141: {  	[tilespmem:v9+s4+$0x0] =	vst.idx.add.f32.msk $0xffff, v2;
	v9 =	vshll.u32 v11, $0x4  }
0x142: {  	v11 =	vld [tilespmem:s25+$0x8290];
	v9 =	vor.u32 v1, v9  }
0x143: {  	[tilespmem:v10+s4+$0x0] =	vst.idx.add.f32.msk $0xffff, v2  }
0x144: {  	v10 =	vld [tilespmem:s25+$0x8280]  }
0x145: {  	[tilespmem:v12+s4+$0x0] =	vst.idx.add.f32.msk $0xffff, v2  }
0x146: {  	v12 =	vld [tilespmem:s28+$0x8290]  }
0x147: {  	v11 =	vand.u32 $0x7FFFFFFF, v11;
	[tilespmem:v9+s4+$0x0] =	vst.idx.add.f32.msk $0xffff, v2  }
0x148: {  	v9 =	vmul.f32 v11, v4;
	v11 =	vld [tilespmem:s28+$0x8280]  }
0x149: {  	v10 =	vand.u32 $0x7FFFFFFF, v10  }
0x14a: {  	v10 =	vmul.f32 v10, v4;
	v9 =	vtrunc.f32 v9  }
0x14b: {  	v9 =	vcvt.f32.s32 v9;
	v12 =	vand.u32 $0x7FFFFFFF, v12  }
0x14c: {  	v10 =	vtrunc.f32 v10;
	v12 =	vmul.f32 v12, v4  }
0x14d: {  	v10 =	vcvt.f32.s32 v10;
	v9 =	vshll.u32 v9, $0x4;
	v11 =	vand.u32 $0x7FFFFFFF, v11  }
0x14e: {  	v9 =	vor.u32 v1, v9;
	v11 =	vmul.f32 v11, v4;
	v12 =	vtrunc.f32 v12  }
0x14f: {  	v10 =	vshll.u32 v10, $0x4;
	v12 =	vcvt.f32.s32 v12  }
0x150: {  	v10 =	vor.u32 v1, v10;
	v11 =	vtrunc.f32 v11  }
0x151: {  	v11 =	vcvt.f32.s32 v11;
	v12 =	vshll.u32 v12, $0x4  }
0x152: {  	v12 =	vor.u32 v1, v12  }
0x153: {  	[tilespmem:v9+s4+$0x0] =	vst.idx.add.f32.msk $0xffff, v2;
	v9 =	vshll.u32 v11, $0x4  }
0x154: {  	v11 =	vld [tilespmem:s25+$0x8310];
	v9 =	vor.u32 v1, v9  }
0x155: {  	v7 =	vand.u32 $0x7FFFFFFF, v7;
	[tilespmem:v10+s4+$0x0] =	vst.idx.add.f32.msk $0xffff, v2  }
0x156: {  	v7 =	vmul.f32 v7, v4;
	v10 =	vld [tilespmem:s25+$0x8300]  }
0x157: {  	v8 =	vand.u32 $0x7FFFFFFF, v8;
	[tilespmem:v12+s4+$0x0] =	vst.idx.add.f32.msk $0xffff, v2  }
0x158: {  	v8 =	vmul.f32 v8, v4;
	v7 =	vtrunc.f32 v7;
	v12 =	vld [tilespmem:s28+$0x8310]  }
0x159: {  	v7 =	vcvt.f32.s32 v7;
	v11 =	vand.u32 $0x7FFFFFFF, v11;
	[tilespmem:v9+s4+$0x0] =	vst.idx.add.f32.msk $0xffff, v2  }
0x15a: {  	v8 =	vtrunc.f32 v8;
	v9 =	vmul.f32 v11, v4;
	v11 =	vld [tilespmem:s28+$0x8300]  }
0x15b: {  	v8 =	vcvt.f32.s32 v8;
	v7 =	vshll.u32 v7, $0x4;
	v10 =	vand.u32 $0x7FFFFFFF, v10  }
0x15c: {  	s2 =	sadd.s32 $0x1, s29;
	v7 =	vor.u32 v1, v7;
	v10 =	vmul.f32 v10, v4;
	v9 =	vtrunc.f32 v9  }
0x15d: {  	s0 =	sand.u32 $0x3, s2;
	v8 =	vshll.u32 v8, $0x4;
	v9 =	vcvt.f32.s32 v9;
	v12 =	vand.u32 $0x7FFFFFFF, v12  }
0x15e: {  	s0 =	sshll.u32 s0, $0x5;
	v8 =	vor.u32 v1, v8;
	v10 =	vtrunc.f32 v10;
	v12 =	vmul.f32 v12, v4  }
0x15f: {  	s0 =	sadd.s32 s0, s23;
	v10 =	vcvt.f32.s32 v10;
	v9 =	vshll.u32 v9, $0x4;
	v11 =	vand.u32 $0x7FFFFFFF, v11  }
0x160: {  	s17 =	sadd.s32 $0x1, s2;
	s18 =	sadd.s32 $0x10, s0;
	v9 =	vor.u32 v1, v9;
	v11 =	vmul.f32 v11, v4;
	v12 =	vtrunc.f32 v12  }
0x161: {  	s19 =	sand.u32 $0x3, s17;
	s3 =	sor.u32 $0x300, s18;
	[tilespmem:v7+s4+$0x0] =	vst.idx.add.f32.msk $0xffff, v2;
	v7 =	vshll.u32 v10, $0x4;
	v10 =	vcvt.f32.s32 v12  }
0x162: {  	s19 =	sshll.u32 s19, $0x5;
	v7 =	vor.u32 v1, v7;
	v12 =	vld [tilespmem:s3+$0x8080];
	v11 =	vtrunc.f32 v11  }
0x163: {  	s23 =	sor.u32 $0x300, s0;
	s2 =	sadd.s32 s19, s24;
	[tilespmem:v8+s4+$0x0] =	vst.idx.add.f32.msk $0xffff, v2;
	v8 =	vcvt.f32.s32 v11;
	v10 =	vshll.u32 v10, $0x4  }
0x164: {  	s17 =	sadd.s32 $0x1, s17;
	v11 =	vld [tilespmem:s23+$0x8080];
	s23 =	sadd.s32 $0x10, s2;
	v10 =	vor.u32 v1, v10  }
0x165: {  	s17 =	sand.u32 $0x3, s17;
	[tilespmem:v9+s4+$0x0] =	vst.idx.add.f32.msk $0xffff, v2;
	s24 =	sor.u32 $0x300, s23;
	v8 =	vshll.u32 v8, $0x4  }
0x166: {  	s17 =	sshll.u32 s17, $0x5;
	v9 =	vld [tilespmem:s24+$0x8080];
	v8 =	vor.u32 v1, v8  }
0x167: {  	s17 =	sadd.s32 s17, s26;
	[tilespmem:v7+s4+$0x0] =	vst.idx.add.f32.msk $0xffff, v2;
	s25 =	sor.u32 $0x300, s2;
	v12 =	vand.u32 $0x7FFFFFFF, v12  }
0x168: {  	s24 =	sadd.s32 $0x10, s17;
	v7 =	vmul.f32 v12, v4;
	v12 =	vld [tilespmem:s25+$0x8080]  }
0x169: {  	s26 =	sor.u32 $0x300, s24;
	v11 =	vand.u32 $0x7FFFFFFF, v11;
	[tilespmem:v10+s4+$0x0] =	vst.idx.add.f32.msk $0xffff, v2  }
0x16a: {  	v10 =	vmul.f32 v11, v4;
	v7 =	vtrunc.f32 v7;
	v11 =	vld [tilespmem:s26+$0x8080]  }
0x16b: {  	s3 =	sor.u32 $0x300, s17;
	v7 =	vcvt.f32.s32 v7;
	v9 =	vand.u32 $0x7FFFFFFF, v9;
	[tilespmem:v8+s4+$0x0] =	vst.idx.add.f32.msk $0xffff, v2  }
0x16c: {  	v8 =	vtrunc.f32 v10;
	v9 =	vmul.f32 v9, v4;
	v10 =	vld [tilespmem:s3+$0x8080]  }
0x16d: {  	v8 =	vcvt.f32.s32 v8;
	v7 =	vshll.u32 v7, $0x4;
	v12 =	vand.u32 $0x7FFFFFFF, v12  }
0x16e: {  	v7 =	vor.u32 v1, v7;
	v12 =	vmul.f32 v12, v4;
	v9 =	vtrunc.f32 v9  }
0x16f: {  	v8 =	vshll.u32 v8, $0x4;
	v9 =	vcvt.f32.s32 v9;
	v11 =	vand.u32 $0x7FFFFFFF, v11  }
0x170: {  	v13 =	vld [tilespmem:s11+$0x8080];
	v8 =	vor.u32 v1, v8;
	v12 =	vtrunc.f32 v12;
	v11 =	vmul.f32 v11, v4  }
0x171: {  	[tilespmem:v6+s4+$0x0] =	vst.idx.add.f32.msk $0xffff, v2;
	v6 =	vcvt.f32.s32 v12;
	v9 =	vshll.u32 v9, $0x4;
	v10 =	vand.u32 $0x7FFFFFFF, v10  }
0x172: {  	v12 =	vld [tilespmem:s31+$0x8080];
	v9 =	vor.u32 v1, v9;
	v10 =	vmul.f32 v10, v4;
	v11 =	vtrunc.f32 v11  }
0x173: {  	s25 =	sor.u32 $0x380, s18;
	[tilespmem:v7+s4+$0x0] =	vst.idx.add.f32.msk $0xffff, v2;
	v6 =	vshll.u32 v6, $0x4;
	v7 =	vcvt.f32.s32 v11  }
0x174: {  	v11 =	vld [tilespmem:s25+$0x8080];
	v6 =	vor.u32 v1, v6;
	v10 =	vtrunc.f32 v10  }
0x175: {  	s0 =	sor.u32 $0x380, s0;
	[tilespmem:v8+s4+$0x0] =	vst.idx.add.f32.msk $0xffff, v2;
	v8 =	vcvt.f32.s32 v10;
	v7 =	vshll.u32 v7, $0x4  }
0x176: {  	v10 =	vand.u32 $0x7FFFFFFF, v13;
	v13 =	vld [tilespmem:s0+$0x8080];
	v7 =	vor.u32 v1, v7  }
0x177: {  	s26 =	sor.u32 $0x380, s23;
	v10 =	vmul.f32 v10, v4;
	[tilespmem:v9+s4+$0x0] =	vst.idx.add.f32.msk $0xffff, v2;
	v8 =	vshll.u32 v8, $0x4  }
0x178: {  	v9 =	vand.u32 $0x7FFFFFFF, v12;
	v12 =	vld [tilespmem:s26+$0x8080];
	v8 =	vor.u32 v1, v8  }
0x179: {  	s3 =	sor.u32 $0x380, s2;
	v9 =	vmul.f32 v9, v4;
	v10 =	vtrunc.f32 v10;
	[tilespmem:v6+s4+$0x0] =	vst.idx.add.f32.msk $0xffff, v2  }
0x17a: {  	v6 =	vcvt.f32.s32 v10;
	v10 =	vand.u32 $0x7FFFFFFF, v11;
	v11 =	vld [tilespmem:s3+$0x8080]  }
0x17b: {  	s11 =	sor.u32 $0x380, s24;
	v9 =	vtrunc.f32 v9;
	v10 =	vmul.f32 v10, v4;
	[tilespmem:v7+s4+$0x0] =	vst.idx.add.f32.msk $0xffff, v2  }
0x17c: {  	v7 =	vcvt.f32.s32 v9;
	v9 =	vld [tilespmem:s11+$0x8080]  }
0x17d: {  	s18 =	sor.u32 $0x380, s17;
	v13 =	vand.u32 $0x7FFFFFFF, v13;
	v6 =	vshll.u32 v6, $0x4;
	v10 =	vtrunc.f32 v10;
	[tilespmem:v8+s4+$0x0] =	vst.idx.add.f32.msk $0xffff, v2  }
0x17e: {  	v12 =	vand.u32 $0x7FFFFFFF, v12;
	v8 =	vcvt.f32.s32 v10;
	v10 =	vmul.f32 v13, v4;
	v13 =	vld [tilespmem:s18+$0x8080]  }
0x17f: {  	v6 =	vor.u32 v1, v6;
	v7 =	vshll.u32 v7, $0x4;
	v12 =	vmul.f32 v12, v4  }
0x180: {  	v7 =	vor.u32 v1, v7;
	v11 =	vand.u32 $0x7FFFFFFF, v11;
	v10 =	vtrunc.f32 v10  }
0x181: {  	v8 =	vshll.u32 v8, $0x4;
	v12 =	vtrunc.f32 v12;
	v11 =	vmul.f32 v11, v4  }
0x182: {  	v8 =	vor.u32 v1, v8;
	v10 =	vcvt.f32.s32 v10;
	v9 =	vand.u32 $0x7FFFFFFF, v9  }
0x183: {  	v12 =	vcvt.f32.s32 v12;
	v9 =	vmul.f32 v9, v4;
	v13 =	vand.u32 $0x7FFFFFFF, v13  }
0x184: {  	v11 =	vtrunc.f32 v11;
	v10 =	vshll.u32 v10, $0x4;
	v13 =	vmul.f32 v13, v4  }
0x185: {  	v12 =	vshll.u32 v12, $0x4;
	v11 =	vcvt.f32.s32 v11;
	v9 =	vtrunc.f32 v9  }
0x186: {  	[tilespmem:v5+s4+$0x0] =	vst.idx.add.f32.msk $0xffff, v2;
	v12 =	vor.u32 v1, v12;
	v9 =	vcvt.f32.s32 v9;
	v13 =	vtrunc.f32 v13  }
0x187: {  	[tilespmem:v6+s4+$0x0] =	vst.idx.add.f32.msk $0xffff, v2;
	v6 =	vor.u32 v1, v10;
	v5 =	vshll.u32 v11, $0x4;
	v10 =	vcvt.f32.s32 v13  }
0x188: {  	v5 =	vor.u32 v1, v5;
	v9 =	vshll.u32 v9, $0x4  }
0x189: {  	[tilespmem:v8+s4+$0x0] =	vst.idx.add.f32.msk $0xffff, v2;
	v9 =	vor.u32 v1, v9;
	v8 =	vshll.u32 v10, $0x4  }
0x18a: {  	[tilespmem:v7+s4+$0x0] =	vst.idx.add.f32.msk $0xffff, v2;
	v7 =	vor.u32 v1, v8  }
0x18b: {  	[tilespmem:v12+s4+$0x0] =	vst.idx.add.f32.msk $0xffff, v2  }
0x18c: {  	s23 =	sshll.u32 s22, $0x4;
	[tilespmem:v6+s4+$0x0] =	vst.idx.add.f32.msk $0xffff, v2  }
0x18d: {  	s19 =	sadd.s32 s23, s7;
	[tilespmem:v5+s4+$0x0] =	vst.idx.add.f32.msk $0xffff, v2  }
0x18e: {  	s0 =	sshll.u32 s19, $0x9;
	[tilespmem:v9+s4+$0x0] =	vst.idx.add.f32.msk $0xffff, v2  }
0x18f: {  	s28 =	simm.s32 $0x0;
	s0 =	sadd.s32 s1, s0;
	[tilespmem:v7+s4+$0x0] =	vst.idx.add.f32.msk $0xffff, v2  }
0x190: {  	[tilespmem:s13], [sflag:$0x1] =	stream.linear.gather [hbm4b:s0+s28], $0x8000, $0x38;
	[tilespmem:$0x19880] =	vst v63  }
0x191: {  	_ =	swait.ge [sflag:s16], $0x8000  }
0x192: {  	s24 =	sand.u32 $0x60, s28;
	s25 =	sand.u32 $0x7C00, s28;
	[sflag:s16] =	ssyncset.done $0x0  }
0x193: {  	s2 =	sor.u32 s24, s25;
	[sflag:s16] =	ssyncadd.s32 $0xFFFF8000  }
0x194: {  	v5 =	vld [tilespmem:s2+$0x10090];
	_ =	sdelay $0x3  }
0x195: {  	v6 =	vld [tilespmem:s2+$0x10080]  }
0x196: {  	v5 =	vand.u32 $0x7FFFFFFF, v5  }
0x197: {  	v5 =	vmul.f32 v5, v4;
	_ =	sdelay $0x1  }
0x198: {  	v5 =	vtrunc.f32 v5  }
0x199: {  	v6 =	vand.u32 $0x7FFFFFFF, v6;
	v5 =	vcvt.f32.s32 v5  }
0x19a: {  	v6 =	vmul.f32 v6, v4  }
0x19b: {  	v5 =	vshll.u32 v5, $0x4  }
0x19c: {  	v6 =	vtrunc.f32 v6;
	v5 =	vor.u32 v1, v5  }
0x19d: {  	v6 =	vcvt.f32.s32 v6;
	_ =	sdelay $0x1  }
0x19e: {  	v6 =	vshll.u32 v6, $0x4  }
0x19f: {  	v6 =	vor.u32 v1, v6  }
0x1a0: {  	[tilespmem:v5+s4+$0x0] =	vst.idx.add.f32.msk $0xffff, v2  }
0x1a1: {  	v5 =	vld [tilespmem:s2+$0x10110];
	_ =	sdelay $0x2  }
0x1a2: {  	[tilespmem:v6+s4+$0x0] =	vst.idx.add.f32.msk $0xffff, v2  }
0x1a3: {  	v6 =	vld [tilespmem:s2+$0x10100]  }
0x1a4: {  	v5 =	vand.u32 $0x7FFFFFFF, v5  }
0x1a5: {  	v5 =	vmul.f32 v5, v4;
	_ =	sdelay $0x1  }
0x1a6: {  	v5 =	vtrunc.f32 v5  }
0x1a7: {  	v6 =	vand.u32 $0x7FFFFFFF, v6;
	v5 =	vcvt.f32.s32 v5  }
0x1a8: {  	v6 =	vmul.f32 v6, v4  }
0x1a9: {  	s26 =	simm.s32 $0x100;
	s3 =	simm.s32 $0x20;
	v5 =	vshll.u32 v5, $0x4  }
0x1aa: {  	s11 =	sand.u32 $0x60, s3;
	s0 =	sand.u32 $0x7C00, s26;
	v6 =	vtrunc.f32 v6;
	v5 =	vor.u32 v1, v5  }
0x1ab: {  	s0 =	sor.u32 s11, s0;
	v6 =	vcvt.f32.s32 v6  }
0x1ac: {  	v7 =	vld [tilespmem:s0+$0x10090]  }
0x1ad: {  	v6 =	vshll.u32 v6, $0x4  }
0x1ae: {  	v8 =	vld [tilespmem:s0+$0x10080];
	v6 =	vor.u32 v1, v6  }
0x1af: {  	[tilespmem:v5+s4+$0x0] =	vst.idx.add.f32.msk $0xffff, v2  }
0x1b0: {  	v5 =	vld [tilespmem:s2+$0x10190]  }
0x1b1: {  	v7 =	vand.u32 $0x7FFFFFFF, v7  }
0x1b2: {  	v7 =	vmul.f32 v7, v4  }
0x1b3: {  	[tilespmem:v6+s4+$0x0] =	vst.idx.add.f32.msk $0xffff, v2;
	v6 =	vand.u32 $0x7FFFFFFF, v8  }
0x1b4: {  	v7 =	vtrunc.f32 v7;
	v8 =	vld [tilespmem:s2+$0x10180];
	v6 =	vmul.f32 v6, v4  }
0x1b5: {  	v7 =	vcvt.f32.s32 v7;
	v5 =	vand.u32 $0x7FFFFFFF, v5  }
0x1b6: {  	v6 =	vtrunc.f32 v6;
	v5 =	vmul.f32 v5, v4  }
0x1b7: {  	v7 =	vshll.u32 v7, $0x4;
	v6 =	vcvt.f32.s32 v6  }
0x1b8: {  	v7 =	vor.u32 v1, v7;
	v5 =	vtrunc.f32 v5  }
0x1b9: {  	v8 =	vand.u32 $0x7FFFFFFF, v8;
	v6 =	vshll.u32 v6, $0x4;
	v5 =	vcvt.f32.s32 v5  }
0x1ba: {  	v8 =	vmul.f32 v8, v4;
	v6 =	vor.u32 v1, v6  }
0x1bb: {  	v5 =	vshll.u32 v5, $0x4  }
0x1bc: {  	v8 =	vtrunc.f32 v8;
	v5 =	vor.u32 v1, v5  }
0x1bd: {  	[tilespmem:v7+s4+$0x0] =	vst.idx.add.f32.msk $0xffff, v2;
	v8 =	vcvt.f32.s32 v8  }
0x1be: {  	v7 =	vld [tilespmem:s0+$0x10110]  }
0x1bf: {  	v8 =	vshll.u32 v8, $0x4;
	[tilespmem:v6+s4+$0x0] =	vst.idx.add.f32.msk $0xffff, v2  }
0x1c0: {  	v6 =	vor.u32 v1, v8;
	v8 =	vld [tilespmem:s0+$0x10100]  }
0x1c1: {  	[tilespmem:v5+s4+$0x0] =	vst.idx.add.f32.msk $0xffff, v2  }
0x1c2: {  	v5 =	vld [tilespmem:s2+$0x10210]  }
0x1c3: {  	v7 =	vand.u32 $0x7FFFFFFF, v7  }
0x1c4: {  	v7 =	vmul.f32 v7, v4  }
0x1c5: {  	[tilespmem:v6+s4+$0x0] =	vst.idx.add.f32.msk $0xffff, v2;
	v6 =	vand.u32 $0x7FFFFFFF, v8  }
0x1c6: {  	v7 =	vtrunc.f32 v7;
	v8 =	vld [tilespmem:s2+$0x10200];
	v6 =	vmul.f32 v6, v4  }
0x1c7: {  	v7 =	vcvt.f32.s32 v7;
	v5 =	vand.u32 $0x7FFFFFFF, v5  }
0x1c8: {  	v6 =	vtrunc.f32 v6;
	v5 =	vmul.f32 v5, v4  }
0x1c9: {  	s17 =	simm.s32 $0x40;
	s24 =	simm.s32 $0x200;
	v7 =	vshll.u32 v7, $0x4;
	v6 =	vcvt.f32.s32 v6  }
0x1ca: {  	s18 =	sand.u32 $0x7C00, s24;
	s11 =	sand.u32 $0x60, s17;
	v7 =	vor.u32 v1, v7;
	v5 =	vtrunc.f32 v5  }
0x1cb: {  	s31 =	sor.u32 s11, s18;
	v8 =	vand.u32 $0x7FFFFFFF, v8;
	v6 =	vshll.u32 v6, $0x4;
	v5 =	vcvt.f32.s32 v5  }
0x1cc: {  	v9 =	vld [tilespmem:s31+$0x10090];
	v8 =	vmul.f32 v8, v4;
	v6 =	vor.u32 v1, v6  }
0x1cd: {  	v5 =	vshll.u32 v5, $0x4  }
0x1ce: {  	v10 =	vld [tilespmem:s31+$0x10080];
	v8 =	vtrunc.f32 v8;
	v5 =	vor.u32 v1, v5  }
0x1cf: {  	[tilespmem:v7+s4+$0x0] =	vst.idx.add.f32.msk $0xffff, v2;
	v8 =	vcvt.f32.s32 v8  }
0x1d0: {  	v7 =	vld [tilespmem:s0+$0x10190]  }
0x1d1: {  	v9 =	vand.u32 $0x7FFFFFFF, v9;
	v8 =	vshll.u32 v8, $0x4;
	[tilespmem:v6+s4+$0x0] =	vst.idx.add.f32.msk $0xffff, v2  }
0x1d2: {  	v6 =	vor.u32 v1, v8;
	v8 =	vmul.f32 v9, v4;
	v9 =	vld [tilespmem:s0+$0x10180]  }
0x1d3: {  	v10 =	vand.u32 $0x7FFFFFFF, v10;
	[tilespmem:v5+s4+$0x0] =	vst.idx.add.f32.msk $0xffff, v2  }
0x1d4: {  	v8 =	vtrunc.f32 v8;
	v5 =	vmul.f32 v10, v4;
	v10 =	vld [tilespmem:s2+$0x10290]  }
0x1d5: {  	v7 =	vand.u32 $0x7FFFFFFF, v7;
	v8 =	vcvt.f32.s32 v8  }
0x1d6: {  	v7 =	vmul.f32 v7, v4;
	v5 =	vtrunc.f32 v5  }
0x1d7: {  	[tilespmem:v6+s4+$0x0] =	vst.idx.add.f32.msk $0xffff, v2;
	v6 =	vshll.u32 v8, $0x4;
	v8 =	vand.u32 $0x7FFFFFFF, v9;
	v5 =	vcvt.f32.s32 v5  }
0x1d8: {  	v7 =	vtrunc.f32 v7;
	v9 =	vld [tilespmem:s2+$0x10280];
	v6 =	vor.u32 v1, v6;
	v8 =	vmul.f32 v8, v4  }
0x1d9: {  	v7 =	vcvt.f32.s32 v7;
	v5 =	vshll.u32 v5, $0x4;
	v10 =	vand.u32 $0x7FFFFFFF, v10  }
0x1da: {  	v8 =	vtrunc.f32 v8;
	v5 =	vor.u32 v1, v5;
	v10 =	vmul.f32 v10, v4  }
0x1db: {  	v7 =	vshll.u32 v7, $0x4;
	v8 =	vcvt.f32.s32 v8  }
0x1dc: {  	v7 =	vor.u32 v1, v7;
	v10 =	vtrunc.f32 v10  }
0x1dd: {  	v9 =	vand.u32 $0x7FFFFFFF, v9;
	[tilespmem:v6+s4+$0x0] =	vst.idx.add.f32.msk $0xffff, v2;
	v6 =	vshll.u32 v8, $0x4;
	v8 =	vcvt.f32.s32 v10  }
0x1de: {  	v9 =	vmul.f32 v9, v4;
	v6 =	vor.u32 v1, v6;
	v10 =	vld [tilespmem:s31+$0x10110]  }
0x1df: {  	[tilespmem:v5+s4+$0x0] =	vst.idx.add.f32.msk $0xffff, v2;
	v5 =	vshll.u32 v8, $0x4  }
0x1e0: {  	v8 =	vtrunc.f32 v9;
	v9 =	vld [tilespmem:s31+$0x10100];
	v5 =	vor.u32 v1, v5  }
0x1e1: {  	[tilespmem:v7+s4+$0x0] =	vst.idx.add.f32.msk $0xffff, v2;
	v8 =	vcvt.f32.s32 v8  }
0x1e2: {  	v7 =	vld [tilespmem:s0+$0x10210]  }
0x1e3: {  	[tilespmem:v6+s4+$0x0] =	vst.idx.add.f32.msk $0xffff, v2;
	v8 =	vshll.u32 v8, $0x4;
	v10 =	vand.u32 $0x7FFFFFFF, v10  }
0x1e4: {  	v6 =	vor.u32 v1, v8;
	v8 =	vmul.f32 v10, v4;
	v10 =	vld [tilespmem:s0+$0x10200]  }
0x1e5: {  	v9 =	vand.u32 $0x7FFFFFFF, v9;
	[tilespmem:v5+s4+$0x0] =	vst.idx.add.f32.msk $0xffff, v2  }
0x1e6: {  	v5 =	vmul.f32 v9, v4;
	v8 =	vtrunc.f32 v8;
	v9 =	vld [tilespmem:s2+$0x10310]  }
0x1e7: {  	v7 =	vand.u32 $0x7FFFFFFF, v7;
	v8 =	vcvt.f32.s32 v8  }
0x1e8: {  	v7 =	vmul.f32 v7, v4;
	v5 =	vtrunc.f32 v5  }
0x1e9: {  	s25 =	simm.s32 $0x300;
	s19 =	simm.s32 $0x60;
	[tilespmem:v6+s4+$0x0] =	vst.idx.add.f32.msk $0xffff, v2;
	v5 =	vcvt.f32.s32 v5;
	v6 =	vshll.u32 v8, $0x4;
	v8 =	vand.u32 $0x7FFFFFFF, v10  }
0x1ea: {  	s3 =	sand.u32 $0x7C00, s25;
	s26 =	sand.u32 $0x60, s19;
	v7 =	vtrunc.f32 v7;
	v10 =	vld [tilespmem:s2+$0x10300];
	v6 =	vor.u32 v1, v6;
	v8 =	vmul.f32 v8, v4  }
0x1eb: {  	s26 =	sor.u32 s26, s3;
	v7 =	vcvt.f32.s32 v7;
	v5 =	vshll.u32 v5, $0x4;
	v9 =	vand.u32 $0x7FFFFFFF, v9  }
0x1ec: {  	v11 =	vld [tilespmem:s26+$0x10090];
	v5 =	vor.u32 v1, v5;
	v8 =	vtrunc.f32 v8;
	v9 =	vmul.f32 v9, v4  }
0x1ed: {  	v7 =	vshll.u32 v7, $0x4;
	v8 =	vcvt.f32.s32 v8  }
0x1ee: {  	v12 =	vld [tilespmem:s26+$0x10080];
	v7 =	vor.u32 v1, v7;
	v9 =	vtrunc.f32 v9  }
0x1ef: {  	v10 =	vand.u32 $0x7FFFFFFF, v10;
	[tilespmem:v6+s4+$0x0] =	vst.idx.add.f32.msk $0xffff, v2;
	v6 =	vshll.u32 v8, $0x4;
	v8 =	vcvt.f32.s32 v9  }
0x1f0: {  	v9 =	vmul.f32 v10, v4;
	v10 =	vld [tilespmem:s31+$0x10190];
	v6 =	vor.u32 v1, v6  }
0x1f1: {  	v11 =	vand.u32 $0x7FFFFFFF, v11;
	[tilespmem:v5+s4+$0x0] =	vst.idx.add.f32.msk $0xffff, v2;
	v5 =	vshll.u32 v8, $0x4  }
0x1f2: {  	v8 =	vtrunc.f32 v9;
	v9 =	vmul.f32 v11, v4;
	v11 =	vld [tilespmem:s31+$0x10180];
	v5 =	vor.u32 v1, v5  }
0x1f3: {  	s17 =	sand.u32 $0x3, s28;
	v12 =	vand.u32 $0x7FFFFFFF, v12;
	[tilespmem:v7+s4+$0x0] =	vst.idx.add.f32.msk $0xffff, v2;
	v8 =	vcvt.f32.s32 v8  }
0x1f4: {  	v7 =	vmul.f32 v12, v4;
	v12 =	vld [tilespmem:s0+$0x10290];
	s2 =	sshll.u32 s17, $0x5;
	v9 =	vtrunc.f32 v9  }
0x1f5: {  	s2 =	sadd.s32 $0x0, s2;
	v8 =	vshll.u32 v8, $0x4;
	v9 =	vcvt.f32.s32 v9;
	v10 =	vand.u32 $0x7FFFFFFF, v10;
	[tilespmem:v6+s4+$0x0] =	vst.idx.add.f32.msk $0xffff, v2  }
0x1f6: {  	v7 =	vtrunc.f32 v7;
	s18 =	sadd.s32 $0x10, s2;
	v6 =	vor.u32 v1, v8;
	v8 =	vmul.f32 v10, v4;
	v10 =	vld [tilespmem:s0+$0x10280]  }
0x1f7: {  	v7 =	vcvt.f32.s32 v7;
	s19 =	sor.u32 $0x300, s18;
	v9 =	vshll.u32 v9, $0x4;
	v11 =	vand.u32 $0x7FFFFFFF, v11;
	[tilespmem:v5+s4+$0x0] =	vst.idx.add.f32.msk $0xffff, v2  }
0x1f8: {  	v5 =	vor.u32 v1, v9;
	v9 =	vmul.f32 v11, v4;
	v8 =	vtrunc.f32 v8;
	v11 =	vld [tilespmem:s19+$0x10080]  }
0x1f9: {  	v7 =	vshll.u32 v7, $0x4;
	v12 =	vand.u32 $0x7FFFFFFF, v12;
	v8 =	vcvt.f32.s32 v8  }
0x1fa: {  	v7 =	vor.u32 v1, v7;
	v12 =	vmul.f32 v12, v4;
	v9 =	vtrunc.f32 v9  }
0x1fb: {  	s3 =	sor.u32 $0x300, s2;
	[tilespmem:v6+s4+$0x0] =	vst.idx.add.f32.msk $0xffff, v2;
	v6 =	vcvt.f32.s32 v9;
	v8 =	vshll.u32 v8, $0x4;
	v9 =	vand.u32 $0x7FFFFFFF, v10  }
0x1fc: {  	v12 =	vtrunc.f32 v12;
	v10 =	vld [tilespmem:s3+$0x10080];
	v8 =	vor.u32 v1, v8;
	v9 =	vmul.f32 v9, v4  }
0x1fd: {  	[tilespmem:v5+s4+$0x0] =	vst.idx.add.f32.msk $0xffff, v2;
	v5 =	vshll.u32 v6, $0x4;
	v6 =	vcvt.f32.s32 v12;
	v11 =	vand.u32 $0x7FFFFFFF, v11  }
0x1fe: {  	v12 =	vld [tilespmem:s26+$0x10110];
	v5 =	vor.u32 v1, v5;
	v9 =	vtrunc.f32 v9;
	v11 =	vmul.f32 v11, v4  }
0x1ff: {  	[tilespmem:v7+s4+$0x0] =	vst.idx.add.f32.msk $0xffff, v2;
	v7 =	vcvt.f32.s32 v9;
	v6 =	vshll.u32 v6, $0x4  }
0x200: {  	v9 =	vld [tilespmem:s26+$0x10100];
	v6 =	vor.u32 v1, v6;
	v11 =	vtrunc.f32 v11  }
0x201: {  	v10 =	vand.u32 $0x7FFFFFFF, v10;
	[tilespmem:v8+s4+$0x0] =	vst.idx.add.f32.msk $0xffff, v2;
	v7 =	vshll.u32 v7, $0x4;
	v8 =	vcvt.f32.s32 v11  }
0x202: {  	v10 =	vmul.f32 v10, v4;
	v11 =	vld [tilespmem:s31+$0x10210];
	v7 =	vor.u32 v1, v7  }
0x203: {  	v12 =	vand.u32 $0x7FFFFFFF, v12;
	[tilespmem:v5+s4+$0x0] =	vst.idx.add.f32.msk $0xffff, v2;
	v5 =	vshll.u32 v8, $0x4  }
0x204: {  	v8 =	vtrunc.f32 v10;
	v10 =	vmul.f32 v12, v4;
	v12 =	vld [tilespmem:s31+$0x10200];
	v5 =	vor.u32 v1, v5  }
0x205: {  	v9 =	vand.u32 $0x7FFFFFFF, v9;
	v8 =	vcvt.f32.s32 v8;
	[tilespmem:v6+s4+$0x0] =	vst.idx.add.f32.msk $0xffff, v2  }
0x206: {  	v6 =	vmul.f32 v9, v4;
	v9 =	vtrunc.f32 v10;
	v10 =	vld [tilespmem:s0+$0x10310]  }
0x207: {  	s28 =	simm.s32 $0x400;
	s17 =	simm.s32 $0x80;
	v8 =	vshll.u32 v8, $0x4;
	v9 =	vcvt.f32.s32 v9;
	v11 =	vand.u32 $0x7FFFFFFF, v11;
	[tilespmem:v7+s4+$0x0] =	vst.idx.add.f32.msk $0xffff, v2  }
0x208: {  	s11 =	sor.u32 $0x380, s18;
	s18 =	sand.u32 $0x7C00, s28;
	v6 =	vtrunc.f32 v6;
	v7 =	vor.u32 v1, v8;
	v8 =	vmul.f32 v11, v4;
	v11 =	vld [tilespmem:s0+$0x10300];
	s0 =	sand.u32 $0x60, s17  }
0x209: {  	v6 =	vcvt.f32.s32 v6;
	v9 =	vshll.u32 v9, $0x4;
	v12 =	vand.u32 $0x7FFFFFFF, v12;
	s29 =	sor.u32 s0, s18;
	[tilespmem:v5+s4+$0x0] =	vst.idx.add.f32.msk $0xffff, v2  }
0x20a: {  	v5 =	vor.u32 v1, v9;
	v9 =	vmul.f32 v12, v4;
	v8 =	vtrunc.f32 v8;
	v13 =	vld [tilespmem:s29+$0x10090]  }
0x20b: {  	v6 =	vshll.u32 v6, $0x4;
	v12 =	vld [tilespmem:s11+$0x10080];
	v8 =	vcvt.f32.s32 v8  }
0x20c: {  	v10 =	vand.u32 $0x7FFFFFFF, v10;
	v6 =	vor.u32 v1, v6;
	v9 =	vtrunc.f32 v9  }
0x20d: {  	v10 =	vmul.f32 v10, v4;
	[tilespmem:v7+s4+$0x0] =	vst.idx.add.f32.msk $0xffff, v2;
	v7 =	vcvt.f32.s32 v9;
	v8 =	vshll.u32 v8, $0x4  }
0x20e: {  	v9 =	vand.u32 $0x7FFFFFFF, v11;
	v11 =	vld [tilespmem:s29+$0x10080];
	v8 =	vor.u32 v1, v8  }
0x20f: {  	v9 =	vmul.f32 v9, v4;
	v10 =	vtrunc.f32 v10;
	[tilespmem:v5+s4+$0x0] =	vst.idx.add.f32.msk $0xffff, v2;
	v5 =	vshll.u32 v7, $0x4  }
0x210: {  	v7 =	vcvt.f32.s32 v10;
	v13 =	vand.u32 $0x7FFFFFFF, v13;
	v10 =	vand.u32 $0x7FFFFFFF, v12  }
0x211: {  	v12 =	vld [tilespmem:s26+$0x10190];
	v5 =	vor.u32 v1, v5;
	v9 =	vtrunc.f32 v9;
	v10 =	vmul.f32 v10, v4  }
0x212: {  	[tilespmem:v6+s4+$0x0] =	vst.idx.add.f32.msk $0xffff, v2;
	v6 =	vcvt.f32.s32 v9;
	v7 =	vshll.u32 v7, $0x4;
	v9 =	vmul.f32 v13, v4  }
0x213: {  	s30 =	simm.s32 $0x1;
	v13 =	vld [tilespmem:s26+$0x10180];
	v7 =	vor.u32 v1, v7;
	v11 =	vand.u32 $0x7FFFFFFF, v11;
	v10 =	vtrunc.f32 v10  }
0x214: {  	s19 =	sand.u32 $0x3, s30;
	[tilespmem:v8+s4+$0x0] =	vst.idx.add.f32.msk $0xffff, v2;
	v6 =	vshll.u32 v6, $0x4;
	v9 =	vtrunc.f32 v9;
	v8 =	vcvt.f32.s32 v10  }
0x215: {  	s0 =	sshll.u32 s19, $0x5;
	v10 =	vmul.f32 v11, v4;
	v11 =	vld [tilespmem:s31+$0x10290];
	v6 =	vor.u32 v1, v6;
	v9 =	vcvt.f32.s32 v9  }
0x216: {  	s0 =	sadd.s32 $0x100, s0;
	v12 =	vand.u32 $0x7FFFFFFF, v12;
	[tilespmem:v5+s4+$0x0] =	vst.idx.add.f32.msk $0xffff, v2;
	v5 =	vshll.u32 v8, $0x4  }
0x217: {  	s3 =	sadd.s32 $0x10, s0;
	v8 =	vtrunc.f32 v10;
	v10 =	vmul.f32 v12, v4;
	v12 =	vld [tilespmem:s31+$0x10280];
	v9 =	vshll.u32 v9, $0x4  }
0x218: {  	s18 =	sor.u32 $0x300, s3;
	v13 =	vand.u32 $0x7FFFFFFF, v13;
	v5 =	vor.u32 v1, v5;
	v8 =	vcvt.f32.s32 v8;
	[tilespmem:v7+s4+$0x0] =	vst.idx.add.f32.msk $0xffff, v2  }
0x219: {  	v7 =	vor.u32 v1, v9;
	v9 =	vmul.f32 v13, v4;
	v10 =	vtrunc.f32 v10;
	v13 =	vld [tilespmem:s18+$0x10080]  }
0x21a: {  	s19 =	sor.u32 $0x300, s0;
	v8 =	vshll.u32 v8, $0x4;
	v10 =	vcvt.f32.s32 v10;
	v11 =	vand.u32 $0x7FFFFFFF, v11;
	[tilespmem:v6+s4+$0x0] =	vst.idx.add.f32.msk $0xffff, v2  }
0x21b: {  	s2 =	sor.u32 $0x380, s2;
	v6 =	vor.u32 v1, v8;
	v8 =	vtrunc.f32 v9;
	v9 =	vmul.f32 v11, v4;
	v11 =	vld [tilespmem:s19+$0x10080]  }
0x21c: {  	v14 =	vld [tilespmem:s2+$0x10080];
	v8 =	vcvt.f32.s32 v8;
	v10 =	vshll.u32 v10, $0x4;
	v12 =	vand.u32 $0x7FFFFFFF, v12  }
0x21d: {  	[tilespmem:v5+s4+$0x0] =	vst.idx.add.f32.msk $0xffff, v2;
	v5 =	vor.u32 v1, v10;
	v10 =	vmul.f32 v12, v4;
	v9 =	vtrunc.f32 v9  }
0x21e: {  	[tilespmem:v7+s4+$0x0] =	vst.idx.add.f32.msk $0xffff, v2;
	v7 =	vshll.u32 v8, $0x4;
	v8 =	vcvt.f32.s32 v9;
	v9 =	vand.u32 $0x7FFFFFFF, v13  }
0x21f: {  	v12 =	vld [tilespmem:s29+$0x10110];
	v7 =	vor.u32 v1, v7;
	v10 =	vtrunc.f32 v10;
	v9 =	vmul.f32 v9, v4  }
0x220: {  	[tilespmem:v6+s4+$0x0] =	vst.idx.add.f32.msk $0xffff, v2;
	v6 =	vcvt.f32.s32 v10;
	v8 =	vshll.u32 v8, $0x4;
	v10 =	vand.u32 $0x7FFFFFFF, v11  }
0x221: {  	v11 =	vld [tilespmem:s29+$0x10100];
	v8 =	vor.u32 v1, v8;
	v10 =	vmul.f32 v10, v4;
	v9 =	vtrunc.f32 v9  }
0x222: {  	[tilespmem:v5+s4+$0x0] =	vst.idx.add.f32.msk $0xffff, v2;
	v5 =	vshll.u32 v6, $0x4;
	v6 =	vcvt.f32.s32 v9;
	v9 =	vand.u32 $0x7FFFFFFF, v14  }
0x223: {  	v13 =	vld [tilespmem:s26+$0x10210];
	v5 =	vor.u32 v1, v5;
	v10 =	vtrunc.f32 v10;
	v9 =	vmul.f32 v9, v4  }
0x224: {  	v12 =	vand.u32 $0x7FFFFFFF, v12;
	[tilespmem:v7+s4+$0x0] =	vst.idx.add.f32.msk $0xffff, v2;
	v7 =	vcvt.f32.s32 v10;
	v6 =	vshll.u32 v6, $0x4  }
0x225: {  	v10 =	vmul.f32 v12, v4;
	v14 =	vld [tilespmem:s26+$0x10200];
	v15 =	vor.u32 v1, v6;
	v6 =	vtrunc.f32 v9  }
0x226: {  	v9 =	vand.u32 $0x7FFFFFFF, v11;
	[tilespmem:v8+s4+$0x0] =	vst.idx.add.f32.msk $0xffff, v2;
	v8 =	vshll.u32 v7, $0x4;
	v11 =	vcvt.f32.s32 v6  }
0x227: {  	v10 =	vtrunc.f32 v10;
	v9 =	vmul.f32 v9, v4;
	v7 =	vld [tilespmem:s31+$0x10310];
	v6 =	vor.u32 v1, v8  }
0x228: {  	v10 =	vcvt.f32.s32 v10;
	v8 =	vand.u32 $0x7FFFFFFF, v13;
	[tilespmem:v5+s4+$0x0] =	vst.idx.add.f32.msk $0xffff, v2;
	v5 =	vshll.u32 v11, $0x4  }
0x229: {  	s0 =	sor.u32 $0x380, s0;
	s11 =	simm.s32 $0xA0;
	v11 =	vtrunc.f32 v9;
	v9 =	vmul.f32 v8, v4;
	v8 =	vld [tilespmem:s31+$0x10300];
	v5 =	vor.u32 v1, v5  }
0x22a: {  	s17 =	sor.u32 $0x380, s3;
	s2 =	simm.s32 $0x8;
	v12 =	vshll.u32 v10, $0x4;
	s31 =	simm.s32 $0x500;
	v11 =	vcvt.f32.s32 v11;
	v10 =	vand.u32 $0x7FFFFFFF, v14;
	[tilespmem:v15+s4+$0x0] =	vst.idx.add.f32.msk $0xffff, v2  }
.LBB2_7:
0x22b: {  	s18 =	sand.u32 $0x60, s11;
	s19 =	sand.u32 $0x7C00, s31;
	s2 =	sadd.s32 $0x2, s2;
	v12 =	vor.u32 v1, v12;
	v10 =	vmul.f32 v10, v4;
	v9 =	vtrunc.f32 v9;
	v13 =	vld [tilespmem:s17+$0x10080]  }
0x22c: {  	s17 =	sor.u32 s18, s19;
	p0 =	slt.u32 s2, $0xFE;
	v11 =	vshll.u32 v11, $0x4;
	v9 =	vcvt.f32.s32 v9;
	v7 =	vand.u32 $0x7FFFFFFF, v7;
	[tilespmem:v6+s4+$0x0] =	vst.idx.add.f32.msk $0xffff, v2  }
0x22d: {  	v6 =	vld [tilespmem:s17+$0x10090];
	v11 =	vor.u32 v1, v11;
	v10 =	vtrunc.f32 v10;
	v7 =	vmul.f32 v7, v4  }
0x22e: {  	v14 =	vld [tilespmem:s17+$0x10080];
	v10 =	vcvt.f32.s32 v10;
	v9 =	vshll.u32 v9, $0x4;
	v8 =	vand.u32 $0x7FFFFFFF, v8  }
0x22f: {  	v9 =	vor.u32 v1, v9;
	v8 =	vmul.f32 v8, v4;
	v7 =	vtrunc.f32 v7;
	v15 =	vld [tilespmem:s0+$0x10080]  }
0x230: {  	[tilespmem:v12+s4+$0x0] =	vst.idx.add.f32.msk $0xffff, v2;
	v10 =	vshll.u32 v10, $0x4;
	v7 =	vcvt.f32.s32 v7;
	v12 =	vand.u32 $0x7FFFFFFF, v13  }
0x231: {  	v13 =	vld [tilespmem:s29+$0x10190];
	v10 =	vor.u32 v1, v10;
	v8 =	vtrunc.f32 v8;
	v12 =	vmul.f32 v12, v4  }
0x232: {  	v6 =	vand.u32 $0x7FFFFFFF, v6;
	[tilespmem:v11+s4+$0x0] =	vst.idx.add.f32.msk $0xffff, v2;
	v8 =	vcvt.f32.s32 v8;
	v7 =	vshll.u32 v7, $0x4  }
0x233: {  	s30 =	sadd.s32 $0x1, s30;
	v6 =	vmul.f32 v6, v4;
	v11 =	vld [tilespmem:s29+$0x10180];
	v7 =	vor.u32 v1, v7;
	v12 =	vtrunc.f32 v12  }
0x234: {  	s0 =	sand.u32 $0x3, s30;
	v14 =	vand.u32 $0x7FFFFFFF, v14;
	[tilespmem:v9+s4+$0x0] =	vst.idx.add.f32.msk $0xffff, v2;
	v8 =	vshll.u32 v8, $0x4;
	v9 =	vcvt.f32.s32 v12  }
0x235: {  	s0 =	sshll.u32 s0, $0x5;
	v12 =	vmul.f32 v14, v4;
	v6 =	vtrunc.f32 v6;
	v14 =	vld [tilespmem:s26+$0x10290];
	v8 =	vor.u32 v1, v8  }
0x236: {  	s18 =	sadd.s32 s0, s24;
	s24 =	smov.u32 s25;
	s25 =	smov.u32 s28;
	v6 =	vcvt.f32.s32 v6;
	v13 =	vand.u32 $0x7FFFFFFF, v13;
	[tilespmem:v10+s4+$0x0] =	vst.idx.add.f32.msk $0xffff, v2;
	v9 =	vshll.u32 v9, $0x4  }
0x237: {  	s19 =	sor.u32 $0x300, s18;
	s0 =	sor.u32 $0x380, s18;
	s18 =	sadd.s32 $0x10, s18;
	v10 =	vtrunc.f32 v12;
	v12 =	vmul.f32 v13, v4;
	v13 =	vld [tilespmem:s26+$0x10280];
	v9 =	vor.u32 v1, v9  }
0x238: {  	s28 =	smov.u32 s31;
	s3 =	sor.u32 $0x300, s18;
	v10 =	vcvt.f32.s32 v10;
	v6 =	vshll.u32 v6, $0x4;
	v11 =	vand.u32 $0x7FFFFFFF, v11;
	[tilespmem:v7+s4+$0x0] =	vst.idx.add.f32.msk $0xffff, v2  }
0x239: {  	v6 =	vor.u32 v1, v6;
	v7 =	vmul.f32 v11, v4;
	v11 =	vtrunc.f32 v12;
	v12 =	vld [tilespmem:s3+$0x10080]  }
0x23a: {  	v10 =	vshll.u32 v10, $0x4;
	v11 =	vcvt.f32.s32 v11;
	v14 =	vand.u32 $0x7FFFFFFF, v14;
	[tilespmem:v8+s4+$0x0] =	vst.idx.add.f32.msk $0xffff, v2  }
0x23b: {  	v8 =	vor.u32 v1, v10;
	v7 =	vtrunc.f32 v7;
	v10 =	vmul.f32 v14, v4;
	v14 =	vld [tilespmem:s19+$0x10080]  }
0x23c: {  	v7 =	vcvt.f32.s32 v7;
	v11 =	vshll.u32 v11, $0x4;
	v13 =	vand.u32 $0x7FFFFFFF, v13;
	[tilespmem:v9+s4+$0x0] =	vst.idx.add.f32.msk $0xffff, v2  }
0x23d: {  	v9 =	vor.u32 v1, v11;
	v11 =	vmul.f32 v13, v4;
	v10 =	vtrunc.f32 v10;
	[tilespmem:v5+s4+$0x0] =	vst.idx.add.f32.msk $0xffff, v2  }
0x23e: {  	[tilespmem:v6+s4+$0x0] =	vst.idx.add.f32.msk $0xffff, v2;
	v5 =	vshll.u32 v7, $0x4;
	v6 =	vcvt.f32.s32 v10;
	v7 =	vand.u32 $0x7FFFFFFF, v12  }
0x23f: {  	v10 =	vld [tilespmem:s17+$0x10110];
	v5 =	vor.u32 v1, v5;
	v11 =	vtrunc.f32 v11;
	v7 =	vmul.f32 v7, v4  }
0x240: {  	[tilespmem:v8+s4+$0x0] =	vst.idx.add.f32.msk $0xffff, v2;
	v8 =	vcvt.f32.s32 v11;
	v6 =	vshll.u32 v6, $0x4;
	v11 =	vand.u32 $0x7FFFFFFF, v14  }
0x241: {  	v12 =	vld [tilespmem:s17+$0x10100];
	v6 =	vor.u32 v1, v6;
	v11 =	vmul.f32 v11, v4;
	v7 =	vtrunc.f32 v7  }
0x242: {  	[tilespmem:v9+s4+$0x0] =	vst.idx.add.f32.msk $0xffff, v2;
	v8 =	vshll.u32 v8, $0x4;
	v7 =	vcvt.f32.s32 v7;
	v9 =	vand.u32 $0x7FFFFFFF, v15  }
0x243: {  	v13 =	vld [tilespmem:s29+$0x10210];
	v8 =	vor.u32 v1, v8;
	v11 =	vtrunc.f32 v11;
	v9 =	vmul.f32 v9, v4  }
0x244: {  	v10 =	vand.u32 $0x7FFFFFFF, v10;
	[tilespmem:v5+s4+$0x0] =	vst.idx.add.f32.msk $0xffff, v2;
	v5 =	vcvt.f32.s32 v11;
	v7 =	vshll.u32 v7, $0x4  }
0x245: {  	v10 =	vmul.f32 v10, v4;
	v14 =	vld [tilespmem:s29+$0x10200];
	v15 =	vor.u32 v1, v7;
	v7 =	vtrunc.f32 v9  }
.Ltmp4:
0x246: {  	v9 =	vand.u32 $0x7FFFFFFF, v12;
	[tilespmem:v6+s4+$0x0] =	vst.idx.add.f32.msk $0xffff, v2;
	v5 =	vshll.u32 v5, $0x4;
	v11 =	vcvt.f32.s32 v7;
	(pc) =	sbr.rel @p0 .LBB2_7-.Ltmp4, $4  }
0x247: {  	v9 =	vmul.f32 v9, v4;
	v10 =	vtrunc.f32 v10;
	v7 =	vld [tilespmem:s26+$0x10310];
	v6 =	vor.u32 v1, v5  }
0x248: {  	v10 =	vcvt.f32.s32 v10;
	v5 =	vand.u32 $0x7FFFFFFF, v13;
	[tilespmem:v8+s4+$0x0] =	vst.idx.add.f32.msk $0xffff, v2;
	v11 =	vshll.u32 v11, $0x4  }
0x249: {  	v12 =	vtrunc.f32 v9;
	v9 =	vmul.f32 v5, v4;
	v8 =	vld [tilespmem:s26+$0x10300];
	v5 =	vor.u32 v1, v11;
	s26 =	smov.u32 s29;
	s29 =	smov.u32 s17  }
0x24a: {  	s11 =	sadd.s32 $0x20, s11;
	s31 =	sadd.s32 $0x100, s31;
	s17 =	sor.u32 $0x380, s18;
	v11 =	vcvt.f32.s32 v12;
	v12 =	vshll.u32 v10, $0x4;
	v10 =	vand.u32 $0x7FFFFFFF, v14;
	[tilespmem:v15+s4+$0x0] =	vst.idx.add.f32.msk $0xffff, v2  }
0x24b: {  	v12 =	vor.u32 v1, v12  }
0x24c: {  	v11 =	vshll.u32 v11, $0x4  }
0x24d: {  	v11 =	vor.u32 v1, v11;
	_ =	sdelay $0x2  }
0x24e: {  	[tilespmem:v12+s4+$0x0] =	vst.idx.add.f32.msk $0xffff, v2  }
0x24f: {  	v12 =	vld [tilespmem:s29+$0x10190]  }
0x250: {  	[tilespmem:v11+s4+$0x0] =	vst.idx.add.f32.msk $0xffff, v2  }
0x251: {  	v11 =	vld [tilespmem:s29+$0x10180];
	_ =	sdelay $0x2  }
0x252: {  	v12 =	vand.u32 $0x7FFFFFFF, v12  }
0x253: {  	v12 =	vmul.f32 v12, v4  }
0x254: {  	v11 =	vand.u32 $0x7FFFFFFF, v11  }
0x255: {  	v11 =	vmul.f32 v11, v4;
	v12 =	vtrunc.f32 v12  }
0x256: {  	v12 =	vcvt.f32.s32 v12  }
0x257: {  	v11 =	vtrunc.f32 v11  }
0x258: {  	v11 =	vcvt.f32.s32 v11;
	v12 =	vshll.u32 v12, $0x4  }
0x259: {  	v12 =	vor.u32 v1, v12  }
0x25a: {  	v11 =	vshll.u32 v11, $0x4  }
0x25b: {  	v11 =	vor.u32 v1, v11  }
0x25c: {  	v10 =	vmul.f32 v10, v4;
	_ =	sdelay $0x1  }
0x25d: {  	v10 =	vtrunc.f32 v10;
	[tilespmem:v12+s4+$0x0] =	vst.idx.add.f32.msk $0xffff, v2  }
0x25e: {  	v10 =	vcvt.f32.s32 v10;
	v12 =	vld [tilespmem:s29+$0x10210]  }
0x25f: {  	[tilespmem:v11+s4+$0x0] =	vst.idx.add.f32.msk $0xffff, v2  }
0x260: {  	v10 =	vshll.u32 v10, $0x4;
	v11 =	vld [tilespmem:s29+$0x10200]  }
0x261: {  	v10 =	vor.u32 v1, v10;
	_ =	sdelay $0x1  }
0x262: {  	v9 =	vtrunc.f32 v9;
	v12 =	vand.u32 $0x7FFFFFFF, v12  }
0x263: {  	v9 =	vcvt.f32.s32 v9;
	v12 =	vmul.f32 v12, v4  }
0x264: {  	v11 =	vand.u32 $0x7FFFFFFF, v11  }
0x265: {  	v9 =	vshll.u32 v9, $0x4;
	[tilespmem:v10+s4+$0x0] =	vst.idx.add.f32.msk $0xffff, v2;
	v11 =	vmul.f32 v11, v4;
	v12 =	vtrunc.f32 v12  }
0x266: {  	v9 =	vor.u32 v1, v9;
	v10 =	vld [tilespmem:s26+$0x10280];
	v12 =	vcvt.f32.s32 v12  }
0x267: {  	v11 =	vtrunc.f32 v11  }
0x268: {  	v11 =	vcvt.f32.s32 v11;
	v12 =	vshll.u32 v12, $0x4  }
0x269: {  	v12 =	vor.u32 v1, v12  }
0x26a: {  	v32 =	vshll.u32 v11, $0x4  }
0x26b: {  	[tilespmem:v9+s4+$0x0] =	vst.idx.add.f32.msk $0xffff, v2;
	v10 =	vand.u32 $0x7FFFFFFF, v10;
	v9 =	vor.u32 v1, v32  }
0x26c: {  	v33 =	vld [tilespmem:s26+$0x10290];
	v10 =	vmul.f32 v10, v4;
	_ =	sdelay $0x1  }
0x26d: {  	v10 =	vtrunc.f32 v10;
	[tilespmem:v12+s4+$0x0] =	vst.idx.add.f32.msk $0xffff, v2  }
0x26e: {  	v10 =	vcvt.f32.s32 v10;
	v12 =	vld [tilespmem:s29+$0x10290]  }
0x26f: {  	[tilespmem:v9+s4+$0x0] =	vst.idx.add.f32.msk $0xffff, v2  }
0x270: {  	v7 =	vand.u32 $0x7FFFFFFF, v7;
	v10 =	vshll.u32 v10, $0x4;
	v11 =	vand.u32 $0x7FFFFFFF, v33;
	v35 =	vld [tilespmem:s29+$0x10280]  }
0x271: {  	v7 =	vmul.f32 v7, v4;
	v10 =	vor.u32 v1, v10;
	v34 =	vmul.f32 v11, v4;
	_ =	sdelay $0x1  }
0x272: {  	v7 =	vtrunc.f32 v7;
	v9 =	vtrunc.f32 v34;
	v12 =	vand.u32 $0x7FFFFFFF, v12  }
0x273: {  	v9 =	vcvt.f32.s32 v9;
	v12 =	vmul.f32 v12, v4  }
0x274: {  	v7 =	vcvt.f32.s32 v7;
	v11 =	vand.u32 $0x7FFFFFFF, v35  }
0x275: {  	[tilespmem:v10+s4+$0x0] =	vst.idx.add.f32.msk $0xffff, v2;
	v9 =	vshll.u32 v9, $0x4;
	v11 =	vmul.f32 v11, v4;
	v12 =	vtrunc.f32 v12  }
0x276: {  	v7 =	vshll.u32 v7, $0x4;
	v10 =	vld [tilespmem:s26+$0x10300];
	v9 =	vor.u32 v1, v9;
	v12 =	vcvt.f32.s32 v12  }
0x277: {  	v7 =	vor.u32 v1, v7;
	v11 =	vtrunc.f32 v11  }
0x278: {  	v11 =	vcvt.f32.s32 v11;
	v12 =	vshll.u32 v12, $0x4  }
0x279: {  	v8 =	vand.u32 $0x7FFFFFFF, v8;
	v12 =	vor.u32 v1, v12  }
0x27a: {  	v8 =	vmul.f32 v8, v4;
	v36 =	vshll.u32 v11, $0x4  }
0x27b: {  	v10 =	vand.u32 $0x7FFFFFFF, v10;
	[tilespmem:v9+s4+$0x0] =	vst.idx.add.f32.msk $0xffff, v2;
	v9 =	vor.u32 v1, v36  }
0x27c: {  	v8 =	vtrunc.f32 v8;
	[tilespmem:v7+s4+$0x0] =	vst.idx.add.f32.msk $0xffff, v2;
	v10 =	vmul.f32 v10, v4  }
0x27d: {  	v8 =	vcvt.f32.s32 v8;
	v37 =	vld [tilespmem:s26+$0x10310]  }
0x27e: {  	s3 =	sadd.s32 $0x1, s30;
	v10 =	vtrunc.f32 v10;
	[tilespmem:v12+s4+$0x0] =	vst.idx.add.f32.msk $0xffff, v2  }
0x27f: {  	s2 =	sand.u32 $0x3, s3;
	v8 =	vshll.u32 v8, $0x4;
	v10 =	vcvt.f32.s32 v10;
	v12 =	vld [tilespmem:s29+$0x10310]  }
0x280: {  	s2 =	sshll.u32 s2, $0x5;
	v8 =	vor.u32 v1, v8;
	[tilespmem:v9+s4+$0x0] =	vst.idx.add.f32.msk $0xffff, v2  }
0x281: {  	s2 =	sadd.s32 s2, s24;
	v7 =	vshll.u32 v10, $0x4;
	v39 =	vld [tilespmem:s29+$0x10300]  }
0x282: {  	s24 =	sadd.s32 $0x10, s2;
	v7 =	vor.u32 v1, v7;
	v11 =	vand.u32 $0x7FFFFFFF, v37  }
0x283: {  	s3 =	sadd.s32 $0x1, s3;
	s11 =	sor.u32 $0x300, s24;
	v38 =	vmul.f32 v11, v4  }
0x284: {  	s18 =	sand.u32 $0x3, s3;
	v41 =	vld [tilespmem:s11+$0x10080];
	v12 =	vand.u32 $0x7FFFFFFF, v12  }
0x285: {  	s18 =	sshll.u32 s18, $0x5;
	s19 =	sor.u32 $0x300, s2;
	[tilespmem:v8+s4+$0x0] =	vst.idx.add.f32.msk $0xffff, v2;
	v9 =	vtrunc.f32 v38;
	v12 =	vmul.f32 v12, v4  }
0x286: {  	s11 =	sadd.s32 s18, s25;
	v43 =	vld [tilespmem:s19+$0x10080];
	v9 =	vcvt.f32.s32 v9;
	v11 =	vand.u32 $0x7FFFFFFF, v39  }
0x287: {  	s19 =	sor.u32 $0x300, s11;
	[tilespmem:v7+s4+$0x0] =	vst.idx.add.f32.msk $0xffff, v2;
	v11 =	vmul.f32 v11, v4;
	v12 =	vtrunc.f32 v12  }
0x288: {  	v44 =	vld [tilespmem:s19+$0x10080];
	v9 =	vshll.u32 v9, $0x4;
	v40 =	vcvt.f32.s32 v12  }
0x289: {  	v9 =	vor.u32 v1, v9;
	v11 =	vtrunc.f32 v11  }
0x28a: {  	v42 =	vcvt.f32.s32 v11;
	v10 =	vshll.u32 v40, $0x4  }
0x28b: {  	s3 =	sadd.s32 $0x1, s3;
	v10 =	vor.u32 v1, v10  }
0x28c: {  	s3 =	sand.u32 $0x3, s3;
	v12 =	vand.u32 $0x7FFFFFFF, v41;
	v8 =	vshll.u32 v42, $0x4  }
0x28d: {  	[tilespmem:v6+s4+$0x0] =	vst.idx.add.f32.msk $0xffff, v2;
	s3 =	sshll.u32 s3, $0x5;
	s25 =	sadd.s32 $0x10, s11;
	v7 =	vmul.f32 v12, v4;
	v12 =	vand.u32 $0x7FFFFFFF, v44;
	v8 =	vor.u32 v1, v8  }
0x28e: {  	s18 =	sadd.s32 s3, s28;
	s26 =	sor.u32 $0x300, s25;
	[tilespmem:v9+s4+$0x0] =	vst.idx.add.f32.msk $0xffff, v2;
	v12 =	vmul.f32 v12, v4  }
0x28f: {  	s29 =	sadd.s32 $0x10, s18;
	v9 =	vld [tilespmem:s26+$0x10080];
	v7 =	vtrunc.f32 v7  }
0x290: {  	s30 =	sor.u32 $0x300, s29;
	v7 =	vcvt.f32.s32 v7;
	v12 =	vtrunc.f32 v12;
	[tilespmem:v10+s4+$0x0] =	vst.idx.add.f32.msk $0xffff, v2  }
0x291: {  	v6 =	vcvt.f32.s32 v12;
	v46 =	vld [tilespmem:s30+$0x10080]  }
0x292: {  	s31 =	sor.u32 $0x300, s18;
	v11 =	vand.u32 $0x7FFFFFFF, v43;
	v7 =	vshll.u32 v7, $0x4;
	[tilespmem:v8+s4+$0x0] =	vst.idx.add.f32.msk $0xffff, v2  }
0x293: {  	v45 =	vmul.f32 v11, v4;
	v7 =	vor.u32 v1, v7;
	v6 =	vshll.u32 v6, $0x4;
	v48 =	vld [tilespmem:s31+$0x10080]  }
0x294: {  	v9 =	vand.u32 $0x7FFFFFFF, v9;
	v6 =	vor.u32 v1, v6  }
0x295: {  	v47 =	vtrunc.f32 v45;
	v9 =	vmul.f32 v9, v4  }
0x296: {  	v8 =	vcvt.f32.s32 v47;
	v11 =	vand.u32 $0x7FFFFFFF, v46  }
0x297: {  	v13 =	vld [tilespmem:s17+$0x10080];
	v9 =	vtrunc.f32 v9;
	v11 =	vmul.f32 v11, v4  }
0x298: {  	v9 =	vcvt.f32.s32 v9;
	v8 =	vshll.u32 v8, $0x4;
	[tilespmem:v7+s4+$0x0] =	vst.idx.add.f32.msk $0xffff, v2;
	v10 =	vand.u32 $0x7FFFFFFF, v48  }
0x299: {  	s28 =	sor.u32 $0x380, s11;
	v8 =	vor.u32 v1, v8;
	[tilespmem:v6+s4+$0x0] =	vst.idx.add.f32.msk $0xffff, v2;
	v10 =	vmul.f32 v10, v4;
	v11 =	vtrunc.f32 v11  }
0x29a: {  	v9 =	vshll.u32 v9, $0x4;
	v57 =	vld [tilespmem:s28+$0x10080];
	v7 =	vcvt.f32.s32 v11  }
0x29b: {  	v49 =	vld [tilespmem:s0+$0x10080];
	v9 =	vor.u32 v1, v9;
	v10 =	vtrunc.f32 v10  }
0x29c: {  	s19 =	sor.u32 $0x380, s24;
	v51 =	vcvt.f32.s32 v10;
	v7 =	vshll.u32 v7, $0x4  }
0x29d: {  	v50 =	vld [tilespmem:s19+$0x10080];
	v7 =	vor.u32 v1, v7  }
0x29e: {  	s24 =	sor.u32 $0x380, s2;
	[tilespmem:v8+s4+$0x0] =	vst.idx.add.f32.msk $0xffff, v2;
	v8 =	vshll.u32 v51, $0x4  }
0x29f: {  	v52 =	vand.u32 $0x7FFFFFFF, v13;
	v53 =	vld [tilespmem:s24+$0x10080];
	v11 =	vand.u32 $0x7FFFFFFF, v57;
	v8 =	vor.u32 v1, v8  }
0x2a0: {  	v54 =	vand.u32 $0x7FFFFFFF, v49;
	s25 =	sor.u32 $0x380, s25;
	[tilespmem:v9+s4+$0x0] =	vst.idx.add.f32.msk $0xffff, v2;
	v10 =	vmul.f32 v52, v4;
	v11 =	vmul.f32 v11, v4  }
0x2a1: {  	v9 =	vmul.f32 v54, v4;
	v55 =	vld [tilespmem:s25+$0x10080]  }
0x2a2: {  	s29 =	sor.u32 $0x380, s29;
	v56 =	vand.u32 $0x7FFFFFFF, v50;
	v10 =	vtrunc.f32 v10;
	v11 =	vtrunc.f32 v11;
	[tilespmem:v7+s4+$0x0] =	vst.idx.add.f32.msk $0xffff, v2  }
0x2a3: {  	v6 =	vcvt.f32.s32 v10;
	v10 =	vmul.f32 v56, v4;
	v58 =	vld [tilespmem:s29+$0x10080]  }
0x2a4: {  	s30 =	sor.u32 $0x380, s18;
	v9 =	vtrunc.f32 v9;
	v11 =	vcvt.f32.s32 v11;
	[tilespmem:v8+s4+$0x0] =	vst.idx.add.f32.msk $0xffff, v2  }
0x2a5: {  	v13 =	vand.u32 $0x7FFFFFFF, v53;
	v6 =	vshll.u32 v6, $0x4;
	v10 =	vtrunc.f32 v10;
	v61 =	vld [tilespmem:s30+$0x10080]  }
0x2a6: {  	[tilespmem:v5+s4+$0x0] =	vst.idx.add.f32.msk $0xffff, v2;
	v60 =	vmul.f32 v13, v4;
	v12 =	vand.u32 $0x7FFFFFFF, v55;
	v5 =	vshll.u32 v11, $0x4  }
0x2a7: {  	v7 =	vcvt.f32.s32 v9;
	v59 =	vcvt.f32.s32 v10;
	v6 =	vor.u32 v1, v6  }
0x2a8: {  	v12 =	vmul.f32 v12, v4;
	v5 =	vor.u32 v1, v5;
	v10 =	vtrunc.f32 v60  }
0x2a9: {  	v7 =	vshll.u32 v7, $0x4;
	v8 =	vshll.u32 v59, $0x4;
	v9 =	vand.u32 $0x7FFFFFFF, v58  }
0x2aa: {  	v10 =	vcvt.f32.s32 v10;
	v9 =	vmul.f32 v9, v4;
	v13 =	vand.u32 $0x7FFFFFFF, v61  }
0x2ab: {  	v12 =	vtrunc.f32 v12;
	v7 =	vor.u32 v1, v7;
	v13 =	vmul.f32 v13, v4  }
0x2ac: {  	v8 =	vor.u32 v1, v8;
	v12 =	vcvt.f32.s32 v12;
	v9 =	vtrunc.f32 v9  }
0x2ad: {  	v10 =	vshll.u32 v10, $0x4;
	v9 =	vcvt.f32.s32 v9;
	v13 =	vtrunc.f32 v13  }
0x2ae: {  	v12 =	vshll.u32 v12, $0x4;
	[tilespmem:v6+s4+$0x0] =	vst.idx.add.f32.msk $0xffff, v2;
	v6 =	vor.u32 v1, v10;
	v62 =	vcvt.f32.s32 v13  }
0x2af: {  	v12 =	vor.u32 v1, v12;
	v9 =	vshll.u32 v9, $0x4  }
0x2b0: {  	[tilespmem:v5+s4+$0x0] =	vst.idx.add.f32.msk $0xffff, v2;
	v9 =	vor.u32 v1, v9;
	v63 =	vshll.u32 v62, $0x4  }
0x2b1: {  	s22 =	sadd.s32 $0x1, s22;
	[tilespmem:v7+s4+$0x0] =	vst.idx.add.f32.msk $0xffff, v2;
	v7 =	vor.u32 v1, v63  }
0x2b2: {  	p0 =	sne.s32 s22, $0xF;
	[tilespmem:v8+s4+$0x0] =	vst.idx.add.f32.msk $0xffff, v2  }
.Ltmp5:
0x2b3: {  	[tilespmem:v6+s4+$0x0] =	vst.idx.add.f32.msk $0xffff, v2;
	(pc) =	sbr.rel @p0 .LBB2_4-.Ltmp5, $4  }
0x2b4: {  	s31 =	sadd.s32 s23, s8;
	[tilespmem:v12+s4+$0x0] =	vst.idx.add.f32.msk $0xffff, v2  }
0x2b5: {  	s0 =	sshll.u32 s31, $0x9;
	[tilespmem:v9+s4+$0x0] =	vst.idx.add.f32.msk $0xffff, v2  }
0x2b6: {  	s0 =	sadd.s32 s1, s0;
	[tilespmem:v7+s4+$0x0] =	vst.idx.add.f32.msk $0xffff, v2  }
0x2b7: {  	[tilespmem:s14], [sflag:$0x2] =	stream.linear.gather [hbm4b:s0+s4], $0x8000, $0x38;
	[tilespmem:$0x19880] =	vst v63  }
0x2b8: {  	_ =	swait.ge [sflag:s15], $0x8000;
	s24 =	simm.s32 $0x0  }
0x2b9: {  	[sflag:s15] =	ssyncset.done $0x0;
	s0 =	sand.u32 $0x60, s24;
	s2 =	sand.u32 $0x7C00, s24  }
0x2ba: {  	[sflag:s15] =	ssyncadd.s32 $0xFFFF8000;
	s2 =	sor.u32 s0, s2  }
0x2bb: {  	v5 =	vld [tilespmem:s2+$0x8090];
	_ =	sdelay $0x3  }
0x2bc: {  	v6 =	vld [tilespmem:s2+$0x8080]  }
0x2bd: {  	v5 =	vand.u32 $0x7FFFFFFF, v5  }
0x2be: {  	v5 =	vmul.f32 v5, v4;
	_ =	sdelay $0x1  }
0x2bf: {  	v5 =	vtrunc.f32 v5  }
0x2c0: {  	v6 =	vand.u32 $0x7FFFFFFF, v6;
	v5 =	vcvt.f32.s32 v5  }
0x2c1: {  	v6 =	vmul.f32 v6, v4  }
0x2c2: {  	v5 =	vshll.u32 v5, $0x4  }
0x2c3: {  	v6 =	vtrunc.f32 v6;
	v5 =	vor.u32 v1, v5  }
0x2c4: {  	v6 =	vcvt.f32.s32 v6;
	_ =	sdelay $0x1  }
0x2c5: {  	v6 =	vshll.u32 v6, $0x4  }
0x2c6: {  	v6 =	vor.u32 v1, v6  }
0x2c7: {  	[tilespmem:v5+s4+$0x0] =	vst.idx.add.f32.msk $0xffff, v2  }
0x2c8: {  	v5 =	vld [tilespmem:s2+$0x8110];
	_ =	sdelay $0x2  }
0x2c9: {  	[tilespmem:v6+s4+$0x0] =	vst.idx.add.f32.msk $0xffff, v2  }
0x2ca: {  	v6 =	vld [tilespmem:s2+$0x8100]  }
0x2cb: {  	v5 =	vand.u32 $0x7FFFFFFF, v5  }
0x2cc: {  	v5 =	vmul.f32 v5, v4;
	_ =	sdelay $0x1  }
0x2cd: {  	v5 =	vtrunc.f32 v5  }
0x2ce: {  	v6 =	vand.u32 $0x7FFFFFFF, v6;
	v5 =	vcvt.f32.s32 v5  }
0x2cf: {  	v6 =	vmul.f32 v6, v4  }
0x2d0: {  	s22 =	simm.s32 $0x100;
	s3 =	simm.s32 $0x20;
	v5 =	vshll.u32 v5, $0x4  }
0x2d1: {  	s3 =	sand.u32 $0x60, s3;
	s0 =	sand.u32 $0x7C00, s22;
	v6 =	vtrunc.f32 v6;
	v5 =	vor.u32 v1, v5  }
0x2d2: {  	s0 =	sor.u32 s3, s0;
	v6 =	vcvt.f32.s32 v6  }
0x2d3: {  	v7 =	vld [tilespmem:s0+$0x8090]  }
0x2d4: {  	v6 =	vshll.u32 v6, $0x4  }
0x2d5: {  	v8 =	vld [tilespmem:s0+$0x8080];
	v6 =	vor.u32 v1, v6  }
0x2d6: {  	[tilespmem:v5+s4+$0x0] =	vst.idx.add.f32.msk $0xffff, v2  }
0x2d7: {  	v5 =	vld [tilespmem:s2+$0x8190]  }
0x2d8: {  	v7 =	vand.u32 $0x7FFFFFFF, v7  }
0x2d9: {  	v7 =	vmul.f32 v7, v4  }
0x2da: {  	[tilespmem:v6+s4+$0x0] =	vst.idx.add.f32.msk $0xffff, v2;
	v6 =	vand.u32 $0x7FFFFFFF, v8  }
0x2db: {  	v7 =	vtrunc.f32 v7;
	v8 =	vld [tilespmem:s2+$0x8180];
	v6 =	vmul.f32 v6, v4  }
0x2dc: {  	v7 =	vcvt.f32.s32 v7;
	v5 =	vand.u32 $0x7FFFFFFF, v5  }
0x2dd: {  	v6 =	vtrunc.f32 v6;
	v5 =	vmul.f32 v5, v4  }
0x2de: {  	v7 =	vshll.u32 v7, $0x4;
	v6 =	vcvt.f32.s32 v6  }
0x2df: {  	v7 =	vor.u32 v1, v7;
	v5 =	vtrunc.f32 v5  }
0x2e0: {  	v8 =	vand.u32 $0x7FFFFFFF, v8;
	v6 =	vshll.u32 v6, $0x4;
	v5 =	vcvt.f32.s32 v5  }
0x2e1: {  	v8 =	vmul.f32 v8, v4;
	v6 =	vor.u32 v1, v6  }
0x2e2: {  	v5 =	vshll.u32 v5, $0x4  }
0x2e3: {  	v8 =	vtrunc.f32 v8;
	v5 =	vor.u32 v1, v5  }
0x2e4: {  	[tilespmem:v7+s4+$0x0] =	vst.idx.add.f32.msk $0xffff, v2;
	v8 =	vcvt.f32.s32 v8  }
0x2e5: {  	v7 =	vld [tilespmem:s0+$0x8110]  }
0x2e6: {  	v8 =	vshll.u32 v8, $0x4;
	[tilespmem:v6+s4+$0x0] =	vst.idx.add.f32.msk $0xffff, v2  }
0x2e7: {  	v6 =	vor.u32 v1, v8;
	v8 =	vld [tilespmem:s0+$0x8100]  }
0x2e8: {  	[tilespmem:v5+s4+$0x0] =	vst.idx.add.f32.msk $0xffff, v2  }
0x2e9: {  	v5 =	vld [tilespmem:s2+$0x8210]  }
0x2ea: {  	v7 =	vand.u32 $0x7FFFFFFF, v7  }
0x2eb: {  	v7 =	vmul.f32 v7, v4  }
0x2ec: {  	[tilespmem:v6+s4+$0x0] =	vst.idx.add.f32.msk $0xffff, v2;
	v6 =	vand.u32 $0x7FFFFFFF, v8  }
0x2ed: {  	v7 =	vtrunc.f32 v7;
	v8 =	vld [tilespmem:s2+$0x8200];
	v6 =	vmul.f32 v6, v4  }
0x2ee: {  	v7 =	vcvt.f32.s32 v7;
	v5 =	vand.u32 $0x7FFFFFFF, v5  }
0x2ef: {  	v6 =	vtrunc.f32 v6;
	v5 =	vmul.f32 v5, v4  }
0x2f0: {  	s21 =	simm.s32 $0x200;
	s23 =	simm.s32 $0x40;
	v7 =	vshll.u32 v7, $0x4;
	v6 =	vcvt.f32.s32 v6  }
0x2f1: {  	s11 =	sand.u32 $0x7C00, s21;
	s3 =	sand.u32 $0x60, s23;
	v7 =	vor.u32 v1, v7;
	v5 =	vtrunc.f32 v5  }
0x2f2: {  	s28 =	sor.u32 s3, s11;
	v8 =	vand.u32 $0x7FFFFFFF, v8;
	v6 =	vshll.u32 v6, $0x4;
	v5 =	vcvt.f32.s32 v5  }
0x2f3: {  	v9 =	vld [tilespmem:s28+$0x8090];
	v8 =	vmul.f32 v8, v4;
	v6 =	vor.u32 v1, v6  }
0x2f4: {  	v5 =	vshll.u32 v5, $0x4  }
0x2f5: {  	v10 =	vld [tilespmem:s28+$0x8080];
	v8 =	vtrunc.f32 v8;
	v5 =	vor.u32 v1, v5  }
0x2f6: {  	[tilespmem:v7+s4+$0x0] =	vst.idx.add.f32.msk $0xffff, v2;
	v8 =	vcvt.f32.s32 v8  }
0x2f7: {  	v7 =	vld [tilespmem:s0+$0x8190]  }
0x2f8: {  	v9 =	vand.u32 $0x7FFFFFFF, v9;
	v8 =	vshll.u32 v8, $0x4;
	[tilespmem:v6+s4+$0x0] =	vst.idx.add.f32.msk $0xffff, v2  }
0x2f9: {  	v6 =	vor.u32 v1, v8;
	v8 =	vmul.f32 v9, v4;
	v9 =	vld [tilespmem:s0+$0x8180]  }
0x2fa: {  	v10 =	vand.u32 $0x7FFFFFFF, v10;
	[tilespmem:v5+s4+$0x0] =	vst.idx.add.f32.msk $0xffff, v2  }
0x2fb: {  	v8 =	vtrunc.f32 v8;
	v5 =	vmul.f32 v10, v4;
	v10 =	vld [tilespmem:s2+$0x8290]  }
0x2fc: {  	v7 =	vand.u32 $0x7FFFFFFF, v7;
	v8 =	vcvt.f32.s32 v8  }
0x2fd: {  	v7 =	vmul.f32 v7, v4;
	v5 =	vtrunc.f32 v5  }
0x2fe: {  	[tilespmem:v6+s4+$0x0] =	vst.idx.add.f32.msk $0xffff, v2;
	v6 =	vshll.u32 v8, $0x4;
	v8 =	vand.u32 $0x7FFFFFFF, v9;
	v5 =	vcvt.f32.s32 v5  }
0x2ff: {  	v7 =	vtrunc.f32 v7;
	v9 =	vld [tilespmem:s2+$0x8280];
	v6 =	vor.u32 v1, v6;
	v8 =	vmul.f32 v8, v4  }
0x300: {  	v7 =	vcvt.f32.s32 v7;
	v5 =	vshll.u32 v5, $0x4;
	v10 =	vand.u32 $0x7FFFFFFF, v10  }
0x301: {  	v8 =	vtrunc.f32 v8;
	v5 =	vor.u32 v1, v5;
	v10 =	vmul.f32 v10, v4  }
0x302: {  	v7 =	vshll.u32 v7, $0x4;
	v8 =	vcvt.f32.s32 v8  }
0x303: {  	v7 =	vor.u32 v1, v7;
	v10 =	vtrunc.f32 v10  }
0x304: {  	v9 =	vand.u32 $0x7FFFFFFF, v9;
	[tilespmem:v6+s4+$0x0] =	vst.idx.add.f32.msk $0xffff, v2;
	v6 =	vshll.u32 v8, $0x4;
	v8 =	vcvt.f32.s32 v10  }
0x305: {  	v9 =	vmul.f32 v9, v4;
	v6 =	vor.u32 v1, v6;
	v10 =	vld [tilespmem:s28+$0x8110]  }
0x306: {  	[tilespmem:v5+s4+$0x0] =	vst.idx.add.f32.msk $0xffff, v2;
	v5 =	vshll.u32 v8, $0x4  }
0x307: {  	v8 =	vtrunc.f32 v9;
	v9 =	vld [tilespmem:s28+$0x8100];
	v5 =	vor.u32 v1, v5  }
0x308: {  	[tilespmem:v7+s4+$0x0] =	vst.idx.add.f32.msk $0xffff, v2;
	v8 =	vcvt.f32.s32 v8  }
0x309: {  	v7 =	vld [tilespmem:s0+$0x8210]  }
0x30a: {  	[tilespmem:v6+s4+$0x0] =	vst.idx.add.f32.msk $0xffff, v2;
	v8 =	vshll.u32 v8, $0x4;
	v10 =	vand.u32 $0x7FFFFFFF, v10  }
0x30b: {  	v6 =	vor.u32 v1, v8;
	v8 =	vmul.f32 v10, v4;
	v10 =	vld [tilespmem:s0+$0x8200]  }
0x30c: {  	v9 =	vand.u32 $0x7FFFFFFF, v9;
	[tilespmem:v5+s4+$0x0] =	vst.idx.add.f32.msk $0xffff, v2  }
0x30d: {  	v5 =	vmul.f32 v9, v4;
	v8 =	vtrunc.f32 v8;
	v9 =	vld [tilespmem:s2+$0x8310]  }
0x30e: {  	v7 =	vand.u32 $0x7FFFFFFF, v7;
	v8 =	vcvt.f32.s32 v8  }
0x30f: {  	v7 =	vmul.f32 v7, v4;
	v5 =	vtrunc.f32 v5  }
0x310: {  	s25 =	simm.s32 $0x60;
	s22 =	simm.s32 $0x300;
	[tilespmem:v6+s4+$0x0] =	vst.idx.add.f32.msk $0xffff, v2;
	v5 =	vcvt.f32.s32 v5;
	v6 =	vshll.u32 v8, $0x4;
	v8 =	vand.u32 $0x7FFFFFFF, v10  }
0x311: {  	s26 =	sand.u32 $0x60, s25;
	s29 =	sand.u32 $0x7C00, s22;
	v7 =	vtrunc.f32 v7;
	v10 =	vld [tilespmem:s2+$0x8300];
	v6 =	vor.u32 v1, v6;
	v8 =	vmul.f32 v8, v4  }
0x312: {  	s23 =	sor.u32 s26, s29;
	v7 =	vcvt.f32.s32 v7;
	v5 =	vshll.u32 v5, $0x4;
	v9 =	vand.u32 $0x7FFFFFFF, v9  }
0x313: {  	v11 =	vld [tilespmem:s23+$0x8090];
	v5 =	vor.u32 v1, v5;
	v8 =	vtrunc.f32 v8;
	v9 =	vmul.f32 v9, v4  }
0x314: {  	v7 =	vshll.u32 v7, $0x4;
	v8 =	vcvt.f32.s32 v8  }
0x315: {  	v12 =	vld [tilespmem:s23+$0x8080];
	v7 =	vor.u32 v1, v7;
	v9 =	vtrunc.f32 v9  }
0x316: {  	v10 =	vand.u32 $0x7FFFFFFF, v10;
	[tilespmem:v6+s4+$0x0] =	vst.idx.add.f32.msk $0xffff, v2;
	v6 =	vshll.u32 v8, $0x4;
	v8 =	vcvt.f32.s32 v9  }
0x317: {  	v9 =	vmul.f32 v10, v4;
	v10 =	vld [tilespmem:s28+$0x8190];
	v6 =	vor.u32 v1, v6  }
0x318: {  	v11 =	vand.u32 $0x7FFFFFFF, v11;
	[tilespmem:v5+s4+$0x0] =	vst.idx.add.f32.msk $0xffff, v2;
	v5 =	vshll.u32 v8, $0x4  }
0x319: {  	v8 =	vtrunc.f32 v9;
	v9 =	vmul.f32 v11, v4;
	v11 =	vld [tilespmem:s28+$0x8180];
	v5 =	vor.u32 v1, v5  }
0x31a: {  	s30 =	sand.u32 $0x3, s24;
	v12 =	vand.u32 $0x7FFFFFFF, v12;
	[tilespmem:v7+s4+$0x0] =	vst.idx.add.f32.msk $0xffff, v2;
	v8 =	vcvt.f32.s32 v8  }
0x31b: {  	v7 =	vmul.f32 v12, v4;
	v12 =	vld [tilespmem:s0+$0x8290];
	s2 =	sshll.u32 s30, $0x5;
	v9 =	vtrunc.f32 v9  }
0x31c: {  	s2 =	sadd.s32 $0x0, s2;
	v8 =	vshll.u32 v8, $0x4;
	v9 =	vcvt.f32.s32 v9;
	v10 =	vand.u32 $0x7FFFFFFF, v10;
	[tilespmem:v6+s4+$0x0] =	vst.idx.add.f32.msk $0xffff, v2  }
0x31d: {  	v7 =	vtrunc.f32 v7;
	s31 =	sadd.s32 $0x10, s2;
	v6 =	vor.u32 v1, v8;
	v8 =	vmul.f32 v10, v4;
	v10 =	vld [tilespmem:s0+$0x8280]  }
0x31e: {  	v7 =	vcvt.f32.s32 v7;
	s17 =	sor.u32 $0x300, s31;
	v9 =	vshll.u32 v9, $0x4;
	v11 =	vand.u32 $0x7FFFFFFF, v11;
	[tilespmem:v5+s4+$0x0] =	vst.idx.add.f32.msk $0xffff, v2  }
0x31f: {  	v5 =	vor.u32 v1, v9;
	v9 =	vmul.f32 v11, v4;
	v8 =	vtrunc.f32 v8;
	v11 =	vld [tilespmem:s17+$0x8080]  }
0x320: {  	v7 =	vshll.u32 v7, $0x4;
	v12 =	vand.u32 $0x7FFFFFFF, v12;
	v8 =	vcvt.f32.s32 v8  }
0x321: {  	v7 =	vor.u32 v1, v7;
	v12 =	vmul.f32 v12, v4;
	v9 =	vtrunc.f32 v9  }
0x322: {  	s18 =	sor.u32 $0x300, s2;
	[tilespmem:v6+s4+$0x0] =	vst.idx.add.f32.msk $0xffff, v2;
	v6 =	vcvt.f32.s32 v9;
	v8 =	vshll.u32 v8, $0x4;
	v9 =	vand.u32 $0x7FFFFFFF, v10  }
0x323: {  	v12 =	vtrunc.f32 v12;
	v10 =	vld [tilespmem:s18+$0x8080];
	v8 =	vor.u32 v1, v8;
	v9 =	vmul.f32 v9, v4  }
0x324: {  	[tilespmem:v5+s4+$0x0] =	vst.idx.add.f32.msk $0xffff, v2;
	v5 =	vshll.u32 v6, $0x4;
	v6 =	vcvt.f32.s32 v12;
	v11 =	vand.u32 $0x7FFFFFFF, v11  }
0x325: {  	v12 =	vld [tilespmem:s23+$0x8110];
	v5 =	vor.u32 v1, v5;
	v9 =	vtrunc.f32 v9;
	v11 =	vmul.f32 v11, v4  }
0x326: {  	[tilespmem:v7+s4+$0x0] =	vst.idx.add.f32.msk $0xffff, v2;
	v7 =	vcvt.f32.s32 v9;
	v6 =	vshll.u32 v6, $0x4  }
0x327: {  	v9 =	vld [tilespmem:s23+$0x8100];
	v6 =	vor.u32 v1, v6;
	v11 =	vtrunc.f32 v11  }
0x328: {  	v10 =	vand.u32 $0x7FFFFFFF, v10;
	[tilespmem:v8+s4+$0x0] =	vst.idx.add.f32.msk $0xffff, v2;
	v7 =	vshll.u32 v7, $0x4;
	v8 =	vcvt.f32.s32 v11  }
0x329: {  	v10 =	vmul.f32 v10, v4;
	v11 =	vld [tilespmem:s28+$0x8210];
	v7 =	vor.u32 v1, v7  }
0x32a: {  	v12 =	vand.u32 $0x7FFFFFFF, v12;
	[tilespmem:v5+s4+$0x0] =	vst.idx.add.f32.msk $0xffff, v2;
	v5 =	vshll.u32 v8, $0x4  }
0x32b: {  	v8 =	vtrunc.f32 v10;
	v10 =	vmul.f32 v12, v4;
	v12 =	vld [tilespmem:s28+$0x8200];
	v5 =	vor.u32 v1, v5  }
0x32c: {  	v9 =	vand.u32 $0x7FFFFFFF, v9;
	v8 =	vcvt.f32.s32 v8;
	[tilespmem:v6+s4+$0x0] =	vst.idx.add.f32.msk $0xffff, v2  }
0x32d: {  	v6 =	vmul.f32 v9, v4;
	v9 =	vtrunc.f32 v10;
	v10 =	vld [tilespmem:s0+$0x8310]  }
0x32e: {  	v8 =	vshll.u32 v8, $0x4;
	v9 =	vcvt.f32.s32 v9;
	v11 =	vand.u32 $0x7FFFFFFF, v11;
	[tilespmem:v7+s4+$0x0] =	vst.idx.add.f32.msk $0xffff, v2  }
0x32f: {  	v6 =	vtrunc.f32 v6;
	v7 =	vor.u32 v1, v8;
	v8 =	vmul.f32 v11, v4;
	v11 =	vld [tilespmem:s0+$0x8300]  }
0x330: {  	s19 =	simm.s32 $0x80;
	s24 =	simm.s32 $0x400;
	s25 =	sor.u32 $0x380, s31;
	v6 =	vcvt.f32.s32 v6;
	v9 =	vshll.u32 v9, $0x4;
	v12 =	vand.u32 $0x7FFFFFFF, v12;
	[tilespmem:v5+s4+$0x0] =	vst.idx.add.f32.msk $0xffff, v2  }
0x331: {  	s26 =	sand.u32 $0x7C00, s24;
	s0 =	sand.u32 $0x60, s19;
	v5 =	vor.u32 v1, v9;
	v9 =	vmul.f32 v12, v4;
	v8 =	vtrunc.f32 v8;
	v12 =	vld [tilespmem:s25+$0x8080]  }
0x332: {  	v6 =	vshll.u32 v6, $0x4;
	s25 =	sor.u32 s0, s26;
	v8 =	vcvt.f32.s32 v8;
	v10 =	vand.u32 $0x7FFFFFFF, v10  }
0x333: {  	v6 =	vor.u32 v1, v6;
	v13 =	vld [tilespmem:s25+$0x8090];
	v9 =	vtrunc.f32 v9;
	v10 =	vmul.f32 v10, v4  }
0x334: {  	[tilespmem:v7+s4+$0x0] =	vst.idx.add.f32.msk $0xffff, v2;
	v7 =	vcvt.f32.s32 v9;
	v8 =	vshll.u32 v8, $0x4;
	v9 =	vand.u32 $0x7FFFFFFF, v11  }
0x335: {  	v11 =	vld [tilespmem:s25+$0x8080];
	v8 =	vor.u32 v1, v8;
	v9 =	vmul.f32 v9, v4;
	v10 =	vtrunc.f32 v10  }
0x336: {  	[tilespmem:v5+s4+$0x0] =	vst.idx.add.f32.msk $0xffff, v2;
	v5 =	vshll.u32 v7, $0x4;
	v7 =	vcvt.f32.s32 v10;
	v10 =	vand.u32 $0x7FFFFFFF, v12  }
0x337: {  	v12 =	vld [tilespmem:s23+$0x8190];
	v5 =	vor.u32 v1, v5;
	v9 =	vtrunc.f32 v9;
	v10 =	vmul.f32 v10, v4  }
0x338: {  	[tilespmem:v6+s4+$0x0] =	vst.idx.add.f32.msk $0xffff, v2;
	v13 =	vand.u32 $0x7FFFFFFF, v13;
	v6 =	vcvt.f32.s32 v9;
	v7 =	vshll.u32 v7, $0x4  }
0x339: {  	s26 =	simm.s32 $0x1;
	v9 =	vmul.f32 v13, v4;
	v13 =	vld [tilespmem:s23+$0x8180];
	v7 =	vor.u32 v1, v7;
	v10 =	vtrunc.f32 v10  }
0x33a: {  	s29 =	sand.u32 $0x3, s26;
	v11 =	vand.u32 $0x7FFFFFFF, v11;
	[tilespmem:v8+s4+$0x0] =	vst.idx.add.f32.msk $0xffff, v2;
	v6 =	vshll.u32 v6, $0x4;
	v8 =	vcvt.f32.s32 v10  }
0x33b: {  	s0 =	sshll.u32 s29, $0x5;
	v10 =	vmul.f32 v11, v4;
	v9 =	vtrunc.f32 v9;
	v11 =	vld [tilespmem:s28+$0x8290];
	v6 =	vor.u32 v1, v6  }
0x33c: {  	s0 =	sadd.s32 $0x100, s0;
	v9 =	vcvt.f32.s32 v9;
	v12 =	vand.u32 $0x7FFFFFFF, v12;
	[tilespmem:v5+s4+$0x0] =	vst.idx.add.f32.msk $0xffff, v2;
	v5 =	vshll.u32 v8, $0x4  }
0x33d: {  	s17 =	sadd.s32 $0x10, s0;
	v8 =	vtrunc.f32 v10;
	v10 =	vmul.f32 v12, v4;
	v12 =	vld [tilespmem:s28+$0x8280];
	v5 =	vor.u32 v1, v5  }
0x33e: {  	s30 =	sor.u32 $0x300, s17;
	v8 =	vcvt.f32.s32 v8;
	v9 =	vshll.u32 v9, $0x4;
	v13 =	vand.u32 $0x7FFFFFFF, v13;
	[tilespmem:v7+s4+$0x0] =	vst.idx.add.f32.msk $0xffff, v2  }
0x33f: {  	v7 =	vor.u32 v1, v9;
	v9 =	vmul.f32 v13, v4;
	v10 =	vtrunc.f32 v10;
	v13 =	vld [tilespmem:s30+$0x8080]  }
0x340: {  	s31 =	sor.u32 $0x300, s0;
	v8 =	vshll.u32 v8, $0x4;
	v10 =	vcvt.f32.s32 v10;
	v11 =	vand.u32 $0x7FFFFFFF, v11;
	[tilespmem:v6+s4+$0x0] =	vst.idx.add.f32.msk $0xffff, v2  }
0x341: {  	s2 =	sor.u32 $0x380, s2;
	v6 =	vor.u32 v1, v8;
	v8 =	vtrunc.f32 v9;
	v9 =	vmul.f32 v11, v4;
	v11 =	vld [tilespmem:s31+$0x8080]  }
0x342: {  	v14 =	vld [tilespmem:s2+$0x8080];
	v8 =	vcvt.f32.s32 v8;
	v10 =	vshll.u32 v10, $0x4;
	v12 =	vand.u32 $0x7FFFFFFF, v12  }
0x343: {  	[tilespmem:v5+s4+$0x0] =	vst.idx.add.f32.msk $0xffff, v2;
	v5 =	vor.u32 v1, v10;
	v10 =	vmul.f32 v12, v4;
	v9 =	vtrunc.f32 v9  }
0x344: {  	[tilespmem:v7+s4+$0x0] =	vst.idx.add.f32.msk $0xffff, v2;
	v7 =	vshll.u32 v8, $0x4;
	v8 =	vcvt.f32.s32 v9;
	v9 =	vand.u32 $0x7FFFFFFF, v13  }
0x345: {  	v12 =	vld [tilespmem:s25+$0x8110];
	v7 =	vor.u32 v1, v7;
	v10 =	vtrunc.f32 v10;
	v9 =	vmul.f32 v9, v4  }
0x346: {  	[tilespmem:v6+s4+$0x0] =	vst.idx.add.f32.msk $0xffff, v2;
	v6 =	vcvt.f32.s32 v10;
	v8 =	vshll.u32 v8, $0x4;
	v10 =	vand.u32 $0x7FFFFFFF, v11  }
0x347: {  	v11 =	vld [tilespmem:s25+$0x8100];
	v8 =	vor.u32 v1, v8;
	v10 =	vmul.f32 v10, v4;
	v9 =	vtrunc.f32 v9  }
0x348: {  	[tilespmem:v5+s4+$0x0] =	vst.idx.add.f32.msk $0xffff, v2;
	v5 =	vshll.u32 v6, $0x4;
	v6 =	vcvt.f32.s32 v9;
	v9 =	vand.u32 $0x7FFFFFFF, v14  }
0x349: {  	v13 =	vld [tilespmem:s23+$0x8210];
	v5 =	vor.u32 v1, v5;
	v10 =	vtrunc.f32 v10;
	v9 =	vmul.f32 v9, v4  }
0x34a: {  	v12 =	vand.u32 $0x7FFFFFFF, v12;
	[tilespmem:v7+s4+$0x0] =	vst.idx.add.f32.msk $0xffff, v2;
	v7 =	vcvt.f32.s32 v10;
	v6 =	vshll.u32 v6, $0x4  }
0x34b: {  	v10 =	vmul.f32 v12, v4;
	v14 =	vld [tilespmem:s23+$0x8200];
	v15 =	vor.u32 v1, v6;
	v6 =	vtrunc.f32 v9  }
0x34c: {  	v9 =	vand.u32 $0x7FFFFFFF, v11;
	[tilespmem:v8+s4+$0x0] =	vst.idx.add.f32.msk $0xffff, v2;
	v8 =	vshll.u32 v7, $0x4;
	v11 =	vcvt.f32.s32 v6  }
0x34d: {  	v9 =	vmul.f32 v9, v4;
	v10 =	vtrunc.f32 v10;
	v7 =	vld [tilespmem:s28+$0x8310];
	v6 =	vor.u32 v1, v8  }
0x34e: {  	v10 =	vcvt.f32.s32 v10;
	v8 =	vand.u32 $0x7FFFFFFF, v13;
	[tilespmem:v5+s4+$0x0] =	vst.idx.add.f32.msk $0xffff, v2;
	v5 =	vshll.u32 v11, $0x4  }
0x34f: {  	s11 =	simm.s32 $0xA0;
	s2 =	simm.s32 $0x8;
	v11 =	vtrunc.f32 v9;
	v9 =	vmul.f32 v8, v4;
	v8 =	vld [tilespmem:s28+$0x8300];
	v5 =	vor.u32 v1, v5  }
0x350: {  	s0 =	sor.u32 $0x380, s0;
	s17 =	sor.u32 $0x380, s17;
	s28 =	simm.s32 $0x500;
	v11 =	vcvt.f32.s32 v11;
	v12 =	vshll.u32 v10, $0x4;
	v10 =	vand.u32 $0x7FFFFFFF, v14;
	[tilespmem:v15+s4+$0x0] =	vst.idx.add.f32.msk $0xffff, v2  }
.LBB2_10:
0x351: {  	s3 =	sand.u32 $0x60, s11;
	s18 =	sand.u32 $0x7C00, s28;
	s2 =	sadd.s32 $0x2, s2;
	v12 =	vor.u32 v1, v12;
	v10 =	vmul.f32 v10, v4;
	v9 =	vtrunc.f32 v9;
	v13 =	vld [tilespmem:s17+$0x8080]  }
0x352: {  	s17 =	sor.u32 s3, s18;
	p0 =	slt.u32 s2, $0xFE;
	v11 =	vshll.u32 v11, $0x4;
	v9 =	vcvt.f32.s32 v9;
	v7 =	vand.u32 $0x7FFFFFFF, v7;
	[tilespmem:v6+s4+$0x0] =	vst.idx.add.f32.msk $0xffff, v2  }
0x353: {  	v6 =	vld [tilespmem:s17+$0x8090];
	v11 =	vor.u32 v1, v11;
	v10 =	vtrunc.f32 v10;
	v7 =	vmul.f32 v7, v4  }
0x354: {  	v14 =	vld [tilespmem:s17+$0x8080];
	v10 =	vcvt.f32.s32 v10;
	v9 =	vshll.u32 v9, $0x4;
	v8 =	vand.u32 $0x7FFFFFFF, v8  }
0x355: {  	v9 =	vor.u32 v1, v9;
	v8 =	vmul.f32 v8, v4;
	v7 =	vtrunc.f32 v7;
	v15 =	vld [tilespmem:s0+$0x8080]  }
0x356: {  	[tilespmem:v12+s4+$0x0] =	vst.idx.add.f32.msk $0xffff, v2;
	v10 =	vshll.u32 v10, $0x4;
	v7 =	vcvt.f32.s32 v7;
	v12 =	vand.u32 $0x7FFFFFFF, v13  }
0x357: {  	v13 =	vld [tilespmem:s25+$0x8190];
	v10 =	vor.u32 v1, v10;
	v8 =	vtrunc.f32 v8;
	v12 =	vmul.f32 v12, v4  }
0x358: {  	v6 =	vand.u32 $0x7FFFFFFF, v6;
	[tilespmem:v11+s4+$0x0] =	vst.idx.add.f32.msk $0xffff, v2;
	v8 =	vcvt.f32.s32 v8;
	v7 =	vshll.u32 v7, $0x4  }
0x359: {  	s26 =	sadd.s32 $0x1, s26;
	v6 =	vmul.f32 v6, v4;
	v11 =	vld [tilespmem:s25+$0x8180];
	v7 =	vor.u32 v1, v7;
	v12 =	vtrunc.f32 v12  }
0x35a: {  	s0 =	sand.u32 $0x3, s26;
	v14 =	vand.u32 $0x7FFFFFFF, v14;
	[tilespmem:v9+s4+$0x0] =	vst.idx.add.f32.msk $0xffff, v2;
	v8 =	vshll.u32 v8, $0x4;
	v9 =	vcvt.f32.s32 v12  }
0x35b: {  	s0 =	sshll.u32 s0, $0x5;
	v12 =	vmul.f32 v14, v4;
	v6 =	vtrunc.f32 v6;
	v14 =	vld [tilespmem:s23+$0x8290];
	v8 =	vor.u32 v1, v8  }
0x35c: {  	s3 =	sadd.s32 s0, s21;
	s21 =	smov.u32 s22;
	s22 =	smov.u32 s24;
	v6 =	vcvt.f32.s32 v6;
	v13 =	vand.u32 $0x7FFFFFFF, v13;
	[tilespmem:v10+s4+$0x0] =	vst.idx.add.f32.msk $0xffff, v2;
	v9 =	vshll.u32 v9, $0x4  }
0x35d: {  	s19 =	sor.u32 $0x300, s3;
	s0 =	sor.u32 $0x380, s3;
	s18 =	sadd.s32 $0x10, s3;
	v10 =	vtrunc.f32 v12;
	v12 =	vmul.f32 v13, v4;
	v13 =	vld [tilespmem:s23+$0x8280];
	v9 =	vor.u32 v1, v9  }
0x35e: {  	s24 =	smov.u32 s28;
	s3 =	sor.u32 $0x300, s18;
	v10 =	vcvt.f32.s32 v10;
	v6 =	vshll.u32 v6, $0x4;
	v11 =	vand.u32 $0x7FFFFFFF, v11;
	[tilespmem:v7+s4+$0x0] =	vst.idx.add.f32.msk $0xffff, v2  }
0x35f: {  	v6 =	vor.u32 v1, v6;
	v7 =	vmul.f32 v11, v4;
	v11 =	vtrunc.f32 v12;
	v12 =	vld [tilespmem:s3+$0x8080]  }
0x360: {  	v10 =	vshll.u32 v10, $0x4;
	v11 =	vcvt.f32.s32 v11;
	v14 =	vand.u32 $0x7FFFFFFF, v14;
	[tilespmem:v8+s4+$0x0] =	vst.idx.add.f32.msk $0xffff, v2  }
0x361: {  	v8 =	vor.u32 v1, v10;
	v7 =	vtrunc.f32 v7;
	v10 =	vmul.f32 v14, v4;
	v14 =	vld [tilespmem:s19+$0x8080]  }
0x362: {  	v7 =	vcvt.f32.s32 v7;
	v11 =	vshll.u32 v11, $0x4;
	v13 =	vand.u32 $0x7FFFFFFF, v13;
	[tilespmem:v9+s4+$0x0] =	vst.idx.add.f32.msk $0xffff, v2  }
0x363: {  	v9 =	vor.u32 v1, v11;
	v11 =	vmul.f32 v13, v4;
	v10 =	vtrunc.f32 v10;
	[tilespmem:v5+s4+$0x0] =	vst.idx.add.f32.msk $0xffff, v2  }
0x364: {  	[tilespmem:v6+s4+$0x0] =	vst.idx.add.f32.msk $0xffff, v2;
	v5 =	vshll.u32 v7, $0x4;
	v6 =	vcvt.f32.s32 v10;
	v7 =	vand.u32 $0x7FFFFFFF, v12  }
0x365: {  	v10 =	vld [tilespmem:s17+$0x8110];
	v5 =	vor.u32 v1, v5;
	v11 =	vtrunc.f32 v11;
	v7 =	vmul.f32 v7, v4  }
0x366: {  	[tilespmem:v8+s4+$0x0] =	vst.idx.add.f32.msk $0xffff, v2;
	v8 =	vcvt.f32.s32 v11;
	v6 =	vshll.u32 v6, $0x4;
	v11 =	vand.u32 $0x7FFFFFFF, v14  }
0x367: {  	v12 =	vld [tilespmem:s17+$0x8100];
	v6 =	vor.u32 v1, v6;
	v11 =	vmul.f32 v11, v4;
	v7 =	vtrunc.f32 v7  }
0x368: {  	[tilespmem:v9+s4+$0x0] =	vst.idx.add.f32.msk $0xffff, v2;
	v8 =	vshll.u32 v8, $0x4;
	v7 =	vcvt.f32.s32 v7;
	v9 =	vand.u32 $0x7FFFFFFF, v15  }
0x369: {  	v13 =	vld [tilespmem:s25+$0x8210];
	v8 =	vor.u32 v1, v8;
	v11 =	vtrunc.f32 v11;
	v9 =	vmul.f32 v9, v4  }
0x36a: {  	v10 =	vand.u32 $0x7FFFFFFF, v10;
	[tilespmem:v5+s4+$0x0] =	vst.idx.add.f32.msk $0xffff, v2;
	v5 =	vcvt.f32.s32 v11;
	v7 =	vshll.u32 v7, $0x4  }
0x36b: {  	v10 =	vmul.f32 v10, v4;
	v14 =	vld [tilespmem:s25+$0x8200];
	v15 =	vor.u32 v1, v7;
	v7 =	vtrunc.f32 v9  }
.Ltmp6:
0x36c: {  	v9 =	vand.u32 $0x7FFFFFFF, v12;
	[tilespmem:v6+s4+$0x0] =	vst.idx.add.f32.msk $0xffff, v2;
	v5 =	vshll.u32 v5, $0x4;
	v11 =	vcvt.f32.s32 v7;
	(pc) =	sbr.rel @p0 .LBB2_10-.Ltmp6, $4  }
0x36d: {  	v9 =	vmul.f32 v9, v4;
	v10 =	vtrunc.f32 v10;
	v7 =	vld [tilespmem:s23+$0x8310];
	v6 =	vor.u32 v1, v5  }
0x36e: {  	v10 =	vcvt.f32.s32 v10;
	v5 =	vand.u32 $0x7FFFFFFF, v13;
	[tilespmem:v8+s4+$0x0] =	vst.idx.add.f32.msk $0xffff, v2;
	v11 =	vshll.u32 v11, $0x4  }
0x36f: {  	v12 =	vtrunc.f32 v9;
	v9 =	vmul.f32 v5, v4;
	v8 =	vld [tilespmem:s23+$0x8300];
	v5 =	vor.u32 v1, v11;
	s23 =	smov.u32 s25;
	s25 =	smov.u32 s17  }
0x370: {  	s11 =	sadd.s32 $0x20, s11;
	s28 =	sadd.s32 $0x100, s28;
	s17 =	sor.u32 $0x380, s18;
	v11 =	vcvt.f32.s32 v12;
	v12 =	vshll.u32 v10, $0x4;
	v10 =	vand.u32 $0x7FFFFFFF, v14;
	[tilespmem:v15+s4+$0x0] =	vst.idx.add.f32.msk $0xffff, v2  }
0x371: {  	v12 =	vor.u32 v1, v12  }
0x372: {  	v11 =	vshll.u32 v11, $0x4  }
0x373: {  	v11 =	vor.u32 v1, v11;
	_ =	sdelay $0x2  }
0x374: {  	[tilespmem:v12+s4+$0x0] =	vst.idx.add.f32.msk $0xffff, v2  }
0x375: {  	v12 =	vld [tilespmem:s25+$0x8190]  }
0x376: {  	[tilespmem:v11+s4+$0x0] =	vst.idx.add.f32.msk $0xffff, v2  }
0x377: {  	v11 =	vld [tilespmem:s25+$0x8180];
	_ =	sdelay $0x2  }
0x378: {  	v12 =	vand.u32 $0x7FFFFFFF, v12  }
0x379: {  	v12 =	vmul.f32 v12, v4  }
0x37a: {  	v11 =	vand.u32 $0x7FFFFFFF, v11  }
0x37b: {  	v11 =	vmul.f32 v11, v4;
	v12 =	vtrunc.f32 v12  }
0x37c: {  	v12 =	vcvt.f32.s32 v12  }
0x37d: {  	v11 =	vtrunc.f32 v11  }
0x37e: {  	v11 =	vcvt.f32.s32 v11;
	v12 =	vshll.u32 v12, $0x4  }
0x37f: {  	v12 =	vor.u32 v1, v12  }
0x380: {  	v11 =	vshll.u32 v11, $0x4  }
0x381: {  	v11 =	vor.u32 v1, v11;
	_ =	sdelay $0x2  }
0x382: {  	[tilespmem:v12+s4+$0x0] =	vst.idx.add.f32.msk $0xffff, v2  }
0x383: {  	v12 =	vld [tilespmem:s25+$0x8210]  }
0x384: {  	[tilespmem:v11+s4+$0x0] =	vst.idx.add.f32.msk $0xffff, v2  }
0x385: {  	v11 =	vld [tilespmem:s25+$0x8200];
	_ =	sdelay $0x1  }
0x386: {  	v10 =	vmul.f32 v10, v4;
	v9 =	vtrunc.f32 v9  }
0x387: {  	v9 =	vcvt.f32.s32 v9;
	v12 =	vand.u32 $0x7FFFFFFF, v12  }
0x388: {  	v10 =	vtrunc.f32 v10;
	v12 =	vmul.f32 v12, v4  }
0x389: {  	v10 =	vcvt.f32.s32 v10;
	v9 =	vshll.u32 v9, $0x4;
	v11 =	vand.u32 $0x7FFFFFFF, v11  }
0x38a: {  	v9 =	vor.u32 v1, v9;
	v11 =	vmul.f32 v11, v4;
	v12 =	vtrunc.f32 v12  }
0x38b: {  	v10 =	vshll.u32 v10, $0x4;
	v12 =	vcvt.f32.s32 v12  }
0x38c: {  	v10 =	vor.u32 v1, v10;
	v11 =	vtrunc.f32 v11  }
0x38d: {  	v11 =	vcvt.f32.s32 v11;
	v12 =	vshll.u32 v12, $0x4  }
0x38e: {  	v12 =	vor.u32 v1, v12  }
0x38f: {  	[tilespmem:v9+s4+$0x0] =	vst.idx.add.f32.msk $0xffff, v2;
	v9 =	vshll.u32 v11, $0x4  }
0x390: {  	v11 =	vld [tilespmem:s23+$0x8290];
	v9 =	vor.u32 v1, v9  }
0x391: {  	[tilespmem:v10+s4+$0x0] =	vst.idx.add.f32.msk $0xffff, v2  }
0x392: {  	v10 =	vld [tilespmem:s23+$0x8280]  }
0x393: {  	[tilespmem:v12+s4+$0x0] =	vst.idx.add.f32.msk $0xffff, v2  }
0x394: {  	v12 =	vld [tilespmem:s25+$0x8290]  }
0x395: {  	v11 =	vand.u32 $0x7FFFFFFF, v11;
	[tilespmem:v9+s4+$0x0] =	vst.idx.add.f32.msk $0xffff, v2  }
0x396: {  	v9 =	vmul.f32 v11, v4;
	v11 =	vld [tilespmem:s25+$0x8280]  }
0x397: {  	v10 =	vand.u32 $0x7FFFFFFF, v10  }
0x398: {  	v10 =	vmul.f32 v10, v4;
	v9 =	vtrunc.f32 v9  }
0x399: {  	v9 =	vcvt.f32.s32 v9;
	v12 =	vand.u32 $0x7FFFFFFF, v12  }
0x39a: {  	v10 =	vtrunc.f32 v10;
	v12 =	vmul.f32 v12, v4  }
0x39b: {  	v10 =	vcvt.f32.s32 v10;
	v9 =	vshll.u32 v9, $0x4;
	v11 =	vand.u32 $0x7FFFFFFF, v11  }
0x39c: {  	v9 =	vor.u32 v1, v9;
	v11 =	vmul.f32 v11, v4;
	v12 =	vtrunc.f32 v12  }
0x39d: {  	v10 =	vshll.u32 v10, $0x4;
	v12 =	vcvt.f32.s32 v12  }
0x39e: {  	v10 =	vor.u32 v1, v10;
	v11 =	vtrunc.f32 v11  }
0x39f: {  	v11 =	vcvt.f32.s32 v11;
	v12 =	vshll.u32 v12, $0x4  }
0x3a0: {  	v12 =	vor.u32 v1, v12  }
0x3a1: {  	[tilespmem:v9+s4+$0x0] =	vst.idx.add.f32.msk $0xffff, v2;
	v9 =	vshll.u32 v11, $0x4  }
0x3a2: {  	v11 =	vld [tilespmem:s23+$0x8310];
	v9 =	vor.u32 v1, v9  }
0x3a3: {  	v7 =	vand.u32 $0x7FFFFFFF, v7;
	[tilespmem:v10+s4+$0x0] =	vst.idx.add.f32.msk $0xffff, v2  }
0x3a4: {  	v7 =	vmul.f32 v7, v4;
	v10 =	vld [tilespmem:s23+$0x8300]  }
0x3a5: {  	v8 =	vand.u32 $0x7FFFFFFF, v8;
	[tilespmem:v12+s4+$0x0] =	vst.idx.add.f32.msk $0xffff, v2  }
0x3a6: {  	v8 =	vmul.f32 v8, v4;
	v7 =	vtrunc.f32 v7;
	v12 =	vld [tilespmem:s25+$0x8310]  }
0x3a7: {  	v7 =	vcvt.f32.s32 v7;
	v11 =	vand.u32 $0x7FFFFFFF, v11;
	[tilespmem:v9+s4+$0x0] =	vst.idx.add.f32.msk $0xffff, v2  }
0x3a8: {  	v8 =	vtrunc.f32 v8;
	v9 =	vmul.f32 v11, v4;
	v11 =	vld [tilespmem:s25+$0x8300]  }
0x3a9: {  	v8 =	vcvt.f32.s32 v8;
	v7 =	vshll.u32 v7, $0x4;
	v10 =	vand.u32 $0x7FFFFFFF, v10  }
0x3aa: {  	s3 =	sadd.s32 $0x1, s26;
	v7 =	vor.u32 v1, v7;
	v10 =	vmul.f32 v10, v4;
	v9 =	vtrunc.f32 v9  }
0x3ab: {  	s2 =	sand.u32 $0x3, s3;
	v8 =	vshll.u32 v8, $0x4;
	v9 =	vcvt.f32.s32 v9;
	v12 =	vand.u32 $0x7FFFFFFF, v12  }
0x3ac: {  	s2 =	sshll.u32 s2, $0x5;
	v8 =	vor.u32 v1, v8;
	v10 =	vtrunc.f32 v10;
	v12 =	vmul.f32 v12, v4  }
0x3ad: {  	s2 =	sadd.s32 s2, s21;
	v10 =	vcvt.f32.s32 v10;
	v9 =	vshll.u32 v9, $0x4;
	v11 =	vand.u32 $0x7FFFFFFF, v11  }
0x3ae: {  	s3 =	sadd.s32 $0x1, s3;
	s21 =	sadd.s32 $0x10, s2;
	v9 =	vor.u32 v1, v9;
	v11 =	vmul.f32 v11, v4;
	v12 =	vtrunc.f32 v12  }
0x3af: {  	s18 =	sand.u32 $0x3, s3;
	s11 =	sor.u32 $0x300, s21;
	[tilespmem:v7+s4+$0x0] =	vst.idx.add.f32.msk $0xffff, v2;
	v7 =	vshll.u32 v10, $0x4;
	v10 =	vcvt.f32.s32 v12  }
0x3b0: {  	s19 =	sshll.u32 s18, $0x5;
	v7 =	vor.u32 v1, v7;
	v12 =	vld [tilespmem:s11+$0x8080];
	v11 =	vtrunc.f32 v11  }
0x3b1: {  	[tilespmem:v8+s4+$0x0] =	vst.idx.add.f32.msk $0xffff, v2;
	s23 =	sor.u32 $0x300, s2;
	s11 =	sadd.s32 s19, s22;
	v8 =	vcvt.f32.s32 v11;
	v10 =	vshll.u32 v10, $0x4  }
0x3b2: {  	s3 =	sadd.s32 $0x1, s3;
	s22 =	sadd.s32 $0x10, s11;
	v11 =	vld [tilespmem:s23+$0x8080];
	v10 =	vor.u32 v1, v10  }
0x3b3: {  	s3 =	sand.u32 $0x3, s3;
	s25 =	sor.u32 $0x300, s22;
	[tilespmem:v9+s4+$0x0] =	vst.idx.add.f32.msk $0xffff, v2;
	v8 =	vshll.u32 v8, $0x4  }
0x3b4: {  	s3 =	sshll.u32 s3, $0x5;
	v9 =	vld [tilespmem:s25+$0x8080];
	v8 =	vor.u32 v1, v8  }
0x3b5: {  	s26 =	sadd.s32 s3, s24;
	[tilespmem:v7+s4+$0x0] =	vst.idx.add.f32.msk $0xffff, v2;
	s19 =	sor.u32 $0x300, s11;
	v12 =	vand.u32 $0x7FFFFFFF, v12  }
0x3b6: {  	s29 =	sadd.s32 $0x10, s26;
	v7 =	vmul.f32 v12, v4;
	v12 =	vld [tilespmem:s19+$0x8080]  }
0x3b7: {  	s30 =	sor.u32 $0x300, s29;
	v11 =	vand.u32 $0x7FFFFFFF, v11;
	[tilespmem:v10+s4+$0x0] =	vst.idx.add.f32.msk $0xffff, v2  }
0x3b8: {  	v10 =	vmul.f32 v11, v4;
	v7 =	vtrunc.f32 v7;
	v11 =	vld [tilespmem:s30+$0x8080]  }
0x3b9: {  	s31 =	sor.u32 $0x300, s26;
	v7 =	vcvt.f32.s32 v7;
	v9 =	vand.u32 $0x7FFFFFFF, v9;
	[tilespmem:v8+s4+$0x0] =	vst.idx.add.f32.msk $0xffff, v2  }
0x3ba: {  	v8 =	vtrunc.f32 v10;
	v9 =	vmul.f32 v9, v4;
	v10 =	vld [tilespmem:s31+$0x8080]  }
0x3bb: {  	v8 =	vcvt.f32.s32 v8;
	v7 =	vshll.u32 v7, $0x4;
	v12 =	vand.u32 $0x7FFFFFFF, v12  }
0x3bc: {  	v7 =	vor.u32 v1, v7;
	v12 =	vmul.f32 v12, v4;
	v9 =	vtrunc.f32 v9  }
0x3bd: {  	v8 =	vshll.u32 v8, $0x4;
	v9 =	vcvt.f32.s32 v9;
	v11 =	vand.u32 $0x7FFFFFFF, v11  }
0x3be: {  	v13 =	vld [tilespmem:s17+$0x8080];
	v8 =	vor.u32 v1, v8;
	v12 =	vtrunc.f32 v12;
	v11 =	vmul.f32 v11, v4  }
0x3bf: {  	[tilespmem:v6+s4+$0x0] =	vst.idx.add.f32.msk $0xffff, v2;
	v6 =	vcvt.f32.s32 v12;
	v9 =	vshll.u32 v9, $0x4;
	v10 =	vand.u32 $0x7FFFFFFF, v10  }
0x3c0: {  	v12 =	vld [tilespmem:s0+$0x8080];
	v9 =	vor.u32 v1, v9;
	v10 =	vmul.f32 v10, v4;
	v11 =	vtrunc.f32 v11  }
0x3c1: {  	s17 =	sor.u32 $0x380, s21;
	[tilespmem:v7+s4+$0x0] =	vst.idx.add.f32.msk $0xffff, v2;
	v6 =	vshll.u32 v6, $0x4;
	v7 =	vcvt.f32.s32 v11  }
0x3c2: {  	v11 =	vld [tilespmem:s17+$0x8080];
	v6 =	vor.u32 v1, v6;
	v10 =	vtrunc.f32 v10  }
0x3c3: {  	s19 =	sor.u32 $0x380, s2;
	[tilespmem:v8+s4+$0x0] =	vst.idx.add.f32.msk $0xffff, v2;
	v8 =	vcvt.f32.s32 v10;
	v7 =	vshll.u32 v7, $0x4  }
0x3c4: {  	v10 =	vand.u32 $0x7FFFFFFF, v13;
	v13 =	vld [tilespmem:s19+$0x8080];
	v7 =	vor.u32 v1, v7  }
0x3c5: {  	s21 =	sor.u32 $0x380, s22;
	v10 =	vmul.f32 v10, v4;
	[tilespmem:v9+s4+$0x0] =	vst.idx.add.f32.msk $0xffff, v2;
	v8 =	vshll.u32 v8, $0x4  }
0x3c6: {  	v9 =	vand.u32 $0x7FFFFFFF, v12;
	v12 =	vld [tilespmem:s21+$0x8080];
	v8 =	vor.u32 v1, v8  }
0x3c7: {  	s22 =	sor.u32 $0x380, s11;
	v9 =	vmul.f32 v9, v4;
	v10 =	vtrunc.f32 v10;
	[tilespmem:v6+s4+$0x0] =	vst.idx.add.f32.msk $0xffff, v2  }
0x3c8: {  	v6 =	vcvt.f32.s32 v10;
	v10 =	vand.u32 $0x7FFFFFFF, v11;
	v11 =	vld [tilespmem:s22+$0x8080]  }
0x3c9: {  	s24 =	sor.u32 $0x380, s29;
	v9 =	vtrunc.f32 v9;
	v10 =	vmul.f32 v10, v4;
	[tilespmem:v7+s4+$0x0] =	vst.idx.add.f32.msk $0xffff, v2  }
0x3ca: {  	v7 =	vcvt.f32.s32 v9;
	v9 =	vld [tilespmem:s24+$0x8080]  }
0x3cb: {  	s25 =	sor.u32 $0x380, s26;
	v13 =	vand.u32 $0x7FFFFFFF, v13;
	v6 =	vshll.u32 v6, $0x4;
	v10 =	vtrunc.f32 v10;
	[tilespmem:v8+s4+$0x0] =	vst.idx.add.f32.msk $0xffff, v2  }
0x3cc: {  	v12 =	vand.u32 $0x7FFFFFFF, v12;
	v8 =	vcvt.f32.s32 v10;
	v10 =	vmul.f32 v13, v4;
	v13 =	vld [tilespmem:s25+$0x8080]  }
0x3cd: {  	v6 =	vor.u32 v1, v6;
	v7 =	vshll.u32 v7, $0x4;
	v12 =	vmul.f32 v12, v4  }
0x3ce: {  	v7 =	vor.u32 v1, v7;
	v11 =	vand.u32 $0x7FFFFFFF, v11;
	v10 =	vtrunc.f32 v10  }
0x3cf: {  	v8 =	vshll.u32 v8, $0x4;
	v12 =	vtrunc.f32 v12;
	v11 =	vmul.f32 v11, v4  }
0x3d0: {  	v8 =	vor.u32 v1, v8;
	v10 =	vcvt.f32.s32 v10;
	v9 =	vand.u32 $0x7FFFFFFF, v9  }
0x3d1: {  	v12 =	vcvt.f32.s32 v12;
	v9 =	vmul.f32 v9, v4;
	v13 =	vand.u32 $0x7FFFFFFF, v13  }
0x3d2: {  	v11 =	vtrunc.f32 v11;
	v10 =	vshll.u32 v10, $0x4;
	v13 =	vmul.f32 v13, v4  }
0x3d3: {  	v12 =	vshll.u32 v12, $0x4;
	v11 =	vcvt.f32.s32 v11;
	v9 =	vtrunc.f32 v9  }
0x3d4: {  	[tilespmem:v5+s4+$0x0] =	vst.idx.add.f32.msk $0xffff, v2;
	v12 =	vor.u32 v1, v12;
	v9 =	vcvt.f32.s32 v9;
	v13 =	vtrunc.f32 v13  }
0x3d5: {  	[tilespmem:v6+s4+$0x0] =	vst.idx.add.f32.msk $0xffff, v2;
	v6 =	vor.u32 v1, v10;
	v5 =	vshll.u32 v11, $0x4;
	v10 =	vcvt.f32.s32 v13  }
0x3d6: {  	v5 =	vor.u32 v1, v5;
	v9 =	vshll.u32 v9, $0x4  }
0x3d7: {  	[tilespmem:v8+s4+$0x0] =	vst.idx.add.f32.msk $0xffff, v2;
	v9 =	vor.u32 v1, v9;
	v8 =	vshll.u32 v10, $0x4  }
0x3d8: {  	[tilespmem:v7+s4+$0x0] =	vst.idx.add.f32.msk $0xffff, v2;
	v7 =	vor.u32 v1, v8  }
0x3d9: {  	[tilespmem:v12+s4+$0x0] =	vst.idx.add.f32.msk $0xffff, v2  }
0x3da: {  	[tilespmem:v6+s4+$0x0] =	vst.idx.add.f32.msk $0xffff, v2  }
0x3db: {  	[tilespmem:v5+s4+$0x0] =	vst.idx.add.f32.msk $0xffff, v2  }
0x3dc: {  	[tilespmem:v9+s4+$0x0] =	vst.idx.add.f32.msk $0xffff, v2  }
0x3dd: {  	[tilespmem:v7+s4+$0x0] =	vst.idx.add.f32.msk $0xffff, v2  }
0x3de: {  	s26 =	simm.s32 $0x0;
	_ =	swait.ge [sflag:s16], $0x8000  }
0x3df: {  	s29 =	sand.u32 $0x60, s26;
	s30 =	sand.u32 $0x7C00, s26;
	[sflag:s16] =	ssyncset.done $0x0  }
0x3e0: {  	s2 =	sor.u32 s29, s30;
	[sflag:s16] =	ssyncadd.s32 $0xFFFF8000  }
0x3e1: {  	v5 =	vld [tilespmem:s2+$0x10090];
	_ =	sdelay $0x3  }
0x3e2: {  	v6 =	vld [tilespmem:s2+$0x10080]  }
0x3e3: {  	v5 =	vand.u32 $0x7FFFFFFF, v5  }
0x3e4: {  	v5 =	vmul.f32 v5, v4;
	_ =	sdelay $0x1  }
0x3e5: {  	v5 =	vtrunc.f32 v5  }
0x3e6: {  	v6 =	vand.u32 $0x7FFFFFFF, v6;
	v5 =	vcvt.f32.s32 v5  }
0x3e7: {  	v6 =	vmul.f32 v6, v4  }
0x3e8: {  	v5 =	vshll.u32 v5, $0x4  }
0x3e9: {  	v6 =	vtrunc.f32 v6;
	v5 =	vor.u32 v1, v5  }
0x3ea: {  	v6 =	vcvt.f32.s32 v6;
	_ =	sdelay $0x1  }
0x3eb: {  	v6 =	vshll.u32 v6, $0x4  }
0x3ec: {  	v6 =	vor.u32 v1, v6  }
0x3ed: {  	[tilespmem:v5+s4+$0x0] =	vst.idx.add.f32.msk $0xffff, v2  }
0x3ee: {  	v5 =	vld [tilespmem:s2+$0x10110];
	_ =	sdelay $0x2  }
0x3ef: {  	[tilespmem:v6+s4+$0x0] =	vst.idx.add.f32.msk $0xffff, v2  }
0x3f0: {  	v6 =	vld [tilespmem:s2+$0x10100]  }
0x3f1: {  	v5 =	vand.u32 $0x7FFFFFFF, v5  }
0x3f2: {  	v5 =	vmul.f32 v5, v4;
	_ =	sdelay $0x1  }
0x3f3: {  	v5 =	vtrunc.f32 v5  }
0x3f4: {  	v6 =	vand.u32 $0x7FFFFFFF, v6;
	v5 =	vcvt.f32.s32 v5  }
0x3f5: {  	v6 =	vmul.f32 v6, v4  }
0x3f6: {  	s11 =	simm.s32 $0x20;
	s31 =	simm.s32 $0x100;
	v5 =	vshll.u32 v5, $0x4  }
0x3f7: {  	s3 =	sand.u32 $0x60, s11;
	s0 =	sand.u32 $0x7C00, s31;
	v6 =	vtrunc.f32 v6;
	v5 =	vor.u32 v1, v5  }
0x3f8: {  	s0 =	sor.u32 s3, s0;
	v6 =	vcvt.f32.s32 v6  }
0x3f9: {  	v7 =	vld [tilespmem:s0+$0x10090]  }
0x3fa: {  	v6 =	vshll.u32 v6, $0x4  }
0x3fb: {  	v8 =	vld [tilespmem:s0+$0x10080];
	v6 =	vor.u32 v1, v6  }
0x3fc: {  	[tilespmem:v5+s4+$0x0] =	vst.idx.add.f32.msk $0xffff, v2  }
0x3fd: {  	v5 =	vld [tilespmem:s2+$0x10190]  }
0x3fe: {  	v7 =	vand.u32 $0x7FFFFFFF, v7  }
0x3ff: {  	v7 =	vmul.f32 v7, v4  }
0x400: {  	[tilespmem:v6+s4+$0x0] =	vst.idx.add.f32.msk $0xffff, v2;
	v6 =	vand.u32 $0x7FFFFFFF, v8  }
0x401: {  	v7 =	vtrunc.f32 v7;
	v8 =	vld [tilespmem:s2+$0x10180];
	v6 =	vmul.f32 v6, v4  }
0x402: {  	v7 =	vcvt.f32.s32 v7;
	v5 =	vand.u32 $0x7FFFFFFF, v5  }
0x403: {  	v6 =	vtrunc.f32 v6;
	v5 =	vmul.f32 v5, v4  }
0x404: {  	v7 =	vshll.u32 v7, $0x4;
	v6 =	vcvt.f32.s32 v6  }
0x405: {  	v7 =	vor.u32 v1, v7;
	v5 =	vtrunc.f32 v5  }
0x406: {  	v8 =	vand.u32 $0x7FFFFFFF, v8;
	v6 =	vshll.u32 v6, $0x4;
	v5 =	vcvt.f32.s32 v5  }
0x407: {  	v8 =	vmul.f32 v8, v4;
	v6 =	vor.u32 v1, v6  }
0x408: {  	v5 =	vshll.u32 v5, $0x4  }
0x409: {  	v8 =	vtrunc.f32 v8;
	v5 =	vor.u32 v1, v5  }
0x40a: {  	[tilespmem:v7+s4+$0x0] =	vst.idx.add.f32.msk $0xffff, v2;
	v8 =	vcvt.f32.s32 v8  }
0x40b: {  	v7 =	vld [tilespmem:s0+$0x10110]  }
0x40c: {  	v8 =	vshll.u32 v8, $0x4;
	[tilespmem:v6+s4+$0x0] =	vst.idx.add.f32.msk $0xffff, v2  }
0x40d: {  	v6 =	vor.u32 v1, v8;
	v8 =	vld [tilespmem:s0+$0x10100]  }
0x40e: {  	[tilespmem:v5+s4+$0x0] =	vst.idx.add.f32.msk $0xffff, v2  }
0x40f: {  	v5 =	vld [tilespmem:s2+$0x10210]  }
0x410: {  	v7 =	vand.u32 $0x7FFFFFFF, v7  }
0x411: {  	v7 =	vmul.f32 v7, v4  }
0x412: {  	[tilespmem:v6+s4+$0x0] =	vst.idx.add.f32.msk $0xffff, v2;
	v6 =	vand.u32 $0x7FFFFFFF, v8  }
0x413: {  	v7 =	vtrunc.f32 v7;
	v8 =	vld [tilespmem:s2+$0x10200];
	v6 =	vmul.f32 v6, v4  }
0x414: {  	v7 =	vcvt.f32.s32 v7;
	v5 =	vand.u32 $0x7FFFFFFF, v5  }
0x415: {  	v6 =	vtrunc.f32 v6;
	v5 =	vmul.f32 v5, v4  }
0x416: {  	s17 =	simm.s32 $0x40;
	s21 =	simm.s32 $0x200;
	v7 =	vshll.u32 v7, $0x4;
	v6 =	vcvt.f32.s32 v6  }
0x417: {  	s3 =	sand.u32 $0x60, s17;
	s18 =	sand.u32 $0x7C00, s21;
	v7 =	vor.u32 v1, v7;
	v5 =	vtrunc.f32 v5  }
0x418: {  	s28 =	sor.u32 s3, s18;
	v8 =	vand.u32 $0x7FFFFFFF, v8;
	v6 =	vshll.u32 v6, $0x4;
	v5 =	vcvt.f32.s32 v5  }
0x419: {  	v9 =	vld [tilespmem:s28+$0x10090];
	v8 =	vmul.f32 v8, v4;
	v6 =	vor.u32 v1, v6  }
0x41a: {  	v5 =	vshll.u32 v5, $0x4  }
0x41b: {  	v10 =	vld [tilespmem:s28+$0x10080];
	v8 =	vtrunc.f32 v8;
	v5 =	vor.u32 v1, v5  }
0x41c: {  	[tilespmem:v7+s4+$0x0] =	vst.idx.add.f32.msk $0xffff, v2;
	v8 =	vcvt.f32.s32 v8  }
0x41d: {  	v7 =	vld [tilespmem:s0+$0x10190]  }
0x41e: {  	v9 =	vand.u32 $0x7FFFFFFF, v9;
	v8 =	vshll.u32 v8, $0x4;
	[tilespmem:v6+s4+$0x0] =	vst.idx.add.f32.msk $0xffff, v2  }
0x41f: {  	v6 =	vor.u32 v1, v8;
	v8 =	vmul.f32 v9, v4;
	v9 =	vld [tilespmem:s0+$0x10180]  }
0x420: {  	v10 =	vand.u32 $0x7FFFFFFF, v10;
	[tilespmem:v5+s4+$0x0] =	vst.idx.add.f32.msk $0xffff, v2  }
0x421: {  	v8 =	vtrunc.f32 v8;
	v5 =	vmul.f32 v10, v4;
	v10 =	vld [tilespmem:s2+$0x10290]  }
0x422: {  	v7 =	vand.u32 $0x7FFFFFFF, v7;
	v8 =	vcvt.f32.s32 v8  }
0x423: {  	v7 =	vmul.f32 v7, v4;
	v5 =	vtrunc.f32 v5  }
0x424: {  	[tilespmem:v6+s4+$0x0] =	vst.idx.add.f32.msk $0xffff, v2;
	v6 =	vshll.u32 v8, $0x4;
	v8 =	vand.u32 $0x7FFFFFFF, v9;
	v5 =	vcvt.f32.s32 v5  }
0x425: {  	v7 =	vtrunc.f32 v7;
	v9 =	vld [tilespmem:s2+$0x10280];
	v6 =	vor.u32 v1, v6;
	v8 =	vmul.f32 v8, v4  }
0x426: {  	v7 =	vcvt.f32.s32 v7;
	v5 =	vshll.u32 v5, $0x4;
	v10 =	vand.u32 $0x7FFFFFFF, v10  }
0x427: {  	v8 =	vtrunc.f32 v8;
	v5 =	vor.u32 v1, v5;
	v10 =	vmul.f32 v10, v4  }
0x428: {  	v7 =	vshll.u32 v7, $0x4;
	v8 =	vcvt.f32.s32 v8  }
0x429: {  	v7 =	vor.u32 v1, v7;
	v10 =	vtrunc.f32 v10  }
0x42a: {  	v9 =	vand.u32 $0x7FFFFFFF, v9;
	[tilespmem:v6+s4+$0x0] =	vst.idx.add.f32.msk $0xffff, v2;
	v6 =	vshll.u32 v8, $0x4;
	v8 =	vcvt.f32.s32 v10  }
0x42b: {  	v9 =	vmul.f32 v9, v4;
	v6 =	vor.u32 v1, v6;
	v10 =	vld [tilespmem:s28+$0x10110]  }
0x42c: {  	[tilespmem:v5+s4+$0x0] =	vst.idx.add.f32.msk $0xffff, v2;
	v5 =	vshll.u32 v8, $0x4  }
0x42d: {  	v8 =	vtrunc.f32 v9;
	v9 =	vld [tilespmem:s28+$0x10100];
	v5 =	vor.u32 v1, v5  }
0x42e: {  	[tilespmem:v7+s4+$0x0] =	vst.idx.add.f32.msk $0xffff, v2;
	v8 =	vcvt.f32.s32 v8  }
0x42f: {  	v7 =	vld [tilespmem:s0+$0x10210]  }
0x430: {  	[tilespmem:v6+s4+$0x0] =	vst.idx.add.f32.msk $0xffff, v2;
	v8 =	vshll.u32 v8, $0x4;
	v10 =	vand.u32 $0x7FFFFFFF, v10  }
0x431: {  	v6 =	vor.u32 v1, v8;
	v8 =	vmul.f32 v10, v4;
	v10 =	vld [tilespmem:s0+$0x10200]  }
0x432: {  	v9 =	vand.u32 $0x7FFFFFFF, v9;
	[tilespmem:v5+s4+$0x0] =	vst.idx.add.f32.msk $0xffff, v2  }
0x433: {  	v5 =	vmul.f32 v9, v4;
	v8 =	vtrunc.f32 v8;
	v9 =	vld [tilespmem:s2+$0x10310]  }
0x434: {  	v7 =	vand.u32 $0x7FFFFFFF, v7;
	v8 =	vcvt.f32.s32 v8  }
0x435: {  	v7 =	vmul.f32 v7, v4;
	v5 =	vtrunc.f32 v5  }
0x436: {  	s19 =	simm.s32 $0x60;
	s22 =	simm.s32 $0x300;
	[tilespmem:v6+s4+$0x0] =	vst.idx.add.f32.msk $0xffff, v2;
	v5 =	vcvt.f32.s32 v5;
	v6 =	vshll.u32 v8, $0x4;
	v8 =	vand.u32 $0x7FFFFFFF, v10  }
0x437: {  	s23 =	sand.u32 $0x60, s19;
	s25 =	sand.u32 $0x7C00, s22;
	v7 =	vtrunc.f32 v7;
	v10 =	vld [tilespmem:s2+$0x10300];
	v6 =	vor.u32 v1, v6;
	v8 =	vmul.f32 v8, v4  }
0x438: {  	s23 =	sor.u32 s23, s25;
	v7 =	vcvt.f32.s32 v7;
	v5 =	vshll.u32 v5, $0x4;
	v9 =	vand.u32 $0x7FFFFFFF, v9  }
0x439: {  	v11 =	vld [tilespmem:s23+$0x10090];
	v5 =	vor.u32 v1, v5;
	v8 =	vtrunc.f32 v8;
	v9 =	vmul.f32 v9, v4  }
0x43a: {  	v7 =	vshll.u32 v7, $0x4;
	v8 =	vcvt.f32.s32 v8  }
0x43b: {  	v12 =	vld [tilespmem:s23+$0x10080];
	v7 =	vor.u32 v1, v7;
	v9 =	vtrunc.f32 v9  }
0x43c: {  	v10 =	vand.u32 $0x7FFFFFFF, v10;
	[tilespmem:v6+s4+$0x0] =	vst.idx.add.f32.msk $0xffff, v2;
	v6 =	vshll.u32 v8, $0x4;
	v8 =	vcvt.f32.s32 v9  }
0x43d: {  	v9 =	vmul.f32 v10, v4;
	v10 =	vld [tilespmem:s28+$0x10190];
	v6 =	vor.u32 v1, v6  }
0x43e: {  	v11 =	vand.u32 $0x7FFFFFFF, v11;
	[tilespmem:v5+s4+$0x0] =	vst.idx.add.f32.msk $0xffff, v2;
	v5 =	vshll.u32 v8, $0x4  }
0x43f: {  	v8 =	vtrunc.f32 v9;
	v9 =	vmul.f32 v11, v4;
	v11 =	vld [tilespmem:s28+$0x10180];
	v5 =	vor.u32 v1, v5  }
0x440: {  	s26 =	sand.u32 $0x3, s26;
	v12 =	vand.u32 $0x7FFFFFFF, v12;
	[tilespmem:v7+s4+$0x0] =	vst.idx.add.f32.msk $0xffff, v2;
	v8 =	vcvt.f32.s32 v8  }
0x441: {  	v7 =	vmul.f32 v12, v4;
	v12 =	vld [tilespmem:s0+$0x10290];
	s2 =	sshll.u32 s26, $0x5;
	v9 =	vtrunc.f32 v9  }
0x442: {  	s2 =	sadd.s32 $0x0, s2;
	v8 =	vshll.u32 v8, $0x4;
	v9 =	vcvt.f32.s32 v9;
	v10 =	vand.u32 $0x7FFFFFFF, v10;
	[tilespmem:v6+s4+$0x0] =	vst.idx.add.f32.msk $0xffff, v2  }
0x443: {  	v7 =	vtrunc.f32 v7;
	s29 =	sadd.s32 $0x10, s2;
	v6 =	vor.u32 v1, v8;
	v8 =	vmul.f32 v10, v4;
	v10 =	vld [tilespmem:s0+$0x10280]  }
0x444: {  	v7 =	vcvt.f32.s32 v7;
	s30 =	sor.u32 $0x300, s29;
	v9 =	vshll.u32 v9, $0x4;
	v11 =	vand.u32 $0x7FFFFFFF, v11;
	[tilespmem:v5+s4+$0x0] =	vst.idx.add.f32.msk $0xffff, v2  }
0x445: {  	v5 =	vor.u32 v1, v9;
	v9 =	vmul.f32 v11, v4;
	v8 =	vtrunc.f32 v8;
	v11 =	vld [tilespmem:s30+$0x10080]  }
0x446: {  	v7 =	vshll.u32 v7, $0x4;
	v12 =	vand.u32 $0x7FFFFFFF, v12;
	v8 =	vcvt.f32.s32 v8  }
0x447: {  	v7 =	vor.u32 v1, v7;
	v12 =	vmul.f32 v12, v4;
	v9 =	vtrunc.f32 v9  }
0x448: {  	s31 =	sor.u32 $0x300, s2;
	[tilespmem:v6+s4+$0x0] =	vst.idx.add.f32.msk $0xffff, v2;
	v6 =	vcvt.f32.s32 v9;
	v8 =	vshll.u32 v8, $0x4;
	v9 =	vand.u32 $0x7FFFFFFF, v10  }
0x449: {  	v12 =	vtrunc.f32 v12;
	v10 =	vld [tilespmem:s31+$0x10080];
	v8 =	vor.u32 v1, v8;
	v9 =	vmul.f32 v9, v4  }
0x44a: {  	[tilespmem:v5+s4+$0x0] =	vst.idx.add.f32.msk $0xffff, v2;
	v5 =	vshll.u32 v6, $0x4;
	v6 =	vcvt.f32.s32 v12;
	v11 =	vand.u32 $0x7FFFFFFF, v11  }
0x44b: {  	v12 =	vld [tilespmem:s23+$0x10110];
	v5 =	vor.u32 v1, v5;
	v9 =	vtrunc.f32 v9;
	v11 =	vmul.f32 v11, v4  }
0x44c: {  	[tilespmem:v7+s4+$0x0] =	vst.idx.add.f32.msk $0xffff, v2;
	v7 =	vcvt.f32.s32 v9;
	v6 =	vshll.u32 v6, $0x4  }
0x44d: {  	v9 =	vld [tilespmem:s23+$0x10100];
	v6 =	vor.u32 v1, v6;
	v11 =	vtrunc.f32 v11  }
0x44e: {  	v10 =	vand.u32 $0x7FFFFFFF, v10;
	[tilespmem:v8+s4+$0x0] =	vst.idx.add.f32.msk $0xffff, v2;
	v7 =	vshll.u32 v7, $0x4;
	v8 =	vcvt.f32.s32 v11  }
0x44f: {  	v10 =	vmul.f32 v10, v4;
	v11 =	vld [tilespmem:s28+$0x10210];
	v7 =	vor.u32 v1, v7  }
0x450: {  	v12 =	vand.u32 $0x7FFFFFFF, v12;
	[tilespmem:v5+s4+$0x0] =	vst.idx.add.f32.msk $0xffff, v2;
	v5 =	vshll.u32 v8, $0x4  }
0x451: {  	v8 =	vtrunc.f32 v10;
	v10 =	vmul.f32 v12, v4;
	v12 =	vld [tilespmem:s28+$0x10200];
	v5 =	vor.u32 v1, v5  }
0x452: {  	v9 =	vand.u32 $0x7FFFFFFF, v9;
	v8 =	vcvt.f32.s32 v8;
	[tilespmem:v6+s4+$0x0] =	vst.idx.add.f32.msk $0xffff, v2  }
0x453: {  	v6 =	vmul.f32 v9, v4;
	v9 =	vtrunc.f32 v10;
	v10 =	vld [tilespmem:s0+$0x10310]  }
0x454: {  	s3 =	simm.s32 $0x80;
	s24 =	simm.s32 $0x400;
	v8 =	vshll.u32 v8, $0x4;
	v9 =	vcvt.f32.s32 v9;
	v11 =	vand.u32 $0x7FFFFFFF, v11;
	[tilespmem:v7+s4+$0x0] =	vst.idx.add.f32.msk $0xffff, v2  }
0x455: {  	s18 =	sand.u32 $0x7C00, s24;
	v6 =	vtrunc.f32 v6;
	v7 =	vor.u32 v1, v8;
	v8 =	vmul.f32 v11, v4;
	v11 =	vld [tilespmem:s0+$0x10300];
	s0 =	sand.u32 $0x60, s3  }
0x456: {  	v6 =	vcvt.f32.s32 v6;
	v9 =	vshll.u32 v9, $0x4;
	v12 =	vand.u32 $0x7FFFFFFF, v12;
	s25 =	sor.u32 s0, s18;
	[tilespmem:v5+s4+$0x0] =	vst.idx.add.f32.msk $0xffff, v2  }
0x457: {  	s17 =	sor.u32 $0x380, s29;
	v5 =	vor.u32 v1, v9;
	v9 =	vmul.f32 v12, v4;
	v8 =	vtrunc.f32 v8;
	v13 =	vld [tilespmem:s25+$0x10090]  }
0x458: {  	v6 =	vshll.u32 v6, $0x4;
	v12 =	vld [tilespmem:s17+$0x10080];
	v8 =	vcvt.f32.s32 v8  }
0x459: {  	v10 =	vand.u32 $0x7FFFFFFF, v10;
	v6 =	vor.u32 v1, v6;
	v9 =	vtrunc.f32 v9  }
0x45a: {  	v10 =	vmul.f32 v10, v4;
	[tilespmem:v7+s4+$0x0] =	vst.idx.add.f32.msk $0xffff, v2;
	v7 =	vcvt.f32.s32 v9;
	v8 =	vshll.u32 v8, $0x4  }
0x45b: {  	v9 =	vand.u32 $0x7FFFFFFF, v11;
	v11 =	vld [tilespmem:s25+$0x10080];
	v8 =	vor.u32 v1, v8  }
0x45c: {  	v9 =	vmul.f32 v9, v4;
	v10 =	vtrunc.f32 v10;
	[tilespmem:v5+s4+$0x0] =	vst.idx.add.f32.msk $0xffff, v2;
	v5 =	vshll.u32 v7, $0x4  }
0x45d: {  	v7 =	vcvt.f32.s32 v10;
	v13 =	vand.u32 $0x7FFFFFFF, v13;
	v10 =	vand.u32 $0x7FFFFFFF, v12  }
0x45e: {  	v12 =	vld [tilespmem:s23+$0x10190];
	v5 =	vor.u32 v1, v5;
	v9 =	vtrunc.f32 v9;
	v10 =	vmul.f32 v10, v4  }
0x45f: {  	[tilespmem:v6+s4+$0x0] =	vst.idx.add.f32.msk $0xffff, v2;
	v6 =	vcvt.f32.s32 v9;
	v7 =	vshll.u32 v7, $0x4;
	v9 =	vmul.f32 v13, v4  }
0x460: {  	s26 =	simm.s32 $0x1;
	v13 =	vld [tilespmem:s23+$0x10180];
	v7 =	vor.u32 v1, v7;
	v11 =	vand.u32 $0x7FFFFFFF, v11;
	v10 =	vtrunc.f32 v10  }
0x461: {  	s19 =	sand.u32 $0x3, s26;
	[tilespmem:v8+s4+$0x0] =	vst.idx.add.f32.msk $0xffff, v2;
	v6 =	vshll.u32 v6, $0x4;
	v9 =	vtrunc.f32 v9;
	v8 =	vcvt.f32.s32 v10  }
0x462: {  	s0 =	sshll.u32 s19, $0x5;
	v10 =	vmul.f32 v11, v4;
	v11 =	vld [tilespmem:s28+$0x10290];
	v6 =	vor.u32 v1, v6;
	v9 =	vcvt.f32.s32 v9  }
0x463: {  	s0 =	sadd.s32 $0x100, s0;
	v12 =	vand.u32 $0x7FFFFFFF, v12;
	[tilespmem:v5+s4+$0x0] =	vst.idx.add.f32.msk $0xffff, v2;
	v5 =	vshll.u32 v8, $0x4  }
0x464: {  	s29 =	sadd.s32 $0x10, s0;
	v8 =	vtrunc.f32 v10;
	v10 =	vmul.f32 v12, v4;
	v12 =	vld [tilespmem:s28+$0x10280];
	v9 =	vshll.u32 v9, $0x4  }
0x465: {  	s30 =	sor.u32 $0x300, s29;
	v13 =	vand.u32 $0x7FFFFFFF, v13;
	v5 =	vor.u32 v1, v5;
	v8 =	vcvt.f32.s32 v8;
	[tilespmem:v7+s4+$0x0] =	vst.idx.add.f32.msk $0xffff, v2  }
0x466: {  	v7 =	vor.u32 v1, v9;
	v9 =	vmul.f32 v13, v4;
	v10 =	vtrunc.f32 v10;
	v13 =	vld [tilespmem:s30+$0x10080]  }
0x467: {  	s31 =	sor.u32 $0x300, s0;
	v8 =	vshll.u32 v8, $0x4;
	v10 =	vcvt.f32.s32 v10;
	v11 =	vand.u32 $0x7FFFFFFF, v11;
	[tilespmem:v6+s4+$0x0] =	vst.idx.add.f32.msk $0xffff, v2  }
0x468: {  	s2 =	sor.u32 $0x380, s2;
	v6 =	vor.u32 v1, v8;
	v8 =	vtrunc.f32 v9;
	v9 =	vmul.f32 v11, v4;
	v11 =	vld [tilespmem:s31+$0x10080]  }
0x469: {  	v14 =	vld [tilespmem:s2+$0x10080];
	v8 =	vcvt.f32.s32 v8;
	v10 =	vshll.u32 v10, $0x4;
	v12 =	vand.u32 $0x7FFFFFFF, v12  }
0x46a: {  	[tilespmem:v5+s4+$0x0] =	vst.idx.add.f32.msk $0xffff, v2;
	v5 =	vor.u32 v1, v10;
	v10 =	vmul.f32 v12, v4;
	v9 =	vtrunc.f32 v9  }
0x46b: {  	[tilespmem:v7+s4+$0x0] =	vst.idx.add.f32.msk $0xffff, v2;
	v7 =	vshll.u32 v8, $0x4;
	v8 =	vcvt.f32.s32 v9;
	v9 =	vand.u32 $0x7FFFFFFF, v13  }
0x46c: {  	v12 =	vld [tilespmem:s25+$0x10110];
	v7 =	vor.u32 v1, v7;
	v10 =	vtrunc.f32 v10;
	v9 =	vmul.f32 v9, v4  }
0x46d: {  	[tilespmem:v6+s4+$0x0] =	vst.idx.add.f32.msk $0xffff, v2;
	v6 =	vcvt.f32.s32 v10;
	v8 =	vshll.u32 v8, $0x4;
	v10 =	vand.u32 $0x7FFFFFFF, v11  }
0x46e: {  	v11 =	vld [tilespmem:s25+$0x10100];
	v8 =	vor.u32 v1, v8;
	v10 =	vmul.f32 v10, v4;
	v9 =	vtrunc.f32 v9  }
0x46f: {  	[tilespmem:v5+s4+$0x0] =	vst.idx.add.f32.msk $0xffff, v2;
	v5 =	vshll.u32 v6, $0x4;
	v6 =	vcvt.f32.s32 v9;
	v9 =	vand.u32 $0x7FFFFFFF, v14  }
0x470: {  	v13 =	vld [tilespmem:s23+$0x10210];
	v5 =	vor.u32 v1, v5;
	v10 =	vtrunc.f32 v10;
	v9 =	vmul.f32 v9, v4  }
0x471: {  	v12 =	vand.u32 $0x7FFFFFFF, v12;
	[tilespmem:v7+s4+$0x0] =	vst.idx.add.f32.msk $0xffff, v2;
	v7 =	vcvt.f32.s32 v10;
	v6 =	vshll.u32 v6, $0x4  }
0x472: {  	v10 =	vmul.f32 v12, v4;
	v14 =	vld [tilespmem:s23+$0x10200];
	v15 =	vor.u32 v1, v6;
	v6 =	vtrunc.f32 v9  }
0x473: {  	v9 =	vand.u32 $0x7FFFFFFF, v11;
	[tilespmem:v8+s4+$0x0] =	vst.idx.add.f32.msk $0xffff, v2;
	v8 =	vshll.u32 v7, $0x4;
	v11 =	vcvt.f32.s32 v6  }
0x474: {  	v10 =	vtrunc.f32 v10;
	v9 =	vmul.f32 v9, v4;
	v7 =	vld [tilespmem:s28+$0x10310];
	v6 =	vor.u32 v1, v8  }
0x475: {  	v10 =	vcvt.f32.s32 v10;
	v8 =	vand.u32 $0x7FFFFFFF, v13;
	[tilespmem:v5+s4+$0x0] =	vst.idx.add.f32.msk $0xffff, v2;
	v5 =	vshll.u32 v11, $0x4  }
0x476: {  	s11 =	simm.s32 $0xA0;
	s0 =	sor.u32 $0x380, s0;
	v11 =	vtrunc.f32 v9;
	v9 =	vmul.f32 v8, v4;
	v8 =	vld [tilespmem:s28+$0x10300];
	v5 =	vor.u32 v1, v5  }
0x477: {  	s17 =	sor.u32 $0x380, s29;
	s2 =	simm.s32 $0x8;
	v12 =	vshll.u32 v10, $0x4;
	s28 =	simm.s32 $0x500;
	v11 =	vcvt.f32.s32 v11;
	v10 =	vand.u32 $0x7FFFFFFF, v14;
	[tilespmem:v15+s4+$0x0] =	vst.idx.add.f32.msk $0xffff, v2  }
.LBB2_12:
0x478: {  	s3 =	sand.u32 $0x60, s11;
	s18 =	sand.u32 $0x7C00, s28;
	s2 =	sadd.s32 $0x2, s2;
	v12 =	vor.u32 v1, v12;
	v10 =	vmul.f32 v10, v4;
	v9 =	vtrunc.f32 v9;
	v13 =	vld [tilespmem:s17+$0x10080]  }
0x479: {  	s17 =	sor.u32 s3, s18;
	p0 =	slt.u32 s2, $0xFE;
	v11 =	vshll.u32 v11, $0x4;
	v9 =	vcvt.f32.s32 v9;
	v7 =	vand.u32 $0x7FFFFFFF, v7;
	[tilespmem:v6+s4+$0x0] =	vst.idx.add.f32.msk $0xffff, v2  }
0x47a: {  	v6 =	vld [tilespmem:s17+$0x10090];
	v11 =	vor.u32 v1, v11;
	v10 =	vtrunc.f32 v10;
	v7 =	vmul.f32 v7, v4  }
0x47b: {  	v14 =	vld [tilespmem:s17+$0x10080];
	v10 =	vcvt.f32.s32 v10;
	v9 =	vshll.u32 v9, $0x4;
	v8 =	vand.u32 $0x7FFFFFFF, v8  }
0x47c: {  	v9 =	vor.u32 v1, v9;
	v8 =	vmul.f32 v8, v4;
	v7 =	vtrunc.f32 v7;
	v15 =	vld [tilespmem:s0+$0x10080]  }
0x47d: {  	[tilespmem:v12+s4+$0x0] =	vst.idx.add.f32.msk $0xffff, v2;
	v10 =	vshll.u32 v10, $0x4;
	v7 =	vcvt.f32.s32 v7;
	v12 =	vand.u32 $0x7FFFFFFF, v13  }
0x47e: {  	v13 =	vld [tilespmem:s25+$0x10190];
	v10 =	vor.u32 v1, v10;
	v8 =	vtrunc.f32 v8;
	v12 =	vmul.f32 v12, v4  }
0x47f: {  	v6 =	vand.u32 $0x7FFFFFFF, v6;
	[tilespmem:v11+s4+$0x0] =	vst.idx.add.f32.msk $0xffff, v2;
	v8 =	vcvt.f32.s32 v8;
	v7 =	vshll.u32 v7, $0x4  }
0x480: {  	s26 =	sadd.s32 $0x1, s26;
	v6 =	vmul.f32 v6, v4;
	v11 =	vld [tilespmem:s25+$0x10180];
	v7 =	vor.u32 v1, v7;
	v12 =	vtrunc.f32 v12  }
0x481: {  	s0 =	sand.u32 $0x3, s26;
	v14 =	vand.u32 $0x7FFFFFFF, v14;
	[tilespmem:v9+s4+$0x0] =	vst.idx.add.f32.msk $0xffff, v2;
	v8 =	vshll.u32 v8, $0x4;
	v9 =	vcvt.f32.s32 v12  }
0x482: {  	s0 =	sshll.u32 s0, $0x5;
	v12 =	vmul.f32 v14, v4;
	v6 =	vtrunc.f32 v6;
	v14 =	vld [tilespmem:s23+$0x10290];
	v8 =	vor.u32 v1, v8  }
0x483: {  	s3 =	sadd.s32 s0, s21;
	s21 =	smov.u32 s22;
	s22 =	smov.u32 s24;
	v6 =	vcvt.f32.s32 v6;
	v13 =	vand.u32 $0x7FFFFFFF, v13;
	[tilespmem:v10+s4+$0x0] =	vst.idx.add.f32.msk $0xffff, v2;
	v9 =	vshll.u32 v9, $0x4  }
0x484: {  	s19 =	sor.u32 $0x300, s3;
	s0 =	sor.u32 $0x380, s3;
	s18 =	sadd.s32 $0x10, s3;
	v10 =	vtrunc.f32 v12;
	v12 =	vmul.f32 v13, v4;
	v13 =	vld [tilespmem:s23+$0x10280];
	v9 =	vor.u32 v1, v9  }
0x485: {  	s24 =	smov.u32 s28;
	s3 =	sor.u32 $0x300, s18;
	v10 =	vcvt.f32.s32 v10;
	v6 =	vshll.u32 v6, $0x4;
	v11 =	vand.u32 $0x7FFFFFFF, v11;
	[tilespmem:v7+s4+$0x0] =	vst.idx.add.f32.msk $0xffff, v2  }
0x486: {  	v6 =	vor.u32 v1, v6;
	v7 =	vmul.f32 v11, v4;
	v11 =	vtrunc.f32 v12;
	v12 =	vld [tilespmem:s3+$0x10080]  }
0x487: {  	v10 =	vshll.u32 v10, $0x4;
	v11 =	vcvt.f32.s32 v11;
	v14 =	vand.u32 $0x7FFFFFFF, v14;
	[tilespmem:v8+s4+$0x0] =	vst.idx.add.f32.msk $0xffff, v2  }
0x488: {  	v8 =	vor.u32 v1, v10;
	v7 =	vtrunc.f32 v7;
	v10 =	vmul.f32 v14, v4;
	v14 =	vld [tilespmem:s19+$0x10080]  }
0x489: {  	v7 =	vcvt.f32.s32 v7;
	v11 =	vshll.u32 v11, $0x4;
	v13 =	vand.u32 $0x7FFFFFFF, v13;
	[tilespmem:v9+s4+$0x0] =	vst.idx.add.f32.msk $0xffff, v2  }
0x48a: {  	v9 =	vor.u32 v1, v11;
	v11 =	vmul.f32 v13, v4;
	v10 =	vtrunc.f32 v10;
	[tilespmem:v5+s4+$0x0] =	vst.idx.add.f32.msk $0xffff, v2  }
0x48b: {  	[tilespmem:v6+s4+$0x0] =	vst.idx.add.f32.msk $0xffff, v2;
	v5 =	vshll.u32 v7, $0x4;
	v6 =	vcvt.f32.s32 v10;
	v7 =	vand.u32 $0x7FFFFFFF, v12  }
0x48c: {  	v10 =	vld [tilespmem:s17+$0x10110];
	v5 =	vor.u32 v1, v5;
	v11 =	vtrunc.f32 v11;
	v7 =	vmul.f32 v7, v4  }
0x48d: {  	[tilespmem:v8+s4+$0x0] =	vst.idx.add.f32.msk $0xffff, v2;
	v8 =	vcvt.f32.s32 v11;
	v6 =	vshll.u32 v6, $0x4;
	v11 =	vand.u32 $0x7FFFFFFF, v14  }
0x48e: {  	v12 =	vld [tilespmem:s17+$0x10100];
	v6 =	vor.u32 v1, v6;
	v11 =	vmul.f32 v11, v4;
	v7 =	vtrunc.f32 v7  }
0x48f: {  	[tilespmem:v9+s4+$0x0] =	vst.idx.add.f32.msk $0xffff, v2;
	v8 =	vshll.u32 v8, $0x4;
	v7 =	vcvt.f32.s32 v7;
	v9 =	vand.u32 $0x7FFFFFFF, v15  }
0x490: {  	v13 =	vld [tilespmem:s25+$0x10210];
	v8 =	vor.u32 v1, v8;
	v11 =	vtrunc.f32 v11;
	v9 =	vmul.f32 v9, v4  }
0x491: {  	v10 =	vand.u32 $0x7FFFFFFF, v10;
	[tilespmem:v5+s4+$0x0] =	vst.idx.add.f32.msk $0xffff, v2;
	v5 =	vcvt.f32.s32 v11;
	v7 =	vshll.u32 v7, $0x4  }
0x492: {  	v10 =	vmul.f32 v10, v4;
	v14 =	vld [tilespmem:s25+$0x10200];
	v15 =	vor.u32 v1, v7;
	v7 =	vtrunc.f32 v9  }
.Ltmp7:
0x493: {  	v9 =	vand.u32 $0x7FFFFFFF, v12;
	[tilespmem:v6+s4+$0x0] =	vst.idx.add.f32.msk $0xffff, v2;
	v5 =	vshll.u32 v5, $0x4;
	v11 =	vcvt.f32.s32 v7;
	(pc) =	sbr.rel @p0 .LBB2_12-.Ltmp7, $4  }
0x494: {  	v9 =	vmul.f32 v9, v4;
	v10 =	vtrunc.f32 v10;
	v7 =	vld [tilespmem:s23+$0x10310];
	v6 =	vor.u32 v1, v5  }
0x495: {  	v10 =	vcvt.f32.s32 v10;
	v5 =	vand.u32 $0x7FFFFFFF, v13;
	[tilespmem:v8+s4+$0x0] =	vst.idx.add.f32.msk $0xffff, v2;
	v11 =	vshll.u32 v11, $0x4  }
0x496: {  	v12 =	vtrunc.f32 v9;
	v9 =	vmul.f32 v5, v4;
	v8 =	vld [tilespmem:s23+$0x10300];
	v5 =	vor.u32 v1, v11;
	s23 =	smov.u32 s25;
	s25 =	smov.u32 s17  }
0x497: {  	s11 =	sadd.s32 $0x20, s11;
	s28 =	sadd.s32 $0x100, s28;
	s17 =	sor.u32 $0x380, s18;
	v11 =	vcvt.f32.s32 v12;
	v12 =	vshll.u32 v10, $0x4;
	v10 =	vand.u32 $0x7FFFFFFF, v14;
	[tilespmem:v15+s4+$0x0] =	vst.idx.add.f32.msk $0xffff, v2  }
0x498: {  	v12 =	vor.u32 v1, v12  }
0x499: {  	v11 =	vshll.u32 v11, $0x4  }
0x49a: {  	v11 =	vor.u32 v1, v11;
	_ =	sdelay $0x2  }
0x49b: {  	[tilespmem:v12+s4+$0x0] =	vst.idx.add.f32.msk $0xffff, v2  }
0x49c: {  	v12 =	vld [tilespmem:s25+$0x10190]  }
0x49d: {  	[tilespmem:v11+s4+$0x0] =	vst.idx.add.f32.msk $0xffff, v2  }
0x49e: {  	v11 =	vld [tilespmem:s25+$0x10180];
	_ =	sdelay $0x2  }
0x49f: {  	v12 =	vand.u32 $0x7FFFFFFF, v12  }
0x4a0: {  	v12 =	vmul.f32 v12, v4  }
0x4a1: {  	v11 =	vand.u32 $0x7FFFFFFF, v11  }
0x4a2: {  	v11 =	vmul.f32 v11, v4;
	v12 =	vtrunc.f32 v12  }
0x4a3: {  	v12 =	vcvt.f32.s32 v12  }
0x4a4: {  	v11 =	vtrunc.f32 v11  }
0x4a5: {  	v11 =	vcvt.f32.s32 v11;
	v12 =	vshll.u32 v12, $0x4  }
0x4a6: {  	v12 =	vor.u32 v1, v12  }
0x4a7: {  	v11 =	vshll.u32 v11, $0x4  }
0x4a8: {  	v11 =	vor.u32 v1, v11;
	_ =	sdelay $0x1  }
0x4a9: {  	v10 =	vmul.f32 v10, v4  }
0x4aa: {  	[tilespmem:v12+s4+$0x0] =	vst.idx.add.f32.msk $0xffff, v2  }
0x4ab: {  	v10 =	vtrunc.f32 v10;
	v12 =	vld [tilespmem:s25+$0x10210]  }
0x4ac: {  	v10 =	vcvt.f32.s32 v10;
	[tilespmem:v11+s4+$0x0] =	vst.idx.add.f32.msk $0xffff, v2  }
0x4ad: {  	v11 =	vld [tilespmem:s25+$0x10200]  }
0x4ae: {  	v10 =	vshll.u32 v10, $0x4  }
0x4af: {  	v10 =	vor.u32 v1, v10  }
0x4b0: {  	v9 =	vtrunc.f32 v9;
	v12 =	vand.u32 $0x7FFFFFFF, v12  }
0x4b1: {  	v9 =	vcvt.f32.s32 v9;
	v12 =	vmul.f32 v12, v4  }
0x4b2: {  	v11 =	vand.u32 $0x7FFFFFFF, v11  }
0x4b3: {  	v9 =	vshll.u32 v9, $0x4;
	v11 =	vmul.f32 v11, v4;
	v12 =	vtrunc.f32 v12  }
0x4b4: {  	v9 =	vor.u32 v1, v9;
	[tilespmem:v10+s4+$0x0] =	vst.idx.add.f32.msk $0xffff, v2;
	v12 =	vcvt.f32.s32 v12  }
0x4b5: {  	v10 =	vld [tilespmem:s23+$0x10280];
	v11 =	vtrunc.f32 v11  }
0x4b6: {  	v11 =	vcvt.f32.s32 v11;
	v12 =	vshll.u32 v12, $0x4  }
0x4b7: {  	v12 =	vor.u32 v1, v12  }
0x4b8: {  	v27 =	vshll.u32 v11, $0x4  }
0x4b9: {  	[tilespmem:v9+s4+$0x0] =	vst.idx.add.f32.msk $0xffff, v2;
	v9 =	vor.u32 v1, v27  }
0x4ba: {  	v28 =	vld [tilespmem:s23+$0x10290];
	v10 =	vand.u32 $0x7FFFFFFF, v10  }
0x4bb: {  	v10 =	vmul.f32 v10, v4  }
0x4bc: {  	[tilespmem:v12+s4+$0x0] =	vst.idx.add.f32.msk $0xffff, v2  }
0x4bd: {  	v10 =	vtrunc.f32 v10;
	v12 =	vld [tilespmem:s25+$0x10290]  }
0x4be: {  	v10 =	vcvt.f32.s32 v10;
	[tilespmem:v9+s4+$0x0] =	vst.idx.add.f32.msk $0xffff, v2  }
0x4bf: {  	v11 =	vand.u32 $0x7FFFFFFF, v28;
	v30 =	vld [tilespmem:s25+$0x10280]  }
0x4c0: {  	v10 =	vshll.u32 v10, $0x4;
	v29 =	vmul.f32 v11, v4  }
0x4c1: {  	v10 =	vor.u32 v1, v10  }
0x4c2: {  	v9 =	vtrunc.f32 v29;
	v12 =	vand.u32 $0x7FFFFFFF, v12  }
0x4c3: {  	v9 =	vcvt.f32.s32 v9;
	v12 =	vmul.f32 v12, v4  }
0x4c4: {  	v11 =	vand.u32 $0x7FFFFFFF, v30  }
0x4c5: {  	v9 =	vshll.u32 v9, $0x4;
	v11 =	vmul.f32 v11, v4;
	v12 =	vtrunc.f32 v12  }
0x4c6: {  	[tilespmem:v10+s4+$0x0] =	vst.idx.add.f32.msk $0xffff, v2;
	v9 =	vor.u32 v1, v9;
	v12 =	vcvt.f32.s32 v12  }
0x4c7: {  	v7 =	vand.u32 $0x7FFFFFFF, v7;
	v10 =	vld [tilespmem:s23+$0x10300];
	v11 =	vtrunc.f32 v11  }
0x4c8: {  	v7 =	vmul.f32 v7, v4;
	v11 =	vcvt.f32.s32 v11;
	v12 =	vshll.u32 v12, $0x4  }
0x4c9: {  	v12 =	vor.u32 v1, v12  }
0x4ca: {  	v7 =	vtrunc.f32 v7;
	v31 =	vshll.u32 v11, $0x4  }
0x4cb: {  	v7 =	vcvt.f32.s32 v7;
	[tilespmem:v9+s4+$0x0] =	vst.idx.add.f32.msk $0xffff, v2;
	v9 =	vor.u32 v1, v31  }
0x4cc: {  	v10 =	vand.u32 $0x7FFFFFFF, v10  }
0x4cd: {  	v7 =	vshll.u32 v7, $0x4;
	v10 =	vmul.f32 v10, v4;
	v32 =	vld [tilespmem:s23+$0x10310]  }
0x4ce: {  	v7 =	vor.u32 v1, v7;
	[tilespmem:v12+s4+$0x0] =	vst.idx.add.f32.msk $0xffff, v2  }
0x4cf: {  	v10 =	vtrunc.f32 v10;
	v12 =	vld [tilespmem:s25+$0x10310]  }
0x4d0: {  	v8 =	vand.u32 $0x7FFFFFFF, v8;
	v10 =	vcvt.f32.s32 v10;
	[tilespmem:v9+s4+$0x0] =	vst.idx.add.f32.msk $0xffff, v2  }
0x4d1: {  	s3 =	sadd.s32 $0x1, s26;
	v8 =	vmul.f32 v8, v4;
	v34 =	vld [tilespmem:s25+$0x10300]  }
0x4d2: {  	s2 =	sand.u32 $0x3, s3;
	v35 =	vshll.u32 v10, $0x4;
	v11 =	vand.u32 $0x7FFFFFFF, v32  }
0x4d3: {  	s2 =	sshll.u32 s2, $0x5;
	v8 =	vtrunc.f32 v8;
	[tilespmem:v7+s4+$0x0] =	vst.idx.add.f32.msk $0xffff, v2;
	v7 =	vor.u32 v1, v35;
	v33 =	vmul.f32 v11, v4  }
0x4d4: {  	s3 =	sadd.s32 $0x1, s3;
	s2 =	sadd.s32 s2, s21;
	v8 =	vcvt.f32.s32 v8;
	v12 =	vand.u32 $0x7FFFFFFF, v12  }
0x4d5: {  	s18 =	sand.u32 $0x3, s3;
	s21 =	sadd.s32 $0x10, s2;
	v9 =	vtrunc.f32 v33;
	v12 =	vmul.f32 v12, v4  }
0x4d6: {  	s28 =	sshll.u32 s18, $0x5;
	s11 =	sor.u32 $0x300, s21;
	v8 =	vshll.u32 v8, $0x4;
	v9 =	vcvt.f32.s32 v9;
	v11 =	vand.u32 $0x7FFFFFFF, v34  }
0x4d7: {  	v8 =	vor.u32 v1, v8;
	v37 =	vld [tilespmem:s11+$0x10080];
	s11 =	sadd.s32 s28, s22;
	v11 =	vmul.f32 v11, v4;
	v12 =	vtrunc.f32 v12  }
0x4d8: {  	s19 =	sor.u32 $0x300, s11;
	[tilespmem:v7+s4+$0x0] =	vst.idx.add.f32.msk $0xffff, v2;
	v9 =	vshll.u32 v9, $0x4;
	v36 =	vcvt.f32.s32 v12  }
0x4d9: {  	v41 =	vld [tilespmem:s19+$0x10080];
	v9 =	vor.u32 v1, v9;
	v11 =	vtrunc.f32 v11  }
0x4da: {  	v38 =	vcvt.f32.s32 v11;
	v10 =	vshll.u32 v36, $0x4  }
0x4db: {  	s3 =	sadd.s32 $0x1, s3;
	v10 =	vor.u32 v1, v10  }
0x4dc: {  	s3 =	sand.u32 $0x3, s3;
	s29 =	sor.u32 $0x300, s2;
	[tilespmem:v8+s4+$0x0] =	vst.idx.add.f32.msk $0xffff, v2;
	v8 =	vshll.u32 v38, $0x4  }
0x4dd: {  	s3 =	sshll.u32 s3, $0x5;
	s22 =	sadd.s32 $0x10, s11;
	v39 =	vld [tilespmem:s29+$0x10080];
	v12 =	vand.u32 $0x7FFFFFFF, v37;
	v8 =	vor.u32 v1, v8  }
0x4de: {  	s18 =	sadd.s32 s3, s24;
	s30 =	sor.u32 $0x300, s22;
	[tilespmem:v9+s4+$0x0] =	vst.idx.add.f32.msk $0xffff, v2;
	v40 =	vmul.f32 v12, v4;
	v12 =	vand.u32 $0x7FFFFFFF, v41  }
0x4df: {  	s31 =	sadd.s32 $0x10, s18;
	v9 =	vld [tilespmem:s30+$0x10080];
	v12 =	vmul.f32 v12, v4  }
0x4e0: {  	s19 =	sor.u32 $0x300, s31;
	[tilespmem:v10+s4+$0x0] =	vst.idx.add.f32.msk $0xffff, v2  }
0x4e1: {  	v12 =	vtrunc.f32 v12;
	v43 =	vld [tilespmem:s19+$0x10080]  }
0x4e2: {  	s24 =	sor.u32 $0x300, s18;
	v11 =	vand.u32 $0x7FFFFFFF, v39;
	v46 =	vcvt.f32.s32 v12;
	[tilespmem:v8+s4+$0x0] =	vst.idx.add.f32.msk $0xffff, v2  }
0x4e3: {  	v42 =	vmul.f32 v11, v4;
	v7 =	vtrunc.f32 v40;
	v45 =	vld [tilespmem:s24+$0x10080]  }
0x4e4: {  	[tilespmem:v6+s4+$0x0] =	vst.idx.add.f32.msk $0xffff, v2;
	v7 =	vcvt.f32.s32 v7;
	v9 =	vand.u32 $0x7FFFFFFF, v9;
	v6 =	vshll.u32 v46, $0x4  }
0x4e5: {  	v44 =	vtrunc.f32 v42;
	v9 =	vmul.f32 v9, v4;
	v6 =	vor.u32 v1, v6  }
0x4e6: {  	v7 =	vshll.u32 v7, $0x4;
	v8 =	vcvt.f32.s32 v44;
	v11 =	vand.u32 $0x7FFFFFFF, v43  }
0x4e7: {  	v7 =	vor.u32 v1, v7;
	v9 =	vtrunc.f32 v9;
	v11 =	vmul.f32 v11, v4  }
0x4e8: {  	v13 =	vld [tilespmem:s17+$0x10080];
	v9 =	vcvt.f32.s32 v9;
	v8 =	vshll.u32 v8, $0x4;
	v10 =	vand.u32 $0x7FFFFFFF, v45  }
0x4e9: {  	v47 =	vld [tilespmem:s0+$0x10080];
	v8 =	vor.u32 v1, v8;
	v10 =	vmul.f32 v10, v4;
	v11 =	vtrunc.f32 v11  }
0x4ea: {  	s29 =	sor.u32 $0x380, s11;
	v9 =	vshll.u32 v9, $0x4;
	[tilespmem:v6+s4+$0x0] =	vst.idx.add.f32.msk $0xffff, v2;
	v48 =	vcvt.f32.s32 v11  }
0x4eb: {  	v9 =	vor.u32 v1, v9;
	v57 =	vld [tilespmem:s29+$0x10080];
	v10 =	vtrunc.f32 v10  }
0x4ec: {  	s25 =	sor.u32 $0x380, s21;
	[tilespmem:v7+s4+$0x0] =	vst.idx.add.f32.msk $0xffff, v2;
	v50 =	vcvt.f32.s32 v10;
	v7 =	vshll.u32 v48, $0x4  }
0x4ed: {  	v49 =	vld [tilespmem:s25+$0x10080];
	v7 =	vor.u32 v1, v7  }
0x4ee: {  	s26 =	sor.u32 $0x380, s2;
	[tilespmem:v8+s4+$0x0] =	vst.idx.add.f32.msk $0xffff, v2;
	v8 =	vshll.u32 v50, $0x4  }
0x4ef: {  	v51 =	vand.u32 $0x7FFFFFFF, v13;
	v53 =	vand.u32 $0x7FFFFFFF, v47;
	v52 =	vld [tilespmem:s26+$0x10080];
	v8 =	vor.u32 v1, v8  }
0x4f0: {  	s28 =	sor.u32 $0x380, s22;
	[tilespmem:v9+s4+$0x0] =	vst.idx.add.f32.msk $0xffff, v2;
	v9 =	vmul.f32 v53, v4;
	v11 =	vand.u32 $0x7FFFFFFF, v57;
	v10 =	vmul.f32 v51, v4  }
0x4f1: {  	v54 =	vld [tilespmem:s28+$0x10080];
	v11 =	vmul.f32 v11, v4  }
0x4f2: {  	s30 =	sor.u32 $0x380, s31;
	v9 =	vtrunc.f32 v9;
	v10 =	vtrunc.f32 v10;
	[tilespmem:v7+s4+$0x0] =	vst.idx.add.f32.msk $0xffff, v2  }
0x4f3: {  	v56 =	vand.u32 $0x7FFFFFFF, v49;
	v58 =	vcvt.f32.s32 v9;
	v55 =	vcvt.f32.s32 v10;
	v59 =	vld [tilespmem:s30+$0x10080]  }
0x4f4: {  	s31 =	sor.u32 $0x380, s18;
	v11 =	vtrunc.f32 v11;
	v10 =	vmul.f32 v56, v4;
	[tilespmem:v8+s4+$0x0] =	vst.idx.add.f32.msk $0xffff, v2  }
0x4f5: {  	v11 =	vcvt.f32.s32 v11;
	v13 =	vand.u32 $0x7FFFFFFF, v52;
	v6 =	vshll.u32 v55, $0x4;
	v62 =	vld [tilespmem:s31+$0x10080]  }
0x4f6: {  	v10 =	vtrunc.f32 v10;
	v61 =	vmul.f32 v13, v4;
	v12 =	vand.u32 $0x7FFFFFFF, v54  }
0x4f7: {  	[tilespmem:v5+s4+$0x0] =	vst.idx.add.f32.msk $0xffff, v2;
	v5 =	vshll.u32 v11, $0x4;
	v7 =	vshll.u32 v58, $0x4;
	v60 =	vcvt.f32.s32 v10  }
0x4f8: {  	v6 =	vor.u32 v1, v6;
	v12 =	vmul.f32 v12, v4;
	v5 =	vor.u32 v1, v5  }
0x4f9: {  	v7 =	vor.u32 v1, v7;
	v10 =	vtrunc.f32 v61;
	v9 =	vand.u32 $0x7FFFFFFF, v59  }
0x4fa: {  	v10 =	vcvt.f32.s32 v10;
	v9 =	vmul.f32 v9, v4;
	v13 =	vand.u32 $0x7FFFFFFF, v62  }
0x4fb: {  	v8 =	vshll.u32 v60, $0x4;
	v12 =	vtrunc.f32 v12;
	v4 =	vmul.f32 v13, v4  }
0x4fc: {  	v8 =	vor.u32 v1, v8;
	v12 =	vcvt.f32.s32 v12;
	v9 =	vtrunc.f32 v9  }
0x4fd: {  	v10 =	vshll.u32 v10, $0x4;
	v9 =	vcvt.f32.s32 v9;
	v4 =	vtrunc.f32 v4  }
0x4fe: {  	v12 =	vshll.u32 v12, $0x4;
	v63 =	vor.u32 v1, v10;
	v4 =	vcvt.f32.s32 v4  }
0x4ff: {  	[tilespmem:v6+s4+$0x0] =	vst.idx.add.f32.msk $0xffff, v2;
	v12 =	vor.u32 v1, v12;
	v9 =	vshll.u32 v9, $0x4  }
0x500: {  	[tilespmem:v5+s4+$0x0] =	vst.idx.add.f32.msk $0xffff, v2;
	v9 =	vor.u32 v1, v9;
	v4 =	vshll.u32 v4, $0x4  }
0x501: {  	[tilespmem:v7+s4+$0x0] =	vst.idx.add.f32.msk $0xffff, v2;
	v4 =	vor.u32 v1, v4  }
0x502: {  	[tilespmem:v8+s4+$0x0] =	vst.idx.add.f32.msk $0xffff, v2  }
0x503: {  	[tilespmem:v63+s4+$0x0] =	vst.idx.add.f32.msk $0xffff, v2  }
0x504: {  	[tilespmem:v12+s4+$0x0] =	vst.idx.add.f32.msk $0xffff, v2  }
0x505: {  	[tilespmem:v9+s4+$0x0] =	vst.idx.add.f32.msk $0xffff, v2  }
0x506: {  	s0 =	simm.s32 $0x19080;
	s2 =	simm.s32 $0xF;
	[tilespmem:v4+s4+$0x0] =	vst.idx.add.f32.msk $0xffff, v2  }
.LBB2_14:
0x507: {  	s3 =	sadd.s32 $0xFFFFFFF1, s2  }
0x508: {  	v4 =	vor.u32 s3, v3  }
0x509: {  	s11 =	sadd.s32 $0xFFFFFFF2, s2  }
0x50a: {  	v5 =	vor.u32 s11, v3  }
0x50b: {  	s17 =	sadd.s32 $0xFFFFFFF3, s2  }
0x50c: {  	v6 =	vor.u32 s17, v3  }
0x50d: {  	s18 =	sadd.s32 $0xFFFFFFF4, s2;
	v4 =	vld.idx.msk [tilespmem:v4+s4+$0x0], $0xffff  }
0x50e: {  	v7 =	vor.u32 s18, v3  }
0x50f: {  	s19 =	sadd.s32 $0xFFFFFFF5, s2;
	v5 =	vld.idx.msk [tilespmem:v5+s4+$0x0], $0xffff  }
0x510: {  	v8 =	vor.u32 s19, v3  }
0x511: {  	s21 =	sadd.s32 $0xFFFFFFF6, s2;
	v6 =	vld.idx.msk [tilespmem:v6+s4+$0x0], $0xffff  }
0x512: {  	v9 =	vor.u32 s21, v3;
	v4 =	vadd.f32 $0.0e+00, v4  }
0x513: {  	s22 =	sadd.s32 $0xFFFFFFF7, s2;
	v7 =	vld.idx.msk [tilespmem:v7+s4+$0x0], $0xffff  }
0x514: {  	v4 =	vadd.f32 v5, v4;
	v5 =	vor.u32 s22, v3  }
0x515: {  	s23 =	sadd.s32 $0xFFFFFFF8, s2;
	v8 =	vld.idx.msk [tilespmem:v8+s4+$0x0], $0xffff  }
0x516: {  	v4 =	vadd.f32 v6, v4;
	v6 =	vor.u32 s23, v3  }
0x517: {  	s24 =	sadd.s32 $0xFFFFFFF9, s2;
	v9 =	vld.idx.msk [tilespmem:v9+s4+$0x0], $0xffff  }
0x518: {  	v4 =	vadd.f32 v7, v4;
	v7 =	vor.u32 s24, v3  }
0x519: {  	s25 =	sadd.s32 $0xFFFFFFFA, s2;
	v5 =	vld.idx.msk [tilespmem:v5+s4+$0x0], $0xffff  }
0x51a: {  	v60 =	vor.u32 s25, v3;
	v4 =	vadd.f32 v8, v4  }
0x51b: {  	s26 =	sadd.s32 $0xFFFFFFFB, s2;
	v6 =	vld.idx.msk [tilespmem:v6+s4+$0x0], $0xffff  }
0x51c: {  	v61 =	vor.u32 s26, v3;
	v4 =	vadd.f32 v9, v4  }
0x51d: {  	s28 =	sadd.s32 $0xFFFFFFFC, s2;
	v7 =	vld.idx.msk [tilespmem:v7+s4+$0x0], $0xffff  }
0x51e: {  	v4 =	vadd.f32 v5, v4;
	v5 =	vor.u32 s28, v3  }
0x51f: {  	s29 =	sadd.s32 $0xFFFFFFFD, s2;
	v8 =	vld.idx.msk [tilespmem:v60+s4+$0x0], $0xffff  }
0x520: {  	v4 =	vadd.f32 v6, v4;
	v6 =	vor.u32 s29, v3  }
0x521: {  	s30 =	sadd.s32 $0xFFFFFFFE, s2;
	v9 =	vld.idx.msk [tilespmem:v61+s4+$0x0], $0xffff  }
0x522: {  	v4 =	vadd.f32 v7, v4;
	v7 =	vor.u32 s30, v3  }
0x523: {  	s31 =	sadd.s32 $0xFFFFFFFF, s2;
	v5 =	vld.idx.msk [tilespmem:v5+s4+$0x0], $0xffff  }
0x524: {  	v62 =	vor.u32 s31, v3;
	v4 =	vadd.f32 v8, v4  }
0x525: {  	v6 =	vld.idx.msk [tilespmem:v6+s4+$0x0], $0xffff  }
0x526: {  	v63 =	vor.u32 s2, v3;
	v4 =	vadd.f32 v9, v4  }
0x527: {  	v7 =	vld.idx.msk [tilespmem:v7+s4+$0x0], $0xffff  }
0x528: {  	v4 =	vadd.f32 v5, v4  }
0x529: {  	v5 =	vld.idx.msk [tilespmem:v62+s4+$0x0], $0xffff  }
0x52a: {  	v4 =	vadd.f32 v6, v4  }
0x52b: {  	p0 =	seq.s32 s2, $0x7F0F;
	v6 =	vld.idx.msk [tilespmem:v63+s4+$0x0], $0xffff  }
.Ltmp8:
0x52c: {  	v4 =	vadd.f32 v7, v4;
	(pc) =	sbr.rel @p0 .LBB2_16-.Ltmp8, $3  }
0x52d: {  	_ = 	snop  }
0x52e: {  	v4 =	vadd.f32 v5, v4;
	_ =	sdelay $0x1  }
0x52f: {  	v4 =	vadd.f32 v6, v4  }
.Ltmp9:
0x530: {  	(pc) =	sbr.rel .LBB2_14-.Ltmp9, $2  }
0x531: {  	_ =	sdelay $0x2  }
0x532: {  	s2 =	sadd.s32 $0x100, s2;
	[tilespmem:s0+$0x0] =	vst v4;
	s0 =	sadd.s32 $0x10, s0  }
.LBB2_17:
0x533: {  	_ =	sfence.sel $0x180000  }
0x534: {  	[bflag:$0x0] =	sbarrier.arrive $0xFFFF  }
0x535: {  	_ =	strace $0x9000004A  }
0x536: {  	s0 =	stileid.u32;
	[bflag:$0x2] =	sbarrier.arrive $0xFFFF  }
0x537: {  	p0 =	sne.s32 s0, $0x0;
	s0 =	rddreg [dreg:$0x2]  }
0x538: {  	s0 =	sadd.s32 @!p0 $0x100000, s0  }
0x539: {  	[sflag:s0] =	ssyncadd.tile.s32 @!p0 $0x1;
	_ =	shalt  }
.Lfunc_end2:
_tile_overlayer_lowered:
.L_overlay_start_2:
0x53a: {  	(tag) =	ssettag $0x2  }
0x53b: {  	s0 =	rddreg [dreg:$0x0];
	s2 =	stileid.u32  }
0x53c: {  	s1 =	rddreg [dreg:$0x1];
	p0 =	sne.s32 s2, $0x0  }
0x53d: {  	s3 =	rddreg [dreg:$0x2];
	[bflag:$0x3] =	sbarrier.arrive $0xFFFF;
	s2 =	simm.s32 @!p0 $0x1C03  }
0x53e: {  	[timem:s3], [sflag:s2] =	dma.local @!p0 [hbm:s0], s1  }
0x53f: {  	s0 =	simm.s32 @!p0 $0x3  }
0x540: {  	_ =	swait.ge @!p0 [sflag:s0], s1  }
0x541: {  	s1 =	ssub.s32 @!p0 $0x0, s1;
	[sflag:s0] =	ssyncset.done @!p0 $0x0  }
0x542: {  	[sflag:s0] =	ssyncadd.s32 @!p0 s1  }
0x543: {  	[bflag:$0x3] =	sbarrier.arrive $0xFFFF  }
0x544: {  	_ =	shalt  }

</sc_bundles>
